<compile_context>
chip_gen: v7x
topology: tpu7x:2x2x1
jax: 0.10.2.dev20260603
libtpu: 0.0.44.dev20260713+nightly
codegen_flags: <defaults>
</compile_context>

<pallas_src>
import functools

import jax
import jax.numpy as jnp
from jax import lax
from jax.experimental import pallas as pl
from jax.experimental.pallas import tpu as pltpu
from jax.experimental.pallas import tpu_sc as plsc

B, T, H = 1024, 200, 768
POS_OFF = 2
N = B * T
NC, NS = 2, 16
NW = NC * NS
ROWS_W = N // NW
SEQ_W = ROWS_W // T
TCH = 40
NTC = T // TCH
NJ = NTC * SEQ_W
VPR = H // 16
NB = 3

_mesh = plsc.VectorSubcoreMesh(core_axis_name="c", subcore_axis_name="s")


@functools.partial(
    pl.kernel,
    out_type=jax.ShapeDtypeStruct((N, H), jnp.float32),
    mesh=_mesh,
    scratch_types=[
        pltpu.VMEM((ROWS_W,), jnp.int32),
        pltpu.VMEM((TCH, H), jnp.float32),
        pltpu.VMEM((NB, TCH, H), jnp.float32),
        pltpu.SemaphoreType.DMA((NB,)),
        pltpu.SemaphoreType.DMA((NB,)),
        pltpu.SemaphoreType.DMA,
    ],
)
def _emb(x_hbm, wtab_hbm, pos_hbm, out_hbm, idx_v, pos_v, ring_v, sg, so,
         sp):
    wid = lax.axis_index("s") * NC + lax.axis_index("c")
    base = wid * ROWS_W
    pltpu.sync_copy(x_hbm.at[pl.ds(base, ROWS_W)], idx_v)

    def job_loc(j):
        tc = j // SEQ_W
        bl = j - tc * SEQ_W
        return bl * T + tc * TCH

    def gather_desc(j, b):
        return pltpu.make_async_copy(
            wtab_hbm.at[idx_v.at[pl.ds(job_loc(j), TCH)]],
            ring_v.at[b], sg.at[b])

    def out_desc(j, b):
        return pltpu.make_async_copy(
            ring_v.at[b], out_hbm.at[pl.ds(base + job_loc(j), TCH)],
            so.at[b])

    for b in range(NB):
        gather_desc(b, b).start()

    REM = NJ % NB
    MAIN = NJ - REM

    def slot(j, b, refill):
        def pos_desc(j):
            return pltpu.make_async_copy(
                pos_hbm.at[pl.ds((j // SEQ_W) * TCH, TCH)], pos_v, sp)

        @pl.when(j % SEQ_W == 0)
        def _pos_start():
            pos_desc(j).start()

        gather_desc(j, b).wait()

        @pl.when(j % SEQ_W == 0)
        def _pos_wait():
            pos_desc(j).wait()

        @plsc.parallel_loop(0, TCH)
        def _row(r):
            for c in range(VPR):
                sl = pl.ds(c * 16, 16)
                plsc.addupdate(ring_v.at[b, r, sl], pos_v[r, sl])

        out_desc(j, b).start()
        if refill:
            pb = (b - 1) % NB
            pg = j + NB - 1

            @pl.when(jnp.logical_and(j >= 1, pg < NJ))
            def _refill():
                out_desc(j - 1, pb).wait()
                gather_desc(pg, pb).start()

    @pl.loop(0, MAIN, step=NB)
    def _grp(j0):
        for b in range(NB):
            slot(j0 + b, b, refill=True)

    for k in range(REM):
        j = MAIN + k
        slot(j, j % NB, refill=True)

    for j in range(NJ - NB, NJ):
        out_desc(j, j % NB).wait()


def kernel(x, word_embeddings, position_embeddings):
    xf = x.reshape(N)
    pos2 = lax.slice_in_dim(position_embeddings, POS_OFF, POS_OFF + T, axis=0)
    out = _emb(xf, word_embeddings, pos2)
    return out.reshape(B, T, H)

# --- scband reference (transcript-rebuilt; emitter-appended) ---
"""Pipeline reference for scband-bart-learned-positional-embedding-66606352826446 (READ-ONLY COPY).

The authoritative reference and input builder live on the scoring server;
editing this copy changes nothing except your own understanding.
"""

import jax, jax.numpy as jnp
import numpy as np

VOCAB = 100000
HIDDEN = 768
MAX_SEQ = 1024
PAD_IDX = 0
BART_POS_OFFSET = 2
B, T = 1024, 200


def setup_inputs(seed: int = 0) -> dict:
    key = jax.random.key(seed)
    k1, k2, k3 = jax.random.split(key, 3)
    x = jax.random.randint(k1, (B, T), 0, VOCAB, dtype=jnp.int32)
    word_embeddings = jax.random.normal(k2, (VOCAB, HIDDEN), dtype=jnp.float32) * 0.02
    word_embeddings = word_embeddings.at[PAD_IDX].set(0.0)
    position_embeddings = jax.random.normal(k3, (MAX_SEQ + BART_POS_OFFSET, HIDDEN), dtype=jnp.float32) * 0.02
    return {"x": x, "word_embeddings": word_embeddings, "position_embeddings": position_embeddings}


def reference(x, word_embeddings, position_embeddings):
    # word embedding gather: [B, T] -> [B, T, HIDDEN]
    embed = jnp.take(word_embeddings, x, axis=0)
    # positional embedding gather with BART offset, broadcast over batch
    pos_ids = jnp.arange(x.shape[-1], dtype=jnp.int32) + BART_POS_OFFSET
    position = jnp.take(position_embeddings, pos_ids, axis=0)[None, :, :]
    return embed + position

if __name__ == "__main__":
    import jax
    _d = setup_inputs()
    print(jax.jit(kernel)(*tuple(_d.values())))

</pallas_src>

<mosaic_0001>
#map = affine_map<(d0, d1) -> (0)>
#map1 = affine_map<(d0, d1) -> (0, 0)>
module attributes {stable_mosaic.version = 14 : i64} {
  func.func @_emb(%arg0: i32, %arg1: i32, %arg2: memref<204800xi32, #tpu.memory_space<hbm>>, %arg3: memref<100000x768xf32, #tpu.memory_space<hbm>>, %arg4: memref<200x768xf32, #tpu.memory_space<hbm>>, %arg5: memref<204800x768xf32, #tpu.memory_space<hbm>>, %arg6: memref<6400xi32, #tpu.memory_space<vmem>>, %arg7: memref<40x768xf32, #tpu.memory_space<vmem>>, %arg8: memref<3x40x768xf32, #tpu.memory_space<vmem>>, %arg9: memref<3x!tpu.dma_semaphore, #tpu.memory_space<semaphore_mem>>, %arg10: memref<3x!tpu.dma_semaphore, #tpu.memory_space<semaphore_mem>>, %arg11: memref<!tpu.dma_semaphore, #tpu.memory_space<semaphore_mem>>) attributes {dimension_semantics = [#tpu.dimension_semantics<core_parallel>, #tpu.dimension_semantics<subcore_parallel>], iteration_bounds = array<i64: 2, 16>, scalar_prefetch = 0 : i64, scratch_operands = 6 : i64, tpu.core_type = #tpu.core_type<sc_vector_subcore>, window_params = [{transform_indices = #map}, {transform_indices = #map1}, {transform_indices = #map1}, {transform_indices = #map1}]} {
    %mul3A = arith.constant 2 : i32
    %mul3A_0 = arith.muli %arg1, %mul3A : i32
    %add3A = arith.addi %mul3A_0, %arg0 : i32
    %mul3A_1 = arith.constant 6400 : i32
    %mul3A_2 = arith.muli %add3A, %mul3A_1 : i32
    "tpu.region"() ({
      %run_scoped3A = tpu.sem_alloc : memref<!tpu.dma_semaphore, #tpu.memory_space<semaphore_mem>>
      %dma_start3A_134 = tpu.memref_slice %arg2[%mul3A_2] : memref<204800xi32, #tpu.memory_space<hbm>> -> memref<6400xi32, #tpu.memory_space<hbm>>
      %dma_start3A_135 = tpu.memref_slice %arg2[%mul3A_2] : memref<204800xi32, #tpu.memory_space<hbm>> -> memref<6400xi32, #tpu.memory_space<hbm>>
      tpu.enqueue_dma source(%dma_start3A_135 : memref<6400xi32, #tpu.memory_space<hbm>>) target(%arg6 : memref<6400xi32, #tpu.memory_space<vmem>>) target_semaphore(%run_scoped3A : memref<!tpu.dma_semaphore, #tpu.memory_space<semaphore_mem>>)
      %dma_wait3A_136 = tpu.memref_slice %arg2[%mul3A_2] : memref<204800xi32, #tpu.memory_space<hbm>> -> memref<6400xi32, #tpu.memory_space<hbm>>
      %dma_wait3A_137 = tpu.memref_slice %arg2[%mul3A_2] : memref<204800xi32, #tpu.memory_space<hbm>> -> memref<6400xi32, #tpu.memory_space<hbm>>
      tpu.wait_dma2 semaphore(%run_scoped3A : memref<!tpu.dma_semaphore, #tpu.memory_space<semaphore_mem>>) src(%dma_wait3A_137 : memref<6400xi32, #tpu.memory_space<hbm>>) dst(%arg6 : memref<6400xi32, #tpu.memory_space<vmem>>)
      tpu.yield
    }) : () -> ()
    %dma_start3A = arith.constant 0 : i32
    %dma_start3A_3 = arith.constant 0 : i32
    %dma_start3A_4 = arith.constant 0 : i32
    %dma_start3A_5 = arith.constant 0 : i32
    %dma_start3A_6 = tpu.memref_slice %arg8[%dma_start3A, %dma_start3A_4, %dma_start3A_5] : memref<3x40x768xf32, #tpu.memory_space<vmem>> -> memref<1x40x768xf32, #tpu.memory_space<vmem>>
    %dma_start3A_7 = tpu.memref_squeeze %dma_start3A_6 : memref<1x40x768xf32, #tpu.memory_space<vmem>> -> memref<40x768xf32, #tpu.memory_space<vmem>>
    %dma_start3A_8 = arith.constant 0 : i32
    %dma_start3A_9 = tpu.memref_slice %arg6[%dma_start3A_8] : memref<6400xi32, #tpu.memory_space<vmem>> -> memref<40xi32, #tpu.memory_space<vmem>>
    %dma_start3A_10 = arith.constant 0 : i32
    %dma_start3A_11 = arith.constant 0 : i32
    %dma_start3A_12 = tpu.memref_slice %arg3[%dma_start3A_10, %dma_start3A_11] : memref<100000x768xf32, #tpu.memory_space<hbm>> -> memref<100000x768xf32, #tpu.memory_space<hbm>>
    %dma_start3A_13 = tpu.memref_slice %arg9[%dma_start3A_3] : memref<3x!tpu.dma_semaphore, #tpu.memory_space<semaphore_mem>> -> memref<1x!tpu.dma_semaphore, #tpu.memory_space<semaphore_mem>>
    %dma_start3A_14 = tpu.memref_squeeze %dma_start3A_13 : memref<1x!tpu.dma_semaphore, #tpu.memory_space<semaphore_mem>> -> memref<!tpu.dma_semaphore, #tpu.memory_space<semaphore_mem>>
    tpu.enqueue_indirect_dma source(%dma_start3A_12 : memref<100000x768xf32, #tpu.memory_space<hbm>>) target(%dma_start3A_7 : memref<40x768xf32, #tpu.memory_space<vmem>>) offsets(%dma_start3A_9 : memref<40xi32, #tpu.memory_space<vmem>>) semaphore(%dma_start3A_14 : memref<!tpu.dma_semaphore, #tpu.memory_space<semaphore_mem>>)
    %dma_start3A_15 = arith.constant 1 : i32
    %dma_start3A_16 = arith.constant 1 : i32
    %dma_start3A_17 = arith.constant 0 : i32
    %dma_start3A_18 = arith.constant 0 : i32
    %dma_start3A_19 = tpu.memref_slice %arg8[%dma_start3A_15, %dma_start3A_17, %dma_start3A_18] : memref<3x40x768xf32, #tpu.memory_space<vmem>> -> memref<1x40x768xf32, #tpu.memory_space<vmem>>
    %dma_start3A_20 = tpu.memref_squeeze %dma_start3A_19 : memref<1x40x768xf32, #tpu.memory_space<vmem>> -> memref<40x768xf32, #tpu.memory_space<vmem>>
    %dma_start3A_21 = arith.constant 200 : i32
    %dma_start3A_22 = tpu.memref_slice %arg6[%dma_start3A_21] : memref<6400xi32, #tpu.memory_space<vmem>> -> memref<40xi32, #tpu.memory_space<vmem>>
    %dma_start3A_23 = arith.constant 0 : i32
    %dma_start3A_24 = arith.constant 0 : i32
    %dma_start3A_25 = tpu.memref_slice %arg3[%dma_start3A_23, %dma_start3A_24] : memref<100000x768xf32, #tpu.memory_space<hbm>> -> memref<100000x768xf32, #tpu.memory_space<hbm>>
    %dma_start3A_26 = tpu.memref_slice %arg9[%dma_start3A_16] : memref<3x!tpu.dma_semaphore, #tpu.memory_space<semaphore_mem>> -> memref<1x!tpu.dma_semaphore, #tpu.memory_space<semaphore_mem>>
    %dma_start3A_27 = tpu.memref_squeeze %dma_start3A_26 : memref<1x!tpu.dma_semaphore, #tpu.memory_space<semaphore_mem>> -> memref<!tpu.dma_semaphore, #tpu.memory_space<semaphore_mem>>
    tpu.enqueue_indirect_dma source(%dma_start3A_25 : memref<100000x768xf32, #tpu.memory_space<hbm>>) target(%dma_start3A_20 : memref<40x768xf32, #tpu.memory_space<vmem>>) offsets(%dma_start3A_22 : memref<40xi32, #tpu.memory_space<vmem>>) semaphore(%dma_start3A_27 : memref<!tpu.dma_semaphore, #tpu.memory_space<semaphore_mem>>)
    %dma_start3A_28 = arith.constant 2 : i32
    %dma_start3A_29 = arith.constant 2 : i32
    %dma_start3A_30 = arith.constant 0 : i32
    %dma_start3A_31 = arith.constant 0 : i32
    %dma_start3A_32 = tpu.memref_slice %arg8[%dma_start3A_28, %dma_start3A_30, %dma_start3A_31] : memref<3x40x768xf32, #tpu.memory_space<vmem>> -> memref<1x40x768xf32, #tpu.memory_space<vmem>>
    %dma_start3A_33 = tpu.memref_squeeze %dma_start3A_32 : memref<1x40x768xf32, #tpu.memory_space<vmem>> -> memref<40x768xf32, #tpu.memory_space<vmem>>
    %dma_start3A_34 = arith.constant 400 : i32
    %dma_start3A_35 = tpu.memref_slice %arg6[%dma_start3A_34] : memref<6400xi32, #tpu.memory_space<vmem>> -> memref<40xi32, #tpu.memory_space<vmem>>
    %dma_start3A_36 = arith.constant 0 : i32
    %dma_start3A_37 = arith.constant 0 : i32
    %dma_start3A_38 = tpu.memref_slice %arg3[%dma_start3A_36, %dma_start3A_37] : memref<100000x768xf32, #tpu.memory_space<hbm>> -> memref<100000x768xf32, #tpu.memory_space<hbm>>
    %dma_start3A_39 = tpu.memref_slice %arg9[%dma_start3A_29] : memref<3x!tpu.dma_semaphore, #tpu.memory_space<semaphore_mem>> -> memref<1x!tpu.dma_semaphore, #tpu.memory_space<semaphore_mem>>
    %dma_start3A_40 = tpu.memref_squeeze %dma_start3A_39 : memref<1x!tpu.dma_semaphore, #tpu.memory_space<semaphore_mem>> -> memref<!tpu.dma_semaphore, #tpu.memory_space<semaphore_mem>>
    tpu.enqueue_indirect_dma source(%dma_start3A_38 : memref<100000x768xf32, #tpu.memory_space<hbm>>) target(%dma_start3A_33 : memref<40x768xf32, #tpu.memory_space<vmem>>) offsets(%dma_start3A_35 : memref<40xi32, #tpu.memory_space<vmem>>) semaphore(%dma_start3A_40 : memref<!tpu.dma_semaphore, #tpu.memory_space<semaphore_mem>>)
    %scan3A = arith.constant 0 : i32
    %scan3A_41 = arith.constant 53 : i32
    %scan3A_42 = arith.addi %scan3A, %scan3A_41 : i32
    %scan3A_43 = arith.constant 1 : i32
    scf.for %scan3A_134 = %scan3A to %scan3A_42 step %scan3A_43  : i32 {
      %mul3A_135 = arith.constant 3 : i32
      %mul3A_136 = arith.muli %scan3A_134, %mul3A_135 : i32
      %add3A_137 = arith.constant 0 : i32
      %add3A_138 = arith.addi %add3A_137, %mul3A_136 : i32
      %add3A_139 = arith.constant 0 : i32
      %add3A_140 = arith.addi %add3A_138, %add3A_139 : i32
      %jit3A = arith.constant 32 : i32
      %eq3A = arith.constant 0 : i32
      %eq3A_141 = arith.cmpi eq, %jit3A, %eq3A : i32
      %jit3A_142 = arith.constant 1 : i32
      %select_n3A = arith.select %eq3A_141, %jit3A_142, %jit3A : i32
      %rem3A = arith.remsi %add3A_140, %select_n3A : i32
      %ne3A = arith.constant 0 : i32
      %ne3A_143 = arith.cmpi ne, %rem3A, %ne3A : i32
      %lt3A = arith.constant 0 : i32
      %lt3A_144 = arith.cmpi slt, %rem3A, %lt3A : i32
      %lt3A_145 = arith.constant 0 : i32
      %lt3A_146 = arith.cmpi slt, %select_n3A, %lt3A_145 : i32
      %ne3A_147 = arith.xori %lt3A_144, %lt3A_146 : i1
      %and3A_148 = arith.andi %ne3A_147, %ne3A_143 : i1
      %add3A_149 = arith.addi %rem3A, %select_n3A : i32
      %select_n3A_150 = arith.select %and3A_148, %add3A_149, %rem3A : i32
      %eq3A_151 = arith.constant 0 : i32
      %eq3A_152 = arith.cmpi eq, %select_n3A_150, %eq3A_151 : i32
      %convert_element_type3A_153 = arith.extui %eq3A_152 : i1 to i32
      %cond3A_154 = arith.constant 0 : i32
      %cond3A_155 = arith.cmpi ne, %convert_element_type3A_153, %cond3A_154 : i32
      scf.if %cond3A_155 {
        %jit3A_585 = arith.constant 32 : i32
        %div3A_586 = arith.divsi %add3A_140, %jit3A_585 : i32
        %sign3A_587 = arith.constant 0 : i32
        %sign3A_588 = arith.cmpi sgt, %add3A_140, %sign3A_587 : i32
        %sign3A_589 = arith.extui %sign3A_588 : i1 to i32
        %sign3A_590 = arith.constant 0 : i32
        %sign3A_591 = arith.cmpi slt, %add3A_140, %sign3A_590 : i32
        %sign3A_592 = arith.extui %sign3A_591 : i1 to i32
        %sign3A_593 = arith.subi %sign3A_589, %sign3A_592 : i32
        %sign3A_594 = arith.constant 0 : i32
        %sign3A_595 = arith.cmpi sgt, %jit3A_585, %sign3A_594 : i32
        %sign3A_596 = arith.extui %sign3A_595 : i1 to i32
        %sign3A_597 = arith.constant 0 : i32
        %sign3A_598 = arith.cmpi slt, %jit3A_585, %sign3A_597 : i32
        %sign3A_599 = arith.extui %sign3A_598 : i1 to i32
        %sign3A_600 = arith.subi %sign3A_596, %sign3A_599 : i32
        %ne3A_601 = arith.cmpi ne, %sign3A_593, %sign3A_600 : i32
        %rem3A_602 = arith.remsi %add3A_140, %jit3A_585 : i32
        %ne3A_603 = arith.constant 0 : i32
        %ne3A_604 = arith.cmpi ne, %rem3A_602, %ne3A_603 : i32
        %and3A_605 = arith.andi %ne3A_601, %ne3A_604 : i1
        %sub3A_606 = arith.constant 1 : i32
        %sub3A_607 = arith.subi %div3A_586, %sub3A_606 : i32
        %select_n3A_608 = arith.select %and3A_605, %sub3A_607, %div3A_586 : i32
        %mul3A_609 = arith.constant 40 : i32
        %mul3A_610 = arith.muli %select_n3A_608, %mul3A_609 : i32
        %dma_start3A_611 = arith.constant 0 : i32
        %dma_start3A_612 = tpu.memref_slice %arg4[%mul3A_610, %dma_start3A_611] : memref<200x768xf32, #tpu.memory_space<hbm>> -> memref<40x768xf32, #tpu.memory_space<hbm>>
        %dma_start3A_613 = arith.constant 0 : i32
        %dma_start3A_614 = tpu.memref_slice %arg4[%mul3A_610, %dma_start3A_613] : memref<200x768xf32, #tpu.memory_space<hbm>> -> memref<40x768xf32, #tpu.memory_space<hbm>>
        tpu.enqueue_dma source(%dma_start3A_614 : memref<40x768xf32, #tpu.memory_space<hbm>>) target(%arg7 : memref<40x768xf32, #tpu.memory_space<vmem>>) target_semaphore(%arg11 : memref<!tpu.dma_semaphore, #tpu.memory_space<semaphore_mem>>)
      } else {
      }
      %jit3A_156 = arith.constant 32 : i32
      %div3A = arith.divsi %add3A_140, %jit3A_156 : i32
      %sign3A = arith.constant 0 : i32
      %sign3A_157 = arith.cmpi sgt, %add3A_140, %sign3A : i32
      %sign3A_158 = arith.extui %sign3A_157 : i1 to i32
      %sign3A_159 = arith.constant 0 : i32
      %sign3A_160 = arith.cmpi slt, %add3A_140, %sign3A_159 : i32
      %sign3A_161 = arith.extui %sign3A_160 : i1 to i32
      %sign3A_162 = arith.subi %sign3A_158, %sign3A_161 : i32
      %sign3A_163 = arith.constant 0 : i32
      %sign3A_164 = arith.cmpi sgt, %jit3A_156, %sign3A_163 : i32
      %sign3A_165 = arith.extui %sign3A_164 : i1 to i32
      %sign3A_166 = arith.constant 0 : i32
      %sign3A_167 = arith.cmpi slt, %jit3A_156, %sign3A_166 : i32
      %sign3A_168 = arith.extui %sign3A_167 : i1 to i32
      %sign3A_169 = arith.subi %sign3A_165, %sign3A_168 : i32
      %ne3A_170 = arith.cmpi ne, %sign3A_162, %sign3A_169 : i32
      %rem3A_171 = arith.remsi %add3A_140, %jit3A_156 : i32
      %ne3A_172 = arith.constant 0 : i32
      %ne3A_173 = arith.cmpi ne, %rem3A_171, %ne3A_172 : i32
      %and3A_174 = arith.andi %ne3A_170, %ne3A_173 : i1
      %sub3A = arith.constant 1 : i32
      %sub3A_175 = arith.subi %div3A, %sub3A : i32
      %select_n3A_176 = arith.select %and3A_174, %sub3A_175, %div3A : i32
      %mul3A_177 = arith.constant 32 : i32
      %mul3A_178 = arith.muli %select_n3A_176, %mul3A_177 : i32
      %sub3A_179 = arith.subi %add3A_140, %mul3A_178 : i32
      %mul3A_180 = arith.constant 200 : i32
      %mul3A_181 = arith.muli %sub3A_179, %mul3A_180 : i32
      %mul3A_182 = arith.constant 40 : i32
      %mul3A_183 = arith.muli %select_n3A_176, %mul3A_182 : i32
      %add3A_184 = arith.addi %mul3A_181, %mul3A_183 : i32
      %dma_wait3A_185 = arith.constant 0 : i32
      %dma_wait3A_186 = arith.constant 0 : i32
      %dma_wait3A_187 = arith.constant 0 : i32
      %dma_wait3A_188 = arith.constant 0 : i32
      %dma_wait3A_189 = tpu.memref_slice %arg8[%dma_wait3A_185, %dma_wait3A_187, %dma_wait3A_188] : memref<3x40x768xf32, #tpu.memory_space<vmem>> -> memref<1x40x768xf32, #tpu.memory_space<vmem>>
      %dma_wait3A_190 = tpu.memref_squeeze %dma_wait3A_189 : memref<1x40x768xf32, #tpu.memory_space<vmem>> -> memref<40x768xf32, #tpu.memory_space<vmem>>
      %dma_wait3A_191 = tpu.memref_slice %arg6[%add3A_184] : memref<6400xi32, #tpu.memory_space<vmem>> -> memref<40xi32, #tpu.memory_space<vmem>>
      %dma_wait3A_192 = arith.constant 0 : i32
      %dma_wait3A_193 = arith.constant 0 : i32
      %dma_wait3A_194 = tpu.memref_slice %arg3[%dma_wait3A_192, %dma_wait3A_193] : memref<100000x768xf32, #tpu.memory_space<hbm>> -> memref<100000x768xf32, #tpu.memory_space<hbm>>
      %dma_wait3A_195 = tpu.memref_slice %arg9[%dma_wait3A_186] : memref<3x!tpu.dma_semaphore, #tpu.memory_space<semaphore_mem>> -> memref<1x!tpu.dma_semaphore, #tpu.memory_space<semaphore_mem>>
      %dma_wait3A_196 = tpu.memref_squeeze %dma_wait3A_195 : memref<1x!tpu.dma_semaphore, #tpu.memory_space<semaphore_mem>> -> memref<!tpu.dma_semaphore, #tpu.memory_space<semaphore_mem>>
      tpu.wait_indirect_dma semaphore(%dma_wait3A_196 : memref<!tpu.dma_semaphore, #tpu.memory_space<semaphore_mem>>) src(%dma_wait3A_194 : memref<100000x768xf32, #tpu.memory_space<hbm>>) dst(%dma_wait3A_190 : memref<40x768xf32, #tpu.memory_space<vmem>>)
      %jit3A_197 = arith.constant 32 : i32
      %eq3A_198 = arith.constant 0 : i32
      %eq3A_199 = arith.cmpi eq, %jit3A_197, %eq3A_198 : i32
      %jit3A_200 = arith.constant 1 : i32
      %select_n3A_201 = arith.select %eq3A_199, %jit3A_200, %jit3A_197 : i32
      %rem3A_202 = arith.remsi %add3A_140, %select_n3A_201 : i32
      %ne3A_203 = arith.constant 0 : i32
      %ne3A_204 = arith.cmpi ne, %rem3A_202, %ne3A_203 : i32
      %lt3A_205 = arith.constant 0 : i32
      %lt3A_206 = arith.cmpi slt, %rem3A_202, %lt3A_205 : i32
      %lt3A_207 = arith.constant 0 : i32
      %lt3A_208 = arith.cmpi slt, %select_n3A_201, %lt3A_207 : i32
      %ne3A_209 = arith.xori %lt3A_206, %lt3A_208 : i1
      %and3A_210 = arith.andi %ne3A_209, %ne3A_204 : i1
      %add3A_211 = arith.addi %rem3A_202, %select_n3A_201 : i32
      %select_n3A_212 = arith.select %and3A_210, %add3A_211, %rem3A_202 : i32
      %eq3A_213 = arith.constant 0 : i32
      %eq3A_214 = arith.cmpi eq, %select_n3A_212, %eq3A_213 : i32
      %convert_element_type3A_215 = arith.extui %eq3A_214 : i1 to i32
      %cond3A_216 = arith.constant 0 : i32
      %cond3A_217 = arith.cmpi ne, %convert_element_type3A_215, %cond3A_216 : i32
      scf.if %cond3A_217 {
        %jit3A_585 = arith.constant 32 : i32
        %div3A_586 = arith.divsi %add3A_140, %jit3A_585 : i32
        %sign3A_587 = arith.constant 0 : i32
        %sign3A_588 = arith.cmpi sgt, %add3A_140, %sign3A_587 : i32
        %sign3A_589 = arith.extui %sign3A_588 : i1 to i32
        %sign3A_590 = arith.constant 0 : i32
        %sign3A_591 = arith.cmpi slt, %add3A_140, %sign3A_590 : i32
        %sign3A_592 = arith.extui %sign3A_591 : i1 to i32
        %sign3A_593 = arith.subi %sign3A_589, %sign3A_592 : i32
        %sign3A_594 = arith.constant 0 : i32
        %sign3A_595 = arith.cmpi sgt, %jit3A_585, %sign3A_594 : i32
        %sign3A_596 = arith.extui %sign3A_595 : i1 to i32
        %sign3A_597 = arith.constant 0 : i32
        %sign3A_598 = arith.cmpi slt, %jit3A_585, %sign3A_597 : i32
        %sign3A_599 = arith.extui %sign3A_598 : i1 to i32
        %sign3A_600 = arith.subi %sign3A_596, %sign3A_599 : i32
        %ne3A_601 = arith.cmpi ne, %sign3A_593, %sign3A_600 : i32
        %rem3A_602 = arith.remsi %add3A_140, %jit3A_585 : i32
        %ne3A_603 = arith.constant 0 : i32
        %ne3A_604 = arith.cmpi ne, %rem3A_602, %ne3A_603 : i32
        %and3A_605 = arith.andi %ne3A_601, %ne3A_604 : i1
        %sub3A_606 = arith.constant 1 : i32
        %sub3A_607 = arith.subi %div3A_586, %sub3A_606 : i32
        %select_n3A_608 = arith.select %and3A_605, %sub3A_607, %div3A_586 : i32
        %mul3A_609 = arith.constant 40 : i32
        %mul3A_610 = arith.muli %select_n3A_608, %mul3A_609 : i32
        %dma_wait3A_611 = arith.constant 0 : i32
        %dma_wait3A_612 = tpu.memref_slice %arg4[%mul3A_610, %dma_wait3A_611] : memref<200x768xf32, #tpu.memory_space<hbm>> -> memref<40x768xf32, #tpu.memory_space<hbm>>
        %dma_wait3A_613 = arith.constant 0 : i32
        %dma_wait3A_614 = tpu.memref_slice %arg4[%mul3A_610, %dma_wait3A_613] : memref<200x768xf32, #tpu.memory_space<hbm>> -> memref<40x768xf32, #tpu.memory_space<hbm>>
        tpu.wait_dma2 semaphore(%arg11 : memref<!tpu.dma_semaphore, #tpu.memory_space<semaphore_mem>>) src(%dma_wait3A_614 : memref<40x768xf32, #tpu.memory_space<hbm>>) dst(%arg7 : memref<40x768xf32, #tpu.memory_space<vmem>>)
      } else {
      }
      %parallel_loop3A_218 = arith.constant 0 : i32
      %parallel_loop3A_219 = arith.constant 40 : i32
      %parallel_loop3A_220 = arith.constant 1 : i32
      scf.for %parallel_loop3A_585 = %parallel_loop3A_218 to %parallel_loop3A_219 step %parallel_loop3A_220  : i32 {
        %parallel_loop3A_586 = arith.index_cast %parallel_loop3A_585 : i32 to index
        %parallel_loop3A_587 = arith.constant 0 : index
        %parallel_loop3A_588 = tpu.vector_load %arg7[%parallel_loop3A_586, %parallel_loop3A_587] {strides = array<i32>} : memref<40x768xf32, #tpu.memory_space<vmem>>, vector<1x16xf32>,
        %parallel_loop3A_589 = vector.shape_cast %parallel_loop3A_588 : vector<1x16xf32> to vector<16xf32>
        %parallel_loop3A_590 = arith.constant 0 : i32
        %parallel_loop3A_591 = arith.index_cast %parallel_loop3A_590 : i32 to index
        %parallel_loop3A_592 = arith.index_cast %parallel_loop3A_585 : i32 to index
        %parallel_loop3A_593 = arith.constant 0 : index
        %parallel_loop3A_594 = tpu.vector_load %arg8[%parallel_loop3A_591, %parallel_loop3A_592, %parallel_loop3A_593] {strides = array<i32>} : memref<3x40x768xf32, #tpu.memory_space<vmem>>, vector<1x1x16xf32>,
        %parallel_loop3A_595 = vector.shape_cast %parallel_loop3A_594 : vector<1x1x16xf32> to vector<16xf32>
        %parallel_loop3A_596 = vector.shape_cast %parallel_loop3A_589 : vector<16xf32> to vector<1x1x16xf32>
        tpu.vector_store %arg8[%parallel_loop3A_591, %parallel_loop3A_592, %parallel_loop3A_593], %parallel_loop3A_596 {add = true, strides = array<i32>} : memref<3x40x768xf32, #tpu.memory_space<vmem>>, vector<1x1x16xf32>,
        %parallel_loop3A_597 = arith.index_cast %parallel_loop3A_585 : i32 to index
        %parallel_loop3A_598 = arith.constant 16 : index
        %parallel_loop3A_599 = tpu.vector_load %arg7[%parallel_loop3A_597, %parallel_loop3A_598] {strides = array<i32>} : memref<40x768xf32, #tpu.memory_space<vmem>>, vector<1x16xf32>,
        %parallel_loop3A_600 = vector.shape_cast %parallel_loop3A_599 : vector<1x16xf32> to vector<16xf32>
        %parallel_loop3A_601 = arith.constant 0 : i32
        %parallel_loop3A_602 = arith.index_cast %parallel_loop3A_601 : i32 to index
        %parallel_loop3A_603 = arith.index_cast %parallel_loop3A_585 : i32 to index
        %parallel_loop3A_604 = arith.constant 16 : index
        %parallel_loop3A_605 = tpu.vector_load %arg8[%parallel_loop3A_602, %parallel_loop3A_603, %parallel_loop3A_604] {strides = array<i32>} : memref<3x40x768xf32, #tpu.memory_space<vmem>>, vector<1x1x16xf32>,
        %parallel_loop3A_606 = vector.shape_cast %parallel_loop3A_605 : vector<1x1x16xf32> to vector<16xf32>
        %parallel_loop3A_607 = vector.shape_cast %parallel_loop3A_600 : vector<16xf32> to vector<1x1x16xf32>
        tpu.vector_store %arg8[%parallel_loop3A_602, %parallel_loop3A_603, %parallel_loop3A_604], %parallel_loop3A_607 {add = true, strides = array<i32>} : memref<3x40x768xf32, #tpu.memory_space<vmem>>, vector<1x1x16xf32>,
        %parallel_loop3A_608 = arith.index_cast %parallel_loop3A_585 : i32 to index
        %parallel_loop3A_609 = arith.constant 32 : index
        %parallel_loop3A_610 = tpu.vector_load %arg7[%parallel_loop3A_608, %parallel_loop3A_609] {strides = array<i32>} : memref<40x768xf32, #tpu.memory_space<vmem>>, vector<1x16xf32>,
        %parallel_loop3A_611 = vector.shape_cast %parallel_loop3A_610 : vector<1x16xf32> to vector<16xf32>
        %parallel_loop3A_612 = arith.constant 0 : i32
        %parallel_loop3A_613 = arith.index_cast %parallel_loop3A_612 : i32 to index
        %parallel_loop3A_614 = arith.index_cast %parallel_loop3A_585 : i32 to index
        %parallel_loop3A_615 = arith.constant 32 : index
        %parallel_loop3A_616 = tpu.vector_load %arg8[%parallel_loop3A_613, %parallel_loop3A_614, %parallel_loop3A_615] {strides = array<i32>} : memref<3x40x768xf32, #tpu.memory_space<vmem>>, vector<1x1x16xf32>,
        %parallel_loop3A_617 = vector.shape_cast %parallel_loop3A_616 : vector<1x1x16xf32> to vector<16xf32>
        %parallel_loop3A_618 = vector.shape_cast %parallel_loop3A_611 : vector<16xf32> to vector<1x1x16xf32>
        tpu.vector_store %arg8[%parallel_loop3A_613, %parallel_loop3A_614, %parallel_loop3A_615], %parallel_loop3A_618 {add = true, strides = array<i32>} : memref<3x40x768xf32, #tpu.memory_space<vmem>>, vector<1x1x16xf32>,
        %parallel_loop3A_619 = arith.index_cast %parallel_loop3A_585 : i32 to index
        %parallel_loop3A_620 = arith.constant 48 : index
        %parallel_loop3A_621 = tpu.vector_load %arg7[%parallel_loop3A_619, %parallel_loop3A_620] {strides = array<i32>} : memref<40x768xf32, #tpu.memory_space<vmem>>, vector<1x16xf32>,
        %parallel_loop3A_622 = vector.shape_cast %parallel_loop3A_621 : vector<1x16xf32> to vector<16xf32>
        %parallel_loop3A_623 = arith.constant 0 : i32
        %parallel_loop3A_624 = arith.index_cast %parallel_loop3A_623 : i32 to index
        %parallel_loop3A_625 = arith.index_cast %parallel_loop3A_585 : i32 to index
        %parallel_loop3A_626 = arith.constant 48 : index
        %parallel_loop3A_627 = tpu.vector_load %arg8[%parallel_loop3A_624, %parallel_loop3A_625, %parallel_loop3A_626] {strides = array<i32>} : memref<3x40x768xf32, #tpu.memory_space<vmem>>, vector<1x1x16xf32>,
        %parallel_loop3A_628 = vector.shape_cast %parallel_loop3A_627 : vector<1x1x16xf32> to vector<16xf32>
        %parallel_loop3A_629 = vector.shape_cast %parallel_loop3A_622 : vector<16xf32> to vector<1x1x16xf32>
        tpu.vector_store %arg8[%parallel_loop3A_624, %parallel_loop3A_625, %parallel_loop3A_626], %parallel_loop3A_629 {add = true, strides = array<i32>} : memref<3x40x768xf32, #tpu.memory_space<vmem>>, vector<1x1x16xf32>,
        %parallel_loop3A_630 = arith.index_cast %parallel_loop3A_585 : i32 to index
        %parallel_loop3A_631 = arith.constant 64 : index
        %parallel_loop3A_632 = tpu.vector_load %arg7[%parallel_loop3A_630, %parallel_loop3A_631] {strides = array<i32>} : memref<40x768xf32, #tpu.memory_space<vmem>>, vector<1x16xf32>,
        %parallel_loop3A_633 = vector.shape_cast %parallel_loop3A_632 : vector<1x16xf32> to vector<16xf32>
        %parallel_loop3A_634 = arith.constant 0 : i32
        %parallel_loop3A_635 = arith.index_cast %parallel_loop3A_634 : i32 to index
        %parallel_loop3A_636 = arith.index_cast %parallel_loop3A_585 : i32 to index
        %parallel_loop3A_637 = arith.constant 64 : index
        %parallel_loop3A_638 = tpu.vector_load %arg8[%parallel_loop3A_635, %parallel_loop3A_636, %parallel_loop3A_637] {strides = array<i32>} : memref<3x40x768xf32, #tpu.memory_space<vmem>>, vector<1x1x16xf32>,
        %parallel_loop3A_639 = vector.shape_cast %parallel_loop3A_638 : vector<1x1x16xf32> to vector<16xf32>
        %parallel_loop3A_640 = vector.shape_cast %parallel_loop3A_633 : vector<16xf32> to vector<1x1x16xf32>
        tpu.vector_store %arg8[%parallel_loop3A_635, %parallel_loop3A_636, %parallel_loop3A_637], %parallel_loop3A_640 {add = true, strides = array<i32>} : memref<3x40x768xf32, #tpu.memory_space<vmem>>, vector<1x1x16xf32>,
        %parallel_loop3A_641 = arith.index_cast %parallel_loop3A_585 : i32 to index
        %parallel_loop3A_642 = arith.constant 80 : index
        %parallel_loop3A_643 = tpu.vector_load %arg7[%parallel_loop3A_641, %parallel_loop3A_642] {strides = array<i32>} : memref<40x768xf32, #tpu.memory_space<vmem>>, vector<1x16xf32>,
        %parallel_loop3A_644 = vector.shape_cast %parallel_loop3A_643 : vector<1x16xf32> to vector<16xf32>
        %parallel_loop3A_645 = arith.constant 0 : i32
        %parallel_loop3A_646 = arith.index_cast %parallel_loop3A_645 : i32 to index
        %parallel_loop3A_647 = arith.index_cast %parallel_loop3A_585 : i32 to index
        %parallel_loop3A_648 = arith.constant 80 : index
        %parallel_loop3A_649 = tpu.vector_load %arg8[%parallel_loop3A_646, %parallel_loop3A_647, %parallel_loop3A_648] {strides = array<i32>} : memref<3x40x768xf32, #tpu.memory_space<vmem>>, vector<1x1x16xf32>,
        %parallel_loop3A_650 = vector.shape_cast %parallel_loop3A_649 : vector<1x1x16xf32> to vector<16xf32>
        %parallel_loop3A_651 = vector.shape_cast %parallel_loop3A_644 : vector<16xf32> to vector<1x1x16xf32>
        tpu.vector_store %arg8[%parallel_loop3A_646, %parallel_loop3A_647, %parallel_loop3A_648], %parallel_loop3A_651 {add = true, strides = array<i32>} : memref<3x40x768xf32, #tpu.memory_space<vmem>>, vector<1x1x16xf32>,
        %parallel_loop3A_652 = arith.index_cast %parallel_loop3A_585 : i32 to index
        %parallel_loop3A_653 = arith.constant 96 : index
        %parallel_loop3A_654 = tpu.vector_load %arg7[%parallel_loop3A_652, %parallel_loop3A_653] {strides = array<i32>} : memref<40x768xf32, #tpu.memory_space<vmem>>, vector<1x16xf32>,
        %parallel_loop3A_655 = vector.shape_cast %parallel_loop3A_654 : vector<1x16xf32> to vector<16xf32>
        %parallel_loop3A_656 = arith.constant 0 : i32
        %parallel_loop3A_657 = arith.index_cast %parallel_loop3A_656 : i32 to index
        %parallel_loop3A_658 = arith.index_cast %parallel_loop3A_585 : i32 to index
        %parallel_loop3A_659 = arith.constant 96 : index
        %parallel_loop3A_660 = tpu.vector_load %arg8[%parallel_loop3A_657, %parallel_loop3A_658, %parallel_loop3A_659] {strides = array<i32>} : memref<3x40x768xf32, #tpu.memory_space<vmem>>, vector<1x1x16xf32>,
        %parallel_loop3A_661 = vector.shape_cast %parallel_loop3A_660 : vector<1x1x16xf32> to vector<16xf32>
        %parallel_loop3A_662 = vector.shape_cast %parallel_loop3A_655 : vector<16xf32> to vector<1x1x16xf32>
        tpu.vector_store %arg8[%parallel_loop3A_657, %parallel_loop3A_658, %parallel_loop3A_659], %parallel_loop3A_662 {add = true, strides = array<i32>} : memref<3x40x768xf32, #tpu.memory_space<vmem>>, vector<1x1x16xf32>,
        %parallel_loop3A_663 = arith.index_cast %parallel_loop3A_585 : i32 to index
        %parallel_loop3A_664 = arith.constant 112 : index
        %parallel_loop3A_665 = tpu.vector_load %arg7[%parallel_loop3A_663, %parallel_loop3A_664] {strides = array<i32>} : memref<40x768xf32, #tpu.memory_space<vmem>>, vector<1x16xf32>,
        %parallel_loop3A_666 = vector.shape_cast %parallel_loop3A_665 : vector<1x16xf32> to vector<16xf32>
        %parallel_loop3A_667 = arith.constant 0 : i32
        %parallel_loop3A_668 = arith.index_cast %parallel_loop3A_667 : i32 to index
        %parallel_loop3A_669 = arith.index_cast %parallel_loop3A_585 : i32 to index
        %parallel_loop3A_670 = arith.constant 112 : index
        %parallel_loop3A_671 = tpu.vector_load %arg8[%parallel_loop3A_668, %parallel_loop3A_669, %parallel_loop3A_670] {strides = array<i32>} : memref<3x40x768xf32, #tpu.memory_space<vmem>>, vector<1x1x16xf32>,
        %parallel_loop3A_672 = vector.shape_cast %parallel_loop3A_671 : vector<1x1x16xf32> to vector<16xf32>
        %parallel_loop3A_673 = vector.shape_cast %parallel_loop3A_666 : vector<16xf32> to vector<1x1x16xf32>
        tpu.vector_store %arg8[%parallel_loop3A_668, %parallel_loop3A_669, %parallel_loop3A_670], %parallel_loop3A_673 {add = true, strides = array<i32>} : memref<3x40x768xf32, #tpu.memory_space<vmem>>, vector<1x1x16xf32>,
        %parallel_loop3A_674 = arith.index_cast %parallel_loop3A_585 : i32 to index
        %parallel_loop3A_675 = arith.constant 128 : index
        %parallel_loop3A_676 = tpu.vector_load %arg7[%parallel_loop3A_674, %parallel_loop3A_675] {strides = array<i32>} : memref<40x768xf32, #tpu.memory_space<vmem>>, vector<1x16xf32>,
        %parallel_loop3A_677 = vector.shape_cast %parallel_loop3A_676 : vector<1x16xf32> to vector<16xf32>
        %parallel_loop3A_678 = arith.constant 0 : i32
        %parallel_loop3A_679 = arith.index_cast %parallel_loop3A_678 : i32 to index
        %parallel_loop3A_680 = arith.index_cast %parallel_loop3A_585 : i32 to index
        %parallel_loop3A_681 = arith.constant 128 : index
        %parallel_loop3A_682 = tpu.vector_load %arg8[%parallel_loop3A_679, %parallel_loop3A_680, %parallel_loop3A_681] {strides = array<i32>} : memref<3x40x768xf32, #tpu.memory_space<vmem>>, vector<1x1x16xf32>,
        %parallel_loop3A_683 = vector.shape_cast %parallel_loop3A_682 : vector<1x1x16xf32> to vector<16xf32>
        %parallel_loop3A_684 = vector.shape_cast %parallel_loop3A_677 : vector<16xf32> to vector<1x1x16xf32>
        tpu.vector_store %arg8[%parallel_loop3A_679, %parallel_loop3A_680, %parallel_loop3A_681], %parallel_loop3A_684 {add = true, strides = array<i32>} : memref<3x40x768xf32, #tpu.memory_space<vmem>>, vector<1x1x16xf32>,
        %parallel_loop3A_685 = arith.index_cast %parallel_loop3A_585 : i32 to index
        %parallel_loop3A_686 = arith.constant 144 : index
        %parallel_loop3A_687 = tpu.vector_load %arg7[%parallel_loop3A_685, %parallel_loop3A_686] {strides = array<i32>} : memref<40x768xf32, #tpu.memory_space<vmem>>, vector<1x16xf32>,
        %parallel_loop3A_688 = vector.shape_cast %parallel_loop3A_687 : vector<1x16xf32> to vector<16xf32>
        %parallel_loop3A_689 = arith.constant 0 : i32
        %parallel_loop3A_690 = arith.index_cast %parallel_loop3A_689 : i32 to index
        %parallel_loop3A_691 = arith.index_cast %parallel_loop3A_585 : i32 to index
        %parallel_loop3A_692 = arith.constant 144 : index
        %parallel_loop3A_693 = tpu.vector_load %arg8[%parallel_loop3A_690, %parallel_loop3A_691, %parallel_loop3A_692] {strides = array<i32>} : memref<3x40x768xf32, #tpu.memory_space<vmem>>, vector<1x1x16xf32>,
        %parallel_loop3A_694 = vector.shape_cast %parallel_loop3A_693 : vector<1x1x16xf32> to vector<16xf32>
        %parallel_loop3A_695 = vector.shape_cast %parallel_loop3A_688 : vector<16xf32> to vector<1x1x16xf32>
        tpu.vector_store %arg8[%parallel_loop3A_690, %parallel_loop3A_691, %parallel_loop3A_692], %parallel_loop3A_695 {add = true, strides = array<i32>} : memref<3x40x768xf32, #tpu.memory_space<vmem>>, vector<1x1x16xf32>,
        %parallel_loop3A_696 = arith.index_cast %parallel_loop3A_585 : i32 to index
        %parallel_loop3A_697 = arith.constant 160 : index
        %parallel_loop3A_698 = tpu.vector_load %arg7[%parallel_loop3A_696, %parallel_loop3A_697] {strides = array<i32>} : memref<40x768xf32, #tpu.memory_space<vmem>>, vector<1x16xf32>,
        %parallel_loop3A_699 = vector.shape_cast %parallel_loop3A_698 : vector<1x16xf32> to vector<16xf32>
        %parallel_loop3A_700 = arith.constant 0 : i32
        %parallel_loop3A_701 = arith.index_cast %parallel_loop3A_700 : i32 to index
        %parallel_loop3A_702 = arith.index_cast %parallel_loop3A_585 : i32 to index
        %parallel_loop3A_703 = arith.constant 160 : index
        %parallel_loop3A_704 = tpu.vector_load %arg8[%parallel_loop3A_701, %parallel_loop3A_702, %parallel_loop3A_703] {strides = array<i32>} : memref<3x40x768xf32, #tpu.memory_space<vmem>>, vector<1x1x16xf32>,
        %parallel_loop3A_705 = vector.shape_cast %parallel_loop3A_704 : vector<1x1x16xf32> to vector<16xf32>
        %parallel_loop3A_706 = vector.shape_cast %parallel_loop3A_699 : vector<16xf32> to vector<1x1x16xf32>
        tpu.vector_store %arg8[%parallel_loop3A_701, %parallel_loop3A_702, %parallel_loop3A_703], %parallel_loop3A_706 {add = true, strides = array<i32>} : memref<3x40x768xf32, #tpu.memory_space<vmem>>, vector<1x1x16xf32>,
        %parallel_loop3A_707 = arith.index_cast %parallel_loop3A_585 : i32 to index
        %parallel_loop3A_708 = arith.constant 176 : index
        %parallel_loop3A_709 = tpu.vector_load %arg7[%parallel_loop3A_707, %parallel_loop3A_708] {strides = array<i32>} : memref<40x768xf32, #tpu.memory_space<vmem>>, vector<1x16xf32>,
        %parallel_loop3A_710 = vector.shape_cast %parallel_loop3A_709 : vector<1x16xf32> to vector<16xf32>
        %parallel_loop3A_711 = arith.constant 0 : i32
        %parallel_loop3A_712 = arith.index_cast %parallel_loop3A_711 : i32 to index
        %parallel_loop3A_713 = arith.index_cast %parallel_loop3A_585 : i32 to index
        %parallel_loop3A_714 = arith.constant 176 : index
        %parallel_loop3A_715 = tpu.vector_load %arg8[%parallel_loop3A_712, %parallel_loop3A_713, %parallel_loop3A_714] {strides = array<i32>} : memref<3x40x768xf32, #tpu.memory_space<vmem>>, vector<1x1x16xf32>,
        %parallel_loop3A_716 = vector.shape_cast %parallel_loop3A_715 : vector<1x1x16xf32> to vector<16xf32>
        %parallel_loop3A_717 = vector.shape_cast %parallel_loop3A_710 : vector<16xf32> to vector<1x1x16xf32>
        tpu.vector_store %arg8[%parallel_loop3A_712, %parallel_loop3A_713, %parallel_loop3A_714], %parallel_loop3A_717 {add = true, strides = array<i32>} : memref<3x40x768xf32, #tpu.memory_space<vmem>>, vector<1x1x16xf32>,
        %parallel_loop3A_718 = arith.index_cast %parallel_loop3A_585 : i32 to index
        %parallel_loop3A_719 = arith.constant 192 : index
        %parallel_loop3A_720 = tpu.vector_load %arg7[%parallel_loop3A_718, %parallel_loop3A_719] {strides = array<i32>} : memref<40x768xf32, #tpu.memory_space<vmem>>, vector<1x16xf32>,
        %parallel_loop3A_721 = vector.shape_cast %parallel_loop3A_720 : vector<1x16xf32> to vector<16xf32>
        %parallel_loop3A_722 = arith.constant 0 : i32
        %parallel_loop3A_723 = arith.index_cast %parallel_loop3A_722 : i32 to index
        %parallel_loop3A_724 = arith.index_cast %parallel_loop3A_585 : i32 to index
        %parallel_loop3A_725 = arith.constant 192 : index
        %parallel_loop3A_726 = tpu.vector_load %arg8[%parallel_loop3A_723, %parallel_loop3A_724, %parallel_loop3A_725] {strides = array<i32>} : memref<3x40x768xf32, #tpu.memory_space<vmem>>, vector<1x1x16xf32>,
        %parallel_loop3A_727 = vector.shape_cast %parallel_loop3A_726 : vector<1x1x16xf32> to vector<16xf32>
        %parallel_loop3A_728 = vector.shape_cast %parallel_loop3A_721 : vector<16xf32> to vector<1x1x16xf32>
        tpu.vector_store %arg8[%parallel_loop3A_723, %parallel_loop3A_724, %parallel_loop3A_725], %parallel_loop3A_728 {add = true, strides = array<i32>} : memref<3x40x768xf32, #tpu.memory_space<vmem>>, vector<1x1x16xf32>,
        %parallel_loop3A_729 = arith.index_cast %parallel_loop3A_585 : i32 to index
        %parallel_loop3A_730 = arith.constant 208 : index
        %parallel_loop3A_731 = tpu.vector_load %arg7[%parallel_loop3A_729, %parallel_loop3A_730] {strides = array<i32>} : memref<40x768xf32, #tpu.memory_space<vmem>>, vector<1x16xf32>,
        %parallel_loop3A_732 = vector.shape_cast %parallel_loop3A_731 : vector<1x16xf32> to vector<16xf32>
        %parallel_loop3A_733 = arith.constant 0 : i32
        %parallel_loop3A_734 = arith.index_cast %parallel_loop3A_733 : i32 to index
        %parallel_loop3A_735 = arith.index_cast %parallel_loop3A_585 : i32 to index
        %parallel_loop3A_736 = arith.constant 208 : index
        %parallel_loop3A_737 = tpu.vector_load %arg8[%parallel_loop3A_734, %parallel_loop3A_735, %parallel_loop3A_736] {strides = array<i32>} : memref<3x40x768xf32, #tpu.memory_space<vmem>>, vector<1x1x16xf32>,
        %parallel_loop3A_738 = vector.shape_cast %parallel_loop3A_737 : vector<1x1x16xf32> to vector<16xf32>
        %parallel_loop3A_739 = vector.shape_cast %parallel_loop3A_732 : vector<16xf32> to vector<1x1x16xf32>
        tpu.vector_store %arg8[%parallel_loop3A_734, %parallel_loop3A_735, %parallel_loop3A_736], %parallel_loop3A_739 {add = true, strides = array<i32>} : memref<3x40x768xf32, #tpu.memory_space<vmem>>, vector<1x1x16xf32>,
        %parallel_loop3A_740 = arith.index_cast %parallel_loop3A_585 : i32 to index
        %parallel_loop3A_741 = arith.constant 224 : index
        %parallel_loop3A_742 = tpu.vector_load %arg7[%parallel_loop3A_740, %parallel_loop3A_741] {strides = array<i32>} : memref<40x768xf32, #tpu.memory_space<vmem>>, vector<1x16xf32>,
        %parallel_loop3A_743 = vector.shape_cast %parallel_loop3A_742 : vector<1x16xf32> to vector<16xf32>
        %parallel_loop3A_744 = arith.constant 0 : i32
        %parallel_loop3A_745 = arith.index_cast %parallel_loop3A_744 : i32 to index
        %parallel_loop3A_746 = arith.index_cast %parallel_loop3A_585 : i32 to index
        %parallel_loop3A_747 = arith.constant 224 : index
        %parallel_loop3A_748 = tpu.vector_load %arg8[%parallel_loop3A_745, %parallel_loop3A_746, %parallel_loop3A_747] {strides = array<i32>} : memref<3x40x768xf32, #tpu.memory_space<vmem>>, vector<1x1x16xf32>,
        %parallel_loop3A_749 = vector.shape_cast %parallel_loop3A_748 : vector<1x1x16xf32> to vector<16xf32>
        %parallel_loop3A_750 = vector.shape_cast %parallel_loop3A_743 : vector<16xf32> to vector<1x1x16xf32>
        tpu.vector_store %arg8[%parallel_loop3A_745, %parallel_loop3A_746, %parallel_loop3A_747], %parallel_loop3A_750 {add = true, strides = array<i32>} : memref<3x40x768xf32, #tpu.memory_space<vmem>>, vector<1x1x16xf32>,
        %parallel_loop3A_751 = arith.index_cast %parallel_loop3A_585 : i32 to index
        %parallel_loop3A_752 = arith.constant 240 : index
        %parallel_loop3A_753 = tpu.vector_load %arg7[%parallel_loop3A_751, %parallel_loop3A_752] {strides = array<i32>} : memref<40x768xf32, #tpu.memory_space<vmem>>, vector<1x16xf32>,
        %parallel_loop3A_754 = vector.shape_cast %parallel_loop3A_753 : vector<1x16xf32> to vector<16xf32>
        %parallel_loop3A_755 = arith.constant 0 : i32
        %parallel_loop3A_756 = arith.index_cast %parallel_loop3A_755 : i32 to index
        %parallel_loop3A_757 = arith.index_cast %parallel_loop3A_585 : i32 to index
        %parallel_loop3A_758 = arith.constant 240 : index
        %parallel_loop3A_759 = tpu.vector_load %arg8[%parallel_loop3A_756, %parallel_loop3A_757, %parallel_loop3A_758] {strides = array<i32>} : memref<3x40x768xf32, #tpu.memory_space<vmem>>, vector<1x1x16xf32>,
        %parallel_loop3A_760 = vector.shape_cast %parallel_loop3A_759 : vector<1x1x16xf32> to vector<16xf32>
        %parallel_loop3A_761 = vector.shape_cast %parallel_loop3A_754 : vector<16xf32> to vector<1x1x16xf32>
        tpu.vector_store %arg8[%parallel_loop3A_756, %parallel_loop3A_757, %parallel_loop3A_758], %parallel_loop3A_761 {add = true, strides = array<i32>} : memref<3x40x768xf32, #tpu.memory_space<vmem>>, vector<1x1x16xf32>,
        %parallel_loop3A_762 = arith.index_cast %parallel_loop3A_585 : i32 to index
        %parallel_loop3A_763 = arith.constant 256 : index
        %parallel_loop3A_764 = tpu.vector_load %arg7[%parallel_loop3A_762, %parallel_loop3A_763] {strides = array<i32>} : memref<40x768xf32, #tpu.memory_space<vmem>>, vector<1x16xf32>,
        %parallel_loop3A_765 = vector.shape_cast %parallel_loop3A_764 : vector<1x16xf32> to vector<16xf32>
        %parallel_loop3A_766 = arith.constant 0 : i32
        %parallel_loop3A_767 = arith.index_cast %parallel_loop3A_766 : i32 to index
        %parallel_loop3A_768 = arith.index_cast %parallel_loop3A_585 : i32 to index
        %parallel_loop3A_769 = arith.constant 256 : index
        %parallel_loop3A_770 = tpu.vector_load %arg8[%parallel_loop3A_767, %parallel_loop3A_768, %parallel_loop3A_769] {strides = array<i32>} : memref<3x40x768xf32, #tpu.memory_space<vmem>>, vector<1x1x16xf32>,
        %parallel_loop3A_771 = vector.shape_cast %parallel_loop3A_770 : vector<1x1x16xf32> to vector<16xf32>
        %parallel_loop3A_772 = vector.shape_cast %parallel_loop3A_765 : vector<16xf32> to vector<1x1x16xf32>
        tpu.vector_store %arg8[%parallel_loop3A_767, %parallel_loop3A_768, %parallel_loop3A_769], %parallel_loop3A_772 {add = true, strides = array<i32>} : memref<3x40x768xf32, #tpu.memory_space<vmem>>, vector<1x1x16xf32>,
        %parallel_loop3A_773 = arith.index_cast %parallel_loop3A_585 : i32 to index
        %parallel_loop3A_774 = arith.constant 272 : index
        %parallel_loop3A_775 = tpu.vector_load %arg7[%parallel_loop3A_773, %parallel_loop3A_774] {strides = array<i32>} : memref<40x768xf32, #tpu.memory_space<vmem>>, vector<1x16xf32>,
        %parallel_loop3A_776 = vector.shape_cast %parallel_loop3A_775 : vector<1x16xf32> to vector<16xf32>
        %parallel_loop3A_777 = arith.constant 0 : i32
        %parallel_loop3A_778 = arith.index_cast %parallel_loop3A_777 : i32 to index
        %parallel_loop3A_779 = arith.index_cast %parallel_loop3A_585 : i32 to index
        %parallel_loop3A_780 = arith.constant 272 : index
        %parallel_loop3A_781 = tpu.vector_load %arg8[%parallel_loop3A_778, %parallel_loop3A_779, %parallel_loop3A_780] {strides = array<i32>} : memref<3x40x768xf32, #tpu.memory_space<vmem>>, vector<1x1x16xf32>,
        %parallel_loop3A_782 = vector.shape_cast %parallel_loop3A_781 : vector<1x1x16xf32> to vector<16xf32>
        %parallel_loop3A_783 = vector.shape_cast %parallel_loop3A_776 : vector<16xf32> to vector<1x1x16xf32>
        tpu.vector_store %arg8[%parallel_loop3A_778, %parallel_loop3A_779, %parallel_loop3A_780], %parallel_loop3A_783 {add = true, strides = array<i32>} : memref<3x40x768xf32, #tpu.memory_space<vmem>>, vector<1x1x16xf32>,
        %parallel_loop3A_784 = arith.index_cast %parallel_loop3A_585 : i32 to index
        %parallel_loop3A_785 = arith.constant 288 : index
        %parallel_loop3A_786 = tpu.vector_load %arg7[%parallel_loop3A_784, %parallel_loop3A_785] {strides = array<i32>} : memref<40x768xf32, #tpu.memory_space<vmem>>, vector<1x16xf32>,
        %parallel_loop3A_787 = vector.shape_cast %parallel_loop3A_786 : vector<1x16xf32> to vector<16xf32>
        %parallel_loop3A_788 = arith.constant 0 : i32
        %parallel_loop3A_789 = arith.index_cast %parallel_loop3A_788 : i32 to index
        %parallel_loop3A_790 = arith.index_cast %parallel_loop3A_585 : i32 to index
        %parallel_loop3A_791 = arith.constant 288 : index
        %parallel_loop3A_792 = tpu.vector_load %arg8[%parallel_loop3A_789, %parallel_loop3A_790, %parallel_loop3A_791] {strides = array<i32>} : memref<3x40x768xf32, #tpu.memory_space<vmem>>, vector<1x1x16xf32>,
        %parallel_loop3A_793 = vector.shape_cast %parallel_loop3A_792 : vector<1x1x16xf32> to vector<16xf32>
        %parallel_loop3A_794 = vector.shape_cast %parallel_loop3A_787 : vector<16xf32> to vector<1x1x16xf32>
        tpu.vector_store %arg8[%parallel_loop3A_789, %parallel_loop3A_790, %parallel_loop3A_791], %parallel_loop3A_794 {add = true, strides = array<i32>} : memref<3x40x768xf32, #tpu.memory_space<vmem>>, vector<1x1x16xf32>,
        %parallel_loop3A_795 = arith.index_cast %parallel_loop3A_585 : i32 to index
        %parallel_loop3A_796 = arith.constant 304 : index
        %parallel_loop3A_797 = tpu.vector_load %arg7[%parallel_loop3A_795, %parallel_loop3A_796] {strides = array<i32>} : memref<40x768xf32, #tpu.memory_space<vmem>>, vector<1x16xf32>,
        %parallel_loop3A_798 = vector.shape_cast %parallel_loop3A_797 : vector<1x16xf32> to vector<16xf32>
        %parallel_loop3A_799 = arith.constant 0 : i32
        %parallel_loop3A_800 = arith.index_cast %parallel_loop3A_799 : i32 to index
        %parallel_loop3A_801 = arith.index_cast %parallel_loop3A_585 : i32 to index
        %parallel_loop3A_802 = arith.constant 304 : index
        %parallel_loop3A_803 = tpu.vector_load %arg8[%parallel_loop3A_800, %parallel_loop3A_801, %parallel_loop3A_802] {strides = array<i32>} : memref<3x40x768xf32, #tpu.memory_space<vmem>>, vector<1x1x16xf32>,
        %parallel_loop3A_804 = vector.shape_cast %parallel_loop3A_803 : vector<1x1x16xf32> to vector<16xf32>
        %parallel_loop3A_805 = vector.shape_cast %parallel_loop3A_798 : vector<16xf32> to vector<1x1x16xf32>
        tpu.vector_store %arg8[%parallel_loop3A_800, %parallel_loop3A_801, %parallel_loop3A_802], %parallel_loop3A_805 {add = true, strides = array<i32>} : memref<3x40x768xf32, #tpu.memory_space<vmem>>, vector<1x1x16xf32>,
        %parallel_loop3A_806 = arith.index_cast %parallel_loop3A_585 : i32 to index
        %parallel_loop3A_807 = arith.constant 320 : index
        %parallel_loop3A_808 = tpu.vector_load %arg7[%parallel_loop3A_806, %parallel_loop3A_807] {strides = array<i32>} : memref<40x768xf32, #tpu.memory_space<vmem>>, vector<1x16xf32>,
        %parallel_loop3A_809 = vector.shape_cast %parallel_loop3A_808 : vector<1x16xf32> to vector<16xf32>
        %parallel_loop3A_810 = arith.constant 0 : i32
        %parallel_loop3A_811 = arith.index_cast %parallel_loop3A_810 : i32 to index
        %parallel_loop3A_812 = arith.index_cast %parallel_loop3A_585 : i32 to index
        %parallel_loop3A_813 = arith.constant 320 : index
        %parallel_loop3A_814 = tpu.vector_load %arg8[%parallel_loop3A_811, %parallel_loop3A_812, %parallel_loop3A_813] {strides = array<i32>} : memref<3x40x768xf32, #tpu.memory_space<vmem>>, vector<1x1x16xf32>,
        %parallel_loop3A_815 = vector.shape_cast %parallel_loop3A_814 : vector<1x1x16xf32> to vector<16xf32>
        %parallel_loop3A_816 = vector.shape_cast %parallel_loop3A_809 : vector<16xf32> to vector<1x1x16xf32>
        tpu.vector_store %arg8[%parallel_loop3A_811, %parallel_loop3A_812, %parallel_loop3A_813], %parallel_loop3A_816 {add = true, strides = array<i32>} : memref<3x40x768xf32, #tpu.memory_space<vmem>>, vector<1x1x16xf32>,
        %parallel_loop3A_817 = arith.index_cast %parallel_loop3A_585 : i32 to index
        %parallel_loop3A_818 = arith.constant 336 : index
        %parallel_loop3A_819 = tpu.vector_load %arg7[%parallel_loop3A_817, %parallel_loop3A_818] {strides = array<i32>} : memref<40x768xf32, #tpu.memory_space<vmem>>, vector<1x16xf32>,
        %parallel_loop3A_820 = vector.shape_cast %parallel_loop3A_819 : vector<1x16xf32> to vector<16xf32>
        %parallel_loop3A_821 = arith.constant 0 : i32
        %parallel_loop3A_822 = arith.index_cast %parallel_loop3A_821 : i32 to index
        %parallel_loop3A_823 = arith.index_cast %parallel_loop3A_585 : i32 to index
        %parallel_loop3A_824 = arith.constant 336 : index
        %parallel_loop3A_825 = tpu.vector_load %arg8[%parallel_loop3A_822, %parallel_loop3A_823, %parallel_loop3A_824] {strides = array<i32>} : memref<3x40x768xf32, #tpu.memory_space<vmem>>, vector<1x1x16xf32>,
        %parallel_loop3A_826 = vector.shape_cast %parallel_loop3A_825 : vector<1x1x16xf32> to vector<16xf32>
        %parallel_loop3A_827 = vector.shape_cast %parallel_loop3A_820 : vector<16xf32> to vector<1x1x16xf32>
        tpu.vector_store %arg8[%parallel_loop3A_822, %parallel_loop3A_823, %parallel_loop3A_824], %parallel_loop3A_827 {add = true, strides = array<i32>} : memref<3x40x768xf32, #tpu.memory_space<vmem>>, vector<1x1x16xf32>,
        %parallel_loop3A_828 = arith.index_cast %parallel_loop3A_585 : i32 to index
        %parallel_loop3A_829 = arith.constant 352 : index
        %parallel_loop3A_830 = tpu.vector_load %arg7[%parallel_loop3A_828, %parallel_loop3A_829] {strides = array<i32>} : memref<40x768xf32, #tpu.memory_space<vmem>>, vector<1x16xf32>,
        %parallel_loop3A_831 = vector.shape_cast %parallel_loop3A_830 : vector<1x16xf32> to vector<16xf32>
        %parallel_loop3A_832 = arith.constant 0 : i32
        %parallel_loop3A_833 = arith.index_cast %parallel_loop3A_832 : i32 to index
        %parallel_loop3A_834 = arith.index_cast %parallel_loop3A_585 : i32 to index
        %parallel_loop3A_835 = arith.constant 352 : index
        %parallel_loop3A_836 = tpu.vector_load %arg8[%parallel_loop3A_833, %parallel_loop3A_834, %parallel_loop3A_835] {strides = array<i32>} : memref<3x40x768xf32, #tpu.memory_space<vmem>>, vector<1x1x16xf32>,
        %parallel_loop3A_837 = vector.shape_cast %parallel_loop3A_836 : vector<1x1x16xf32> to vector<16xf32>
        %parallel_loop3A_838 = vector.shape_cast %parallel_loop3A_831 : vector<16xf32> to vector<1x1x16xf32>
        tpu.vector_store %arg8[%parallel_loop3A_833, %parallel_loop3A_834, %parallel_loop3A_835], %parallel_loop3A_838 {add = true, strides = array<i32>} : memref<3x40x768xf32, #tpu.memory_space<vmem>>, vector<1x1x16xf32>,
        %parallel_loop3A_839 = arith.index_cast %parallel_loop3A_585 : i32 to index
        %parallel_loop3A_840 = arith.constant 368 : index
        %parallel_loop3A_841 = tpu.vector_load %arg7[%parallel_loop3A_839, %parallel_loop3A_840] {strides = array<i32>} : memref<40x768xf32, #tpu.memory_space<vmem>>, vector<1x16xf32>,
        %parallel_loop3A_842 = vector.shape_cast %parallel_loop3A_841 : vector<1x16xf32> to vector<16xf32>
        %parallel_loop3A_843 = arith.constant 0 : i32
        %parallel_loop3A_844 = arith.index_cast %parallel_loop3A_843 : i32 to index
        %parallel_loop3A_845 = arith.index_cast %parallel_loop3A_585 : i32 to index
        %parallel_loop3A_846 = arith.constant 368 : index
        %parallel_loop3A_847 = tpu.vector_load %arg8[%parallel_loop3A_844, %parallel_loop3A_845, %parallel_loop3A_846] {strides = array<i32>} : memref<3x40x768xf32, #tpu.memory_space<vmem>>, vector<1x1x16xf32>,
        %parallel_loop3A_848 = vector.shape_cast %parallel_loop3A_847 : vector<1x1x16xf32> to vector<16xf32>
        %parallel_loop3A_849 = vector.shape_cast %parallel_loop3A_842 : vector<16xf32> to vector<1x1x16xf32>
        tpu.vector_store %arg8[%parallel_loop3A_844, %parallel_loop3A_845, %parallel_loop3A_846], %parallel_loop3A_849 {add = true, strides = array<i32>} : memref<3x40x768xf32, #tpu.memory_space<vmem>>, vector<1x1x16xf32>,
        %parallel_loop3A_850 = arith.index_cast %parallel_loop3A_585 : i32 to index
        %parallel_loop3A_851 = arith.constant 384 : index
        %parallel_loop3A_852 = tpu.vector_load %arg7[%parallel_loop3A_850, %parallel_loop3A_851] {strides = array<i32>} : memref<40x768xf32, #tpu.memory_space<vmem>>, vector<1x16xf32>,
        %parallel_loop3A_853 = vector.shape_cast %parallel_loop3A_852 : vector<1x16xf32> to vector<16xf32>
        %parallel_loop3A_854 = arith.constant 0 : i32
        %parallel_loop3A_855 = arith.index_cast %parallel_loop3A_854 : i32 to index
        %parallel_loop3A_856 = arith.index_cast %parallel_loop3A_585 : i32 to index
        %parallel_loop3A_857 = arith.constant 384 : index
        %parallel_loop3A_858 = tpu.vector_load %arg8[%parallel_loop3A_855, %parallel_loop3A_856, %parallel_loop3A_857] {strides = array<i32>} : memref<3x40x768xf32, #tpu.memory_space<vmem>>, vector<1x1x16xf32>,
        %parallel_loop3A_859 = vector.shape_cast %parallel_loop3A_858 : vector<1x1x16xf32> to vector<16xf32>
        %parallel_loop3A_860 = vector.shape_cast %parallel_loop3A_853 : vector<16xf32> to vector<1x1x16xf32>
        tpu.vector_store %arg8[%parallel_loop3A_855, %parallel_loop3A_856, %parallel_loop3A_857], %parallel_loop3A_860 {add = true, strides = array<i32>} : memref<3x40x768xf32, #tpu.memory_space<vmem>>, vector<1x1x16xf32>,
        %parallel_loop3A_861 = arith.index_cast %parallel_loop3A_585 : i32 to index
        %parallel_loop3A_862 = arith.constant 400 : index
        %parallel_loop3A_863 = tpu.vector_load %arg7[%parallel_loop3A_861, %parallel_loop3A_862] {strides = array<i32>} : memref<40x768xf32, #tpu.memory_space<vmem>>, vector<1x16xf32>,
        %parallel_loop3A_864 = vector.shape_cast %parallel_loop3A_863 : vector<1x16xf32> to vector<16xf32>
        %parallel_loop3A_865 = arith.constant 0 : i32
        %parallel_loop3A_866 = arith.index_cast %parallel_loop3A_865 : i32 to index
        %parallel_loop3A_867 = arith.index_cast %parallel_loop3A_585 : i32 to index
        %parallel_loop3A_868 = arith.constant 400 : index
        %parallel_loop3A_869 = tpu.vector_load %arg8[%parallel_loop3A_866, %parallel_loop3A_867, %parallel_loop3A_868] {strides = array<i32>} : memref<3x40x768xf32, #tpu.memory_space<vmem>>, vector<1x1x16xf32>,
        %parallel_loop3A_870 = vector.shape_cast %parallel_loop3A_869 : vector<1x1x16xf32> to vector<16xf32>
        %parallel_loop3A_871 = vector.shape_cast %parallel_loop3A_864 : vector<16xf32> to vector<1x1x16xf32>
        tpu.vector_store %arg8[%parallel_loop3A_866, %parallel_loop3A_867, %parallel_loop3A_868], %parallel_loop3A_871 {add = true, strides = array<i32>} : memref<3x40x768xf32, #tpu.memory_space<vmem>>, vector<1x1x16xf32>,
        %parallel_loop3A_872 = arith.index_cast %parallel_loop3A_585 : i32 to index
        %parallel_loop3A_873 = arith.constant 416 : index
        %parallel_loop3A_874 = tpu.vector_load %arg7[%parallel_loop3A_872, %parallel_loop3A_873] {strides = array<i32>} : memref<40x768xf32, #tpu.memory_space<vmem>>, vector<1x16xf32>,
        %parallel_loop3A_875 = vector.shape_cast %parallel_loop3A_874 : vector<1x16xf32> to vector<16xf32>
        %parallel_loop3A_876 = arith.constant 0 : i32
        %parallel_loop3A_877 = arith.index_cast %parallel_loop3A_876 : i32 to index
        %parallel_loop3A_878 = arith.index_cast %parallel_loop3A_585 : i32 to index
        %parallel_loop3A_879 = arith.constant 416 : index
        %parallel_loop3A_880 = tpu.vector_load %arg8[%parallel_loop3A_877, %parallel_loop3A_878, %parallel_loop3A_879] {strides = array<i32>} : memref<3x40x768xf32, #tpu.memory_space<vmem>>, vector<1x1x16xf32>,
        %parallel_loop3A_881 = vector.shape_cast %parallel_loop3A_880 : vector<1x1x16xf32> to vector<16xf32>
        %parallel_loop3A_882 = vector.shape_cast %parallel_loop3A_875 : vector<16xf32> to vector<1x1x16xf32>
        tpu.vector_store %arg8[%parallel_loop3A_877, %parallel_loop3A_878, %parallel_loop3A_879], %parallel_loop3A_882 {add = true, strides = array<i32>} : memref<3x40x768xf32, #tpu.memory_space<vmem>>, vector<1x1x16xf32>,
        %parallel_loop3A_883 = arith.index_cast %parallel_loop3A_585 : i32 to index
        %parallel_loop3A_884 = arith.constant 432 : index
        %parallel_loop3A_885 = tpu.vector_load %arg7[%parallel_loop3A_883, %parallel_loop3A_884] {strides = array<i32>} : memref<40x768xf32, #tpu.memory_space<vmem>>, vector<1x16xf32>,
        %parallel_loop3A_886 = vector.shape_cast %parallel_loop3A_885 : vector<1x16xf32> to vector<16xf32>
        %parallel_loop3A_887 = arith.constant 0 : i32
        %parallel_loop3A_888 = arith.index_cast %parallel_loop3A_887 : i32 to index
        %parallel_loop3A_889 = arith.index_cast %parallel_loop3A_585 : i32 to index
        %parallel_loop3A_890 = arith.constant 432 : index
        %parallel_loop3A_891 = tpu.vector_load %arg8[%parallel_loop3A_888, %parallel_loop3A_889, %parallel_loop3A_890] {strides = array<i32>} : memref<3x40x768xf32, #tpu.memory_space<vmem>>, vector<1x1x16xf32>,
        %parallel_loop3A_892 = vector.shape_cast %parallel_loop3A_891 : vector<1x1x16xf32> to vector<16xf32>
        %parallel_loop3A_893 = vector.shape_cast %parallel_loop3A_886 : vector<16xf32> to vector<1x1x16xf32>
        tpu.vector_store %arg8[%parallel_loop3A_888, %parallel_loop3A_889, %parallel_loop3A_890], %parallel_loop3A_893 {add = true, strides = array<i32>} : memref<3x40x768xf32, #tpu.memory_space<vmem>>, vector<1x1x16xf32>,
        %parallel_loop3A_894 = arith.index_cast %parallel_loop3A_585 : i32 to index
        %parallel_loop3A_895 = arith.constant 448 : index
        %parallel_loop3A_896 = tpu.vector_load %arg7[%parallel_loop3A_894, %parallel_loop3A_895] {strides = array<i32>} : memref<40x768xf32, #tpu.memory_space<vmem>>, vector<1x16xf32>,
        %parallel_loop3A_897 = vector.shape_cast %parallel_loop3A_896 : vector<1x16xf32> to vector<16xf32>
        %parallel_loop3A_898 = arith.constant 0 : i32
        %parallel_loop3A_899 = arith.index_cast %parallel_loop3A_898 : i32 to index
        %parallel_loop3A_900 = arith.index_cast %parallel_loop3A_585 : i32 to index
        %parallel_loop3A_901 = arith.constant 448 : index
        %parallel_loop3A_902 = tpu.vector_load %arg8[%parallel_loop3A_899, %parallel_loop3A_900, %parallel_loop3A_901] {strides = array<i32>} : memref<3x40x768xf32, #tpu.memory_space<vmem>>, vector<1x1x16xf32>,
        %parallel_loop3A_903 = vector.shape_cast %parallel_loop3A_902 : vector<1x1x16xf32> to vector<16xf32>
        %parallel_loop3A_904 = vector.shape_cast %parallel_loop3A_897 : vector<16xf32> to vector<1x1x16xf32>
        tpu.vector_store %arg8[%parallel_loop3A_899, %parallel_loop3A_900, %parallel_loop3A_901], %parallel_loop3A_904 {add = true, strides = array<i32>} : memref<3x40x768xf32, #tpu.memory_space<vmem>>, vector<1x1x16xf32>,
        %parallel_loop3A_905 = arith.index_cast %parallel_loop3A_585 : i32 to index
        %parallel_loop3A_906 = arith.constant 464 : index
        %parallel_loop3A_907 = tpu.vector_load %arg7[%parallel_loop3A_905, %parallel_loop3A_906] {strides = array<i32>} : memref<40x768xf32, #tpu.memory_space<vmem>>, vector<1x16xf32>,
        %parallel_loop3A_908 = vector.shape_cast %parallel_loop3A_907 : vector<1x16xf32> to vector<16xf32>
        %parallel_loop3A_909 = arith.constant 0 : i32
        %parallel_loop3A_910 = arith.index_cast %parallel_loop3A_909 : i32 to index
        %parallel_loop3A_911 = arith.index_cast %parallel_loop3A_585 : i32 to index
        %parallel_loop3A_912 = arith.constant 464 : index
        %parallel_loop3A_913 = tpu.vector_load %arg8[%parallel_loop3A_910, %parallel_loop3A_911, %parallel_loop3A_912] {strides = array<i32>} : memref<3x40x768xf32, #tpu.memory_space<vmem>>, vector<1x1x16xf32>,
        %parallel_loop3A_914 = vector.shape_cast %parallel_loop3A_913 : vector<1x1x16xf32> to vector<16xf32>
        %parallel_loop3A_915 = vector.shape_cast %parallel_loop3A_908 : vector<16xf32> to vector<1x1x16xf32>
        tpu.vector_store %arg8[%parallel_loop3A_910, %parallel_loop3A_911, %parallel_loop3A_912], %parallel_loop3A_915 {add = true, strides = array<i32>} : memref<3x40x768xf32, #tpu.memory_space<vmem>>, vector<1x1x16xf32>,
        %parallel_loop3A_916 = arith.index_cast %parallel_loop3A_585 : i32 to index
        %parallel_loop3A_917 = arith.constant 480 : index
        %parallel_loop3A_918 = tpu.vector_load %arg7[%parallel_loop3A_916, %parallel_loop3A_917] {strides = array<i32>} : memref<40x768xf32, #tpu.memory_space<vmem>>, vector<1x16xf32>,
        %parallel_loop3A_919 = vector.shape_cast %parallel_loop3A_918 : vector<1x16xf32> to vector<16xf32>
        %parallel_loop3A_920 = arith.constant 0 : i32
        %parallel_loop3A_921 = arith.index_cast %parallel_loop3A_920 : i32 to index
        %parallel_loop3A_922 = arith.index_cast %parallel_loop3A_585 : i32 to index
        %parallel_loop3A_923 = arith.constant 480 : index
        %parallel_loop3A_924 = tpu.vector_load %arg8[%parallel_loop3A_921, %parallel_loop3A_922, %parallel_loop3A_923] {strides = array<i32>} : memref<3x40x768xf32, #tpu.memory_space<vmem>>, vector<1x1x16xf32>,
        %parallel_loop3A_925 = vector.shape_cast %parallel_loop3A_924 : vector<1x1x16xf32> to vector<16xf32>
        %parallel_loop3A_926 = vector.shape_cast %parallel_loop3A_919 : vector<16xf32> to vector<1x1x16xf32>
        tpu.vector_store %arg8[%parallel_loop3A_921, %parallel_loop3A_922, %parallel_loop3A_923], %parallel_loop3A_926 {add = true, strides = array<i32>} : memref<3x40x768xf32, #tpu.memory_space<vmem>>, vector<1x1x16xf32>,
        %parallel_loop3A_927 = arith.index_cast %parallel_loop3A_585 : i32 to index
        %parallel_loop3A_928 = arith.constant 496 : index
        %parallel_loop3A_929 = tpu.vector_load %arg7[%parallel_loop3A_927, %parallel_loop3A_928] {strides = array<i32>} : memref<40x768xf32, #tpu.memory_space<vmem>>, vector<1x16xf32>,
        %parallel_loop3A_930 = vector.shape_cast %parallel_loop3A_929 : vector<1x16xf32> to vector<16xf32>
        %parallel_loop3A_931 = arith.constant 0 : i32
        %parallel_loop3A_932 = arith.index_cast %parallel_loop3A_931 : i32 to index
        %parallel_loop3A_933 = arith.index_cast %parallel_loop3A_585 : i32 to index
        %parallel_loop3A_934 = arith.constant 496 : index
        %parallel_loop3A_935 = tpu.vector_load %arg8[%parallel_loop3A_932, %parallel_loop3A_933, %parallel_loop3A_934] {strides = array<i32>} : memref<3x40x768xf32, #tpu.memory_space<vmem>>, vector<1x1x16xf32>,
        %parallel_loop3A_936 = vector.shape_cast %parallel_loop3A_935 : vector<1x1x16xf32> to vector<16xf32>
        %parallel_loop3A_937 = vector.shape_cast %parallel_loop3A_930 : vector<16xf32> to vector<1x1x16xf32>
        tpu.vector_store %arg8[%parallel_loop3A_932, %parallel_loop3A_933, %parallel_loop3A_934], %parallel_loop3A_937 {add = true, strides = array<i32>} : memref<3x40x768xf32, #tpu.memory_space<vmem>>, vector<1x1x16xf32>,
        %parallel_loop3A_938 = arith.index_cast %parallel_loop3A_585 : i32 to index
        %parallel_loop3A_939 = arith.constant 512 : index
        %parallel_loop3A_940 = tpu.vector_load %arg7[%parallel_loop3A_938, %parallel_loop3A_939] {strides = array<i32>} : memref<40x768xf32, #tpu.memory_space<vmem>>, vector<1x16xf32>,
        %parallel_loop3A_941 = vector.shape_cast %parallel_loop3A_940 : vector<1x16xf32> to vector<16xf32>
        %parallel_loop3A_942 = arith.constant 0 : i32
        %parallel_loop3A_943 = arith.index_cast %parallel_loop3A_942 : i32 to index
        %parallel_loop3A_944 = arith.index_cast %parallel_loop3A_585 : i32 to index
        %parallel_loop3A_945 = arith.constant 512 : index
        %parallel_loop3A_946 = tpu.vector_load %arg8[%parallel_loop3A_943, %parallel_loop3A_944, %parallel_loop3A_945] {strides = array<i32>} : memref<3x40x768xf32, #tpu.memory_space<vmem>>, vector<1x1x16xf32>,
        %parallel_loop3A_947 = vector.shape_cast %parallel_loop3A_946 : vector<1x1x16xf32> to vector<16xf32>
        %parallel_loop3A_948 = vector.shape_cast %parallel_loop3A_941 : vector<16xf32> to vector<1x1x16xf32>
        tpu.vector_store %arg8[%parallel_loop3A_943, %parallel_loop3A_944, %parallel_loop3A_945], %parallel_loop3A_948 {add = true, strides = array<i32>} : memref<3x40x768xf32, #tpu.memory_space<vmem>>, vector<1x1x16xf32>,
        %parallel_loop3A_949 = arith.index_cast %parallel_loop3A_585 : i32 to index
        %parallel_loop3A_950 = arith.constant 528 : index
        %parallel_loop3A_951 = tpu.vector_load %arg7[%parallel_loop3A_949, %parallel_loop3A_950] {strides = array<i32>} : memref<40x768xf32, #tpu.memory_space<vmem>>, vector<1x16xf32>,
        %parallel_loop3A_952 = vector.shape_cast %parallel_loop3A_951 : vector<1x16xf32> to vector<16xf32>
        %parallel_loop3A_953 = arith.constant 0 : i32
        %parallel_loop3A_954 = arith.index_cast %parallel_loop3A_953 : i32 to index
        %parallel_loop3A_955 = arith.index_cast %parallel_loop3A_585 : i32 to index
        %parallel_loop3A_956 = arith.constant 528 : index
        %parallel_loop3A_957 = tpu.vector_load %arg8[%parallel_loop3A_954, %parallel_loop3A_955, %parallel_loop3A_956] {strides = array<i32>} : memref<3x40x768xf32, #tpu.memory_space<vmem>>, vector<1x1x16xf32>,
        %parallel_loop3A_958 = vector.shape_cast %parallel_loop3A_957 : vector<1x1x16xf32> to vector<16xf32>
        %parallel_loop3A_959 = vector.shape_cast %parallel_loop3A_952 : vector<16xf32> to vector<1x1x16xf32>
        tpu.vector_store %arg8[%parallel_loop3A_954, %parallel_loop3A_955, %parallel_loop3A_956], %parallel_loop3A_959 {add = true, strides = array<i32>} : memref<3x40x768xf32, #tpu.memory_space<vmem>>, vector<1x1x16xf32>,
        %parallel_loop3A_960 = arith.index_cast %parallel_loop3A_585 : i32 to index
        %parallel_loop3A_961 = arith.constant 544 : index
        %parallel_loop3A_962 = tpu.vector_load %arg7[%parallel_loop3A_960, %parallel_loop3A_961] {strides = array<i32>} : memref<40x768xf32, #tpu.memory_space<vmem>>, vector<1x16xf32>,
        %parallel_loop3A_963 = vector.shape_cast %parallel_loop3A_962 : vector<1x16xf32> to vector<16xf32>
        %parallel_loop3A_964 = arith.constant 0 : i32
        %parallel_loop3A_965 = arith.index_cast %parallel_loop3A_964 : i32 to index
        %parallel_loop3A_966 = arith.index_cast %parallel_loop3A_585 : i32 to index
        %parallel_loop3A_967 = arith.constant 544 : index
        %parallel_loop3A_968 = tpu.vector_load %arg8[%parallel_loop3A_965, %parallel_loop3A_966, %parallel_loop3A_967] {strides = array<i32>} : memref<3x40x768xf32, #tpu.memory_space<vmem>>, vector<1x1x16xf32>,
        %parallel_loop3A_969 = vector.shape_cast %parallel_loop3A_968 : vector<1x1x16xf32> to vector<16xf32>
        %parallel_loop3A_970 = vector.shape_cast %parallel_loop3A_963 : vector<16xf32> to vector<1x1x16xf32>
        tpu.vector_store %arg8[%parallel_loop3A_965, %parallel_loop3A_966, %parallel_loop3A_967], %parallel_loop3A_970 {add = true, strides = array<i32>} : memref<3x40x768xf32, #tpu.memory_space<vmem>>, vector<1x1x16xf32>,
        %parallel_loop3A_971 = arith.index_cast %parallel_loop3A_585 : i32 to index
        %parallel_loop3A_972 = arith.constant 560 : index
        %parallel_loop3A_973 = tpu.vector_load %arg7[%parallel_loop3A_971, %parallel_loop3A_972] {strides = array<i32>} : memref<40x768xf32, #tpu.memory_space<vmem>>, vector<1x16xf32>,
        %parallel_loop3A_974 = vector.shape_cast %parallel_loop3A_973 : vector<1x16xf32> to vector<16xf32>
        %parallel_loop3A_975 = arith.constant 0 : i32
        %parallel_loop3A_976 = arith.index_cast %parallel_loop3A_975 : i32 to index
        %parallel_loop3A_977 = arith.index_cast %parallel_loop3A_585 : i32 to index
        %parallel_loop3A_978 = arith.constant 560 : index
        %parallel_loop3A_979 = tpu.vector_load %arg8[%parallel_loop3A_976, %parallel_loop3A_977, %parallel_loop3A_978] {strides = array<i32>} : memref<3x40x768xf32, #tpu.memory_space<vmem>>, vector<1x1x16xf32>,
        %parallel_loop3A_980 = vector.shape_cast %parallel_loop3A_979 : vector<1x1x16xf32> to vector<16xf32>
        %parallel_loop3A_981 = vector.shape_cast %parallel_loop3A_974 : vector<16xf32> to vector<1x1x16xf32>
        tpu.vector_store %arg8[%parallel_loop3A_976, %parallel_loop3A_977, %parallel_loop3A_978], %parallel_loop3A_981 {add = true, strides = array<i32>} : memref<3x40x768xf32, #tpu.memory_space<vmem>>, vector<1x1x16xf32>,
        %parallel_loop3A_982 = arith.index_cast %parallel_loop3A_585 : i32 to index
        %parallel_loop3A_983 = arith.constant 576 : index
        %parallel_loop3A_984 = tpu.vector_load %arg7[%parallel_loop3A_982, %parallel_loop3A_983] {strides = array<i32>} : memref<40x768xf32, #tpu.memory_space<vmem>>, vector<1x16xf32>,
        %parallel_loop3A_985 = vector.shape_cast %parallel_loop3A_984 : vector<1x16xf32> to vector<16xf32>
        %parallel_loop3A_986 = arith.constant 0 : i32
        %parallel_loop3A_987 = arith.index_cast %parallel_loop3A_986 : i32 to index
        %parallel_loop3A_988 = arith.index_cast %parallel_loop3A_585 : i32 to index
        %parallel_loop3A_989 = arith.constant 576 : index
        %parallel_loop3A_990 = tpu.vector_load %arg8[%parallel_loop3A_987, %parallel_loop3A_988, %parallel_loop3A_989] {strides = array<i32>} : memref<3x40x768xf32, #tpu.memory_space<vmem>>, vector<1x1x16xf32>,
        %parallel_loop3A_991 = vector.shape_cast %parallel_loop3A_990 : vector<1x1x16xf32> to vector<16xf32>
        %parallel_loop3A_992 = vector.shape_cast %parallel_loop3A_985 : vector<16xf32> to vector<1x1x16xf32>
        tpu.vector_store %arg8[%parallel_loop3A_987, %parallel_loop3A_988, %parallel_loop3A_989], %parallel_loop3A_992 {add = true, strides = array<i32>} : memref<3x40x768xf32, #tpu.memory_space<vmem>>, vector<1x1x16xf32>,
        %parallel_loop3A_993 = arith.index_cast %parallel_loop3A_585 : i32 to index
        %parallel_loop3A_994 = arith.constant 592 : index
        %parallel_loop3A_995 = tpu.vector_load %arg7[%parallel_loop3A_993, %parallel_loop3A_994] {strides = array<i32>} : memref<40x768xf32, #tpu.memory_space<vmem>>, vector<1x16xf32>,
        %parallel_loop3A_996 = vector.shape_cast %parallel_loop3A_995 : vector<1x16xf32> to vector<16xf32>
        %parallel_loop3A_997 = arith.constant 0 : i32
        %parallel_loop3A_998 = arith.index_cast %parallel_loop3A_997 : i32 to index
        %parallel_loop3A_999 = arith.index_cast %parallel_loop3A_585 : i32 to index
        %parallel_loop3A_1000 = arith.constant 592 : index
        %parallel_loop3A_1001 = tpu.vector_load %arg8[%parallel_loop3A_998, %parallel_loop3A_999, %parallel_loop3A_1000] {strides = array<i32>} : memref<3x40x768xf32, #tpu.memory_space<vmem>>, vector<1x1x16xf32>,
        %parallel_loop3A_1002 = vector.shape_cast %parallel_loop3A_1001 : vector<1x1x16xf32> to vector<16xf32>
        %parallel_loop3A_1003 = vector.shape_cast %parallel_loop3A_996 : vector<16xf32> to vector<1x1x16xf32>
        tpu.vector_store %arg8[%parallel_loop3A_998, %parallel_loop3A_999, %parallel_loop3A_1000], %parallel_loop3A_1003 {add = true, strides = array<i32>} : memref<3x40x768xf32, #tpu.memory_space<vmem>>, vector<1x1x16xf32>,
        %parallel_loop3A_1004 = arith.index_cast %parallel_loop3A_585 : i32 to index
        %parallel_loop3A_1005 = arith.constant 608 : index
        %parallel_loop3A_1006 = tpu.vector_load %arg7[%parallel_loop3A_1004, %parallel_loop3A_1005] {strides = array<i32>} : memref<40x768xf32, #tpu.memory_space<vmem>>, vector<1x16xf32>,
        %parallel_loop3A_1007 = vector.shape_cast %parallel_loop3A_1006 : vector<1x16xf32> to vector<16xf32>
        %parallel_loop3A_1008 = arith.constant 0 : i32
        %parallel_loop3A_1009 = arith.index_cast %parallel_loop3A_1008 : i32 to index
        %parallel_loop3A_1010 = arith.index_cast %parallel_loop3A_585 : i32 to index
        %parallel_loop3A_1011 = arith.constant 608 : index
        %parallel_loop3A_1012 = tpu.vector_load %arg8[%parallel_loop3A_1009, %parallel_loop3A_1010, %parallel_loop3A_1011] {strides = array<i32>} : memref<3x40x768xf32, #tpu.memory_space<vmem>>, vector<1x1x16xf32>,
        %parallel_loop3A_1013 = vector.shape_cast %parallel_loop3A_1012 : vector<1x1x16xf32> to vector<16xf32>
        %parallel_loop3A_1014 = vector.shape_cast %parallel_loop3A_1007 : vector<16xf32> to vector<1x1x16xf32>
        tpu.vector_store %arg8[%parallel_loop3A_1009, %parallel_loop3A_1010, %parallel_loop3A_1011], %parallel_loop3A_1014 {add = true, strides = array<i32>} : memref<3x40x768xf32, #tpu.memory_space<vmem>>, vector<1x1x16xf32>,
        %parallel_loop3A_1015 = arith.index_cast %parallel_loop3A_585 : i32 to index
        %parallel_loop3A_1016 = arith.constant 624 : index
        %parallel_loop3A_1017 = tpu.vector_load %arg7[%parallel_loop3A_1015, %parallel_loop3A_1016] {strides = array<i32>} : memref<40x768xf32, #tpu.memory_space<vmem>>, vector<1x16xf32>,
        %parallel_loop3A_1018 = vector.shape_cast %parallel_loop3A_1017 : vector<1x16xf32> to vector<16xf32>
        %parallel_loop3A_1019 = arith.constant 0 : i32
        %parallel_loop3A_1020 = arith.index_cast %parallel_loop3A_1019 : i32 to index
        %parallel_loop3A_1021 = arith.index_cast %parallel_loop3A_585 : i32 to index
        %parallel_loop3A_1022 = arith.constant 624 : index
        %parallel_loop3A_1023 = tpu.vector_load %arg8[%parallel_loop3A_1020, %parallel_loop3A_1021, %parallel_loop3A_1022] {strides = array<i32>} : memref<3x40x768xf32, #tpu.memory_space<vmem>>, vector<1x1x16xf32>,
        %parallel_loop3A_1024 = vector.shape_cast %parallel_loop3A_1023 : vector<1x1x16xf32> to vector<16xf32>
        %parallel_loop3A_1025 = vector.shape_cast %parallel_loop3A_1018 : vector<16xf32> to vector<1x1x16xf32>
        tpu.vector_store %arg8[%parallel_loop3A_1020, %parallel_loop3A_1021, %parallel_loop3A_1022], %parallel_loop3A_1025 {add = true, strides = array<i32>} : memref<3x40x768xf32, #tpu.memory_space<vmem>>, vector<1x1x16xf32>,
        %parallel_loop3A_1026 = arith.index_cast %parallel_loop3A_585 : i32 to index
        %parallel_loop3A_1027 = arith.constant 640 : index
        %parallel_loop3A_1028 = tpu.vector_load %arg7[%parallel_loop3A_1026, %parallel_loop3A_1027] {strides = array<i32>} : memref<40x768xf32, #tpu.memory_space<vmem>>, vector<1x16xf32>,
        %parallel_loop3A_1029 = vector.shape_cast %parallel_loop3A_1028 : vector<1x16xf32> to vector<16xf32>
        %parallel_loop3A_1030 = arith.constant 0 : i32
        %parallel_loop3A_1031 = arith.index_cast %parallel_loop3A_1030 : i32 to index
        %parallel_loop3A_1032 = arith.index_cast %parallel_loop3A_585 : i32 to index
        %parallel_loop3A_1033 = arith.constant 640 : index
        %parallel_loop3A_1034 = tpu.vector_load %arg8[%parallel_loop3A_1031, %parallel_loop3A_1032, %parallel_loop3A_1033] {strides = array<i32>} : memref<3x40x768xf32, #tpu.memory_space<vmem>>, vector<1x1x16xf32>,
        %parallel_loop3A_1035 = vector.shape_cast %parallel_loop3A_1034 : vector<1x1x16xf32> to vector<16xf32>
        %parallel_loop3A_1036 = vector.shape_cast %parallel_loop3A_1029 : vector<16xf32> to vector<1x1x16xf32>
        tpu.vector_store %arg8[%parallel_loop3A_1031, %parallel_loop3A_1032, %parallel_loop3A_1033], %parallel_loop3A_1036 {add = true, strides = array<i32>} : memref<3x40x768xf32, #tpu.memory_space<vmem>>, vector<1x1x16xf32>,
        %parallel_loop3A_1037 = arith.index_cast %parallel_loop3A_585 : i32 to index
        %parallel_loop3A_1038 = arith.constant 656 : index
        %parallel_loop3A_1039 = tpu.vector_load %arg7[%parallel_loop3A_1037, %parallel_loop3A_1038] {strides = array<i32>} : memref<40x768xf32, #tpu.memory_space<vmem>>, vector<1x16xf32>,
        %parallel_loop3A_1040 = vector.shape_cast %parallel_loop3A_1039 : vector<1x16xf32> to vector<16xf32>
        %parallel_loop3A_1041 = arith.constant 0 : i32
        %parallel_loop3A_1042 = arith.index_cast %parallel_loop3A_1041 : i32 to index
        %parallel_loop3A_1043 = arith.index_cast %parallel_loop3A_585 : i32 to index
        %parallel_loop3A_1044 = arith.constant 656 : index
        %parallel_loop3A_1045 = tpu.vector_load %arg8[%parallel_loop3A_1042, %parallel_loop3A_1043, %parallel_loop3A_1044] {strides = array<i32>} : memref<3x40x768xf32, #tpu.memory_space<vmem>>, vector<1x1x16xf32>,
        %parallel_loop3A_1046 = vector.shape_cast %parallel_loop3A_1045 : vector<1x1x16xf32> to vector<16xf32>
        %parallel_loop3A_1047 = vector.shape_cast %parallel_loop3A_1040 : vector<16xf32> to vector<1x1x16xf32>
        tpu.vector_store %arg8[%parallel_loop3A_1042, %parallel_loop3A_1043, %parallel_loop3A_1044], %parallel_loop3A_1047 {add = true, strides = array<i32>} : memref<3x40x768xf32, #tpu.memory_space<vmem>>, vector<1x1x16xf32>,
        %parallel_loop3A_1048 = arith.index_cast %parallel_loop3A_585 : i32 to index
        %parallel_loop3A_1049 = arith.constant 672 : index
        %parallel_loop3A_1050 = tpu.vector_load %arg7[%parallel_loop3A_1048, %parallel_loop3A_1049] {strides = array<i32>} : memref<40x768xf32, #tpu.memory_space<vmem>>, vector<1x16xf32>,
        %parallel_loop3A_1051 = vector.shape_cast %parallel_loop3A_1050 : vector<1x16xf32> to vector<16xf32>
        %parallel_loop3A_1052 = arith.constant 0 : i32
        %parallel_loop3A_1053 = arith.index_cast %parallel_loop3A_1052 : i32 to index
        %parallel_loop3A_1054 = arith.index_cast %parallel_loop3A_585 : i32 to index
        %parallel_loop3A_1055 = arith.constant 672 : index
        %parallel_loop3A_1056 = tpu.vector_load %arg8[%parallel_loop3A_1053, %parallel_loop3A_1054, %parallel_loop3A_1055] {strides = array<i32>} : memref<3x40x768xf32, #tpu.memory_space<vmem>>, vector<1x1x16xf32>,
        %parallel_loop3A_1057 = vector.shape_cast %parallel_loop3A_1056 : vector<1x1x16xf32> to vector<16xf32>
        %parallel_loop3A_1058 = vector.shape_cast %parallel_loop3A_1051 : vector<16xf32> to vector<1x1x16xf32>
        tpu.vector_store %arg8[%parallel_loop3A_1053, %parallel_loop3A_1054, %parallel_loop3A_1055], %parallel_loop3A_1058 {add = true, strides = array<i32>} : memref<3x40x768xf32, #tpu.memory_space<vmem>>, vector<1x1x16xf32>,
        %parallel_loop3A_1059 = arith.index_cast %parallel_loop3A_585 : i32 to index
        %parallel_loop3A_1060 = arith.constant 688 : index
        %parallel_loop3A_1061 = tpu.vector_load %arg7[%parallel_loop3A_1059, %parallel_loop3A_1060] {strides = array<i32>} : memref<40x768xf32, #tpu.memory_space<vmem>>, vector<1x16xf32>,
        %parallel_loop3A_1062 = vector.shape_cast %parallel_loop3A_1061 : vector<1x16xf32> to vector<16xf32>
        %parallel_loop3A_1063 = arith.constant 0 : i32
        %parallel_loop3A_1064 = arith.index_cast %parallel_loop3A_1063 : i32 to index
        %parallel_loop3A_1065 = arith.index_cast %parallel_loop3A_585 : i32 to index
        %parallel_loop3A_1066 = arith.constant 688 : index
        %parallel_loop3A_1067 = tpu.vector_load %arg8[%parallel_loop3A_1064, %parallel_loop3A_1065, %parallel_loop3A_1066] {strides = array<i32>} : memref<3x40x768xf32, #tpu.memory_space<vmem>>, vector<1x1x16xf32>,
        %parallel_loop3A_1068 = vector.shape_cast %parallel_loop3A_1067 : vector<1x1x16xf32> to vector<16xf32>
        %parallel_loop3A_1069 = vector.shape_cast %parallel_loop3A_1062 : vector<16xf32> to vector<1x1x16xf32>
        tpu.vector_store %arg8[%parallel_loop3A_1064, %parallel_loop3A_1065, %parallel_loop3A_1066], %parallel_loop3A_1069 {add = true, strides = array<i32>} : memref<3x40x768xf32, #tpu.memory_space<vmem>>, vector<1x1x16xf32>,
        %parallel_loop3A_1070 = arith.index_cast %parallel_loop3A_585 : i32 to index
        %parallel_loop3A_1071 = arith.constant 704 : index
        %parallel_loop3A_1072 = tpu.vector_load %arg7[%parallel_loop3A_1070, %parallel_loop3A_1071] {strides = array<i32>} : memref<40x768xf32, #tpu.memory_space<vmem>>, vector<1x16xf32>,
        %parallel_loop3A_1073 = vector.shape_cast %parallel_loop3A_1072 : vector<1x16xf32> to vector<16xf32>
        %parallel_loop3A_1074 = arith.constant 0 : i32
        %parallel_loop3A_1075 = arith.index_cast %parallel_loop3A_1074 : i32 to index
        %parallel_loop3A_1076 = arith.index_cast %parallel_loop3A_585 : i32 to index
        %parallel_loop3A_1077 = arith.constant 704 : index
        %parallel_loop3A_1078 = tpu.vector_load %arg8[%parallel_loop3A_1075, %parallel_loop3A_1076, %parallel_loop3A_1077] {strides = array<i32>} : memref<3x40x768xf32, #tpu.memory_space<vmem>>, vector<1x1x16xf32>,
        %parallel_loop3A_1079 = vector.shape_cast %parallel_loop3A_1078 : vector<1x1x16xf32> to vector<16xf32>
        %parallel_loop3A_1080 = vector.shape_cast %parallel_loop3A_1073 : vector<16xf32> to vector<1x1x16xf32>
        tpu.vector_store %arg8[%parallel_loop3A_1075, %parallel_loop3A_1076, %parallel_loop3A_1077], %parallel_loop3A_1080 {add = true, strides = array<i32>} : memref<3x40x768xf32, #tpu.memory_space<vmem>>, vector<1x1x16xf32>,
        %parallel_loop3A_1081 = arith.index_cast %parallel_loop3A_585 : i32 to index
        %parallel_loop3A_1082 = arith.constant 720 : index
        %parallel_loop3A_1083 = tpu.vector_load %arg7[%parallel_loop3A_1081, %parallel_loop3A_1082] {strides = array<i32>} : memref<40x768xf32, #tpu.memory_space<vmem>>, vector<1x16xf32>,
        %parallel_loop3A_1084 = vector.shape_cast %parallel_loop3A_1083 : vector<1x16xf32> to vector<16xf32>
        %parallel_loop3A_1085 = arith.constant 0 : i32
        %parallel_loop3A_1086 = arith.index_cast %parallel_loop3A_1085 : i32 to index
        %parallel_loop3A_1087 = arith.index_cast %parallel_loop3A_585 : i32 to index
        %parallel_loop3A_1088 = arith.constant 720 : index
        %parallel_loop3A_1089 = tpu.vector_load %arg8[%parallel_loop3A_1086, %parallel_loop3A_1087, %parallel_loop3A_1088] {strides = array<i32>} : memref<3x40x768xf32, #tpu.memory_space<vmem>>, vector<1x1x16xf32>,
        %parallel_loop3A_1090 = vector.shape_cast %parallel_loop3A_1089 : vector<1x1x16xf32> to vector<16xf32>
        %parallel_loop3A_1091 = vector.shape_cast %parallel_loop3A_1084 : vector<16xf32> to vector<1x1x16xf32>
        tpu.vector_store %arg8[%parallel_loop3A_1086, %parallel_loop3A_1087, %parallel_loop3A_1088], %parallel_loop3A_1091 {add = true, strides = array<i32>} : memref<3x40x768xf32, #tpu.memory_space<vmem>>, vector<1x1x16xf32>,
        %parallel_loop3A_1092 = arith.index_cast %parallel_loop3A_585 : i32 to index
        %parallel_loop3A_1093 = arith.constant 736 : index
        %parallel_loop3A_1094 = tpu.vector_load %arg7[%parallel_loop3A_1092, %parallel_loop3A_1093] {strides = array<i32>} : memref<40x768xf32, #tpu.memory_space<vmem>>, vector<1x16xf32>,
        %parallel_loop3A_1095 = vector.shape_cast %parallel_loop3A_1094 : vector<1x16xf32> to vector<16xf32>
        %parallel_loop3A_1096 = arith.constant 0 : i32
        %parallel_loop3A_1097 = arith.index_cast %parallel_loop3A_1096 : i32 to index
        %parallel_loop3A_1098 = arith.index_cast %parallel_loop3A_585 : i32 to index
        %parallel_loop3A_1099 = arith.constant 736 : index
        %parallel_loop3A_1100 = tpu.vector_load %arg8[%parallel_loop3A_1097, %parallel_loop3A_1098, %parallel_loop3A_1099] {strides = array<i32>} : memref<3x40x768xf32, #tpu.memory_space<vmem>>, vector<1x1x16xf32>,
        %parallel_loop3A_1101 = vector.shape_cast %parallel_loop3A_1100 : vector<1x1x16xf32> to vector<16xf32>
        %parallel_loop3A_1102 = vector.shape_cast %parallel_loop3A_1095 : vector<16xf32> to vector<1x1x16xf32>
        tpu.vector_store %arg8[%parallel_loop3A_1097, %parallel_loop3A_1098, %parallel_loop3A_1099], %parallel_loop3A_1102 {add = true, strides = array<i32>} : memref<3x40x768xf32, #tpu.memory_space<vmem>>, vector<1x1x16xf32>,
        %parallel_loop3A_1103 = arith.index_cast %parallel_loop3A_585 : i32 to index
        %parallel_loop3A_1104 = arith.constant 752 : index
        %parallel_loop3A_1105 = tpu.vector_load %arg7[%parallel_loop3A_1103, %parallel_loop3A_1104] {strides = array<i32>} : memref<40x768xf32, #tpu.memory_space<vmem>>, vector<1x16xf32>,
        %parallel_loop3A_1106 = vector.shape_cast %parallel_loop3A_1105 : vector<1x16xf32> to vector<16xf32>
        %parallel_loop3A_1107 = arith.constant 0 : i32
        %parallel_loop3A_1108 = arith.index_cast %parallel_loop3A_1107 : i32 to index
        %parallel_loop3A_1109 = arith.index_cast %parallel_loop3A_585 : i32 to index
        %parallel_loop3A_1110 = arith.constant 752 : index
        %parallel_loop3A_1111 = tpu.vector_load %arg8[%parallel_loop3A_1108, %parallel_loop3A_1109, %parallel_loop3A_1110] {strides = array<i32>} : memref<3x40x768xf32, #tpu.memory_space<vmem>>, vector<1x1x16xf32>,
        %parallel_loop3A_1112 = vector.shape_cast %parallel_loop3A_1111 : vector<1x1x16xf32> to vector<16xf32>
        %parallel_loop3A_1113 = vector.shape_cast %parallel_loop3A_1106 : vector<16xf32> to vector<1x1x16xf32>
        tpu.vector_store %arg8[%parallel_loop3A_1108, %parallel_loop3A_1109, %parallel_loop3A_1110], %parallel_loop3A_1113 {add = true, strides = array<i32>} : memref<3x40x768xf32, #tpu.memory_space<vmem>>, vector<1x1x16xf32>,
      } {sc.loop_unroll_factor = 1 : i64, sc.parallel_access}
      %jit3A_221 = arith.constant 32 : i32
      %div3A_222 = arith.divsi %add3A_140, %jit3A_221 : i32
      %sign3A_223 = arith.constant 0 : i32
      %sign3A_224 = arith.cmpi sgt, %add3A_140, %sign3A_223 : i32
      %sign3A_225 = arith.extui %sign3A_224 : i1 to i32
      %sign3A_226 = arith.constant 0 : i32
      %sign3A_227 = arith.cmpi slt, %add3A_140, %sign3A_226 : i32
      %sign3A_228 = arith.extui %sign3A_227 : i1 to i32
      %sign3A_229 = arith.subi %sign3A_225, %sign3A_228 : i32
      %sign3A_230 = arith.constant 0 : i32
      %sign3A_231 = arith.cmpi sgt, %jit3A_221, %sign3A_230 : i32
      %sign3A_232 = arith.extui %sign3A_231 : i1 to i32
      %sign3A_233 = arith.constant 0 : i32
      %sign3A_234 = arith.cmpi slt, %jit3A_221, %sign3A_233 : i32
      %sign3A_235 = arith.extui %sign3A_234 : i1 to i32
      %sign3A_236 = arith.subi %sign3A_232, %sign3A_235 : i32
      %ne3A_237 = arith.cmpi ne, %sign3A_229, %sign3A_236 : i32
      %rem3A_238 = arith.remsi %add3A_140, %jit3A_221 : i32
      %ne3A_239 = arith.constant 0 : i32
      %ne3A_240 = arith.cmpi ne, %rem3A_238, %ne3A_239 : i32
      %and3A_241 = arith.andi %ne3A_237, %ne3A_240 : i1
      %sub3A_242 = arith.constant 1 : i32
      %sub3A_243 = arith.subi %div3A_222, %sub3A_242 : i32
      %select_n3A_244 = arith.select %and3A_241, %sub3A_243, %div3A_222 : i32
      %mul3A_245 = arith.constant 32 : i32
      %mul3A_246 = arith.muli %select_n3A_244, %mul3A_245 : i32
      %sub3A_247 = arith.subi %add3A_140, %mul3A_246 : i32
      %mul3A_248 = arith.constant 200 : i32
      %mul3A_249 = arith.muli %sub3A_247, %mul3A_248 : i32
      %mul3A_250 = arith.constant 40 : i32
      %mul3A_251 = arith.muli %select_n3A_244, %mul3A_250 : i32
      %add3A_252 = arith.addi %mul3A_249, %mul3A_251 : i32
      %add3A_253 = arith.addi %mul3A_2, %add3A_252 : i32
      %dma_start3A_254 = arith.constant 0 : i32
      %dma_start3A_255 = arith.constant 0 : i32
      %dma_start3A_256 = arith.constant 0 : i32
      %dma_start3A_257 = arith.constant 0 : i32
      %dma_start3A_258 = tpu.memref_slice %arg8[%dma_start3A_254, %dma_start3A_256, %dma_start3A_257] : memref<3x40x768xf32, #tpu.memory_space<vmem>> -> memref<1x40x768xf32, #tpu.memory_space<vmem>>
      %dma_start3A_259 = tpu.memref_squeeze %dma_start3A_258 : memref<1x40x768xf32, #tpu.memory_space<vmem>> -> memref<40x768xf32, #tpu.memory_space<vmem>>
      %dma_start3A_260 = arith.constant 0 : i32
      %dma_start3A_261 = tpu.memref_slice %arg5[%add3A_253, %dma_start3A_260] : memref<204800x768xf32, #tpu.memory_space<hbm>> -> memref<40x768xf32, #tpu.memory_space<hbm>>
      %dma_start3A_262 = tpu.memref_slice %arg10[%dma_start3A_255] : memref<3x!tpu.dma_semaphore, #tpu.memory_space<semaphore_mem>> -> memref<1x!tpu.dma_semaphore, #tpu.memory_space<semaphore_mem>>
      %dma_start3A_263 = tpu.memref_squeeze %dma_start3A_262 : memref<1x!tpu.dma_semaphore, #tpu.memory_space<semaphore_mem>> -> memref<!tpu.dma_semaphore, #tpu.memory_space<semaphore_mem>>
      %dma_start3A_264 = arith.constant 0 : i32
      %dma_start3A_265 = tpu.memref_slice %arg5[%add3A_253, %dma_start3A_264] : memref<204800x768xf32, #tpu.memory_space<hbm>> -> memref<40x768xf32, #tpu.memory_space<hbm>>
      %dma_start3A_266 = arith.constant 0 : i32
      %dma_start3A_267 = arith.constant 0 : i32
      %dma_start3A_268 = tpu.memref_slice %arg8[%dma_start3A_254, %dma_start3A_266, %dma_start3A_267] : memref<3x40x768xf32, #tpu.memory_space<vmem>> -> memref<1x40x768xf32, #tpu.memory_space<vmem>>
      %dma_start3A_269 = tpu.memref_squeeze %dma_start3A_268 : memref<1x40x768xf32, #tpu.memory_space<vmem>> -> memref<40x768xf32, #tpu.memory_space<vmem>>
      tpu.enqueue_dma source(%dma_start3A_269 : memref<40x768xf32, #tpu.memory_space<vmem>>) target(%dma_start3A_265 : memref<40x768xf32, #tpu.memory_space<hbm>>) target_semaphore(%dma_start3A_263 : memref<!tpu.dma_semaphore, #tpu.memory_space<semaphore_mem>>)
      %add3A_270 = arith.constant 3 : i32
      %add3A_271 = arith.addi %add3A_140, %add3A_270 : i32
      %sub3A_272 = arith.constant 1 : i32
      %sub3A_273 = arith.subi %add3A_271, %sub3A_272 : i32
      %ge3A = arith.constant 1 : i32
      %ge3A_274 = arith.cmpi sge, %add3A_140, %ge3A : i32
      %lt3A_275 = arith.constant 160 : i32
      %lt3A_276 = arith.cmpi slt, %sub3A_273, %lt3A_275 : i32
      %and3A_277 = arith.andi %ge3A_274, %lt3A_276 : i1
      %convert_element_type3A_278 = arith.extui %and3A_277 : i1 to i32
      %cond3A_279 = arith.constant 0 : i32
      %cond3A_280 = arith.cmpi ne, %convert_element_type3A_278, %cond3A_279 : i32
      scf.if %cond3A_280 {
        %sub3A_585 = arith.constant 1 : i32
        %sub3A_586 = arith.subi %add3A_140, %sub3A_585 : i32
        %jit3A_587 = arith.constant 32 : i32
        %div3A_588 = arith.divsi %sub3A_586, %jit3A_587 : i32
        %sign3A_589 = arith.constant 0 : i32
        %sign3A_590 = arith.cmpi sgt, %sub3A_586, %sign3A_589 : i32
        %sign3A_591 = arith.extui %sign3A_590 : i1 to i32
        %sign3A_592 = arith.constant 0 : i32
        %sign3A_593 = arith.cmpi slt, %sub3A_586, %sign3A_592 : i32
        %sign3A_594 = arith.extui %sign3A_593 : i1 to i32
        %sign3A_595 = arith.subi %sign3A_591, %sign3A_594 : i32
        %sign3A_596 = arith.constant 0 : i32
        %sign3A_597 = arith.cmpi sgt, %jit3A_587, %sign3A_596 : i32
        %sign3A_598 = arith.extui %sign3A_597 : i1 to i32
        %sign3A_599 = arith.constant 0 : i32
        %sign3A_600 = arith.cmpi slt, %jit3A_587, %sign3A_599 : i32
        %sign3A_601 = arith.extui %sign3A_600 : i1 to i32
        %sign3A_602 = arith.subi %sign3A_598, %sign3A_601 : i32
        %ne3A_603 = arith.cmpi ne, %sign3A_595, %sign3A_602 : i32
        %rem3A_604 = arith.remsi %sub3A_586, %jit3A_587 : i32
        %ne3A_605 = arith.constant 0 : i32
        %ne3A_606 = arith.cmpi ne, %rem3A_604, %ne3A_605 : i32
        %and3A_607 = arith.andi %ne3A_603, %ne3A_606 : i1
        %sub3A_608 = arith.constant 1 : i32
        %sub3A_609 = arith.subi %div3A_588, %sub3A_608 : i32
        %select_n3A_610 = arith.select %and3A_607, %sub3A_609, %div3A_588 : i32
        %mul3A_611 = arith.constant 32 : i32
        %mul3A_612 = arith.muli %select_n3A_610, %mul3A_611 : i32
        %sub3A_613 = arith.subi %sub3A_586, %mul3A_612 : i32
        %mul3A_614 = arith.constant 200 : i32
        %mul3A_615 = arith.muli %sub3A_613, %mul3A_614 : i32
        %mul3A_616 = arith.constant 40 : i32
        %mul3A_617 = arith.muli %select_n3A_610, %mul3A_616 : i32
        %add3A_618 = arith.addi %mul3A_615, %mul3A_617 : i32
        %add3A_619 = arith.addi %mul3A_2, %add3A_618 : i32
        %dma_wait3A_620 = arith.constant 2 : i32
        %dma_wait3A_621 = arith.constant 2 : i32
        %dma_wait3A_622 = arith.constant 0 : i32
        %dma_wait3A_623 = arith.constant 0 : i32
        %dma_wait3A_624 = tpu.memref_slice %arg8[%dma_wait3A_620, %dma_wait3A_622, %dma_wait3A_623] : memref<3x40x768xf32, #tpu.memory_space<vmem>> -> memref<1x40x768xf32, #tpu.memory_space<vmem>>
        %dma_wait3A_625 = tpu.memref_squeeze %dma_wait3A_624 : memref<1x40x768xf32, #tpu.memory_space<vmem>> -> memref<40x768xf32, #tpu.memory_space<vmem>>
        %dma_wait3A_626 = arith.constant 0 : i32
        %dma_wait3A_627 = tpu.memref_slice %arg5[%add3A_619, %dma_wait3A_626] : memref<204800x768xf32, #tpu.memory_space<hbm>> -> memref<40x768xf32, #tpu.memory_space<hbm>>
        %dma_wait3A_628 = tpu.memref_slice %arg10[%dma_wait3A_621] : memref<3x!tpu.dma_semaphore, #tpu.memory_space<semaphore_mem>> -> memref<1x!tpu.dma_semaphore, #tpu.memory_space<semaphore_mem>>
        %dma_wait3A_629 = tpu.memref_squeeze %dma_wait3A_628 : memref<1x!tpu.dma_semaphore, #tpu.memory_space<semaphore_mem>> -> memref<!tpu.dma_semaphore, #tpu.memory_space<semaphore_mem>>
        %dma_wait3A_630 = arith.constant 0 : i32
        %dma_wait3A_631 = tpu.memref_slice %arg5[%add3A_619, %dma_wait3A_630] : memref<204800x768xf32, #tpu.memory_space<hbm>> -> memref<40x768xf32, #tpu.memory_space<hbm>>
        %dma_wait3A_632 = arith.constant 0 : i32
        %dma_wait3A_633 = arith.constant 0 : i32
        %dma_wait3A_634 = tpu.memref_slice %arg8[%dma_wait3A_620, %dma_wait3A_632, %dma_wait3A_633] : memref<3x40x768xf32, #tpu.memory_space<vmem>> -> memref<1x40x768xf32, #tpu.memory_space<vmem>>
        %dma_wait3A_635 = tpu.memref_squeeze %dma_wait3A_634 : memref<1x40x768xf32, #tpu.memory_space<vmem>> -> memref<40x768xf32, #tpu.memory_space<vmem>>
        tpu.wait_dma2 semaphore(%dma_wait3A_629 : memref<!tpu.dma_semaphore, #tpu.memory_space<semaphore_mem>>) src(%dma_wait3A_635 : memref<40x768xf32, #tpu.memory_space<vmem>>) dst(%dma_wait3A_631 : memref<40x768xf32, #tpu.memory_space<hbm>>)
        %jit3A_636 = arith.constant 32 : i32
        %div3A_637 = arith.divsi %sub3A_273, %jit3A_636 : i32
        %sign3A_638 = arith.constant 0 : i32
        %sign3A_639 = arith.cmpi sgt, %sub3A_273, %sign3A_638 : i32
        %sign3A_640 = arith.extui %sign3A_639 : i1 to i32
        %sign3A_641 = arith.constant 0 : i32
        %sign3A_642 = arith.cmpi slt, %sub3A_273, %sign3A_641 : i32
        %sign3A_643 = arith.extui %sign3A_642 : i1 to i32
        %sign3A_644 = arith.subi %sign3A_640, %sign3A_643 : i32
        %sign3A_645 = arith.constant 0 : i32
        %sign3A_646 = arith.cmpi sgt, %jit3A_636, %sign3A_645 : i32
        %sign3A_647 = arith.extui %sign3A_646 : i1 to i32
        %sign3A_648 = arith.constant 0 : i32
        %sign3A_649 = arith.cmpi slt, %jit3A_636, %sign3A_648 : i32
        %sign3A_650 = arith.extui %sign3A_649 : i1 to i32
        %sign3A_651 = arith.subi %sign3A_647, %sign3A_650 : i32
        %ne3A_652 = arith.cmpi ne, %sign3A_644, %sign3A_651 : i32
        %rem3A_653 = arith.remsi %sub3A_273, %jit3A_636 : i32
        %ne3A_654 = arith.constant 0 : i32
        %ne3A_655 = arith.cmpi ne, %rem3A_653, %ne3A_654 : i32
        %and3A_656 = arith.andi %ne3A_652, %ne3A_655 : i1
        %sub3A_657 = arith.constant 1 : i32
        %sub3A_658 = arith.subi %div3A_637, %sub3A_657 : i32
        %select_n3A_659 = arith.select %and3A_656, %sub3A_658, %div3A_637 : i32
        %mul3A_660 = arith.constant 32 : i32
        %mul3A_661 = arith.muli %select_n3A_659, %mul3A_660 : i32
        %sub3A_662 = arith.subi %sub3A_273, %mul3A_661 : i32
        %mul3A_663 = arith.constant 200 : i32
        %mul3A_664 = arith.muli %sub3A_662, %mul3A_663 : i32
        %mul3A_665 = arith.constant 40 : i32
        %mul3A_666 = arith.muli %select_n3A_659, %mul3A_665 : i32
        %add3A_667 = arith.addi %mul3A_664, %mul3A_666 : i32
        %dma_start3A_668 = arith.constant 2 : i32
        %dma_start3A_669 = arith.constant 2 : i32
        %dma_start3A_670 = arith.constant 0 : i32
        %dma_start3A_671 = arith.constant 0 : i32
        %dma_start3A_672 = tpu.memref_slice %arg8[%dma_start3A_668, %dma_start3A_670, %dma_start3A_671] : memref<3x40x768xf32, #tpu.memory_space<vmem>> -> memref<1x40x768xf32, #tpu.memory_space<vmem>>
        %dma_start3A_673 = tpu.memref_squeeze %dma_start3A_672 : memref<1x40x768xf32, #tpu.memory_space<vmem>> -> memref<40x768xf32, #tpu.memory_space<vmem>>
        %dma_start3A_674 = tpu.memref_slice %arg6[%add3A_667] : memref<6400xi32, #tpu.memory_space<vmem>> -> memref<40xi32, #tpu.memory_space<vmem>>
        %dma_start3A_675 = arith.constant 0 : i32
        %dma_start3A_676 = arith.constant 0 : i32
        %dma_start3A_677 = tpu.memref_slice %arg3[%dma_start3A_675, %dma_start3A_676] : memref<100000x768xf32, #tpu.memory_space<hbm>> -> memref<100000x768xf32, #tpu.memory_space<hbm>>
        %dma_start3A_678 = tpu.memref_slice %arg9[%dma_start3A_669] : memref<3x!tpu.dma_semaphore, #tpu.memory_space<semaphore_mem>> -> memref<1x!tpu.dma_semaphore, #tpu.memory_space<semaphore_mem>>
        %dma_start3A_679 = tpu.memref_squeeze %dma_start3A_678 : memref<1x!tpu.dma_semaphore, #tpu.memory_space<semaphore_mem>> -> memref<!tpu.dma_semaphore, #tpu.memory_space<semaphore_mem>>
        tpu.enqueue_indirect_dma source(%dma_start3A_677 : memref<100000x768xf32, #tpu.memory_space<hbm>>) target(%dma_start3A_673 : memref<40x768xf32, #tpu.memory_space<vmem>>) offsets(%dma_start3A_674 : memref<40xi32, #tpu.memory_space<vmem>>) semaphore(%dma_start3A_679 : memref<!tpu.dma_semaphore, #tpu.memory_space<semaphore_mem>>)
      } else {
      }
      %add3A_281 = arith.constant 1 : i32
      %add3A_282 = arith.addi %add3A_138, %add3A_281 : i32
      %jit3A_283 = arith.constant 32 : i32
      %eq3A_284 = arith.constant 0 : i32
      %eq3A_285 = arith.cmpi eq, %jit3A_283, %eq3A_284 : i32
      %jit3A_286 = arith.constant 1 : i32
      %select_n3A_287 = arith.select %eq3A_285, %jit3A_286, %jit3A_283 : i32
      %rem3A_288 = arith.remsi %add3A_282, %select_n3A_287 : i32
      %ne3A_289 = arith.constant 0 : i32
      %ne3A_290 = arith.cmpi ne, %rem3A_288, %ne3A_289 : i32
      %lt3A_291 = arith.constant 0 : i32
      %lt3A_292 = arith.cmpi slt, %rem3A_288, %lt3A_291 : i32
      %lt3A_293 = arith.constant 0 : i32
      %lt3A_294 = arith.cmpi slt, %select_n3A_287, %lt3A_293 : i32
      %ne3A_295 = arith.xori %lt3A_292, %lt3A_294 : i1
      %and3A_296 = arith.andi %ne3A_295, %ne3A_290 : i1
      %add3A_297 = arith.addi %rem3A_288, %select_n3A_287 : i32
      %select_n3A_298 = arith.select %and3A_296, %add3A_297, %rem3A_288 : i32
      %eq3A_299 = arith.constant 0 : i32
      %eq3A_300 = arith.cmpi eq, %select_n3A_298, %eq3A_299 : i32
      %convert_element_type3A_301 = arith.extui %eq3A_300 : i1 to i32
      %cond3A_302 = arith.constant 0 : i32
      %cond3A_303 = arith.cmpi ne, %convert_element_type3A_301, %cond3A_302 : i32
      scf.if %cond3A_303 {
        %jit3A_585 = arith.constant 32 : i32
        %div3A_586 = arith.divsi %add3A_282, %jit3A_585 : i32
        %sign3A_587 = arith.constant 0 : i32
        %sign3A_588 = arith.cmpi sgt, %add3A_282, %sign3A_587 : i32
        %sign3A_589 = arith.extui %sign3A_588 : i1 to i32
        %sign3A_590 = arith.constant 0 : i32
        %sign3A_591 = arith.cmpi slt, %add3A_282, %sign3A_590 : i32
        %sign3A_592 = arith.extui %sign3A_591 : i1 to i32
        %sign3A_593 = arith.subi %sign3A_589, %sign3A_592 : i32
        %sign3A_594 = arith.constant 0 : i32
        %sign3A_595 = arith.cmpi sgt, %jit3A_585, %sign3A_594 : i32
        %sign3A_596 = arith.extui %sign3A_595 : i1 to i32
        %sign3A_597 = arith.constant 0 : i32
        %sign3A_598 = arith.cmpi slt, %jit3A_585, %sign3A_597 : i32
        %sign3A_599 = arith.extui %sign3A_598 : i1 to i32
        %sign3A_600 = arith.subi %sign3A_596, %sign3A_599 : i32
        %ne3A_601 = arith.cmpi ne, %sign3A_593, %sign3A_600 : i32
        %rem3A_602 = arith.remsi %add3A_282, %jit3A_585 : i32
        %ne3A_603 = arith.constant 0 : i32
        %ne3A_604 = arith.cmpi ne, %rem3A_602, %ne3A_603 : i32
        %and3A_605 = arith.andi %ne3A_601, %ne3A_604 : i1
        %sub3A_606 = arith.constant 1 : i32
        %sub3A_607 = arith.subi %div3A_586, %sub3A_606 : i32
        %select_n3A_608 = arith.select %and3A_605, %sub3A_607, %div3A_586 : i32
        %mul3A_609 = arith.constant 40 : i32
        %mul3A_610 = arith.muli %select_n3A_608, %mul3A_609 : i32
        %dma_start3A_611 = arith.constant 0 : i32
        %dma_start3A_612 = tpu.memref_slice %arg4[%mul3A_610, %dma_start3A_611] : memref<200x768xf32, #tpu.memory_space<hbm>> -> memref<40x768xf32, #tpu.memory_space<hbm>>
        %dma_start3A_613 = arith.constant 0 : i32
        %dma_start3A_614 = tpu.memref_slice %arg4[%mul3A_610, %dma_start3A_613] : memref<200x768xf32, #tpu.memory_space<hbm>> -> memref<40x768xf32, #tpu.memory_space<hbm>>
        tpu.enqueue_dma source(%dma_start3A_614 : memref<40x768xf32, #tpu.memory_space<hbm>>) target(%arg7 : memref<40x768xf32, #tpu.memory_space<vmem>>) target_semaphore(%arg11 : memref<!tpu.dma_semaphore, #tpu.memory_space<semaphore_mem>>)
      } else {
      }
      %jit3A_304 = arith.constant 32 : i32
      %div3A_305 = arith.divsi %add3A_282, %jit3A_304 : i32
      %sign3A_306 = arith.constant 0 : i32
      %sign3A_307 = arith.cmpi sgt, %add3A_282, %sign3A_306 : i32
      %sign3A_308 = arith.extui %sign3A_307 : i1 to i32
      %sign3A_309 = arith.constant 0 : i32
      %sign3A_310 = arith.cmpi slt, %add3A_282, %sign3A_309 : i32
      %sign3A_311 = arith.extui %sign3A_310 : i1 to i32
      %sign3A_312 = arith.subi %sign3A_308, %sign3A_311 : i32
      %sign3A_313 = arith.constant 0 : i32
      %sign3A_314 = arith.cmpi sgt, %jit3A_304, %sign3A_313 : i32
      %sign3A_315 = arith.extui %sign3A_314 : i1 to i32
      %sign3A_316 = arith.constant 0 : i32
      %sign3A_317 = arith.cmpi slt, %jit3A_304, %sign3A_316 : i32
      %sign3A_318 = arith.extui %sign3A_317 : i1 to i32
      %sign3A_319 = arith.subi %sign3A_315, %sign3A_318 : i32
      %ne3A_320 = arith.cmpi ne, %sign3A_312, %sign3A_319 : i32
      %rem3A_321 = arith.remsi %add3A_282, %jit3A_304 : i32
      %ne3A_322 = arith.constant 0 : i32
      %ne3A_323 = arith.cmpi ne, %rem3A_321, %ne3A_322 : i32
      %and3A_324 = arith.andi %ne3A_320, %ne3A_323 : i1
      %sub3A_325 = arith.constant 1 : i32
      %sub3A_326 = arith.subi %div3A_305, %sub3A_325 : i32
      %select_n3A_327 = arith.select %and3A_324, %sub3A_326, %div3A_305 : i32
      %mul3A_328 = arith.constant 32 : i32
      %mul3A_329 = arith.muli %select_n3A_327, %mul3A_328 : i32
      %sub3A_330 = arith.subi %add3A_282, %mul3A_329 : i32
      %mul3A_331 = arith.constant 200 : i32
      %mul3A_332 = arith.muli %sub3A_330, %mul3A_331 : i32
      %mul3A_333 = arith.constant 40 : i32
      %mul3A_334 = arith.muli %select_n3A_327, %mul3A_333 : i32
      %add3A_335 = arith.addi %mul3A_332, %mul3A_334 : i32
      %dma_wait3A_336 = arith.constant 1 : i32
      %dma_wait3A_337 = arith.constant 1 : i32
      %dma_wait3A_338 = arith.constant 0 : i32
      %dma_wait3A_339 = arith.constant 0 : i32
      %dma_wait3A_340 = tpu.memref_slice %arg8[%dma_wait3A_336, %dma_wait3A_338, %dma_wait3A_339] : memref<3x40x768xf32, #tpu.memory_space<vmem>> -> memref<1x40x768xf32, #tpu.memory_space<vmem>>
      %dma_wait3A_341 = tpu.memref_squeeze %dma_wait3A_340 : memref<1x40x768xf32, #tpu.memory_space<vmem>> -> memref<40x768xf32, #tpu.memory_space<vmem>>
      %dma_wait3A_342 = tpu.memref_slice %arg6[%add3A_335] : memref<6400xi32, #tpu.memory_space<vmem>> -> memref<40xi32, #tpu.memory_space<vmem>>
      %dma_wait3A_343 = arith.constant 0 : i32
      %dma_wait3A_344 = arith.constant 0 : i32
      %dma_wait3A_345 = tpu.memref_slice %arg3[%dma_wait3A_343, %dma_wait3A_344] : memref<100000x768xf32, #tpu.memory_space<hbm>> -> memref<100000x768xf32, #tpu.memory_space<hbm>>
      %dma_wait3A_346 = tpu.memref_slice %arg9[%dma_wait3A_337] : memref<3x!tpu.dma_semaphore, #tpu.memory_space<semaphore_mem>> -> memref<1x!tpu.dma_semaphore, #tpu.memory_space<semaphore_mem>>
      %dma_wait3A_347 = tpu.memref_squeeze %dma_wait3A_346 : memref<1x!tpu.dma_semaphore, #tpu.memory_space<semaphore_mem>> -> memref<!tpu.dma_semaphore, #tpu.memory_space<semaphore_mem>>
      tpu.wait_indirect_dma semaphore(%dma_wait3A_347 : memref<!tpu.dma_semaphore, #tpu.memory_space<semaphore_mem>>) src(%dma_wait3A_345 : memref<100000x768xf32, #tpu.memory_space<hbm>>) dst(%dma_wait3A_341 : memref<40x768xf32, #tpu.memory_space<vmem>>)
      %jit3A_348 = arith.constant 32 : i32
      %eq3A_349 = arith.constant 0 : i32
      %eq3A_350 = arith.cmpi eq, %jit3A_348, %eq3A_349 : i32
      %jit3A_351 = arith.constant 1 : i32
      %select_n3A_352 = arith.select %eq3A_350, %jit3A_351, %jit3A_348 : i32
      %rem3A_353 = arith.remsi %add3A_282, %select_n3A_352 : i32
      %ne3A_354 = arith.constant 0 : i32
      %ne3A_355 = arith.cmpi ne, %rem3A_353, %ne3A_354 : i32
      %lt3A_356 = arith.constant 0 : i32
      %lt3A_357 = arith.cmpi slt, %rem3A_353, %lt3A_356 : i32
      %lt3A_358 = arith.constant 0 : i32
      %lt3A_359 = arith.cmpi slt, %select_n3A_352, %lt3A_358 : i32
      %ne3A_360 = arith.xori %lt3A_357, %lt3A_359 : i1
      %and3A_361 = arith.andi %ne3A_360, %ne3A_355 : i1
      %add3A_362 = arith.addi %rem3A_353, %select_n3A_352 : i32
      %select_n3A_363 = arith.select %and3A_361, %add3A_362, %rem3A_353 : i32
      %eq3A_364 = arith.constant 0 : i32
      %eq3A_365 = arith.cmpi eq, %select_n3A_363, %eq3A_364 : i32
      %convert_element_type3A_366 = arith.extui %eq3A_365 : i1 to i32
      %cond3A_367 = arith.constant 0 : i32
      %cond3A_368 = arith.cmpi ne, %convert_element_type3A_366, %cond3A_367 : i32
      scf.if %cond3A_368 {
        %jit3A_585 = arith.constant 32 : i32
        %div3A_586 = arith.divsi %add3A_282, %jit3A_585 : i32
        %sign3A_587 = arith.constant 0 : i32
        %sign3A_588 = arith.cmpi sgt, %add3A_282, %sign3A_587 : i32
        %sign3A_589 = arith.extui %sign3A_588 : i1 to i32
        %sign3A_590 = arith.constant 0 : i32
        %sign3A_591 = arith.cmpi slt, %add3A_282, %sign3A_590 : i32
        %sign3A_592 = arith.extui %sign3A_591 : i1 to i32
        %sign3A_593 = arith.subi %sign3A_589, %sign3A_592 : i32
        %sign3A_594 = arith.constant 0 : i32
        %sign3A_595 = arith.cmpi sgt, %jit3A_585, %sign3A_594 : i32
        %sign3A_596 = arith.extui %sign3A_595 : i1 to i32
        %sign3A_597 = arith.constant 0 : i32
        %sign3A_598 = arith.cmpi slt, %jit3A_585, %sign3A_597 : i32
        %sign3A_599 = arith.extui %sign3A_598 : i1 to i32
        %sign3A_600 = arith.subi %sign3A_596, %sign3A_599 : i32
        %ne3A_601 = arith.cmpi ne, %sign3A_593, %sign3A_600 : i32
        %rem3A_602 = arith.remsi %add3A_282, %jit3A_585 : i32
        %ne3A_603 = arith.constant 0 : i32
        %ne3A_604 = arith.cmpi ne, %rem3A_602, %ne3A_603 : i32
        %and3A_605 = arith.andi %ne3A_601, %ne3A_604 : i1
        %sub3A_606 = arith.constant 1 : i32
        %sub3A_607 = arith.subi %div3A_586, %sub3A_606 : i32
        %select_n3A_608 = arith.select %and3A_605, %sub3A_607, %div3A_586 : i32
        %mul3A_609 = arith.constant 40 : i32
        %mul3A_610 = arith.muli %select_n3A_608, %mul3A_609 : i32
        %dma_wait3A_611 = arith.constant 0 : i32
        %dma_wait3A_612 = tpu.memref_slice %arg4[%mul3A_610, %dma_wait3A_611] : memref<200x768xf32, #tpu.memory_space<hbm>> -> memref<40x768xf32, #tpu.memory_space<hbm>>
        %dma_wait3A_613 = arith.constant 0 : i32
        %dma_wait3A_614 = tpu.memref_slice %arg4[%mul3A_610, %dma_wait3A_613] : memref<200x768xf32, #tpu.memory_space<hbm>> -> memref<40x768xf32, #tpu.memory_space<hbm>>
        tpu.wait_dma2 semaphore(%arg11 : memref<!tpu.dma_semaphore, #tpu.memory_space<semaphore_mem>>) src(%dma_wait3A_614 : memref<40x768xf32, #tpu.memory_space<hbm>>) dst(%arg7 : memref<40x768xf32, #tpu.memory_space<vmem>>)
      } else {
      }
      %parallel_loop3A_369 = arith.constant 0 : i32
      %parallel_loop3A_370 = arith.constant 40 : i32
      %parallel_loop3A_371 = arith.constant 1 : i32
      scf.for %parallel_loop3A_585 = %parallel_loop3A_369 to %parallel_loop3A_370 step %parallel_loop3A_371  : i32 {
        %parallel_loop3A_586 = arith.index_cast %parallel_loop3A_585 : i32 to index
        %parallel_loop3A_587 = arith.constant 0 : index
        %parallel_loop3A_588 = tpu.vector_load %arg7[%parallel_loop3A_586, %parallel_loop3A_587] {strides = array<i32>} : memref<40x768xf32, #tpu.memory_space<vmem>>, vector<1x16xf32>,
        %parallel_loop3A_589 = vector.shape_cast %parallel_loop3A_588 : vector<1x16xf32> to vector<16xf32>
        %parallel_loop3A_590 = arith.constant 1 : i32
        %parallel_loop3A_591 = arith.index_cast %parallel_loop3A_590 : i32 to index
        %parallel_loop3A_592 = arith.index_cast %parallel_loop3A_585 : i32 to index
        %parallel_loop3A_593 = arith.constant 0 : index
        %parallel_loop3A_594 = tpu.vector_load %arg8[%parallel_loop3A_591, %parallel_loop3A_592, %parallel_loop3A_593] {strides = array<i32>} : memref<3x40x768xf32, #tpu.memory_space<vmem>>, vector<1x1x16xf32>,
        %parallel_loop3A_595 = vector.shape_cast %parallel_loop3A_594 : vector<1x1x16xf32> to vector<16xf32>
        %parallel_loop3A_596 = vector.shape_cast %parallel_loop3A_589 : vector<16xf32> to vector<1x1x16xf32>
        tpu.vector_store %arg8[%parallel_loop3A_591, %parallel_loop3A_592, %parallel_loop3A_593], %parallel_loop3A_596 {add = true, strides = array<i32>} : memref<3x40x768xf32, #tpu.memory_space<vmem>>, vector<1x1x16xf32>,
        %parallel_loop3A_597 = arith.index_cast %parallel_loop3A_585 : i32 to index
        %parallel_loop3A_598 = arith.constant 16 : index
        %parallel_loop3A_599 = tpu.vector_load %arg7[%parallel_loop3A_597, %parallel_loop3A_598] {strides = array<i32>} : memref<40x768xf32, #tpu.memory_space<vmem>>, vector<1x16xf32>,
        %parallel_loop3A_600 = vector.shape_cast %parallel_loop3A_599 : vector<1x16xf32> to vector<16xf32>
        %parallel_loop3A_601 = arith.constant 1 : i32
        %parallel_loop3A_602 = arith.index_cast %parallel_loop3A_601 : i32 to index
        %parallel_loop3A_603 = arith.index_cast %parallel_loop3A_585 : i32 to index
        %parallel_loop3A_604 = arith.constant 16 : index
        %parallel_loop3A_605 = tpu.vector_load %arg8[%parallel_loop3A_602, %parallel_loop3A_603, %parallel_loop3A_604] {strides = array<i32>} : memref<3x40x768xf32, #tpu.memory_space<vmem>>, vector<1x1x16xf32>,
        %parallel_loop3A_606 = vector.shape_cast %parallel_loop3A_605 : vector<1x1x16xf32> to vector<16xf32>
        %parallel_loop3A_607 = vector.shape_cast %parallel_loop3A_600 : vector<16xf32> to vector<1x1x16xf32>
        tpu.vector_store %arg8[%parallel_loop3A_602, %parallel_loop3A_603, %parallel_loop3A_604], %parallel_loop3A_607 {add = true, strides = array<i32>} : memref<3x40x768xf32, #tpu.memory_space<vmem>>, vector<1x1x16xf32>,
        %parallel_loop3A_608 = arith.index_cast %parallel_loop3A_585 : i32 to index
        %parallel_loop3A_609 = arith.constant 32 : index
        %parallel_loop3A_610 = tpu.vector_load %arg7[%parallel_loop3A_608, %parallel_loop3A_609] {strides = array<i32>} : memref<40x768xf32, #tpu.memory_space<vmem>>, vector<1x16xf32>,
        %parallel_loop3A_611 = vector.shape_cast %parallel_loop3A_610 : vector<1x16xf32> to vector<16xf32>
        %parallel_loop3A_612 = arith.constant 1 : i32
        %parallel_loop3A_613 = arith.index_cast %parallel_loop3A_612 : i32 to index
        %parallel_loop3A_614 = arith.index_cast %parallel_loop3A_585 : i32 to index
        %parallel_loop3A_615 = arith.constant 32 : index
        %parallel_loop3A_616 = tpu.vector_load %arg8[%parallel_loop3A_613, %parallel_loop3A_614, %parallel_loop3A_615] {strides = array<i32>} : memref<3x40x768xf32, #tpu.memory_space<vmem>>, vector<1x1x16xf32>,
        %parallel_loop3A_617 = vector.shape_cast %parallel_loop3A_616 : vector<1x1x16xf32> to vector<16xf32>
        %parallel_loop3A_618 = vector.shape_cast %parallel_loop3A_611 : vector<16xf32> to vector<1x1x16xf32>
        tpu.vector_store %arg8[%parallel_loop3A_613, %parallel_loop3A_614, %parallel_loop3A_615], %parallel_loop3A_618 {add = true, strides = array<i32>} : memref<3x40x768xf32, #tpu.memory_space<vmem>>, vector<1x1x16xf32>,
        %parallel_loop3A_619 = arith.index_cast %parallel_loop3A_585 : i32 to index
        %parallel_loop3A_620 = arith.constant 48 : index
        %parallel_loop3A_621 = tpu.vector_load %arg7[%parallel_loop3A_619, %parallel_loop3A_620] {strides = array<i32>} : memref<40x768xf32, #tpu.memory_space<vmem>>, vector<1x16xf32>,
        %parallel_loop3A_622 = vector.shape_cast %parallel_loop3A_621 : vector<1x16xf32> to vector<16xf32>
        %parallel_loop3A_623 = arith.constant 1 : i32
        %parallel_loop3A_624 = arith.index_cast %parallel_loop3A_623 : i32 to index
        %parallel_loop3A_625 = arith.index_cast %parallel_loop3A_585 : i32 to index
        %parallel_loop3A_626 = arith.constant 48 : index
        %parallel_loop3A_627 = tpu.vector_load %arg8[%parallel_loop3A_624, %parallel_loop3A_625, %parallel_loop3A_626] {strides = array<i32>} : memref<3x40x768xf32, #tpu.memory_space<vmem>>, vector<1x1x16xf32>,
        %parallel_loop3A_628 = vector.shape_cast %parallel_loop3A_627 : vector<1x1x16xf32> to vector<16xf32>
        %parallel_loop3A_629 = vector.shape_cast %parallel_loop3A_622 : vector<16xf32> to vector<1x1x16xf32>
        tpu.vector_store %arg8[%parallel_loop3A_624, %parallel_loop3A_625, %parallel_loop3A_626], %parallel_loop3A_629 {add = true, strides = array<i32>} : memref<3x40x768xf32, #tpu.memory_space<vmem>>, vector<1x1x16xf32>,
        %parallel_loop3A_630 = arith.index_cast %parallel_loop3A_585 : i32 to index
        %parallel_loop3A_631 = arith.constant 64 : index
        %parallel_loop3A_632 = tpu.vector_load %arg7[%parallel_loop3A_630, %parallel_loop3A_631] {strides = array<i32>} : memref<40x768xf32, #tpu.memory_space<vmem>>, vector<1x16xf32>,
        %parallel_loop3A_633 = vector.shape_cast %parallel_loop3A_632 : vector<1x16xf32> to vector<16xf32>
        %parallel_loop3A_634 = arith.constant 1 : i32
        %parallel_loop3A_635 = arith.index_cast %parallel_loop3A_634 : i32 to index
        %parallel_loop3A_636 = arith.index_cast %parallel_loop3A_585 : i32 to index
        %parallel_loop3A_637 = arith.constant 64 : index
        %parallel_loop3A_638 = tpu.vector_load %arg8[%parallel_loop3A_635, %parallel_loop3A_636, %parallel_loop3A_637] {strides = array<i32>} : memref<3x40x768xf32, #tpu.memory_space<vmem>>, vector<1x1x16xf32>,
        %parallel_loop3A_639 = vector.shape_cast %parallel_loop3A_638 : vector<1x1x16xf32> to vector<16xf32>
        %parallel_loop3A_640 = vector.shape_cast %parallel_loop3A_633 : vector<16xf32> to vector<1x1x16xf32>
        tpu.vector_store %arg8[%parallel_loop3A_635, %parallel_loop3A_636, %parallel_loop3A_637], %parallel_loop3A_640 {add = true, strides = array<i32>} : memref<3x40x768xf32, #tpu.memory_space<vmem>>, vector<1x1x16xf32>,
        %parallel_loop3A_641 = arith.index_cast %parallel_loop3A_585 : i32 to index
        %parallel_loop3A_642 = arith.constant 80 : index
        %parallel_loop3A_643 = tpu.vector_load %arg7[%parallel_loop3A_641, %parallel_loop3A_642] {strides = array<i32>} : memref<40x768xf32, #tpu.memory_space<vmem>>, vector<1x16xf32>,
        %parallel_loop3A_644 = vector.shape_cast %parallel_loop3A_643 : vector<1x16xf32> to vector<16xf32>
        %parallel_loop3A_645 = arith.constant 1 : i32
        %parallel_loop3A_646 = arith.index_cast %parallel_loop3A_645 : i32 to index
        %parallel_loop3A_647 = arith.index_cast %parallel_loop3A_585 : i32 to index
        %parallel_loop3A_648 = arith.constant 80 : index
        %parallel_loop3A_649 = tpu.vector_load %arg8[%parallel_loop3A_646, %parallel_loop3A_647, %parallel_loop3A_648] {strides = array<i32>} : memref<3x40x768xf32, #tpu.memory_space<vmem>>, vector<1x1x16xf32>,
        %parallel_loop3A_650 = vector.shape_cast %parallel_loop3A_649 : vector<1x1x16xf32> to vector<16xf32>
        %parallel_loop3A_651 = vector.shape_cast %parallel_loop3A_644 : vector<16xf32> to vector<1x1x16xf32>
        tpu.vector_store %arg8[%parallel_loop3A_646, %parallel_loop3A_647, %parallel_loop3A_648], %parallel_loop3A_651 {add = true, strides = array<i32>} : memref<3x40x768xf32, #tpu.memory_space<vmem>>, vector<1x1x16xf32>,
        %parallel_loop3A_652 = arith.index_cast %parallel_loop3A_585 : i32 to index
        %parallel_loop3A_653 = arith.constant 96 : index
        %parallel_loop3A_654 = tpu.vector_load %arg7[%parallel_loop3A_652, %parallel_loop3A_653] {strides = array<i32>} : memref<40x768xf32, #tpu.memory_space<vmem>>, vector<1x16xf32>,
        %parallel_loop3A_655 = vector.shape_cast %parallel_loop3A_654 : vector<1x16xf32> to vector<16xf32>
        %parallel_loop3A_656 = arith.constant 1 : i32
        %parallel_loop3A_657 = arith.index_cast %parallel_loop3A_656 : i32 to index
        %parallel_loop3A_658 = arith.index_cast %parallel_loop3A_585 : i32 to index
        %parallel_loop3A_659 = arith.constant 96 : index
        %parallel_loop3A_660 = tpu.vector_load %arg8[%parallel_loop3A_657, %parallel_loop3A_658, %parallel_loop3A_659] {strides = array<i32>} : memref<3x40x768xf32, #tpu.memory_space<vmem>>, vector<1x1x16xf32>,
        %parallel_loop3A_661 = vector.shape_cast %parallel_loop3A_660 : vector<1x1x16xf32> to vector<16xf32>
        %parallel_loop3A_662 = vector.shape_cast %parallel_loop3A_655 : vector<16xf32> to vector<1x1x16xf32>
        tpu.vector_store %arg8[%parallel_loop3A_657, %parallel_loop3A_658, %parallel_loop3A_659], %parallel_loop3A_662 {add = true, strides = array<i32>} : memref<3x40x768xf32, #tpu.memory_space<vmem>>, vector<1x1x16xf32>,
        %parallel_loop3A_663 = arith.index_cast %parallel_loop3A_585 : i32 to index
        %parallel_loop3A_664 = arith.constant 112 : index
        %parallel_loop3A_665 = tpu.vector_load %arg7[%parallel_loop3A_663, %parallel_loop3A_664] {strides = array<i32>} : memref<40x768xf32, #tpu.memory_space<vmem>>, vector<1x16xf32>,
        %parallel_loop3A_666 = vector.shape_cast %parallel_loop3A_665 : vector<1x16xf32> to vector<16xf32>
        %parallel_loop3A_667 = arith.constant 1 : i32
        %parallel_loop3A_668 = arith.index_cast %parallel_loop3A_667 : i32 to index
        %parallel_loop3A_669 = arith.index_cast %parallel_loop3A_585 : i32 to index
        %parallel_loop3A_670 = arith.constant 112 : index
        %parallel_loop3A_671 = tpu.vector_load %arg8[%parallel_loop3A_668, %parallel_loop3A_669, %parallel_loop3A_670] {strides = array<i32>} : memref<3x40x768xf32, #tpu.memory_space<vmem>>, vector<1x1x16xf32>,
        %parallel_loop3A_672 = vector.shape_cast %parallel_loop3A_671 : vector<1x1x16xf32> to vector<16xf32>
        %parallel_loop3A_673 = vector.shape_cast %parallel_loop3A_666 : vector<16xf32> to vector<1x1x16xf32>
        tpu.vector_store %arg8[%parallel_loop3A_668, %parallel_loop3A_669, %parallel_loop3A_670], %parallel_loop3A_673 {add = true, strides = array<i32>} : memref<3x40x768xf32, #tpu.memory_space<vmem>>, vector<1x1x16xf32>,
        %parallel_loop3A_674 = arith.index_cast %parallel_loop3A_585 : i32 to index
        %parallel_loop3A_675 = arith.constant 128 : index
        %parallel_loop3A_676 = tpu.vector_load %arg7[%parallel_loop3A_674, %parallel_loop3A_675] {strides = array<i32>} : memref<40x768xf32, #tpu.memory_space<vmem>>, vector<1x16xf32>,
        %parallel_loop3A_677 = vector.shape_cast %parallel_loop3A_676 : vector<1x16xf32> to vector<16xf32>
        %parallel_loop3A_678 = arith.constant 1 : i32
        %parallel_loop3A_679 = arith.index_cast %parallel_loop3A_678 : i32 to index
        %parallel_loop3A_680 = arith.index_cast %parallel_loop3A_585 : i32 to index
        %parallel_loop3A_681 = arith.constant 128 : index
        %parallel_loop3A_682 = tpu.vector_load %arg8[%parallel_loop3A_679, %parallel_loop3A_680, %parallel_loop3A_681] {strides = array<i32>} : memref<3x40x768xf32, #tpu.memory_space<vmem>>, vector<1x1x16xf32>,
        %parallel_loop3A_683 = vector.shape_cast %parallel_loop3A_682 : vector<1x1x16xf32> to vector<16xf32>
        %parallel_loop3A_684 = vector.shape_cast %parallel_loop3A_677 : vector<16xf32> to vector<1x1x16xf32>
        tpu.vector_store %arg8[%parallel_loop3A_679, %parallel_loop3A_680, %parallel_loop3A_681], %parallel_loop3A_684 {add = true, strides = array<i32>} : memref<3x40x768xf32, #tpu.memory_space<vmem>>, vector<1x1x16xf32>,
        %parallel_loop3A_685 = arith.index_cast %parallel_loop3A_585 : i32 to index
        %parallel_loop3A_686 = arith.constant 144 : index
        %parallel_loop3A_687 = tpu.vector_load %arg7[%parallel_loop3A_685, %parallel_loop3A_686] {strides = array<i32>} : memref<40x768xf32, #tpu.memory_space<vmem>>, vector<1x16xf32>,
        %parallel_loop3A_688 = vector.shape_cast %parallel_loop3A_687 : vector<1x16xf32> to vector<16xf32>
        %parallel_loop3A_689 = arith.constant 1 : i32
        %parallel_loop3A_690 = arith.index_cast %parallel_loop3A_689 : i32 to index
        %parallel_loop3A_691 = arith.index_cast %parallel_loop3A_585 : i32 to index
        %parallel_loop3A_692 = arith.constant 144 : index
        %parallel_loop3A_693 = tpu.vector_load %arg8[%parallel_loop3A_690, %parallel_loop3A_691, %parallel_loop3A_692] {strides = array<i32>} : memref<3x40x768xf32, #tpu.memory_space<vmem>>, vector<1x1x16xf32>,
        %parallel_loop3A_694 = vector.shape_cast %parallel_loop3A_693 : vector<1x1x16xf32> to vector<16xf32>
        %parallel_loop3A_695 = vector.shape_cast %parallel_loop3A_688 : vector<16xf32> to vector<1x1x16xf32>
        tpu.vector_store %arg8[%parallel_loop3A_690, %parallel_loop3A_691, %parallel_loop3A_692], %parallel_loop3A_695 {add = true, strides = array<i32>} : memref<3x40x768xf32, #tpu.memory_space<vmem>>, vector<1x1x16xf32>,
        %parallel_loop3A_696 = arith.index_cast %parallel_loop3A_585 : i32 to index
        %parallel_loop3A_697 = arith.constant 160 : index
        %parallel_loop3A_698 = tpu.vector_load %arg7[%parallel_loop3A_696, %parallel_loop3A_697] {strides = array<i32>} : memref<40x768xf32, #tpu.memory_space<vmem>>, vector<1x16xf32>,
        %parallel_loop3A_699 = vector.shape_cast %parallel_loop3A_698 : vector<1x16xf32> to vector<16xf32>
        %parallel_loop3A_700 = arith.constant 1 : i32
        %parallel_loop3A_701 = arith.index_cast %parallel_loop3A_700 : i32 to index
        %parallel_loop3A_702 = arith.index_cast %parallel_loop3A_585 : i32 to index
        %parallel_loop3A_703 = arith.constant 160 : index
        %parallel_loop3A_704 = tpu.vector_load %arg8[%parallel_loop3A_701, %parallel_loop3A_702, %parallel_loop3A_703] {strides = array<i32>} : memref<3x40x768xf32, #tpu.memory_space<vmem>>, vector<1x1x16xf32>,
        %parallel_loop3A_705 = vector.shape_cast %parallel_loop3A_704 : vector<1x1x16xf32> to vector<16xf32>
        %parallel_loop3A_706 = vector.shape_cast %parallel_loop3A_699 : vector<16xf32> to vector<1x1x16xf32>
        tpu.vector_store %arg8[%parallel_loop3A_701, %parallel_loop3A_702, %parallel_loop3A_703], %parallel_loop3A_706 {add = true, strides = array<i32>} : memref<3x40x768xf32, #tpu.memory_space<vmem>>, vector<1x1x16xf32>,
        %parallel_loop3A_707 = arith.index_cast %parallel_loop3A_585 : i32 to index
        %parallel_loop3A_708 = arith.constant 176 : index
        %parallel_loop3A_709 = tpu.vector_load %arg7[%parallel_loop3A_707, %parallel_loop3A_708] {strides = array<i32>} : memref<40x768xf32, #tpu.memory_space<vmem>>, vector<1x16xf32>,
        %parallel_loop3A_710 = vector.shape_cast %parallel_loop3A_709 : vector<1x16xf32> to vector<16xf32>
        %parallel_loop3A_711 = arith.constant 1 : i32
        %parallel_loop3A_712 = arith.index_cast %parallel_loop3A_711 : i32 to index
        %parallel_loop3A_713 = arith.index_cast %parallel_loop3A_585 : i32 to index
        %parallel_loop3A_714 = arith.constant 176 : index
        %parallel_loop3A_715 = tpu.vector_load %arg8[%parallel_loop3A_712, %parallel_loop3A_713, %parallel_loop3A_714] {strides = array<i32>} : memref<3x40x768xf32, #tpu.memory_space<vmem>>, vector<1x1x16xf32>,
        %parallel_loop3A_716 = vector.shape_cast %parallel_loop3A_715 : vector<1x1x16xf32> to vector<16xf32>
        %parallel_loop3A_717 = vector.shape_cast %parallel_loop3A_710 : vector<16xf32> to vector<1x1x16xf32>
        tpu.vector_store %arg8[%parallel_loop3A_712, %parallel_loop3A_713, %parallel_loop3A_714], %parallel_loop3A_717 {add = true, strides = array<i32>} : memref<3x40x768xf32, #tpu.memory_space<vmem>>, vector<1x1x16xf32>,
        %parallel_loop3A_718 = arith.index_cast %parallel_loop3A_585 : i32 to index
        %parallel_loop3A_719 = arith.constant 192 : index
        %parallel_loop3A_720 = tpu.vector_load %arg7[%parallel_loop3A_718, %parallel_loop3A_719] {strides = array<i32>} : memref<40x768xf32, #tpu.memory_space<vmem>>, vector<1x16xf32>,
        %parallel_loop3A_721 = vector.shape_cast %parallel_loop3A_720 : vector<1x16xf32> to vector<16xf32>
        %parallel_loop3A_722 = arith.constant 1 : i32
        %parallel_loop3A_723 = arith.index_cast %parallel_loop3A_722 : i32 to index
        %parallel_loop3A_724 = arith.index_cast %parallel_loop3A_585 : i32 to index
        %parallel_loop3A_725 = arith.constant 192 : index
        %parallel_loop3A_726 = tpu.vector_load %arg8[%parallel_loop3A_723, %parallel_loop3A_724, %parallel_loop3A_725] {strides = array<i32>} : memref<3x40x768xf32, #tpu.memory_space<vmem>>, vector<1x1x16xf32>,
        %parallel_loop3A_727 = vector.shape_cast %parallel_loop3A_726 : vector<1x1x16xf32> to vector<16xf32>
        %parallel_loop3A_728 = vector.shape_cast %parallel_loop3A_721 : vector<16xf32> to vector<1x1x16xf32>
        tpu.vector_store %arg8[%parallel_loop3A_723, %parallel_loop3A_724, %parallel_loop3A_725], %parallel_loop3A_728 {add = true, strides = array<i32>} : memref<3x40x768xf32, #tpu.memory_space<vmem>>, vector<1x1x16xf32>,
        %parallel_loop3A_729 = arith.index_cast %parallel_loop3A_585 : i32 to index
        %parallel_loop3A_730 = arith.constant 208 : index
        %parallel_loop3A_731 = tpu.vector_load %arg7[%parallel_loop3A_729, %parallel_loop3A_730] {strides = array<i32>} : memref<40x768xf32, #tpu.memory_space<vmem>>, vector<1x16xf32>,
        %parallel_loop3A_732 = vector.shape_cast %parallel_loop3A_731 : vector<1x16xf32> to vector<16xf32>
        %parallel_loop3A_733 = arith.constant 1 : i32
        %parallel_loop3A_734 = arith.index_cast %parallel_loop3A_733 : i32 to index
        %parallel_loop3A_735 = arith.index_cast %parallel_loop3A_585 : i32 to index
        %parallel_loop3A_736 = arith.constant 208 : index
        %parallel_loop3A_737 = tpu.vector_load %arg8[%parallel_loop3A_734, %parallel_loop3A_735, %parallel_loop3A_736] {strides = array<i32>} : memref<3x40x768xf32, #tpu.memory_space<vmem>>, vector<1x1x16xf32>,
        %parallel_loop3A_738 = vector.shape_cast %parallel_loop3A_737 : vector<1x1x16xf32> to vector<16xf32>
        %parallel_loop3A_739 = vector.shape_cast %parallel_loop3A_732 : vector<16xf32> to vector<1x1x16xf32>
        tpu.vector_store %arg8[%parallel_loop3A_734, %parallel_loop3A_735, %parallel_loop3A_736], %parallel_loop3A_739 {add = true, strides = array<i32>} : memref<3x40x768xf32, #tpu.memory_space<vmem>>, vector<1x1x16xf32>,
        %parallel_loop3A_740 = arith.index_cast %parallel_loop3A_585 : i32 to index
        %parallel_loop3A_741 = arith.constant 224 : index
        %parallel_loop3A_742 = tpu.vector_load %arg7[%parallel_loop3A_740, %parallel_loop3A_741] {strides = array<i32>} : memref<40x768xf32, #tpu.memory_space<vmem>>, vector<1x16xf32>,
        %parallel_loop3A_743 = vector.shape_cast %parallel_loop3A_742 : vector<1x16xf32> to vector<16xf32>
        %parallel_loop3A_744 = arith.constant 1 : i32
        %parallel_loop3A_745 = arith.index_cast %parallel_loop3A_744 : i32 to index
        %parallel_loop3A_746 = arith.index_cast %parallel_loop3A_585 : i32 to index
        %parallel_loop3A_747 = arith.constant 224 : index
        %parallel_loop3A_748 = tpu.vector_load %arg8[%parallel_loop3A_745, %parallel_loop3A_746, %parallel_loop3A_747] {strides = array<i32>} : memref<3x40x768xf32, #tpu.memory_space<vmem>>, vector<1x1x16xf32>,
        %parallel_loop3A_749 = vector.shape_cast %parallel_loop3A_748 : vector<1x1x16xf32> to vector<16xf32>
        %parallel_loop3A_750 = vector.shape_cast %parallel_loop3A_743 : vector<16xf32> to vector<1x1x16xf32>
        tpu.vector_store %arg8[%parallel_loop3A_745, %parallel_loop3A_746, %parallel_loop3A_747], %parallel_loop3A_750 {add = true, strides = array<i32>} : memref<3x40x768xf32, #tpu.memory_space<vmem>>, vector<1x1x16xf32>,
        %parallel_loop3A_751 = arith.index_cast %parallel_loop3A_585 : i32 to index
        %parallel_loop3A_752 = arith.constant 240 : index
        %parallel_loop3A_753 = tpu.vector_load %arg7[%parallel_loop3A_751, %parallel_loop3A_752] {strides = array<i32>} : memref<40x768xf32, #tpu.memory_space<vmem>>, vector<1x16xf32>,
        %parallel_loop3A_754 = vector.shape_cast %parallel_loop3A_753 : vector<1x16xf32> to vector<16xf32>
        %parallel_loop3A_755 = arith.constant 1 : i32
        %parallel_loop3A_756 = arith.index_cast %parallel_loop3A_755 : i32 to index
        %parallel_loop3A_757 = arith.index_cast %parallel_loop3A_585 : i32 to index
        %parallel_loop3A_758 = arith.constant 240 : index
        %parallel_loop3A_759 = tpu.vector_load %arg8[%parallel_loop3A_756, %parallel_loop3A_757, %parallel_loop3A_758] {strides = array<i32>} : memref<3x40x768xf32, #tpu.memory_space<vmem>>, vector<1x1x16xf32>,
        %parallel_loop3A_760 = vector.shape_cast %parallel_loop3A_759 : vector<1x1x16xf32> to vector<16xf32>
        %parallel_loop3A_761 = vector.shape_cast %parallel_loop3A_754 : vector<16xf32> to vector<1x1x16xf32>
        tpu.vector_store %arg8[%parallel_loop3A_756, %parallel_loop3A_757, %parallel_loop3A_758], %parallel_loop3A_761 {add = true, strides = array<i32>} : memref<3x40x768xf32, #tpu.memory_space<vmem>>, vector<1x1x16xf32>,
        %parallel_loop3A_762 = arith.index_cast %parallel_loop3A_585 : i32 to index
        %parallel_loop3A_763 = arith.constant 256 : index
        %parallel_loop3A_764 = tpu.vector_load %arg7[%parallel_loop3A_762, %parallel_loop3A_763] {strides = array<i32>} : memref<40x768xf32, #tpu.memory_space<vmem>>, vector<1x16xf32>,
        %parallel_loop3A_765 = vector.shape_cast %parallel_loop3A_764 : vector<1x16xf32> to vector<16xf32>
        %parallel_loop3A_766 = arith.constant 1 : i32
        %parallel_loop3A_767 = arith.index_cast %parallel_loop3A_766 : i32 to index
        %parallel_loop3A_768 = arith.index_cast %parallel_loop3A_585 : i32 to index
        %parallel_loop3A_769 = arith.constant 256 : index
        %parallel_loop3A_770 = tpu.vector_load %arg8[%parallel_loop3A_767, %parallel_loop3A_768, %parallel_loop3A_769] {strides = array<i32>} : memref<3x40x768xf32, #tpu.memory_space<vmem>>, vector<1x1x16xf32>,
        %parallel_loop3A_771 = vector.shape_cast %parallel_loop3A_770 : vector<1x1x16xf32> to vector<16xf32>
        %parallel_loop3A_772 = vector.shape_cast %parallel_loop3A_765 : vector<16xf32> to vector<1x1x16xf32>
        tpu.vector_store %arg8[%parallel_loop3A_767, %parallel_loop3A_768, %parallel_loop3A_769], %parallel_loop3A_772 {add = true, strides = array<i32>} : memref<3x40x768xf32, #tpu.memory_space<vmem>>, vector<1x1x16xf32>,
        %parallel_loop3A_773 = arith.index_cast %parallel_loop3A_585 : i32 to index
        %parallel_loop3A_774 = arith.constant 272 : index
        %parallel_loop3A_775 = tpu.vector_load %arg7[%parallel_loop3A_773, %parallel_loop3A_774] {strides = array<i32>} : memref<40x768xf32, #tpu.memory_space<vmem>>, vector<1x16xf32>,
        %parallel_loop3A_776 = vector.shape_cast %parallel_loop3A_775 : vector<1x16xf32> to vector<16xf32>
        %parallel_loop3A_777 = arith.constant 1 : i32
        %parallel_loop3A_778 = arith.index_cast %parallel_loop3A_777 : i32 to index
        %parallel_loop3A_779 = arith.index_cast %parallel_loop3A_585 : i32 to index
        %parallel_loop3A_780 = arith.constant 272 : index
        %parallel_loop3A_781 = tpu.vector_load %arg8[%parallel_loop3A_778, %parallel_loop3A_779, %parallel_loop3A_780] {strides = array<i32>} : memref<3x40x768xf32, #tpu.memory_space<vmem>>, vector<1x1x16xf32>,
        %parallel_loop3A_782 = vector.shape_cast %parallel_loop3A_781 : vector<1x1x16xf32> to vector<16xf32>
        %parallel_loop3A_783 = vector.shape_cast %parallel_loop3A_776 : vector<16xf32> to vector<1x1x16xf32>
        tpu.vector_store %arg8[%parallel_loop3A_778, %parallel_loop3A_779, %parallel_loop3A_780], %parallel_loop3A_783 {add = true, strides = array<i32>} : memref<3x40x768xf32, #tpu.memory_space<vmem>>, vector<1x1x16xf32>,
        %parallel_loop3A_784 = arith.index_cast %parallel_loop3A_585 : i32 to index
        %parallel_loop3A_785 = arith.constant 288 : index
        %parallel_loop3A_786 = tpu.vector_load %arg7[%parallel_loop3A_784, %parallel_loop3A_785] {strides = array<i32>} : memref<40x768xf32, #tpu.memory_space<vmem>>, vector<1x16xf32>,
        %parallel_loop3A_787 = vector.shape_cast %parallel_loop3A_786 : vector<1x16xf32> to vector<16xf32>
        %parallel_loop3A_788 = arith.constant 1 : i32
        %parallel_loop3A_789 = arith.index_cast %parallel_loop3A_788 : i32 to index
        %parallel_loop3A_790 = arith.index_cast %parallel_loop3A_585 : i32 to index
        %parallel_loop3A_791 = arith.constant 288 : index
        %parallel_loop3A_792 = tpu.vector_load %arg8[%parallel_loop3A_789, %parallel_loop3A_790, %parallel_loop3A_791] {strides = array<i32>} : memref<3x40x768xf32, #tpu.memory_space<vmem>>, vector<1x1x16xf32>,
        %parallel_loop3A_793 = vector.shape_cast %parallel_loop3A_792 : vector<1x1x16xf32> to vector<16xf32>
        %parallel_loop3A_794 = vector.shape_cast %parallel_loop3A_787 : vector<16xf32> to vector<1x1x16xf32>
        tpu.vector_store %arg8[%parallel_loop3A_789, %parallel_loop3A_790, %parallel_loop3A_791], %parallel_loop3A_794 {add = true, strides = array<i32>} : memref<3x40x768xf32, #tpu.memory_space<vmem>>, vector<1x1x16xf32>,
        %parallel_loop3A_795 = arith.index_cast %parallel_loop3A_585 : i32 to index
        %parallel_loop3A_796 = arith.constant 304 : index
        %parallel_loop3A_797 = tpu.vector_load %arg7[%parallel_loop3A_795, %parallel_loop3A_796] {strides = array<i32>} : memref<40x768xf32, #tpu.memory_space<vmem>>, vector<1x16xf32>,
        %parallel_loop3A_798 = vector.shape_cast %parallel_loop3A_797 : vector<1x16xf32> to vector<16xf32>
        %parallel_loop3A_799 = arith.constant 1 : i32
        %parallel_loop3A_800 = arith.index_cast %parallel_loop3A_799 : i32 to index
        %parallel_loop3A_801 = arith.index_cast %parallel_loop3A_585 : i32 to index
        %parallel_loop3A_802 = arith.constant 304 : index
        %parallel_loop3A_803 = tpu.vector_load %arg8[%parallel_loop3A_800, %parallel_loop3A_801, %parallel_loop3A_802] {strides = array<i32>} : memref<3x40x768xf32, #tpu.memory_space<vmem>>, vector<1x1x16xf32>,
        %parallel_loop3A_804 = vector.shape_cast %parallel_loop3A_803 : vector<1x1x16xf32> to vector<16xf32>
        %parallel_loop3A_805 = vector.shape_cast %parallel_loop3A_798 : vector<16xf32> to vector<1x1x16xf32>
        tpu.vector_store %arg8[%parallel_loop3A_800, %parallel_loop3A_801, %parallel_loop3A_802], %parallel_loop3A_805 {add = true, strides = array<i32>} : memref<3x40x768xf32, #tpu.memory_space<vmem>>, vector<1x1x16xf32>,
        %parallel_loop3A_806 = arith.index_cast %parallel_loop3A_585 : i32 to index
        %parallel_loop3A_807 = arith.constant 320 : index
        %parallel_loop3A_808 = tpu.vector_load %arg7[%parallel_loop3A_806, %parallel_loop3A_807] {strides = array<i32>} : memref<40x768xf32, #tpu.memory_space<vmem>>, vector<1x16xf32>,
        %parallel_loop3A_809 = vector.shape_cast %parallel_loop3A_808 : vector<1x16xf32> to vector<16xf32>
        %parallel_loop3A_810 = arith.constant 1 : i32
        %parallel_loop3A_811 = arith.index_cast %parallel_loop3A_810 : i32 to index
        %parallel_loop3A_812 = arith.index_cast %parallel_loop3A_585 : i32 to index
        %parallel_loop3A_813 = arith.constant 320 : index
        %parallel_loop3A_814 = tpu.vector_load %arg8[%parallel_loop3A_811, %parallel_loop3A_812, %parallel_loop3A_813] {strides = array<i32>} : memref<3x40x768xf32, #tpu.memory_space<vmem>>, vector<1x1x16xf32>,
        %parallel_loop3A_815 = vector.shape_cast %parallel_loop3A_814 : vector<1x1x16xf32> to vector<16xf32>
        %parallel_loop3A_816 = vector.shape_cast %parallel_loop3A_809 : vector<16xf32> to vector<1x1x16xf32>
        tpu.vector_store %arg8[%parallel_loop3A_811, %parallel_loop3A_812, %parallel_loop3A_813], %parallel_loop3A_816 {add = true, strides = array<i32>} : memref<3x40x768xf32, #tpu.memory_space<vmem>>, vector<1x1x16xf32>,
        %parallel_loop3A_817 = arith.index_cast %parallel_loop3A_585 : i32 to index
        %parallel_loop3A_818 = arith.constant 336 : index
        %parallel_loop3A_819 = tpu.vector_load %arg7[%parallel_loop3A_817, %parallel_loop3A_818] {strides = array<i32>} : memref<40x768xf32, #tpu.memory_space<vmem>>, vector<1x16xf32>,
        %parallel_loop3A_820 = vector.shape_cast %parallel_loop3A_819 : vector<1x16xf32> to vector<16xf32>
        %parallel_loop3A_821 = arith.constant 1 : i32
        %parallel_loop3A_822 = arith.index_cast %parallel_loop3A_821 : i32 to index
        %parallel_loop3A_823 = arith.index_cast %parallel_loop3A_585 : i32 to index
        %parallel_loop3A_824 = arith.constant 336 : index
        %parallel_loop3A_825 = tpu.vector_load %arg8[%parallel_loop3A_822, %parallel_loop3A_823, %parallel_loop3A_824] {strides = array<i32>} : memref<3x40x768xf32, #tpu.memory_space<vmem>>, vector<1x1x16xf32>,
        %parallel_loop3A_826 = vector.shape_cast %parallel_loop3A_825 : vector<1x1x16xf32> to vector<16xf32>
        %parallel_loop3A_827 = vector.shape_cast %parallel_loop3A_820 : vector<16xf32> to vector<1x1x16xf32>
        tpu.vector_store %arg8[%parallel_loop3A_822, %parallel_loop3A_823, %parallel_loop3A_824], %parallel_loop3A_827 {add = true, strides = array<i32>} : memref<3x40x768xf32, #tpu.memory_space<vmem>>, vector<1x1x16xf32>,
        %parallel_loop3A_828 = arith.index_cast %parallel_loop3A_585 : i32 to index
        %parallel_loop3A_829 = arith.constant 352 : index
        %parallel_loop3A_830 = tpu.vector_load %arg7[%parallel_loop3A_828, %parallel_loop3A_829] {strides = array<i32>} : memref<40x768xf32, #tpu.memory_space<vmem>>, vector<1x16xf32>,
        %parallel_loop3A_831 = vector.shape_cast %parallel_loop3A_830 : vector<1x16xf32> to vector<16xf32>
        %parallel_loop3A_832 = arith.constant 1 : i32
        %parallel_loop3A_833 = arith.index_cast %parallel_loop3A_832 : i32 to index
        %parallel_loop3A_834 = arith.index_cast %parallel_loop3A_585 : i32 to index
        %parallel_loop3A_835 = arith.constant 352 : index
        %parallel_loop3A_836 = tpu.vector_load %arg8[%parallel_loop3A_833, %parallel_loop3A_834, %parallel_loop3A_835] {strides = array<i32>} : memref<3x40x768xf32, #tpu.memory_space<vmem>>, vector<1x1x16xf32>,
        %parallel_loop3A_837 = vector.shape_cast %parallel_loop3A_836 : vector<1x1x16xf32> to vector<16xf32>
        %parallel_loop3A_838 = vector.shape_cast %parallel_loop3A_831 : vector<16xf32> to vector<1x1x16xf32>
        tpu.vector_store %arg8[%parallel_loop3A_833, %parallel_loop3A_834, %parallel_loop3A_835], %parallel_loop3A_838 {add = true, strides = array<i32>} : memref<3x40x768xf32, #tpu.memory_space<vmem>>, vector<1x1x16xf32>,
        %parallel_loop3A_839 = arith.index_cast %parallel_loop3A_585 : i32 to index
        %parallel_loop3A_840 = arith.constant 368 : index
        %parallel_loop3A_841 = tpu.vector_load %arg7[%parallel_loop3A_839, %parallel_loop3A_840] {strides = array<i32>} : memref<40x768xf32, #tpu.memory_space<vmem>>, vector<1x16xf32>,
        %parallel_loop3A_842 = vector.shape_cast %parallel_loop3A_841 : vector<1x16xf32> to vector<16xf32>
        %parallel_loop3A_843 = arith.constant 1 : i32
        %parallel_loop3A_844 = arith.index_cast %parallel_loop3A_843 : i32 to index
        %parallel_loop3A_845 = arith.index_cast %parallel_loop3A_585 : i32 to index
        %parallel_loop3A_846 = arith.constant 368 : index
        %parallel_loop3A_847 = tpu.vector_load %arg8[%parallel_loop3A_844, %parallel_loop3A_845, %parallel_loop3A_846] {strides = array<i32>} : memref<3x40x768xf32, #tpu.memory_space<vmem>>, vector<1x1x16xf32>,
        %parallel_loop3A_848 = vector.shape_cast %parallel_loop3A_847 : vector<1x1x16xf32> to vector<16xf32>
        %parallel_loop3A_849 = vector.shape_cast %parallel_loop3A_842 : vector<16xf32> to vector<1x1x16xf32>
        tpu.vector_store %arg8[%parallel_loop3A_844, %parallel_loop3A_845, %parallel_loop3A_846], %parallel_loop3A_849 {add = true, strides = array<i32>} : memref<3x40x768xf32, #tpu.memory_space<vmem>>, vector<1x1x16xf32>,
        %parallel_loop3A_850 = arith.index_cast %parallel_loop3A_585 : i32 to index
        %parallel_loop3A_851 = arith.constant 384 : index
        %parallel_loop3A_852 = tpu.vector_load %arg7[%parallel_loop3A_850, %parallel_loop3A_851] {strides = array<i32>} : memref<40x768xf32, #tpu.memory_space<vmem>>, vector<1x16xf32>,
        %parallel_loop3A_853 = vector.shape_cast %parallel_loop3A_852 : vector<1x16xf32> to vector<16xf32>
        %parallel_loop3A_854 = arith.constant 1 : i32
        %parallel_loop3A_855 = arith.index_cast %parallel_loop3A_854 : i32 to index
        %parallel_loop3A_856 = arith.index_cast %parallel_loop3A_585 : i32 to index
        %parallel_loop3A_857 = arith.constant 384 : index
        %parallel_loop3A_858 = tpu.vector_load %arg8[%parallel_loop3A_855, %parallel_loop3A_856, %parallel_loop3A_857] {strides = array<i32>} : memref<3x40x768xf32, #tpu.memory_space<vmem>>, vector<1x1x16xf32>,
        %parallel_loop3A_859 = vector.shape_cast %parallel_loop3A_858 : vector<1x1x16xf32> to vector<16xf32>
        %parallel_loop3A_860 = vector.shape_cast %parallel_loop3A_853 : vector<16xf32> to vector<1x1x16xf32>
        tpu.vector_store %arg8[%parallel_loop3A_855, %parallel_loop3A_856, %parallel_loop3A_857], %parallel_loop3A_860 {add = true, strides = array<i32>} : memref<3x40x768xf32, #tpu.memory_space<vmem>>, vector<1x1x16xf32>,
        %parallel_loop3A_861 = arith.index_cast %parallel_loop3A_585 : i32 to index
        %parallel_loop3A_862 = arith.constant 400 : index
        %parallel_loop3A_863 = tpu.vector_load %arg7[%parallel_loop3A_861, %parallel_loop3A_862] {strides = array<i32>} : memref<40x768xf32, #tpu.memory_space<vmem>>, vector<1x16xf32>,
        %parallel_loop3A_864 = vector.shape_cast %parallel_loop3A_863 : vector<1x16xf32> to vector<16xf32>
        %parallel_loop3A_865 = arith.constant 1 : i32
        %parallel_loop3A_866 = arith.index_cast %parallel_loop3A_865 : i32 to index
        %parallel_loop3A_867 = arith.index_cast %parallel_loop3A_585 : i32 to index
        %parallel_loop3A_868 = arith.constant 400 : index
        %parallel_loop3A_869 = tpu.vector_load %arg8[%parallel_loop3A_866, %parallel_loop3A_867, %parallel_loop3A_868] {strides = array<i32>} : memref<3x40x768xf32, #tpu.memory_space<vmem>>, vector<1x1x16xf32>,
        %parallel_loop3A_870 = vector.shape_cast %parallel_loop3A_869 : vector<1x1x16xf32> to vector<16xf32>
        %parallel_loop3A_871 = vector.shape_cast %parallel_loop3A_864 : vector<16xf32> to vector<1x1x16xf32>
        tpu.vector_store %arg8[%parallel_loop3A_866, %parallel_loop3A_867, %parallel_loop3A_868], %parallel_loop3A_871 {add = true, strides = array<i32>} : memref<3x40x768xf32, #tpu.memory_space<vmem>>, vector<1x1x16xf32>,
        %parallel_loop3A_872 = arith.index_cast %parallel_loop3A_585 : i32 to index
        %parallel_loop3A_873 = arith.constant 416 : index
        %parallel_loop3A_874 = tpu.vector_load %arg7[%parallel_loop3A_872, %parallel_loop3A_873] {strides = array<i32>} : memref<40x768xf32, #tpu.memory_space<vmem>>, vector<1x16xf32>,
        %parallel_loop3A_875 = vector.shape_cast %parallel_loop3A_874 : vector<1x16xf32> to vector<16xf32>
        %parallel_loop3A_876 = arith.constant 1 : i32
        %parallel_loop3A_877 = arith.index_cast %parallel_loop3A_876 : i32 to index
        %parallel_loop3A_878 = arith.index_cast %parallel_loop3A_585 : i32 to index
        %parallel_loop3A_879 = arith.constant 416 : index
        %parallel_loop3A_880 = tpu.vector_load %arg8[%parallel_loop3A_877, %parallel_loop3A_878, %parallel_loop3A_879] {strides = array<i32>} : memref<3x40x768xf32, #tpu.memory_space<vmem>>, vector<1x1x16xf32>,
        %parallel_loop3A_881 = vector.shape_cast %parallel_loop3A_880 : vector<1x1x16xf32> to vector<16xf32>
        %parallel_loop3A_882 = vector.shape_cast %parallel_loop3A_875 : vector<16xf32> to vector<1x1x16xf32>
        tpu.vector_store %arg8[%parallel_loop3A_877, %parallel_loop3A_878, %parallel_loop3A_879], %parallel_loop3A_882 {add = true, strides = array<i32>} : memref<3x40x768xf32, #tpu.memory_space<vmem>>, vector<1x1x16xf32>,
        %parallel_loop3A_883 = arith.index_cast %parallel_loop3A_585 : i32 to index
        %parallel_loop3A_884 = arith.constant 432 : index
        %parallel_loop3A_885 = tpu.vector_load %arg7[%parallel_loop3A_883, %parallel_loop3A_884] {strides = array<i32>} : memref<40x768xf32, #tpu.memory_space<vmem>>, vector<1x16xf32>,
        %parallel_loop3A_886 = vector.shape_cast %parallel_loop3A_885 : vector<1x16xf32> to vector<16xf32>
        %parallel_loop3A_887 = arith.constant 1 : i32
        %parallel_loop3A_888 = arith.index_cast %parallel_loop3A_887 : i32 to index
        %parallel_loop3A_889 = arith.index_cast %parallel_loop3A_585 : i32 to index
        %parallel_loop3A_890 = arith.constant 432 : index
        %parallel_loop3A_891 = tpu.vector_load %arg8[%parallel_loop3A_888, %parallel_loop3A_889, %parallel_loop3A_890] {strides = array<i32>} : memref<3x40x768xf32, #tpu.memory_space<vmem>>, vector<1x1x16xf32>,
        %parallel_loop3A_892 = vector.shape_cast %parallel_loop3A_891 : vector<1x1x16xf32> to vector<16xf32>
        %parallel_loop3A_893 = vector.shape_cast %parallel_loop3A_886 : vector<16xf32> to vector<1x1x16xf32>
        tpu.vector_store %arg8[%parallel_loop3A_888, %parallel_loop3A_889, %parallel_loop3A_890], %parallel_loop3A_893 {add = true, strides = array<i32>} : memref<3x40x768xf32, #tpu.memory_space<vmem>>, vector<1x1x16xf32>,
        %parallel_loop3A_894 = arith.index_cast %parallel_loop3A_585 : i32 to index
        %parallel_loop3A_895 = arith.constant 448 : index
        %parallel_loop3A_896 = tpu.vector_load %arg7[%parallel_loop3A_894, %parallel_loop3A_895] {strides = array<i32>} : memref<40x768xf32, #tpu.memory_space<vmem>>, vector<1x16xf32>,
        %parallel_loop3A_897 = vector.shape_cast %parallel_loop3A_896 : vector<1x16xf32> to vector<16xf32>
        %parallel_loop3A_898 = arith.constant 1 : i32
        %parallel_loop3A_899 = arith.index_cast %parallel_loop3A_898 : i32 to index
        %parallel_loop3A_900 = arith.index_cast %parallel_loop3A_585 : i32 to index
        %parallel_loop3A_901 = arith.constant 448 : index
        %parallel_loop3A_902 = tpu.vector_load %arg8[%parallel_loop3A_899, %parallel_loop3A_900, %parallel_loop3A_901] {strides = array<i32>} : memref<3x40x768xf32, #tpu.memory_space<vmem>>, vector<1x1x16xf32>,
        %parallel_loop3A_903 = vector.shape_cast %parallel_loop3A_902 : vector<1x1x16xf32> to vector<16xf32>
        %parallel_loop3A_904 = vector.shape_cast %parallel_loop3A_897 : vector<16xf32> to vector<1x1x16xf32>
        tpu.vector_store %arg8[%parallel_loop3A_899, %parallel_loop3A_900, %parallel_loop3A_901], %parallel_loop3A_904 {add = true, strides = array<i32>} : memref<3x40x768xf32, #tpu.memory_space<vmem>>, vector<1x1x16xf32>,
        %parallel_loop3A_905 = arith.index_cast %parallel_loop3A_585 : i32 to index
        %parallel_loop3A_906 = arith.constant 464 : index
        %parallel_loop3A_907 = tpu.vector_load %arg7[%parallel_loop3A_905, %parallel_loop3A_906] {strides = array<i32>} : memref<40x768xf32, #tpu.memory_space<vmem>>, vector<1x16xf32>,
        %parallel_loop3A_908 = vector.shape_cast %parallel_loop3A_907 : vector<1x16xf32> to vector<16xf32>
        %parallel_loop3A_909 = arith.constant 1 : i32
        %parallel_loop3A_910 = arith.index_cast %parallel_loop3A_909 : i32 to index
        %parallel_loop3A_911 = arith.index_cast %parallel_loop3A_585 : i32 to index
        %parallel_loop3A_912 = arith.constant 464 : index
        %parallel_loop3A_913 = tpu.vector_load %arg8[%parallel_loop3A_910, %parallel_loop3A_911, %parallel_loop3A_912] {strides = array<i32>} : memref<3x40x768xf32, #tpu.memory_space<vmem>>, vector<1x1x16xf32>,
        %parallel_loop3A_914 = vector.shape_cast %parallel_loop3A_913 : vector<1x1x16xf32> to vector<16xf32>
        %parallel_loop3A_915 = vector.shape_cast %parallel_loop3A_908 : vector<16xf32> to vector<1x1x16xf32>
        tpu.vector_store %arg8[%parallel_loop3A_910, %parallel_loop3A_911, %parallel_loop3A_912], %parallel_loop3A_915 {add = true, strides = array<i32>} : memref<3x40x768xf32, #tpu.memory_space<vmem>>, vector<1x1x16xf32>,
        %parallel_loop3A_916 = arith.index_cast %parallel_loop3A_585 : i32 to index
        %parallel_loop3A_917 = arith.constant 480 : index
        %parallel_loop3A_918 = tpu.vector_load %arg7[%parallel_loop3A_916, %parallel_loop3A_917] {strides = array<i32>} : memref<40x768xf32, #tpu.memory_space<vmem>>, vector<1x16xf32>,
        %parallel_loop3A_919 = vector.shape_cast %parallel_loop3A_918 : vector<1x16xf32> to vector<16xf32>
        %parallel_loop3A_920 = arith.constant 1 : i32
        %parallel_loop3A_921 = arith.index_cast %parallel_loop3A_920 : i32 to index
        %parallel_loop3A_922 = arith.index_cast %parallel_loop3A_585 : i32 to index
        %parallel_loop3A_923 = arith.constant 480 : index
        %parallel_loop3A_924 = tpu.vector_load %arg8[%parallel_loop3A_921, %parallel_loop3A_922, %parallel_loop3A_923] {strides = array<i32>} : memref<3x40x768xf32, #tpu.memory_space<vmem>>, vector<1x1x16xf32>,
        %parallel_loop3A_925 = vector.shape_cast %parallel_loop3A_924 : vector<1x1x16xf32> to vector<16xf32>
        %parallel_loop3A_926 = vector.shape_cast %parallel_loop3A_919 : vector<16xf32> to vector<1x1x16xf32>
        tpu.vector_store %arg8[%parallel_loop3A_921, %parallel_loop3A_922, %parallel_loop3A_923], %parallel_loop3A_926 {add = true, strides = array<i32>} : memref<3x40x768xf32, #tpu.memory_space<vmem>>, vector<1x1x16xf32>,
        %parallel_loop3A_927 = arith.index_cast %parallel_loop3A_585 : i32 to index
        %parallel_loop3A_928 = arith.constant 496 : index
        %parallel_loop3A_929 = tpu.vector_load %arg7[%parallel_loop3A_927, %parallel_loop3A_928] {strides = array<i32>} : memref<40x768xf32, #tpu.memory_space<vmem>>, vector<1x16xf32>,
        %parallel_loop3A_930 = vector.shape_cast %parallel_loop3A_929 : vector<1x16xf32> to vector<16xf32>
        %parallel_loop3A_931 = arith.constant 1 : i32
        %parallel_loop3A_932 = arith.index_cast %parallel_loop3A_931 : i32 to index
        %parallel_loop3A_933 = arith.index_cast %parallel_loop3A_585 : i32 to index
        %parallel_loop3A_934 = arith.constant 496 : index
        %parallel_loop3A_935 = tpu.vector_load %arg8[%parallel_loop3A_932, %parallel_loop3A_933, %parallel_loop3A_934] {strides = array<i32>} : memref<3x40x768xf32, #tpu.memory_space<vmem>>, vector<1x1x16xf32>,
        %parallel_loop3A_936 = vector.shape_cast %parallel_loop3A_935 : vector<1x1x16xf32> to vector<16xf32>
        %parallel_loop3A_937 = vector.shape_cast %parallel_loop3A_930 : vector<16xf32> to vector<1x1x16xf32>
        tpu.vector_store %arg8[%parallel_loop3A_932, %parallel_loop3A_933, %parallel_loop3A_934], %parallel_loop3A_937 {add = true, strides = array<i32>} : memref<3x40x768xf32, #tpu.memory_space<vmem>>, vector<1x1x16xf32>,
        %parallel_loop3A_938 = arith.index_cast %parallel_loop3A_585 : i32 to index
        %parallel_loop3A_939 = arith.constant 512 : index
        %parallel_loop3A_940 = tpu.vector_load %arg7[%parallel_loop3A_938, %parallel_loop3A_939] {strides = array<i32>} : memref<40x768xf32, #tpu.memory_space<vmem>>, vector<1x16xf32>,
        %parallel_loop3A_941 = vector.shape_cast %parallel_loop3A_940 : vector<1x16xf32> to vector<16xf32>
        %parallel_loop3A_942 = arith.constant 1 : i32
        %parallel_loop3A_943 = arith.index_cast %parallel_loop3A_942 : i32 to index
        %parallel_loop3A_944 = arith.index_cast %parallel_loop3A_585 : i32 to index
        %parallel_loop3A_945 = arith.constant 512 : index
        %parallel_loop3A_946 = tpu.vector_load %arg8[%parallel_loop3A_943, %parallel_loop3A_944, %parallel_loop3A_945] {strides = array<i32>} : memref<3x40x768xf32, #tpu.memory_space<vmem>>, vector<1x1x16xf32>,
        %parallel_loop3A_947 = vector.shape_cast %parallel_loop3A_946 : vector<1x1x16xf32> to vector<16xf32>
        %parallel_loop3A_948 = vector.shape_cast %parallel_loop3A_941 : vector<16xf32> to vector<1x1x16xf32>
        tpu.vector_store %arg8[%parallel_loop3A_943, %parallel_loop3A_944, %parallel_loop3A_945], %parallel_loop3A_948 {add = true, strides = array<i32>} : memref<3x40x768xf32, #tpu.memory_space<vmem>>, vector<1x1x16xf32>,
        %parallel_loop3A_949 = arith.index_cast %parallel_loop3A_585 : i32 to index
        %parallel_loop3A_950 = arith.constant 528 : index
        %parallel_loop3A_951 = tpu.vector_load %arg7[%parallel_loop3A_949, %parallel_loop3A_950] {strides = array<i32>} : memref<40x768xf32, #tpu.memory_space<vmem>>, vector<1x16xf32>,
        %parallel_loop3A_952 = vector.shape_cast %parallel_loop3A_951 : vector<1x16xf32> to vector<16xf32>
        %parallel_loop3A_953 = arith.constant 1 : i32
        %parallel_loop3A_954 = arith.index_cast %parallel_loop3A_953 : i32 to index
        %parallel_loop3A_955 = arith.index_cast %parallel_loop3A_585 : i32 to index
        %parallel_loop3A_956 = arith.constant 528 : index
        %parallel_loop3A_957 = tpu.vector_load %arg8[%parallel_loop3A_954, %parallel_loop3A_955, %parallel_loop3A_956] {strides = array<i32>} : memref<3x40x768xf32, #tpu.memory_space<vmem>>, vector<1x1x16xf32>,
        %parallel_loop3A_958 = vector.shape_cast %parallel_loop3A_957 : vector<1x1x16xf32> to vector<16xf32>
        %parallel_loop3A_959 = vector.shape_cast %parallel_loop3A_952 : vector<16xf32> to vector<1x1x16xf32>
        tpu.vector_store %arg8[%parallel_loop3A_954, %parallel_loop3A_955, %parallel_loop3A_956], %parallel_loop3A_959 {add = true, strides = array<i32>} : memref<3x40x768xf32, #tpu.memory_space<vmem>>, vector<1x1x16xf32>,
        %parallel_loop3A_960 = arith.index_cast %parallel_loop3A_585 : i32 to index
        %parallel_loop3A_961 = arith.constant 544 : index
        %parallel_loop3A_962 = tpu.vector_load %arg7[%parallel_loop3A_960, %parallel_loop3A_961] {strides = array<i32>} : memref<40x768xf32, #tpu.memory_space<vmem>>, vector<1x16xf32>,
        %parallel_loop3A_963 = vector.shape_cast %parallel_loop3A_962 : vector<1x16xf32> to vector<16xf32>
        %parallel_loop3A_964 = arith.constant 1 : i32
        %parallel_loop3A_965 = arith.index_cast %parallel_loop3A_964 : i32 to index
        %parallel_loop3A_966 = arith.index_cast %parallel_loop3A_585 : i32 to index
        %parallel_loop3A_967 = arith.constant 544 : index
        %parallel_loop3A_968 = tpu.vector_load %arg8[%parallel_loop3A_965, %parallel_loop3A_966, %parallel_loop3A_967] {strides = array<i32>} : memref<3x40x768xf32, #tpu.memory_space<vmem>>, vector<1x1x16xf32>,
        %parallel_loop3A_969 = vector.shape_cast %parallel_loop3A_968 : vector<1x1x16xf32> to vector<16xf32>
        %parallel_loop3A_970 = vector.shape_cast %parallel_loop3A_963 : vector<16xf32> to vector<1x1x16xf32>
        tpu.vector_store %arg8[%parallel_loop3A_965, %parallel_loop3A_966, %parallel_loop3A_967], %parallel_loop3A_970 {add = true, strides = array<i32>} : memref<3x40x768xf32, #tpu.memory_space<vmem>>, vector<1x1x16xf32>,
        %parallel_loop3A_971 = arith.index_cast %parallel_loop3A_585 : i32 to index
        %parallel_loop3A_972 = arith.constant 560 : index
        %parallel_loop3A_973 = tpu.vector_load %arg7[%parallel_loop3A_971, %parallel_loop3A_972] {strides = array<i32>} : memref<40x768xf32, #tpu.memory_space<vmem>>, vector<1x16xf32>,
        %parallel_loop3A_974 = vector.shape_cast %parallel_loop3A_973 : vector<1x16xf32> to vector<16xf32>
        %parallel_loop3A_975 = arith.constant 1 : i32
        %parallel_loop3A_976 = arith.index_cast %parallel_loop3A_975 : i32 to index
        %parallel_loop3A_977 = arith.index_cast %parallel_loop3A_585 : i32 to index
        %parallel_loop3A_978 = arith.constant 560 : index
        %parallel_loop3A_979 = tpu.vector_load %arg8[%parallel_loop3A_976, %parallel_loop3A_977, %parallel_loop3A_978] {strides = array<i32>} : memref<3x40x768xf32, #tpu.memory_space<vmem>>, vector<1x1x16xf32>,
        %parallel_loop3A_980 = vector.shape_cast %parallel_loop3A_979 : vector<1x1x16xf32> to vector<16xf32>
        %parallel_loop3A_981 = vector.shape_cast %parallel_loop3A_974 : vector<16xf32> to vector<1x1x16xf32>
        tpu.vector_store %arg8[%parallel_loop3A_976, %parallel_loop3A_977, %parallel_loop3A_978], %parallel_loop3A_981 {add = true, strides = array<i32>} : memref<3x40x768xf32, #tpu.memory_space<vmem>>, vector<1x1x16xf32>,
        %parallel_loop3A_982 = arith.index_cast %parallel_loop3A_585 : i32 to index
        %parallel_loop3A_983 = arith.constant 576 : index
        %parallel_loop3A_984 = tpu.vector_load %arg7[%parallel_loop3A_982, %parallel_loop3A_983] {strides = array<i32>} : memref<40x768xf32, #tpu.memory_space<vmem>>, vector<1x16xf32>,
        %parallel_loop3A_985 = vector.shape_cast %parallel_loop3A_984 : vector<1x16xf32> to vector<16xf32>
        %parallel_loop3A_986 = arith.constant 1 : i32
        %parallel_loop3A_987 = arith.index_cast %parallel_loop3A_986 : i32 to index
        %parallel_loop3A_988 = arith.index_cast %parallel_loop3A_585 : i32 to index
        %parallel_loop3A_989 = arith.constant 576 : index
        %parallel_loop3A_990 = tpu.vector_load %arg8[%parallel_loop3A_987, %parallel_loop3A_988, %parallel_loop3A_989] {strides = array<i32>} : memref<3x40x768xf32, #tpu.memory_space<vmem>>, vector<1x1x16xf32>,
        %parallel_loop3A_991 = vector.shape_cast %parallel_loop3A_990 : vector<1x1x16xf32> to vector<16xf32>
        %parallel_loop3A_992 = vector.shape_cast %parallel_loop3A_985 : vector<16xf32> to vector<1x1x16xf32>
        tpu.vector_store %arg8[%parallel_loop3A_987, %parallel_loop3A_988, %parallel_loop3A_989], %parallel_loop3A_992 {add = true, strides = array<i32>} : memref<3x40x768xf32, #tpu.memory_space<vmem>>, vector<1x1x16xf32>,
        %parallel_loop3A_993 = arith.index_cast %parallel_loop3A_585 : i32 to index
        %parallel_loop3A_994 = arith.constant 592 : index
        %parallel_loop3A_995 = tpu.vector_load %arg7[%parallel_loop3A_993, %parallel_loop3A_994] {strides = array<i32>} : memref<40x768xf32, #tpu.memory_space<vmem>>, vector<1x16xf32>,
        %parallel_loop3A_996 = vector.shape_cast %parallel_loop3A_995 : vector<1x16xf32> to vector<16xf32>
        %parallel_loop3A_997 = arith.constant 1 : i32
        %parallel_loop3A_998 = arith.index_cast %parallel_loop3A_997 : i32 to index
        %parallel_loop3A_999 = arith.index_cast %parallel_loop3A_585 : i32 to index
        %parallel_loop3A_1000 = arith.constant 592 : index
        %parallel_loop3A_1001 = tpu.vector_load %arg8[%parallel_loop3A_998, %parallel_loop3A_999, %parallel_loop3A_1000] {strides = array<i32>} : memref<3x40x768xf32, #tpu.memory_space<vmem>>, vector<1x1x16xf32>,
        %parallel_loop3A_1002 = vector.shape_cast %parallel_loop3A_1001 : vector<1x1x16xf32> to vector<16xf32>
        %parallel_loop3A_1003 = vector.shape_cast %parallel_loop3A_996 : vector<16xf32> to vector<1x1x16xf32>
        tpu.vector_store %arg8[%parallel_loop3A_998, %parallel_loop3A_999, %parallel_loop3A_1000], %parallel_loop3A_1003 {add = true, strides = array<i32>} : memref<3x40x768xf32, #tpu.memory_space<vmem>>, vector<1x1x16xf32>,
        %parallel_loop3A_1004 = arith.index_cast %parallel_loop3A_585 : i32 to index
        %parallel_loop3A_1005 = arith.constant 608 : index
        %parallel_loop3A_1006 = tpu.vector_load %arg7[%parallel_loop3A_1004, %parallel_loop3A_1005] {strides = array<i32>} : memref<40x768xf32, #tpu.memory_space<vmem>>, vector<1x16xf32>,
        %parallel_loop3A_1007 = vector.shape_cast %parallel_loop3A_1006 : vector<1x16xf32> to vector<16xf32>
        %parallel_loop3A_1008 = arith.constant 1 : i32
        %parallel_loop3A_1009 = arith.index_cast %parallel_loop3A_1008 : i32 to index
        %parallel_loop3A_1010 = arith.index_cast %parallel_loop3A_585 : i32 to index
        %parallel_loop3A_1011 = arith.constant 608 : index
        %parallel_loop3A_1012 = tpu.vector_load %arg8[%parallel_loop3A_1009, %parallel_loop3A_1010, %parallel_loop3A_1011] {strides = array<i32>} : memref<3x40x768xf32, #tpu.memory_space<vmem>>, vector<1x1x16xf32>,
        %parallel_loop3A_1013 = vector.shape_cast %parallel_loop3A_1012 : vector<1x1x16xf32> to vector<16xf32>
        %parallel_loop3A_1014 = vector.shape_cast %parallel_loop3A_1007 : vector<16xf32> to vector<1x1x16xf32>
        tpu.vector_store %arg8[%parallel_loop3A_1009, %parallel_loop3A_1010, %parallel_loop3A_1011], %parallel_loop3A_1014 {add = true, strides = array<i32>} : memref<3x40x768xf32, #tpu.memory_space<vmem>>, vector<1x1x16xf32>,
        %parallel_loop3A_1015 = arith.index_cast %parallel_loop3A_585 : i32 to index
        %parallel_loop3A_1016 = arith.constant 624 : index
        %parallel_loop3A_1017 = tpu.vector_load %arg7[%parallel_loop3A_1015, %parallel_loop3A_1016] {strides = array<i32>} : memref<40x768xf32, #tpu.memory_space<vmem>>, vector<1x16xf32>,
        %parallel_loop3A_1018 = vector.shape_cast %parallel_loop3A_1017 : vector<1x16xf32> to vector<16xf32>
        %parallel_loop3A_1019 = arith.constant 1 : i32
        %parallel_loop3A_1020 = arith.index_cast %parallel_loop3A_1019 : i32 to index
        %parallel_loop3A_1021 = arith.index_cast %parallel_loop3A_585 : i32 to index
        %parallel_loop3A_1022 = arith.constant 624 : index
        %parallel_loop3A_1023 = tpu.vector_load %arg8[%parallel_loop3A_1020, %parallel_loop3A_1021, %parallel_loop3A_1022] {strides = array<i32>} : memref<3x40x768xf32, #tpu.memory_space<vmem>>, vector<1x1x16xf32>,
        %parallel_loop3A_1024 = vector.shape_cast %parallel_loop3A_1023 : vector<1x1x16xf32> to vector<16xf32>
        %parallel_loop3A_1025 = vector.shape_cast %parallel_loop3A_1018 : vector<16xf32> to vector<1x1x16xf32>
        tpu.vector_store %arg8[%parallel_loop3A_1020, %parallel_loop3A_1021, %parallel_loop3A_1022], %parallel_loop3A_1025 {add = true, strides = array<i32>} : memref<3x40x768xf32, #tpu.memory_space<vmem>>, vector<1x1x16xf32>,
        %parallel_loop3A_1026 = arith.index_cast %parallel_loop3A_585 : i32 to index
        %parallel_loop3A_1027 = arith.constant 640 : index
        %parallel_loop3A_1028 = tpu.vector_load %arg7[%parallel_loop3A_1026, %parallel_loop3A_1027] {strides = array<i32>} : memref<40x768xf32, #tpu.memory_space<vmem>>, vector<1x16xf32>,
        %parallel_loop3A_1029 = vector.shape_cast %parallel_loop3A_1028 : vector<1x16xf32> to vector<16xf32>
        %parallel_loop3A_1030 = arith.constant 1 : i32
        %parallel_loop3A_1031 = arith.index_cast %parallel_loop3A_1030 : i32 to index
        %parallel_loop3A_1032 = arith.index_cast %parallel_loop3A_585 : i32 to index
        %parallel_loop3A_1033 = arith.constant 640 : index
        %parallel_loop3A_1034 = tpu.vector_load %arg8[%parallel_loop3A_1031, %parallel_loop3A_1032, %parallel_loop3A_1033] {strides = array<i32>} : memref<3x40x768xf32, #tpu.memory_space<vmem>>, vector<1x1x16xf32>,
        %parallel_loop3A_1035 = vector.shape_cast %parallel_loop3A_1034 : vector<1x1x16xf32> to vector<16xf32>
        %parallel_loop3A_1036 = vector.shape_cast %parallel_loop3A_1029 : vector<16xf32> to vector<1x1x16xf32>
        tpu.vector_store %arg8[%parallel_loop3A_1031, %parallel_loop3A_1032, %parallel_loop3A_1033], %parallel_loop3A_1036 {add = true, strides = array<i32>} : memref<3x40x768xf32, #tpu.memory_space<vmem>>, vector<1x1x16xf32>,
        %parallel_loop3A_1037 = arith.index_cast %parallel_loop3A_585 : i32 to index
        %parallel_loop3A_1038 = arith.constant 656 : index
        %parallel_loop3A_1039 = tpu.vector_load %arg7[%parallel_loop3A_1037, %parallel_loop3A_1038] {strides = array<i32>} : memref<40x768xf32, #tpu.memory_space<vmem>>, vector<1x16xf32>,
        %parallel_loop3A_1040 = vector.shape_cast %parallel_loop3A_1039 : vector<1x16xf32> to vector<16xf32>
        %parallel_loop3A_1041 = arith.constant 1 : i32
        %parallel_loop3A_1042 = arith.index_cast %parallel_loop3A_1041 : i32 to index
        %parallel_loop3A_1043 = arith.index_cast %parallel_loop3A_585 : i32 to index
        %parallel_loop3A_1044 = arith.constant 656 : index
        %parallel_loop3A_1045 = tpu.vector_load %arg8[%parallel_loop3A_1042, %parallel_loop3A_1043, %parallel_loop3A_1044] {strides = array<i32>} : memref<3x40x768xf32, #tpu.memory_space<vmem>>, vector<1x1x16xf32>,
        %parallel_loop3A_1046 = vector.shape_cast %parallel_loop3A_1045 : vector<1x1x16xf32> to vector<16xf32>
        %parallel_loop3A_1047 = vector.shape_cast %parallel_loop3A_1040 : vector<16xf32> to vector<1x1x16xf32>
        tpu.vector_store %arg8[%parallel_loop3A_1042, %parallel_loop3A_1043, %parallel_loop3A_1044], %parallel_loop3A_1047 {add = true, strides = array<i32>} : memref<3x40x768xf32, #tpu.memory_space<vmem>>, vector<1x1x16xf32>,
        %parallel_loop3A_1048 = arith.index_cast %parallel_loop3A_585 : i32 to index
        %parallel_loop3A_1049 = arith.constant 672 : index
        %parallel_loop3A_1050 = tpu.vector_load %arg7[%parallel_loop3A_1048, %parallel_loop3A_1049] {strides = array<i32>} : memref<40x768xf32, #tpu.memory_space<vmem>>, vector<1x16xf32>,
        %parallel_loop3A_1051 = vector.shape_cast %parallel_loop3A_1050 : vector<1x16xf32> to vector<16xf32>
        %parallel_loop3A_1052 = arith.constant 1 : i32
        %parallel_loop3A_1053 = arith.index_cast %parallel_loop3A_1052 : i32 to index
        %parallel_loop3A_1054 = arith.index_cast %parallel_loop3A_585 : i32 to index
        %parallel_loop3A_1055 = arith.constant 672 : index
        %parallel_loop3A_1056 = tpu.vector_load %arg8[%parallel_loop3A_1053, %parallel_loop3A_1054, %parallel_loop3A_1055] {strides = array<i32>} : memref<3x40x768xf32, #tpu.memory_space<vmem>>, vector<1x1x16xf32>,
        %parallel_loop3A_1057 = vector.shape_cast %parallel_loop3A_1056 : vector<1x1x16xf32> to vector<16xf32>
        %parallel_loop3A_1058 = vector.shape_cast %parallel_loop3A_1051 : vector<16xf32> to vector<1x1x16xf32>
        tpu.vector_store %arg8[%parallel_loop3A_1053, %parallel_loop3A_1054, %parallel_loop3A_1055], %parallel_loop3A_1058 {add = true, strides = array<i32>} : memref<3x40x768xf32, #tpu.memory_space<vmem>>, vector<1x1x16xf32>,
        %parallel_loop3A_1059 = arith.index_cast %parallel_loop3A_585 : i32 to index
        %parallel_loop3A_1060 = arith.constant 688 : index
        %parallel_loop3A_1061 = tpu.vector_load %arg7[%parallel_loop3A_1059, %parallel_loop3A_1060] {strides = array<i32>} : memref<40x768xf32, #tpu.memory_space<vmem>>, vector<1x16xf32>,
        %parallel_loop3A_1062 = vector.shape_cast %parallel_loop3A_1061 : vector<1x16xf32> to vector<16xf32>
        %parallel_loop3A_1063 = arith.constant 1 : i32
        %parallel_loop3A_1064 = arith.index_cast %parallel_loop3A_1063 : i32 to index
        %parallel_loop3A_1065 = arith.index_cast %parallel_loop3A_585 : i32 to index
        %parallel_loop3A_1066 = arith.constant 688 : index
        %parallel_loop3A_1067 = tpu.vector_load %arg8[%parallel_loop3A_1064, %parallel_loop3A_1065, %parallel_loop3A_1066] {strides = array<i32>} : memref<3x40x768xf32, #tpu.memory_space<vmem>>, vector<1x1x16xf32>,
        %parallel_loop3A_1068 = vector.shape_cast %parallel_loop3A_1067 : vector<1x1x16xf32> to vector<16xf32>
        %parallel_loop3A_1069 = vector.shape_cast %parallel_loop3A_1062 : vector<16xf32> to vector<1x1x16xf32>
        tpu.vector_store %arg8[%parallel_loop3A_1064, %parallel_loop3A_1065, %parallel_loop3A_1066], %parallel_loop3A_1069 {add = true, strides = array<i32>} : memref<3x40x768xf32, #tpu.memory_space<vmem>>, vector<1x1x16xf32>,
        %parallel_loop3A_1070 = arith.index_cast %parallel_loop3A_585 : i32 to index
        %parallel_loop3A_1071 = arith.constant 704 : index
        %parallel_loop3A_1072 = tpu.vector_load %arg7[%parallel_loop3A_1070, %parallel_loop3A_1071] {strides = array<i32>} : memref<40x768xf32, #tpu.memory_space<vmem>>, vector<1x16xf32>,
        %parallel_loop3A_1073 = vector.shape_cast %parallel_loop3A_1072 : vector<1x16xf32> to vector<16xf32>
        %parallel_loop3A_1074 = arith.constant 1 : i32
        %parallel_loop3A_1075 = arith.index_cast %parallel_loop3A_1074 : i32 to index
        %parallel_loop3A_1076 = arith.index_cast %parallel_loop3A_585 : i32 to index
        %parallel_loop3A_1077 = arith.constant 704 : index
        %parallel_loop3A_1078 = tpu.vector_load %arg8[%parallel_loop3A_1075, %parallel_loop3A_1076, %parallel_loop3A_1077] {strides = array<i32>} : memref<3x40x768xf32, #tpu.memory_space<vmem>>, vector<1x1x16xf32>,
        %parallel_loop3A_1079 = vector.shape_cast %parallel_loop3A_1078 : vector<1x1x16xf32> to vector<16xf32>
        %parallel_loop3A_1080 = vector.shape_cast %parallel_loop3A_1073 : vector<16xf32> to vector<1x1x16xf32>
        tpu.vector_store %arg8[%parallel_loop3A_1075, %parallel_loop3A_1076, %parallel_loop3A_1077], %parallel_loop3A_1080 {add = true, strides = array<i32>} : memref<3x40x768xf32, #tpu.memory_space<vmem>>, vector<1x1x16xf32>,
        %parallel_loop3A_1081 = arith.index_cast %parallel_loop3A_585 : i32 to index
        %parallel_loop3A_1082 = arith.constant 720 : index
        %parallel_loop3A_1083 = tpu.vector_load %arg7[%parallel_loop3A_1081, %parallel_loop3A_1082] {strides = array<i32>} : memref<40x768xf32, #tpu.memory_space<vmem>>, vector<1x16xf32>,
        %parallel_loop3A_1084 = vector.shape_cast %parallel_loop3A_1083 : vector<1x16xf32> to vector<16xf32>
        %parallel_loop3A_1085 = arith.constant 1 : i32
        %parallel_loop3A_1086 = arith.index_cast %parallel_loop3A_1085 : i32 to index
        %parallel_loop3A_1087 = arith.index_cast %parallel_loop3A_585 : i32 to index
        %parallel_loop3A_1088 = arith.constant 720 : index
        %parallel_loop3A_1089 = tpu.vector_load %arg8[%parallel_loop3A_1086, %parallel_loop3A_1087, %parallel_loop3A_1088] {strides = array<i32>} : memref<3x40x768xf32, #tpu.memory_space<vmem>>, vector<1x1x16xf32>,
        %parallel_loop3A_1090 = vector.shape_cast %parallel_loop3A_1089 : vector<1x1x16xf32> to vector<16xf32>
        %parallel_loop3A_1091 = vector.shape_cast %parallel_loop3A_1084 : vector<16xf32> to vector<1x1x16xf32>
        tpu.vector_store %arg8[%parallel_loop3A_1086, %parallel_loop3A_1087, %parallel_loop3A_1088], %parallel_loop3A_1091 {add = true, strides = array<i32>} : memref<3x40x768xf32, #tpu.memory_space<vmem>>, vector<1x1x16xf32>,
        %parallel_loop3A_1092 = arith.index_cast %parallel_loop3A_585 : i32 to index
        %parallel_loop3A_1093 = arith.constant 736 : index
        %parallel_loop3A_1094 = tpu.vector_load %arg7[%parallel_loop3A_1092, %parallel_loop3A_1093] {strides = array<i32>} : memref<40x768xf32, #tpu.memory_space<vmem>>, vector<1x16xf32>,
        %parallel_loop3A_1095 = vector.shape_cast %parallel_loop3A_1094 : vector<1x16xf32> to vector<16xf32>
        %parallel_loop3A_1096 = arith.constant 1 : i32
        %parallel_loop3A_1097 = arith.index_cast %parallel_loop3A_1096 : i32 to index
        %parallel_loop3A_1098 = arith.index_cast %parallel_loop3A_585 : i32 to index
        %parallel_loop3A_1099 = arith.constant 736 : index
        %parallel_loop3A_1100 = tpu.vector_load %arg8[%parallel_loop3A_1097, %parallel_loop3A_1098, %parallel_loop3A_1099] {strides = array<i32>} : memref<3x40x768xf32, #tpu.memory_space<vmem>>, vector<1x1x16xf32>,
        %parallel_loop3A_1101 = vector.shape_cast %parallel_loop3A_1100 : vector<1x1x16xf32> to vector<16xf32>
        %parallel_loop3A_1102 = vector.shape_cast %parallel_loop3A_1095 : vector<16xf32> to vector<1x1x16xf32>
        tpu.vector_store %arg8[%parallel_loop3A_1097, %parallel_loop3A_1098, %parallel_loop3A_1099], %parallel_loop3A_1102 {add = true, strides = array<i32>} : memref<3x40x768xf32, #tpu.memory_space<vmem>>, vector<1x1x16xf32>,
        %parallel_loop3A_1103 = arith.index_cast %parallel_loop3A_585 : i32 to index
        %parallel_loop3A_1104 = arith.constant 752 : index
        %parallel_loop3A_1105 = tpu.vector_load %arg7[%parallel_loop3A_1103, %parallel_loop3A_1104] {strides = array<i32>} : memref<40x768xf32, #tpu.memory_space<vmem>>, vector<1x16xf32>,
        %parallel_loop3A_1106 = vector.shape_cast %parallel_loop3A_1105 : vector<1x16xf32> to vector<16xf32>
        %parallel_loop3A_1107 = arith.constant 1 : i32
        %parallel_loop3A_1108 = arith.index_cast %parallel_loop3A_1107 : i32 to index
        %parallel_loop3A_1109 = arith.index_cast %parallel_loop3A_585 : i32 to index
        %parallel_loop3A_1110 = arith.constant 752 : index
        %parallel_loop3A_1111 = tpu.vector_load %arg8[%parallel_loop3A_1108, %parallel_loop3A_1109, %parallel_loop3A_1110] {strides = array<i32>} : memref<3x40x768xf32, #tpu.memory_space<vmem>>, vector<1x1x16xf32>,
        %parallel_loop3A_1112 = vector.shape_cast %parallel_loop3A_1111 : vector<1x1x16xf32> to vector<16xf32>
        %parallel_loop3A_1113 = vector.shape_cast %parallel_loop3A_1106 : vector<16xf32> to vector<1x1x16xf32>
        tpu.vector_store %arg8[%parallel_loop3A_1108, %parallel_loop3A_1109, %parallel_loop3A_1110], %parallel_loop3A_1113 {add = true, strides = array<i32>} : memref<3x40x768xf32, #tpu.memory_space<vmem>>, vector<1x1x16xf32>,
      } {sc.loop_unroll_factor = 1 : i64, sc.parallel_access}
      %jit3A_372 = arith.constant 32 : i32
      %div3A_373 = arith.divsi %add3A_282, %jit3A_372 : i32
      %sign3A_374 = arith.constant 0 : i32
      %sign3A_375 = arith.cmpi sgt, %add3A_282, %sign3A_374 : i32
      %sign3A_376 = arith.extui %sign3A_375 : i1 to i32
      %sign3A_377 = arith.constant 0 : i32
      %sign3A_378 = arith.cmpi slt, %add3A_282, %sign3A_377 : i32
      %sign3A_379 = arith.extui %sign3A_378 : i1 to i32
      %sign3A_380 = arith.subi %sign3A_376, %sign3A_379 : i32
      %sign3A_381 = arith.constant 0 : i32
      %sign3A_382 = arith.cmpi sgt, %jit3A_372, %sign3A_381 : i32
      %sign3A_383 = arith.extui %sign3A_382 : i1 to i32
      %sign3A_384 = arith.constant 0 : i32
      %sign3A_385 = arith.cmpi slt, %jit3A_372, %sign3A_384 : i32
      %sign3A_386 = arith.extui %sign3A_385 : i1 to i32
      %sign3A_387 = arith.subi %sign3A_383, %sign3A_386 : i32
      %ne3A_388 = arith.cmpi ne, %sign3A_380, %sign3A_387 : i32
      %rem3A_389 = arith.remsi %add3A_282, %jit3A_372 : i32
      %ne3A_390 = arith.constant 0 : i32
      %ne3A_391 = arith.cmpi ne, %rem3A_389, %ne3A_390 : i32
      %and3A_392 = arith.andi %ne3A_388, %ne3A_391 : i1
      %sub3A_393 = arith.constant 1 : i32
      %sub3A_394 = arith.subi %div3A_373, %sub3A_393 : i32
      %select_n3A_395 = arith.select %and3A_392, %sub3A_394, %div3A_373 : i32
      %mul3A_396 = arith.constant 32 : i32
      %mul3A_397 = arith.muli %select_n3A_395, %mul3A_396 : i32
      %sub3A_398 = arith.subi %add3A_282, %mul3A_397 : i32
      %mul3A_399 = arith.constant 200 : i32
      %mul3A_400 = arith.muli %sub3A_398, %mul3A_399 : i32
      %mul3A_401 = arith.constant 40 : i32
      %mul3A_402 = arith.muli %select_n3A_395, %mul3A_401 : i32
      %add3A_403 = arith.addi %mul3A_400, %mul3A_402 : i32
      %add3A_404 = arith.addi %mul3A_2, %add3A_403 : i32
      %dma_start3A_405 = arith.constant 1 : i32
      %dma_start3A_406 = arith.constant 1 : i32
      %dma_start3A_407 = arith.constant 0 : i32
      %dma_start3A_408 = arith.constant 0 : i32
      %dma_start3A_409 = tpu.memref_slice %arg8[%dma_start3A_405, %dma_start3A_407, %dma_start3A_408] : memref<3x40x768xf32, #tpu.memory_space<vmem>> -> memref<1x40x768xf32, #tpu.memory_space<vmem>>
      %dma_start3A_410 = tpu.memref_squeeze %dma_start3A_409 : memref<1x40x768xf32, #tpu.memory_space<vmem>> -> memref<40x768xf32, #tpu.memory_space<vmem>>
      %dma_start3A_411 = arith.constant 0 : i32
      %dma_start3A_412 = tpu.memref_slice %arg5[%add3A_404, %dma_start3A_411] : memref<204800x768xf32, #tpu.memory_space<hbm>> -> memref<40x768xf32, #tpu.memory_space<hbm>>
      %dma_start3A_413 = tpu.memref_slice %arg10[%dma_start3A_406] : memref<3x!tpu.dma_semaphore, #tpu.memory_space<semaphore_mem>> -> memref<1x!tpu.dma_semaphore, #tpu.memory_space<semaphore_mem>>
      %dma_start3A_414 = tpu.memref_squeeze %dma_start3A_413 : memref<1x!tpu.dma_semaphore, #tpu.memory_space<semaphore_mem>> -> memref<!tpu.dma_semaphore, #tpu.memory_space<semaphore_mem>>
      %dma_start3A_415 = arith.constant 0 : i32
      %dma_start3A_416 = tpu.memref_slice %arg5[%add3A_404, %dma_start3A_415] : memref<204800x768xf32, #tpu.memory_space<hbm>> -> memref<40x768xf32, #tpu.memory_space<hbm>>
      %dma_start3A_417 = arith.constant 0 : i32
      %dma_start3A_418 = arith.constant 0 : i32
      %dma_start3A_419 = tpu.memref_slice %arg8[%dma_start3A_405, %dma_start3A_417, %dma_start3A_418] : memref<3x40x768xf32, #tpu.memory_space<vmem>> -> memref<1x40x768xf32, #tpu.memory_space<vmem>>
      %dma_start3A_420 = tpu.memref_squeeze %dma_start3A_419 : memref<1x40x768xf32, #tpu.memory_space<vmem>> -> memref<40x768xf32, #tpu.memory_space<vmem>>
      tpu.enqueue_dma source(%dma_start3A_420 : memref<40x768xf32, #tpu.memory_space<vmem>>) target(%dma_start3A_416 : memref<40x768xf32, #tpu.memory_space<hbm>>) target_semaphore(%dma_start3A_414 : memref<!tpu.dma_semaphore, #tpu.memory_space<semaphore_mem>>)
      %add3A_421 = arith.constant 3 : i32
      %add3A_422 = arith.addi %add3A_282, %add3A_421 : i32
      %sub3A_423 = arith.constant 1 : i32
      %sub3A_424 = arith.subi %add3A_422, %sub3A_423 : i32
      %ge3A_425 = arith.constant 1 : i32
      %ge3A_426 = arith.cmpi sge, %add3A_282, %ge3A_425 : i32
      %lt3A_427 = arith.constant 160 : i32
      %lt3A_428 = arith.cmpi slt, %sub3A_424, %lt3A_427 : i32
      %and3A_429 = arith.andi %ge3A_426, %lt3A_428 : i1
      %convert_element_type3A_430 = arith.extui %and3A_429 : i1 to i32
      %cond3A_431 = arith.constant 0 : i32
      %cond3A_432 = arith.cmpi ne, %convert_element_type3A_430, %cond3A_431 : i32
      scf.if %cond3A_432 {
        %sub3A_585 = arith.constant 1 : i32
        %sub3A_586 = arith.subi %add3A_282, %sub3A_585 : i32
        %jit3A_587 = arith.constant 32 : i32
        %div3A_588 = arith.divsi %sub3A_586, %jit3A_587 : i32
        %sign3A_589 = arith.constant 0 : i32
        %sign3A_590 = arith.cmpi sgt, %sub3A_586, %sign3A_589 : i32
        %sign3A_591 = arith.extui %sign3A_590 : i1 to i32
        %sign3A_592 = arith.constant 0 : i32
        %sign3A_593 = arith.cmpi slt, %sub3A_586, %sign3A_592 : i32
        %sign3A_594 = arith.extui %sign3A_593 : i1 to i32
        %sign3A_595 = arith.subi %sign3A_591, %sign3A_594 : i32
        %sign3A_596 = arith.constant 0 : i32
        %sign3A_597 = arith.cmpi sgt, %jit3A_587, %sign3A_596 : i32
        %sign3A_598 = arith.extui %sign3A_597 : i1 to i32
        %sign3A_599 = arith.constant 0 : i32
        %sign3A_600 = arith.cmpi slt, %jit3A_587, %sign3A_599 : i32
        %sign3A_601 = arith.extui %sign3A_600 : i1 to i32
        %sign3A_602 = arith.subi %sign3A_598, %sign3A_601 : i32
        %ne3A_603 = arith.cmpi ne, %sign3A_595, %sign3A_602 : i32
        %rem3A_604 = arith.remsi %sub3A_586, %jit3A_587 : i32
        %ne3A_605 = arith.constant 0 : i32
        %ne3A_606 = arith.cmpi ne, %rem3A_604, %ne3A_605 : i32
        %and3A_607 = arith.andi %ne3A_603, %ne3A_606 : i1
        %sub3A_608 = arith.constant 1 : i32
        %sub3A_609 = arith.subi %div3A_588, %sub3A_608 : i32
        %select_n3A_610 = arith.select %and3A_607, %sub3A_609, %div3A_588 : i32
        %mul3A_611 = arith.constant 32 : i32
        %mul3A_612 = arith.muli %select_n3A_610, %mul3A_611 : i32
        %sub3A_613 = arith.subi %sub3A_586, %mul3A_612 : i32
        %mul3A_614 = arith.constant 200 : i32
        %mul3A_615 = arith.muli %sub3A_613, %mul3A_614 : i32
        %mul3A_616 = arith.constant 40 : i32
        %mul3A_617 = arith.muli %select_n3A_610, %mul3A_616 : i32
        %add3A_618 = arith.addi %mul3A_615, %mul3A_617 : i32
        %add3A_619 = arith.addi %mul3A_2, %add3A_618 : i32
        %dma_wait3A_620 = arith.constant 0 : i32
        %dma_wait3A_621 = arith.constant 0 : i32
        %dma_wait3A_622 = arith.constant 0 : i32
        %dma_wait3A_623 = arith.constant 0 : i32
        %dma_wait3A_624 = tpu.memref_slice %arg8[%dma_wait3A_620, %dma_wait3A_622, %dma_wait3A_623] : memref<3x40x768xf32, #tpu.memory_space<vmem>> -> memref<1x40x768xf32, #tpu.memory_space<vmem>>
        %dma_wait3A_625 = tpu.memref_squeeze %dma_wait3A_624 : memref<1x40x768xf32, #tpu.memory_space<vmem>> -> memref<40x768xf32, #tpu.memory_space<vmem>>
        %dma_wait3A_626 = arith.constant 0 : i32
        %dma_wait3A_627 = tpu.memref_slice %arg5[%add3A_619, %dma_wait3A_626] : memref<204800x768xf32, #tpu.memory_space<hbm>> -> memref<40x768xf32, #tpu.memory_space<hbm>>
        %dma_wait3A_628 = tpu.memref_slice %arg10[%dma_wait3A_621] : memref<3x!tpu.dma_semaphore, #tpu.memory_space<semaphore_mem>> -> memref<1x!tpu.dma_semaphore, #tpu.memory_space<semaphore_mem>>
        %dma_wait3A_629 = tpu.memref_squeeze %dma_wait3A_628 : memref<1x!tpu.dma_semaphore, #tpu.memory_space<semaphore_mem>> -> memref<!tpu.dma_semaphore, #tpu.memory_space<semaphore_mem>>
        %dma_wait3A_630 = arith.constant 0 : i32
        %dma_wait3A_631 = tpu.memref_slice %arg5[%add3A_619, %dma_wait3A_630] : memref<204800x768xf32, #tpu.memory_space<hbm>> -> memref<40x768xf32, #tpu.memory_space<hbm>>
        %dma_wait3A_632 = arith.constant 0 : i32
        %dma_wait3A_633 = arith.constant 0 : i32
        %dma_wait3A_634 = tpu.memref_slice %arg8[%dma_wait3A_620, %dma_wait3A_632, %dma_wait3A_633] : memref<3x40x768xf32, #tpu.memory_space<vmem>> -> memref<1x40x768xf32, #tpu.memory_space<vmem>>
        %dma_wait3A_635 = tpu.memref_squeeze %dma_wait3A_634 : memref<1x40x768xf32, #tpu.memory_space<vmem>> -> memref<40x768xf32, #tpu.memory_space<vmem>>
        tpu.wait_dma2 semaphore(%dma_wait3A_629 : memref<!tpu.dma_semaphore, #tpu.memory_space<semaphore_mem>>) src(%dma_wait3A_635 : memref<40x768xf32, #tpu.memory_space<vmem>>) dst(%dma_wait3A_631 : memref<40x768xf32, #tpu.memory_space<hbm>>)
        %jit3A_636 = arith.constant 32 : i32
        %div3A_637 = arith.divsi %sub3A_424, %jit3A_636 : i32
        %sign3A_638 = arith.constant 0 : i32
        %sign3A_639 = arith.cmpi sgt, %sub3A_424, %sign3A_638 : i32
        %sign3A_640 = arith.extui %sign3A_639 : i1 to i32
        %sign3A_641 = arith.constant 0 : i32
        %sign3A_642 = arith.cmpi slt, %sub3A_424, %sign3A_641 : i32
        %sign3A_643 = arith.extui %sign3A_642 : i1 to i32
        %sign3A_644 = arith.subi %sign3A_640, %sign3A_643 : i32
        %sign3A_645 = arith.constant 0 : i32
        %sign3A_646 = arith.cmpi sgt, %jit3A_636, %sign3A_645 : i32
        %sign3A_647 = arith.extui %sign3A_646 : i1 to i32
        %sign3A_648 = arith.constant 0 : i32
        %sign3A_649 = arith.cmpi slt, %jit3A_636, %sign3A_648 : i32
        %sign3A_650 = arith.extui %sign3A_649 : i1 to i32
        %sign3A_651 = arith.subi %sign3A_647, %sign3A_650 : i32
        %ne3A_652 = arith.cmpi ne, %sign3A_644, %sign3A_651 : i32
        %rem3A_653 = arith.remsi %sub3A_424, %jit3A_636 : i32
        %ne3A_654 = arith.constant 0 : i32
        %ne3A_655 = arith.cmpi ne, %rem3A_653, %ne3A_654 : i32
        %and3A_656 = arith.andi %ne3A_652, %ne3A_655 : i1
        %sub3A_657 = arith.constant 1 : i32
        %sub3A_658 = arith.subi %div3A_637, %sub3A_657 : i32
        %select_n3A_659 = arith.select %and3A_656, %sub3A_658, %div3A_637 : i32
        %mul3A_660 = arith.constant 32 : i32
        %mul3A_661 = arith.muli %select_n3A_659, %mul3A_660 : i32
        %sub3A_662 = arith.subi %sub3A_424, %mul3A_661 : i32
        %mul3A_663 = arith.constant 200 : i32
        %mul3A_664 = arith.muli %sub3A_662, %mul3A_663 : i32
        %mul3A_665 = arith.constant 40 : i32
        %mul3A_666 = arith.muli %select_n3A_659, %mul3A_665 : i32
        %add3A_667 = arith.addi %mul3A_664, %mul3A_666 : i32
        %dma_start3A_668 = arith.constant 0 : i32
        %dma_start3A_669 = arith.constant 0 : i32
        %dma_start3A_670 = arith.constant 0 : i32
        %dma_start3A_671 = arith.constant 0 : i32
        %dma_start3A_672 = tpu.memref_slice %arg8[%dma_start3A_668, %dma_start3A_670, %dma_start3A_671] : memref<3x40x768xf32, #tpu.memory_space<vmem>> -> memref<1x40x768xf32, #tpu.memory_space<vmem>>
        %dma_start3A_673 = tpu.memref_squeeze %dma_start3A_672 : memref<1x40x768xf32, #tpu.memory_space<vmem>> -> memref<40x768xf32, #tpu.memory_space<vmem>>
        %dma_start3A_674 = tpu.memref_slice %arg6[%add3A_667] : memref<6400xi32, #tpu.memory_space<vmem>> -> memref<40xi32, #tpu.memory_space<vmem>>
        %dma_start3A_675 = arith.constant 0 : i32
        %dma_start3A_676 = arith.constant 0 : i32
        %dma_start3A_677 = tpu.memref_slice %arg3[%dma_start3A_675, %dma_start3A_676] : memref<100000x768xf32, #tpu.memory_space<hbm>> -> memref<100000x768xf32, #tpu.memory_space<hbm>>
        %dma_start3A_678 = tpu.memref_slice %arg9[%dma_start3A_669] : memref<3x!tpu.dma_semaphore, #tpu.memory_space<semaphore_mem>> -> memref<1x!tpu.dma_semaphore, #tpu.memory_space<semaphore_mem>>
        %dma_start3A_679 = tpu.memref_squeeze %dma_start3A_678 : memref<1x!tpu.dma_semaphore, #tpu.memory_space<semaphore_mem>> -> memref<!tpu.dma_semaphore, #tpu.memory_space<semaphore_mem>>
        tpu.enqueue_indirect_dma source(%dma_start3A_677 : memref<100000x768xf32, #tpu.memory_space<hbm>>) target(%dma_start3A_673 : memref<40x768xf32, #tpu.memory_space<vmem>>) offsets(%dma_start3A_674 : memref<40xi32, #tpu.memory_space<vmem>>) semaphore(%dma_start3A_679 : memref<!tpu.dma_semaphore, #tpu.memory_space<semaphore_mem>>)
      } else {
      }
      %add3A_433 = arith.constant 2 : i32
      %add3A_434 = arith.addi %add3A_138, %add3A_433 : i32
      %jit3A_435 = arith.constant 32 : i32
      %eq3A_436 = arith.constant 0 : i32
      %eq3A_437 = arith.cmpi eq, %jit3A_435, %eq3A_436 : i32
      %jit3A_438 = arith.constant 1 : i32
      %select_n3A_439 = arith.select %eq3A_437, %jit3A_438, %jit3A_435 : i32
      %rem3A_440 = arith.remsi %add3A_434, %select_n3A_439 : i32
      %ne3A_441 = arith.constant 0 : i32
      %ne3A_442 = arith.cmpi ne, %rem3A_440, %ne3A_441 : i32
      %lt3A_443 = arith.constant 0 : i32
      %lt3A_444 = arith.cmpi slt, %rem3A_440, %lt3A_443 : i32
      %lt3A_445 = arith.constant 0 : i32
      %lt3A_446 = arith.cmpi slt, %select_n3A_439, %lt3A_445 : i32
      %ne3A_447 = arith.xori %lt3A_444, %lt3A_446 : i1
      %and3A_448 = arith.andi %ne3A_447, %ne3A_442 : i1
      %add3A_449 = arith.addi %rem3A_440, %select_n3A_439 : i32
      %select_n3A_450 = arith.select %and3A_448, %add3A_449, %rem3A_440 : i32
      %eq3A_451 = arith.constant 0 : i32
      %eq3A_452 = arith.cmpi eq, %select_n3A_450, %eq3A_451 : i32
      %convert_element_type3A_453 = arith.extui %eq3A_452 : i1 to i32
      %cond3A_454 = arith.constant 0 : i32
      %cond3A_455 = arith.cmpi ne, %convert_element_type3A_453, %cond3A_454 : i32
      scf.if %cond3A_455 {
        %jit3A_585 = arith.constant 32 : i32
        %div3A_586 = arith.divsi %add3A_434, %jit3A_585 : i32
        %sign3A_587 = arith.constant 0 : i32
        %sign3A_588 = arith.cmpi sgt, %add3A_434, %sign3A_587 : i32
        %sign3A_589 = arith.extui %sign3A_588 : i1 to i32
        %sign3A_590 = arith.constant 0 : i32
        %sign3A_591 = arith.cmpi slt, %add3A_434, %sign3A_590 : i32
        %sign3A_592 = arith.extui %sign3A_591 : i1 to i32
        %sign3A_593 = arith.subi %sign3A_589, %sign3A_592 : i32
        %sign3A_594 = arith.constant 0 : i32
        %sign3A_595 = arith.cmpi sgt, %jit3A_585, %sign3A_594 : i32
        %sign3A_596 = arith.extui %sign3A_595 : i1 to i32
        %sign3A_597 = arith.constant 0 : i32
        %sign3A_598 = arith.cmpi slt, %jit3A_585, %sign3A_597 : i32
        %sign3A_599 = arith.extui %sign3A_598 : i1 to i32
        %sign3A_600 = arith.subi %sign3A_596, %sign3A_599 : i32
        %ne3A_601 = arith.cmpi ne, %sign3A_593, %sign3A_600 : i32
        %rem3A_602 = arith.remsi %add3A_434, %jit3A_585 : i32
        %ne3A_603 = arith.constant 0 : i32
        %ne3A_604 = arith.cmpi ne, %rem3A_602, %ne3A_603 : i32
        %and3A_605 = arith.andi %ne3A_601, %ne3A_604 : i1
        %sub3A_606 = arith.constant 1 : i32
        %sub3A_607 = arith.subi %div3A_586, %sub3A_606 : i32
        %select_n3A_608 = arith.select %and3A_605, %sub3A_607, %div3A_586 : i32
        %mul3A_609 = arith.constant 40 : i32
        %mul3A_610 = arith.muli %select_n3A_608, %mul3A_609 : i32
        %dma_start3A_611 = arith.constant 0 : i32
        %dma_start3A_612 = tpu.memref_slice %arg4[%mul3A_610, %dma_start3A_611] : memref<200x768xf32, #tpu.memory_space<hbm>> -> memref<40x768xf32, #tpu.memory_space<hbm>>
        %dma_start3A_613 = arith.constant 0 : i32
        %dma_start3A_614 = tpu.memref_slice %arg4[%mul3A_610, %dma_start3A_613] : memref<200x768xf32, #tpu.memory_space<hbm>> -> memref<40x768xf32, #tpu.memory_space<hbm>>
        tpu.enqueue_dma source(%dma_start3A_614 : memref<40x768xf32, #tpu.memory_space<hbm>>) target(%arg7 : memref<40x768xf32, #tpu.memory_space<vmem>>) target_semaphore(%arg11 : memref<!tpu.dma_semaphore, #tpu.memory_space<semaphore_mem>>)
      } else {
      }
      %jit3A_456 = arith.constant 32 : i32
      %div3A_457 = arith.divsi %add3A_434, %jit3A_456 : i32
      %sign3A_458 = arith.constant 0 : i32
      %sign3A_459 = arith.cmpi sgt, %add3A_434, %sign3A_458 : i32
      %sign3A_460 = arith.extui %sign3A_459 : i1 to i32
      %sign3A_461 = arith.constant 0 : i32
      %sign3A_462 = arith.cmpi slt, %add3A_434, %sign3A_461 : i32
      %sign3A_463 = arith.extui %sign3A_462 : i1 to i32
      %sign3A_464 = arith.subi %sign3A_460, %sign3A_463 : i32
      %sign3A_465 = arith.constant 0 : i32
      %sign3A_466 = arith.cmpi sgt, %jit3A_456, %sign3A_465 : i32
      %sign3A_467 = arith.extui %sign3A_466 : i1 to i32
      %sign3A_468 = arith.constant 0 : i32
      %sign3A_469 = arith.cmpi slt, %jit3A_456, %sign3A_468 : i32
      %sign3A_470 = arith.extui %sign3A_469 : i1 to i32
      %sign3A_471 = arith.subi %sign3A_467, %sign3A_470 : i32
      %ne3A_472 = arith.cmpi ne, %sign3A_464, %sign3A_471 : i32
      %rem3A_473 = arith.remsi %add3A_434, %jit3A_456 : i32
      %ne3A_474 = arith.constant 0 : i32
      %ne3A_475 = arith.cmpi ne, %rem3A_473, %ne3A_474 : i32
      %and3A_476 = arith.andi %ne3A_472, %ne3A_475 : i1
      %sub3A_477 = arith.constant 1 : i32
      %sub3A_478 = arith.subi %div3A_457, %sub3A_477 : i32
      %select_n3A_479 = arith.select %and3A_476, %sub3A_478, %div3A_457 : i32
      %mul3A_480 = arith.constant 32 : i32
      %mul3A_481 = arith.muli %select_n3A_479, %mul3A_480 : i32
      %sub3A_482 = arith.subi %add3A_434, %mul3A_481 : i32
      %mul3A_483 = arith.constant 200 : i32
      %mul3A_484 = arith.muli %sub3A_482, %mul3A_483 : i32
      %mul3A_485 = arith.constant 40 : i32
      %mul3A_486 = arith.muli %select_n3A_479, %mul3A_485 : i32
      %add3A_487 = arith.addi %mul3A_484, %mul3A_486 : i32
      %dma_wait3A_488 = arith.constant 2 : i32
      %dma_wait3A_489 = arith.constant 2 : i32
      %dma_wait3A_490 = arith.constant 0 : i32
      %dma_wait3A_491 = arith.constant 0 : i32
      %dma_wait3A_492 = tpu.memref_slice %arg8[%dma_wait3A_488, %dma_wait3A_490, %dma_wait3A_491] : memref<3x40x768xf32, #tpu.memory_space<vmem>> -> memref<1x40x768xf32, #tpu.memory_space<vmem>>
      %dma_wait3A_493 = tpu.memref_squeeze %dma_wait3A_492 : memref<1x40x768xf32, #tpu.memory_space<vmem>> -> memref<40x768xf32, #tpu.memory_space<vmem>>
      %dma_wait3A_494 = tpu.memref_slice %arg6[%add3A_487] : memref<6400xi32, #tpu.memory_space<vmem>> -> memref<40xi32, #tpu.memory_space<vmem>>
      %dma_wait3A_495 = arith.constant 0 : i32
      %dma_wait3A_496 = arith.constant 0 : i32
      %dma_wait3A_497 = tpu.memref_slice %arg3[%dma_wait3A_495, %dma_wait3A_496] : memref<100000x768xf32, #tpu.memory_space<hbm>> -> memref<100000x768xf32, #tpu.memory_space<hbm>>
      %dma_wait3A_498 = tpu.memref_slice %arg9[%dma_wait3A_489] : memref<3x!tpu.dma_semaphore, #tpu.memory_space<semaphore_mem>> -> memref<1x!tpu.dma_semaphore, #tpu.memory_space<semaphore_mem>>
      %dma_wait3A_499 = tpu.memref_squeeze %dma_wait3A_498 : memref<1x!tpu.dma_semaphore, #tpu.memory_space<semaphore_mem>> -> memref<!tpu.dma_semaphore, #tpu.memory_space<semaphore_mem>>
      tpu.wait_indirect_dma semaphore(%dma_wait3A_499 : memref<!tpu.dma_semaphore, #tpu.memory_space<semaphore_mem>>) src(%dma_wait3A_497 : memref<100000x768xf32, #tpu.memory_space<hbm>>) dst(%dma_wait3A_493 : memref<40x768xf32, #tpu.memory_space<vmem>>)
      %jit3A_500 = arith.constant 32 : i32
      %eq3A_501 = arith.constant 0 : i32
      %eq3A_502 = arith.cmpi eq, %jit3A_500, %eq3A_501 : i32
      %jit3A_503 = arith.constant 1 : i32
      %select_n3A_504 = arith.select %eq3A_502, %jit3A_503, %jit3A_500 : i32
      %rem3A_505 = arith.remsi %add3A_434, %select_n3A_504 : i32
      %ne3A_506 = arith.constant 0 : i32
      %ne3A_507 = arith.cmpi ne, %rem3A_505, %ne3A_506 : i32
      %lt3A_508 = arith.constant 0 : i32
      %lt3A_509 = arith.cmpi slt, %rem3A_505, %lt3A_508 : i32
      %lt3A_510 = arith.constant 0 : i32
      %lt3A_511 = arith.cmpi slt, %select_n3A_504, %lt3A_510 : i32
      %ne3A_512 = arith.xori %lt3A_509, %lt3A_511 : i1
      %and3A_513 = arith.andi %ne3A_512, %ne3A_507 : i1
      %add3A_514 = arith.addi %rem3A_505, %select_n3A_504 : i32
      %select_n3A_515 = arith.select %and3A_513, %add3A_514, %rem3A_505 : i32
      %eq3A_516 = arith.constant 0 : i32
      %eq3A_517 = arith.cmpi eq, %select_n3A_515, %eq3A_516 : i32
      %convert_element_type3A_518 = arith.extui %eq3A_517 : i1 to i32
      %cond3A_519 = arith.constant 0 : i32
      %cond3A_520 = arith.cmpi ne, %convert_element_type3A_518, %cond3A_519 : i32
      scf.if %cond3A_520 {
        %jit3A_585 = arith.constant 32 : i32
        %div3A_586 = arith.divsi %add3A_434, %jit3A_585 : i32
        %sign3A_587 = arith.constant 0 : i32
        %sign3A_588 = arith.cmpi sgt, %add3A_434, %sign3A_587 : i32
        %sign3A_589 = arith.extui %sign3A_588 : i1 to i32
        %sign3A_590 = arith.constant 0 : i32
        %sign3A_591 = arith.cmpi slt, %add3A_434, %sign3A_590 : i32
        %sign3A_592 = arith.extui %sign3A_591 : i1 to i32
        %sign3A_593 = arith.subi %sign3A_589, %sign3A_592 : i32
        %sign3A_594 = arith.constant 0 : i32
        %sign3A_595 = arith.cmpi sgt, %jit3A_585, %sign3A_594 : i32
        %sign3A_596 = arith.extui %sign3A_595 : i1 to i32
        %sign3A_597 = arith.constant 0 : i32
        %sign3A_598 = arith.cmpi slt, %jit3A_585, %sign3A_597 : i32
        %sign3A_599 = arith.extui %sign3A_598 : i1 to i32
        %sign3A_600 = arith.subi %sign3A_596, %sign3A_599 : i32
        %ne3A_601 = arith.cmpi ne, %sign3A_593, %sign3A_600 : i32
        %rem3A_602 = arith.remsi %add3A_434, %jit3A_585 : i32
        %ne3A_603 = arith.constant 0 : i32
        %ne3A_604 = arith.cmpi ne, %rem3A_602, %ne3A_603 : i32
        %and3A_605 = arith.andi %ne3A_601, %ne3A_604 : i1
        %sub3A_606 = arith.constant 1 : i32
        %sub3A_607 = arith.subi %div3A_586, %sub3A_606 : i32
        %select_n3A_608 = arith.select %and3A_605, %sub3A_607, %div3A_586 : i32
        %mul3A_609 = arith.constant 40 : i32
        %mul3A_610 = arith.muli %select_n3A_608, %mul3A_609 : i32
        %dma_wait3A_611 = arith.constant 0 : i32
        %dma_wait3A_612 = tpu.memref_slice %arg4[%mul3A_610, %dma_wait3A_611] : memref<200x768xf32, #tpu.memory_space<hbm>> -> memref<40x768xf32, #tpu.memory_space<hbm>>
        %dma_wait3A_613 = arith.constant 0 : i32
        %dma_wait3A_614 = tpu.memref_slice %arg4[%mul3A_610, %dma_wait3A_613] : memref<200x768xf32, #tpu.memory_space<hbm>> -> memref<40x768xf32, #tpu.memory_space<hbm>>
        tpu.wait_dma2 semaphore(%arg11 : memref<!tpu.dma_semaphore, #tpu.memory_space<semaphore_mem>>) src(%dma_wait3A_614 : memref<40x768xf32, #tpu.memory_space<hbm>>) dst(%arg7 : memref<40x768xf32, #tpu.memory_space<vmem>>)
      } else {
      }
      %parallel_loop3A_521 = arith.constant 0 : i32
      %parallel_loop3A_522 = arith.constant 40 : i32
      %parallel_loop3A_523 = arith.constant 1 : i32
      scf.for %parallel_loop3A_585 = %parallel_loop3A_521 to %parallel_loop3A_522 step %parallel_loop3A_523  : i32 {
        %parallel_loop3A_586 = arith.index_cast %parallel_loop3A_585 : i32 to index
        %parallel_loop3A_587 = arith.constant 0 : index
        %parallel_loop3A_588 = tpu.vector_load %arg7[%parallel_loop3A_586, %parallel_loop3A_587] {strides = array<i32>} : memref<40x768xf32, #tpu.memory_space<vmem>>, vector<1x16xf32>,
        %parallel_loop3A_589 = vector.shape_cast %parallel_loop3A_588 : vector<1x16xf32> to vector<16xf32>
        %parallel_loop3A_590 = arith.constant 2 : i32
        %parallel_loop3A_591 = arith.index_cast %parallel_loop3A_590 : i32 to index
        %parallel_loop3A_592 = arith.index_cast %parallel_loop3A_585 : i32 to index
        %parallel_loop3A_593 = arith.constant 0 : index
        %parallel_loop3A_594 = tpu.vector_load %arg8[%parallel_loop3A_591, %parallel_loop3A_592, %parallel_loop3A_593] {strides = array<i32>} : memref<3x40x768xf32, #tpu.memory_space<vmem>>, vector<1x1x16xf32>,
        %parallel_loop3A_595 = vector.shape_cast %parallel_loop3A_594 : vector<1x1x16xf32> to vector<16xf32>
        %parallel_loop3A_596 = vector.shape_cast %parallel_loop3A_589 : vector<16xf32> to vector<1x1x16xf32>
        tpu.vector_store %arg8[%parallel_loop3A_591, %parallel_loop3A_592, %parallel_loop3A_593], %parallel_loop3A_596 {add = true, strides = array<i32>} : memref<3x40x768xf32, #tpu.memory_space<vmem>>, vector<1x1x16xf32>,
        %parallel_loop3A_597 = arith.index_cast %parallel_loop3A_585 : i32 to index
        %parallel_loop3A_598 = arith.constant 16 : index
        %parallel_loop3A_599 = tpu.vector_load %arg7[%parallel_loop3A_597, %parallel_loop3A_598] {strides = array<i32>} : memref<40x768xf32, #tpu.memory_space<vmem>>, vector<1x16xf32>,
        %parallel_loop3A_600 = vector.shape_cast %parallel_loop3A_599 : vector<1x16xf32> to vector<16xf32>
        %parallel_loop3A_601 = arith.constant 2 : i32
        %parallel_loop3A_602 = arith.index_cast %parallel_loop3A_601 : i32 to index
        %parallel_loop3A_603 = arith.index_cast %parallel_loop3A_585 : i32 to index
        %parallel_loop3A_604 = arith.constant 16 : index
        %parallel_loop3A_605 = tpu.vector_load %arg8[%parallel_loop3A_602, %parallel_loop3A_603, %parallel_loop3A_604] {strides = array<i32>} : memref<3x40x768xf32, #tpu.memory_space<vmem>>, vector<1x1x16xf32>,
        %parallel_loop3A_606 = vector.shape_cast %parallel_loop3A_605 : vector<1x1x16xf32> to vector<16xf32>
        %parallel_loop3A_607 = vector.shape_cast %parallel_loop3A_600 : vector<16xf32> to vector<1x1x16xf32>
        tpu.vector_store %arg8[%parallel_loop3A_602, %parallel_loop3A_603, %parallel_loop3A_604], %parallel_loop3A_607 {add = true, strides = array<i32>} : memref<3x40x768xf32, #tpu.memory_space<vmem>>, vector<1x1x16xf32>,
        %parallel_loop3A_608 = arith.index_cast %parallel_loop3A_585 : i32 to index
        %parallel_loop3A_609 = arith.constant 32 : index
        %parallel_loop3A_610 = tpu.vector_load %arg7[%parallel_loop3A_608, %parallel_loop3A_609] {strides = array<i32>} : memref<40x768xf32, #tpu.memory_space<vmem>>, vector<1x16xf32>,
        %parallel_loop3A_611 = vector.shape_cast %parallel_loop3A_610 : vector<1x16xf32> to vector<16xf32>
        %parallel_loop3A_612 = arith.constant 2 : i32
        %parallel_loop3A_613 = arith.index_cast %parallel_loop3A_612 : i32 to index
        %parallel_loop3A_614 = arith.index_cast %parallel_loop3A_585 : i32 to index
        %parallel_loop3A_615 = arith.constant 32 : index
        %parallel_loop3A_616 = tpu.vector_load %arg8[%parallel_loop3A_613, %parallel_loop3A_614, %parallel_loop3A_615] {strides = array<i32>} : memref<3x40x768xf32, #tpu.memory_space<vmem>>, vector<1x1x16xf32>,
        %parallel_loop3A_617 = vector.shape_cast %parallel_loop3A_616 : vector<1x1x16xf32> to vector<16xf32>
        %parallel_loop3A_618 = vector.shape_cast %parallel_loop3A_611 : vector<16xf32> to vector<1x1x16xf32>
        tpu.vector_store %arg8[%parallel_loop3A_613, %parallel_loop3A_614, %parallel_loop3A_615], %parallel_loop3A_618 {add = true, strides = array<i32>} : memref<3x40x768xf32, #tpu.memory_space<vmem>>, vector<1x1x16xf32>,
        %parallel_loop3A_619 = arith.index_cast %parallel_loop3A_585 : i32 to index
        %parallel_loop3A_620 = arith.constant 48 : index
        %parallel_loop3A_621 = tpu.vector_load %arg7[%parallel_loop3A_619, %parallel_loop3A_620] {strides = array<i32>} : memref<40x768xf32, #tpu.memory_space<vmem>>, vector<1x16xf32>,
        %parallel_loop3A_622 = vector.shape_cast %parallel_loop3A_621 : vector<1x16xf32> to vector<16xf32>
        %parallel_loop3A_623 = arith.constant 2 : i32
        %parallel_loop3A_624 = arith.index_cast %parallel_loop3A_623 : i32 to index
        %parallel_loop3A_625 = arith.index_cast %parallel_loop3A_585 : i32 to index
        %parallel_loop3A_626 = arith.constant 48 : index
        %parallel_loop3A_627 = tpu.vector_load %arg8[%parallel_loop3A_624, %parallel_loop3A_625, %parallel_loop3A_626] {strides = array<i32>} : memref<3x40x768xf32, #tpu.memory_space<vmem>>, vector<1x1x16xf32>,
        %parallel_loop3A_628 = vector.shape_cast %parallel_loop3A_627 : vector<1x1x16xf32> to vector<16xf32>
        %parallel_loop3A_629 = vector.shape_cast %parallel_loop3A_622 : vector<16xf32> to vector<1x1x16xf32>
        tpu.vector_store %arg8[%parallel_loop3A_624, %parallel_loop3A_625, %parallel_loop3A_626], %parallel_loop3A_629 {add = true, strides = array<i32>} : memref<3x40x768xf32, #tpu.memory_space<vmem>>, vector<1x1x16xf32>,
        %parallel_loop3A_630 = arith.index_cast %parallel_loop3A_585 : i32 to index
        %parallel_loop3A_631 = arith.constant 64 : index
        %parallel_loop3A_632 = tpu.vector_load %arg7[%parallel_loop3A_630, %parallel_loop3A_631] {strides = array<i32>} : memref<40x768xf32, #tpu.memory_space<vmem>>, vector<1x16xf32>,
        %parallel_loop3A_633 = vector.shape_cast %parallel_loop3A_632 : vector<1x16xf32> to vector<16xf32>
        %parallel_loop3A_634 = arith.constant 2 : i32
        %parallel_loop3A_635 = arith.index_cast %parallel_loop3A_634 : i32 to index
        %parallel_loop3A_636 = arith.index_cast %parallel_loop3A_585 : i32 to index
        %parallel_loop3A_637 = arith.constant 64 : index
        %parallel_loop3A_638 = tpu.vector_load %arg8[%parallel_loop3A_635, %parallel_loop3A_636, %parallel_loop3A_637] {strides = array<i32>} : memref<3x40x768xf32, #tpu.memory_space<vmem>>, vector<1x1x16xf32>,
        %parallel_loop3A_639 = vector.shape_cast %parallel_loop3A_638 : vector<1x1x16xf32> to vector<16xf32>
        %parallel_loop3A_640 = vector.shape_cast %parallel_loop3A_633 : vector<16xf32> to vector<1x1x16xf32>
        tpu.vector_store %arg8[%parallel_loop3A_635, %parallel_loop3A_636, %parallel_loop3A_637], %parallel_loop3A_640 {add = true, strides = array<i32>} : memref<3x40x768xf32, #tpu.memory_space<vmem>>, vector<1x1x16xf32>,
        %parallel_loop3A_641 = arith.index_cast %parallel_loop3A_585 : i32 to index
        %parallel_loop3A_642 = arith.constant 80 : index
        %parallel_loop3A_643 = tpu.vector_load %arg7[%parallel_loop3A_641, %parallel_loop3A_642] {strides = array<i32>} : memref<40x768xf32, #tpu.memory_space<vmem>>, vector<1x16xf32>,
        %parallel_loop3A_644 = vector.shape_cast %parallel_loop3A_643 : vector<1x16xf32> to vector<16xf32>
        %parallel_loop3A_645 = arith.constant 2 : i32
        %parallel_loop3A_646 = arith.index_cast %parallel_loop3A_645 : i32 to index
        %parallel_loop3A_647 = arith.index_cast %parallel_loop3A_585 : i32 to index
        %parallel_loop3A_648 = arith.constant 80 : index
        %parallel_loop3A_649 = tpu.vector_load %arg8[%parallel_loop3A_646, %parallel_loop3A_647, %parallel_loop3A_648] {strides = array<i32>} : memref<3x40x768xf32, #tpu.memory_space<vmem>>, vector<1x1x16xf32>,
        %parallel_loop3A_650 = vector.shape_cast %parallel_loop3A_649 : vector<1x1x16xf32> to vector<16xf32>
        %parallel_loop3A_651 = vector.shape_cast %parallel_loop3A_644 : vector<16xf32> to vector<1x1x16xf32>
        tpu.vector_store %arg8[%parallel_loop3A_646, %parallel_loop3A_647, %parallel_loop3A_648], %parallel_loop3A_651 {add = true, strides = array<i32>} : memref<3x40x768xf32, #tpu.memory_space<vmem>>, vector<1x1x16xf32>,
        %parallel_loop3A_652 = arith.index_cast %parallel_loop3A_585 : i32 to index
        %parallel_loop3A_653 = arith.constant 96 : index
        %parallel_loop3A_654 = tpu.vector_load %arg7[%parallel_loop3A_652, %parallel_loop3A_653] {strides = array<i32>} : memref<40x768xf32, #tpu.memory_space<vmem>>, vector<1x16xf32>,
        %parallel_loop3A_655 = vector.shape_cast %parallel_loop3A_654 : vector<1x16xf32> to vector<16xf32>
        %parallel_loop3A_656 = arith.constant 2 : i32
        %parallel_loop3A_657 = arith.index_cast %parallel_loop3A_656 : i32 to index
        %parallel_loop3A_658 = arith.index_cast %parallel_loop3A_585 : i32 to index
        %parallel_loop3A_659 = arith.constant 96 : index
        %parallel_loop3A_660 = tpu.vector_load %arg8[%parallel_loop3A_657, %parallel_loop3A_658, %parallel_loop3A_659] {strides = array<i32>} : memref<3x40x768xf32, #tpu.memory_space<vmem>>, vector<1x1x16xf32>,
        %parallel_loop3A_661 = vector.shape_cast %parallel_loop3A_660 : vector<1x1x16xf32> to vector<16xf32>
        %parallel_loop3A_662 = vector.shape_cast %parallel_loop3A_655 : vector<16xf32> to vector<1x1x16xf32>
        tpu.vector_store %arg8[%parallel_loop3A_657, %parallel_loop3A_658, %parallel_loop3A_659], %parallel_loop3A_662 {add = true, strides = array<i32>} : memref<3x40x768xf32, #tpu.memory_space<vmem>>, vector<1x1x16xf32>,
        %parallel_loop3A_663 = arith.index_cast %parallel_loop3A_585 : i32 to index
        %parallel_loop3A_664 = arith.constant 112 : index
        %parallel_loop3A_665 = tpu.vector_load %arg7[%parallel_loop3A_663, %parallel_loop3A_664] {strides = array<i32>} : memref<40x768xf32, #tpu.memory_space<vmem>>, vector<1x16xf32>,
        %parallel_loop3A_666 = vector.shape_cast %parallel_loop3A_665 : vector<1x16xf32> to vector<16xf32>
        %parallel_loop3A_667 = arith.constant 2 : i32
        %parallel_loop3A_668 = arith.index_cast %parallel_loop3A_667 : i32 to index
        %parallel_loop3A_669 = arith.index_cast %parallel_loop3A_585 : i32 to index
        %parallel_loop3A_670 = arith.constant 112 : index
        %parallel_loop3A_671 = tpu.vector_load %arg8[%parallel_loop3A_668, %parallel_loop3A_669, %parallel_loop3A_670] {strides = array<i32>} : memref<3x40x768xf32, #tpu.memory_space<vmem>>, vector<1x1x16xf32>,
        %parallel_loop3A_672 = vector.shape_cast %parallel_loop3A_671 : vector<1x1x16xf32> to vector<16xf32>
        %parallel_loop3A_673 = vector.shape_cast %parallel_loop3A_666 : vector<16xf32> to vector<1x1x16xf32>
        tpu.vector_store %arg8[%parallel_loop3A_668, %parallel_loop3A_669, %parallel_loop3A_670], %parallel_loop3A_673 {add = true, strides = array<i32>} : memref<3x40x768xf32, #tpu.memory_space<vmem>>, vector<1x1x16xf32>,
        %parallel_loop3A_674 = arith.index_cast %parallel_loop3A_585 : i32 to index
        %parallel_loop3A_675 = arith.constant 128 : index
        %parallel_loop3A_676 = tpu.vector_load %arg7[%parallel_loop3A_674, %parallel_loop3A_675] {strides = array<i32>} : memref<40x768xf32, #tpu.memory_space<vmem>>, vector<1x16xf32>,
        %parallel_loop3A_677 = vector.shape_cast %parallel_loop3A_676 : vector<1x16xf32> to vector<16xf32>
        %parallel_loop3A_678 = arith.constant 2 : i32
        %parallel_loop3A_679 = arith.index_cast %parallel_loop3A_678 : i32 to index
        %parallel_loop3A_680 = arith.index_cast %parallel_loop3A_585 : i32 to index
        %parallel_loop3A_681 = arith.constant 128 : index
        %parallel_loop3A_682 = tpu.vector_load %arg8[%parallel_loop3A_679, %parallel_loop3A_680, %parallel_loop3A_681] {strides = array<i32>} : memref<3x40x768xf32, #tpu.memory_space<vmem>>, vector<1x1x16xf32>,
        %parallel_loop3A_683 = vector.shape_cast %parallel_loop3A_682 : vector<1x1x16xf32> to vector<16xf32>
        %parallel_loop3A_684 = vector.shape_cast %parallel_loop3A_677 : vector<16xf32> to vector<1x1x16xf32>
        tpu.vector_store %arg8[%parallel_loop3A_679, %parallel_loop3A_680, %parallel_loop3A_681], %parallel_loop3A_684 {add = true, strides = array<i32>} : memref<3x40x768xf32, #tpu.memory_space<vmem>>, vector<1x1x16xf32>,
        %parallel_loop3A_685 = arith.index_cast %parallel_loop3A_585 : i32 to index
        %parallel_loop3A_686 = arith.constant 144 : index
        %parallel_loop3A_687 = tpu.vector_load %arg7[%parallel_loop3A_685, %parallel_loop3A_686] {strides = array<i32>} : memref<40x768xf32, #tpu.memory_space<vmem>>, vector<1x16xf32>,
        %parallel_loop3A_688 = vector.shape_cast %parallel_loop3A_687 : vector<1x16xf32> to vector<16xf32>
        %parallel_loop3A_689 = arith.constant 2 : i32
        %parallel_loop3A_690 = arith.index_cast %parallel_loop3A_689 : i32 to index
        %parallel_loop3A_691 = arith.index_cast %parallel_loop3A_585 : i32 to index
        %parallel_loop3A_692 = arith.constant 144 : index
        %parallel_loop3A_693 = tpu.vector_load %arg8[%parallel_loop3A_690, %parallel_loop3A_691, %parallel_loop3A_692] {strides = array<i32>} : memref<3x40x768xf32, #tpu.memory_space<vmem>>, vector<1x1x16xf32>,
        %parallel_loop3A_694 = vector.shape_cast %parallel_loop3A_693 : vector<1x1x16xf32> to vector<16xf32>
        %parallel_loop3A_695 = vector.shape_cast %parallel_loop3A_688 : vector<16xf32> to vector<1x1x16xf32>
        tpu.vector_store %arg8[%parallel_loop3A_690, %parallel_loop3A_691, %parallel_loop3A_692], %parallel_loop3A_695 {add = true, strides = array<i32>} : memref<3x40x768xf32, #tpu.memory_space<vmem>>, vector<1x1x16xf32>,
        %parallel_loop3A_696 = arith.index_cast %parallel_loop3A_585 : i32 to index
        %parallel_loop3A_697 = arith.constant 160 : index
        %parallel_loop3A_698 = tpu.vector_load %arg7[%parallel_loop3A_696, %parallel_loop3A_697] {strides = array<i32>} : memref<40x768xf32, #tpu.memory_space<vmem>>, vector<1x16xf32>,
        %parallel_loop3A_699 = vector.shape_cast %parallel_loop3A_698 : vector<1x16xf32> to vector<16xf32>
        %parallel_loop3A_700 = arith.constant 2 : i32
        %parallel_loop3A_701 = arith.index_cast %parallel_loop3A_700 : i32 to index
        %parallel_loop3A_702 = arith.index_cast %parallel_loop3A_585 : i32 to index
        %parallel_loop3A_703 = arith.constant 160 : index
        %parallel_loop3A_704 = tpu.vector_load %arg8[%parallel_loop3A_701, %parallel_loop3A_702, %parallel_loop3A_703] {strides = array<i32>} : memref<3x40x768xf32, #tpu.memory_space<vmem>>, vector<1x1x16xf32>,
        %parallel_loop3A_705 = vector.shape_cast %parallel_loop3A_704 : vector<1x1x16xf32> to vector<16xf32>
        %parallel_loop3A_706 = vector.shape_cast %parallel_loop3A_699 : vector<16xf32> to vector<1x1x16xf32>
        tpu.vector_store %arg8[%parallel_loop3A_701, %parallel_loop3A_702, %parallel_loop3A_703], %parallel_loop3A_706 {add = true, strides = array<i32>} : memref<3x40x768xf32, #tpu.memory_space<vmem>>, vector<1x1x16xf32>,
        %parallel_loop3A_707 = arith.index_cast %parallel_loop3A_585 : i32 to index
        %parallel_loop3A_708 = arith.constant 176 : index
        %parallel_loop3A_709 = tpu.vector_load %arg7[%parallel_loop3A_707, %parallel_loop3A_708] {strides = array<i32>} : memref<40x768xf32, #tpu.memory_space<vmem>>, vector<1x16xf32>,
        %parallel_loop3A_710 = vector.shape_cast %parallel_loop3A_709 : vector<1x16xf32> to vector<16xf32>
        %parallel_loop3A_711 = arith.constant 2 : i32
        %parallel_loop3A_712 = arith.index_cast %parallel_loop3A_711 : i32 to index
        %parallel_loop3A_713 = arith.index_cast %parallel_loop3A_585 : i32 to index
        %parallel_loop3A_714 = arith.constant 176 : index
        %parallel_loop3A_715 = tpu.vector_load %arg8[%parallel_loop3A_712, %parallel_loop3A_713, %parallel_loop3A_714] {strides = array<i32>} : memref<3x40x768xf32, #tpu.memory_space<vmem>>, vector<1x1x16xf32>,
        %parallel_loop3A_716 = vector.shape_cast %parallel_loop3A_715 : vector<1x1x16xf32> to vector<16xf32>
        %parallel_loop3A_717 = vector.shape_cast %parallel_loop3A_710 : vector<16xf32> to vector<1x1x16xf32>
        tpu.vector_store %arg8[%parallel_loop3A_712, %parallel_loop3A_713, %parallel_loop3A_714], %parallel_loop3A_717 {add = true, strides = array<i32>} : memref<3x40x768xf32, #tpu.memory_space<vmem>>, vector<1x1x16xf32>,
        %parallel_loop3A_718 = arith.index_cast %parallel_loop3A_585 : i32 to index
        %parallel_loop3A_719 = arith.constant 192 : index
        %parallel_loop3A_720 = tpu.vector_load %arg7[%parallel_loop3A_718, %parallel_loop3A_719] {strides = array<i32>} : memref<40x768xf32, #tpu.memory_space<vmem>>, vector<1x16xf32>,
        %parallel_loop3A_721 = vector.shape_cast %parallel_loop3A_720 : vector<1x16xf32> to vector<16xf32>
        %parallel_loop3A_722 = arith.constant 2 : i32
        %parallel_loop3A_723 = arith.index_cast %parallel_loop3A_722 : i32 to index
        %parallel_loop3A_724 = arith.index_cast %parallel_loop3A_585 : i32 to index
        %parallel_loop3A_725 = arith.constant 192 : index
        %parallel_loop3A_726 = tpu.vector_load %arg8[%parallel_loop3A_723, %parallel_loop3A_724, %parallel_loop3A_725] {strides = array<i32>} : memref<3x40x768xf32, #tpu.memory_space<vmem>>, vector<1x1x16xf32>,
        %parallel_loop3A_727 = vector.shape_cast %parallel_loop3A_726 : vector<1x1x16xf32> to vector<16xf32>
        %parallel_loop3A_728 = vector.shape_cast %parallel_loop3A_721 : vector<16xf32> to vector<1x1x16xf32>
        tpu.vector_store %arg8[%parallel_loop3A_723, %parallel_loop3A_724, %parallel_loop3A_725], %parallel_loop3A_728 {add = true, strides = array<i32>} : memref<3x40x768xf32, #tpu.memory_space<vmem>>, vector<1x1x16xf32>,
        %parallel_loop3A_729 = arith.index_cast %parallel_loop3A_585 : i32 to index
        %parallel_loop3A_730 = arith.constant 208 : index
        %parallel_loop3A_731 = tpu.vector_load %arg7[%parallel_loop3A_729, %parallel_loop3A_730] {strides = array<i32>} : memref<40x768xf32, #tpu.memory_space<vmem>>, vector<1x16xf32>,
        %parallel_loop3A_732 = vector.shape_cast %parallel_loop3A_731 : vector<1x16xf32> to vector<16xf32>
        %parallel_loop3A_733 = arith.constant 2 : i32
        %parallel_loop3A_734 = arith.index_cast %parallel_loop3A_733 : i32 to index
        %parallel_loop3A_735 = arith.index_cast %parallel_loop3A_585 : i32 to index
        %parallel_loop3A_736 = arith.constant 208 : index
        %parallel_loop3A_737 = tpu.vector_load %arg8[%parallel_loop3A_734, %parallel_loop3A_735, %parallel_loop3A_736] {strides = array<i32>} : memref<3x40x768xf32, #tpu.memory_space<vmem>>, vector<1x1x16xf32>,
        %parallel_loop3A_738 = vector.shape_cast %parallel_loop3A_737 : vector<1x1x16xf32> to vector<16xf32>
        %parallel_loop3A_739 = vector.shape_cast %parallel_loop3A_732 : vector<16xf32> to vector<1x1x16xf32>
        tpu.vector_store %arg8[%parallel_loop3A_734, %parallel_loop3A_735, %parallel_loop3A_736], %parallel_loop3A_739 {add = true, strides = array<i32>} : memref<3x40x768xf32, #tpu.memory_space<vmem>>, vector<1x1x16xf32>,
        %parallel_loop3A_740 = arith.index_cast %parallel_loop3A_585 : i32 to index
        %parallel_loop3A_741 = arith.constant 224 : index
        %parallel_loop3A_742 = tpu.vector_load %arg7[%parallel_loop3A_740, %parallel_loop3A_741] {strides = array<i32>} : memref<40x768xf32, #tpu.memory_space<vmem>>, vector<1x16xf32>,
        %parallel_loop3A_743 = vector.shape_cast %parallel_loop3A_742 : vector<1x16xf32> to vector<16xf32>
        %parallel_loop3A_744 = arith.constant 2 : i32
        %parallel_loop3A_745 = arith.index_cast %parallel_loop3A_744 : i32 to index
        %parallel_loop3A_746 = arith.index_cast %parallel_loop3A_585 : i32 to index
        %parallel_loop3A_747 = arith.constant 224 : index
        %parallel_loop3A_748 = tpu.vector_load %arg8[%parallel_loop3A_745, %parallel_loop3A_746, %parallel_loop3A_747] {strides = array<i32>} : memref<3x40x768xf32, #tpu.memory_space<vmem>>, vector<1x1x16xf32>,
        %parallel_loop3A_749 = vector.shape_cast %parallel_loop3A_748 : vector<1x1x16xf32> to vector<16xf32>
        %parallel_loop3A_750 = vector.shape_cast %parallel_loop3A_743 : vector<16xf32> to vector<1x1x16xf32>
        tpu.vector_store %arg8[%parallel_loop3A_745, %parallel_loop3A_746, %parallel_loop3A_747], %parallel_loop3A_750 {add = true, strides = array<i32>} : memref<3x40x768xf32, #tpu.memory_space<vmem>>, vector<1x1x16xf32>,
        %parallel_loop3A_751 = arith.index_cast %parallel_loop3A_585 : i32 to index
        %parallel_loop3A_752 = arith.constant 240 : index
        %parallel_loop3A_753 = tpu.vector_load %arg7[%parallel_loop3A_751, %parallel_loop3A_752] {strides = array<i32>} : memref<40x768xf32, #tpu.memory_space<vmem>>, vector<1x16xf32>,
        %parallel_loop3A_754 = vector.shape_cast %parallel_loop3A_753 : vector<1x16xf32> to vector<16xf32>
        %parallel_loop3A_755 = arith.constant 2 : i32
        %parallel_loop3A_756 = arith.index_cast %parallel_loop3A_755 : i32 to index
        %parallel_loop3A_757 = arith.index_cast %parallel_loop3A_585 : i32 to index
        %parallel_loop3A_758 = arith.constant 240 : index
        %parallel_loop3A_759 = tpu.vector_load %arg8[%parallel_loop3A_756, %parallel_loop3A_757, %parallel_loop3A_758] {strides = array<i32>} : memref<3x40x768xf32, #tpu.memory_space<vmem>>, vector<1x1x16xf32>,
        %parallel_loop3A_760 = vector.shape_cast %parallel_loop3A_759 : vector<1x1x16xf32> to vector<16xf32>
        %parallel_loop3A_761 = vector.shape_cast %parallel_loop3A_754 : vector<16xf32> to vector<1x1x16xf32>
        tpu.vector_store %arg8[%parallel_loop3A_756, %parallel_loop3A_757, %parallel_loop3A_758], %parallel_loop3A_761 {add = true, strides = array<i32>} : memref<3x40x768xf32, #tpu.memory_space<vmem>>, vector<1x1x16xf32>,
        %parallel_loop3A_762 = arith.index_cast %parallel_loop3A_585 : i32 to index
        %parallel_loop3A_763 = arith.constant 256 : index
        %parallel_loop3A_764 = tpu.vector_load %arg7[%parallel_loop3A_762, %parallel_loop3A_763] {strides = array<i32>} : memref<40x768xf32, #tpu.memory_space<vmem>>, vector<1x16xf32>,
        %parallel_loop3A_765 = vector.shape_cast %parallel_loop3A_764 : vector<1x16xf32> to vector<16xf32>
        %parallel_loop3A_766 = arith.constant 2 : i32
        %parallel_loop3A_767 = arith.index_cast %parallel_loop3A_766 : i32 to index
        %parallel_loop3A_768 = arith.index_cast %parallel_loop3A_585 : i32 to index
        %parallel_loop3A_769 = arith.constant 256 : index
        %parallel_loop3A_770 = tpu.vector_load %arg8[%parallel_loop3A_767, %parallel_loop3A_768, %parallel_loop3A_769] {strides = array<i32>} : memref<3x40x768xf32, #tpu.memory_space<vmem>>, vector<1x1x16xf32>,
        %parallel_loop3A_771 = vector.shape_cast %parallel_loop3A_770 : vector<1x1x16xf32> to vector<16xf32>
        %parallel_loop3A_772 = vector.shape_cast %parallel_loop3A_765 : vector<16xf32> to vector<1x1x16xf32>
        tpu.vector_store %arg8[%parallel_loop3A_767, %parallel_loop3A_768, %parallel_loop3A_769], %parallel_loop3A_772 {add = true, strides = array<i32>} : memref<3x40x768xf32, #tpu.memory_space<vmem>>, vector<1x1x16xf32>,
        %parallel_loop3A_773 = arith.index_cast %parallel_loop3A_585 : i32 to index
        %parallel_loop3A_774 = arith.constant 272 : index
        %parallel_loop3A_775 = tpu.vector_load %arg7[%parallel_loop3A_773, %parallel_loop3A_774] {strides = array<i32>} : memref<40x768xf32, #tpu.memory_space<vmem>>, vector<1x16xf32>,
        %parallel_loop3A_776 = vector.shape_cast %parallel_loop3A_775 : vector<1x16xf32> to vector<16xf32>
        %parallel_loop3A_777 = arith.constant 2 : i32
        %parallel_loop3A_778 = arith.index_cast %parallel_loop3A_777 : i32 to index
        %parallel_loop3A_779 = arith.index_cast %parallel_loop3A_585 : i32 to index
        %parallel_loop3A_780 = arith.constant 272 : index
        %parallel_loop3A_781 = tpu.vector_load %arg8[%parallel_loop3A_778, %parallel_loop3A_779, %parallel_loop3A_780] {strides = array<i32>} : memref<3x40x768xf32, #tpu.memory_space<vmem>>, vector<1x1x16xf32>,
        %parallel_loop3A_782 = vector.shape_cast %parallel_loop3A_781 : vector<1x1x16xf32> to vector<16xf32>
        %parallel_loop3A_783 = vector.shape_cast %parallel_loop3A_776 : vector<16xf32> to vector<1x1x16xf32>
        tpu.vector_store %arg8[%parallel_loop3A_778, %parallel_loop3A_779, %parallel_loop3A_780], %parallel_loop3A_783 {add = true, strides = array<i32>} : memref<3x40x768xf32, #tpu.memory_space<vmem>>, vector<1x1x16xf32>,
        %parallel_loop3A_784 = arith.index_cast %parallel_loop3A_585 : i32 to index
        %parallel_loop3A_785 = arith.constant 288 : index
        %parallel_loop3A_786 = tpu.vector_load %arg7[%parallel_loop3A_784, %parallel_loop3A_785] {strides = array<i32>} : memref<40x768xf32, #tpu.memory_space<vmem>>, vector<1x16xf32>,
        %parallel_loop3A_787 = vector.shape_cast %parallel_loop3A_786 : vector<1x16xf32> to vector<16xf32>
        %parallel_loop3A_788 = arith.constant 2 : i32
        %parallel_loop3A_789 = arith.index_cast %parallel_loop3A_788 : i32 to index
        %parallel_loop3A_790 = arith.index_cast %parallel_loop3A_585 : i32 to index
        %parallel_loop3A_791 = arith.constant 288 : index
        %parallel_loop3A_792 = tpu.vector_load %arg8[%parallel_loop3A_789, %parallel_loop3A_790, %parallel_loop3A_791] {strides = array<i32>} : memref<3x40x768xf32, #tpu.memory_space<vmem>>, vector<1x1x16xf32>,
        %parallel_loop3A_793 = vector.shape_cast %parallel_loop3A_792 : vector<1x1x16xf32> to vector<16xf32>
        %parallel_loop3A_794 = vector.shape_cast %parallel_loop3A_787 : vector<16xf32> to vector<1x1x16xf32>
        tpu.vector_store %arg8[%parallel_loop3A_789, %parallel_loop3A_790, %parallel_loop3A_791], %parallel_loop3A_794 {add = true, strides = array<i32>} : memref<3x40x768xf32, #tpu.memory_space<vmem>>, vector<1x1x16xf32>,
        %parallel_loop3A_795 = arith.index_cast %parallel_loop3A_585 : i32 to index
        %parallel_loop3A_796 = arith.constant 304 : index
        %parallel_loop3A_797 = tpu.vector_load %arg7[%parallel_loop3A_795, %parallel_loop3A_796] {strides = array<i32>} : memref<40x768xf32, #tpu.memory_space<vmem>>, vector<1x16xf32>,
        %parallel_loop3A_798 = vector.shape_cast %parallel_loop3A_797 : vector<1x16xf32> to vector<16xf32>
        %parallel_loop3A_799 = arith.constant 2 : i32
        %parallel_loop3A_800 = arith.index_cast %parallel_loop3A_799 : i32 to index
        %parallel_loop3A_801 = arith.index_cast %parallel_loop3A_585 : i32 to index
        %parallel_loop3A_802 = arith.constant 304 : index
        %parallel_loop3A_803 = tpu.vector_load %arg8[%parallel_loop3A_800, %parallel_loop3A_801, %parallel_loop3A_802] {strides = array<i32>} : memref<3x40x768xf32, #tpu.memory_space<vmem>>, vector<1x1x16xf32>,
        %parallel_loop3A_804 = vector.shape_cast %parallel_loop3A_803 : vector<1x1x16xf32> to vector<16xf32>
        %parallel_loop3A_805 = vector.shape_cast %parallel_loop3A_798 : vector<16xf32> to vector<1x1x16xf32>
        tpu.vector_store %arg8[%parallel_loop3A_800, %parallel_loop3A_801, %parallel_loop3A_802], %parallel_loop3A_805 {add = true, strides = array<i32>} : memref<3x40x768xf32, #tpu.memory_space<vmem>>, vector<1x1x16xf32>,
        %parallel_loop3A_806 = arith.index_cast %parallel_loop3A_585 : i32 to index
        %parallel_loop3A_807 = arith.constant 320 : index
        %parallel_loop3A_808 = tpu.vector_load %arg7[%parallel_loop3A_806, %parallel_loop3A_807] {strides = array<i32>} : memref<40x768xf32, #tpu.memory_space<vmem>>, vector<1x16xf32>,
        %parallel_loop3A_809 = vector.shape_cast %parallel_loop3A_808 : vector<1x16xf32> to vector<16xf32>
        %parallel_loop3A_810 = arith.constant 2 : i32
        %parallel_loop3A_811 = arith.index_cast %parallel_loop3A_810 : i32 to index
        %parallel_loop3A_812 = arith.index_cast %parallel_loop3A_585 : i32 to index
        %parallel_loop3A_813 = arith.constant 320 : index
        %parallel_loop3A_814 = tpu.vector_load %arg8[%parallel_loop3A_811, %parallel_loop3A_812, %parallel_loop3A_813] {strides = array<i32>} : memref<3x40x768xf32, #tpu.memory_space<vmem>>, vector<1x1x16xf32>,
        %parallel_loop3A_815 = vector.shape_cast %parallel_loop3A_814 : vector<1x1x16xf32> to vector<16xf32>
        %parallel_loop3A_816 = vector.shape_cast %parallel_loop3A_809 : vector<16xf32> to vector<1x1x16xf32>
        tpu.vector_store %arg8[%parallel_loop3A_811, %parallel_loop3A_812, %parallel_loop3A_813], %parallel_loop3A_816 {add = true, strides = array<i32>} : memref<3x40x768xf32, #tpu.memory_space<vmem>>, vector<1x1x16xf32>,
        %parallel_loop3A_817 = arith.index_cast %parallel_loop3A_585 : i32 to index
        %parallel_loop3A_818 = arith.constant 336 : index
        %parallel_loop3A_819 = tpu.vector_load %arg7[%parallel_loop3A_817, %parallel_loop3A_818] {strides = array<i32>} : memref<40x768xf32, #tpu.memory_space<vmem>>, vector<1x16xf32>,
        %parallel_loop3A_820 = vector.shape_cast %parallel_loop3A_819 : vector<1x16xf32> to vector<16xf32>
        %parallel_loop3A_821 = arith.constant 2 : i32
        %parallel_loop3A_822 = arith.index_cast %parallel_loop3A_821 : i32 to index
        %parallel_loop3A_823 = arith.index_cast %parallel_loop3A_585 : i32 to index
        %parallel_loop3A_824 = arith.constant 336 : index
        %parallel_loop3A_825 = tpu.vector_load %arg8[%parallel_loop3A_822, %parallel_loop3A_823, %parallel_loop3A_824] {strides = array<i32>} : memref<3x40x768xf32, #tpu.memory_space<vmem>>, vector<1x1x16xf32>,
        %parallel_loop3A_826 = vector.shape_cast %parallel_loop3A_825 : vector<1x1x16xf32> to vector<16xf32>
        %parallel_loop3A_827 = vector.shape_cast %parallel_loop3A_820 : vector<16xf32> to vector<1x1x16xf32>
        tpu.vector_store %arg8[%parallel_loop3A_822, %parallel_loop3A_823, %parallel_loop3A_824], %parallel_loop3A_827 {add = true, strides = array<i32>} : memref<3x40x768xf32, #tpu.memory_space<vmem>>, vector<1x1x16xf32>,
        %parallel_loop3A_828 = arith.index_cast %parallel_loop3A_585 : i32 to index
        %parallel_loop3A_829 = arith.constant 352 : index
        %parallel_loop3A_830 = tpu.vector_load %arg7[%parallel_loop3A_828, %parallel_loop3A_829] {strides = array<i32>} : memref<40x768xf32, #tpu.memory_space<vmem>>, vector<1x16xf32>,
        %parallel_loop3A_831 = vector.shape_cast %parallel_loop3A_830 : vector<1x16xf32> to vector<16xf32>
        %parallel_loop3A_832 = arith.constant 2 : i32
        %parallel_loop3A_833 = arith.index_cast %parallel_loop3A_832 : i32 to index
        %parallel_loop3A_834 = arith.index_cast %parallel_loop3A_585 : i32 to index
        %parallel_loop3A_835 = arith.constant 352 : index
        %parallel_loop3A_836 = tpu.vector_load %arg8[%parallel_loop3A_833, %parallel_loop3A_834, %parallel_loop3A_835] {strides = array<i32>} : memref<3x40x768xf32, #tpu.memory_space<vmem>>, vector<1x1x16xf32>,
        %parallel_loop3A_837 = vector.shape_cast %parallel_loop3A_836 : vector<1x1x16xf32> to vector<16xf32>
        %parallel_loop3A_838 = vector.shape_cast %parallel_loop3A_831 : vector<16xf32> to vector<1x1x16xf32>
        tpu.vector_store %arg8[%parallel_loop3A_833, %parallel_loop3A_834, %parallel_loop3A_835], %parallel_loop3A_838 {add = true, strides = array<i32>} : memref<3x40x768xf32, #tpu.memory_space<vmem>>, vector<1x1x16xf32>,
        %parallel_loop3A_839 = arith.index_cast %parallel_loop3A_585 : i32 to index
        %parallel_loop3A_840 = arith.constant 368 : index
        %parallel_loop3A_841 = tpu.vector_load %arg7[%parallel_loop3A_839, %parallel_loop3A_840] {strides = array<i32>} : memref<40x768xf32, #tpu.memory_space<vmem>>, vector<1x16xf32>,
        %parallel_loop3A_842 = vector.shape_cast %parallel_loop3A_841 : vector<1x16xf32> to vector<16xf32>
        %parallel_loop3A_843 = arith.constant 2 : i32
        %parallel_loop3A_844 = arith.index_cast %parallel_loop3A_843 : i32 to index
        %parallel_loop3A_845 = arith.index_cast %parallel_loop3A_585 : i32 to index
        %parallel_loop3A_846 = arith.constant 368 : index
        %parallel_loop3A_847 = tpu.vector_load %arg8[%parallel_loop3A_844, %parallel_loop3A_845, %parallel_loop3A_846] {strides = array<i32>} : memref<3x40x768xf32, #tpu.memory_space<vmem>>, vector<1x1x16xf32>,
        %parallel_loop3A_848 = vector.shape_cast %parallel_loop3A_847 : vector<1x1x16xf32> to vector<16xf32>
        %parallel_loop3A_849 = vector.shape_cast %parallel_loop3A_842 : vector<16xf32> to vector<1x1x16xf32>
        tpu.vector_store %arg8[%parallel_loop3A_844, %parallel_loop3A_845, %parallel_loop3A_846], %parallel_loop3A_849 {add = true, strides = array<i32>} : memref<3x40x768xf32, #tpu.memory_space<vmem>>, vector<1x1x16xf32>,
        %parallel_loop3A_850 = arith.index_cast %parallel_loop3A_585 : i32 to index
        %parallel_loop3A_851 = arith.constant 384 : index
        %parallel_loop3A_852 = tpu.vector_load %arg7[%parallel_loop3A_850, %parallel_loop3A_851] {strides = array<i32>} : memref<40x768xf32, #tpu.memory_space<vmem>>, vector<1x16xf32>,
        %parallel_loop3A_853 = vector.shape_cast %parallel_loop3A_852 : vector<1x16xf32> to vector<16xf32>
        %parallel_loop3A_854 = arith.constant 2 : i32
        %parallel_loop3A_855 = arith.index_cast %parallel_loop3A_854 : i32 to index
        %parallel_loop3A_856 = arith.index_cast %parallel_loop3A_585 : i32 to index
        %parallel_loop3A_857 = arith.constant 384 : index
        %parallel_loop3A_858 = tpu.vector_load %arg8[%parallel_loop3A_855, %parallel_loop3A_856, %parallel_loop3A_857] {strides = array<i32>} : memref<3x40x768xf32, #tpu.memory_space<vmem>>, vector<1x1x16xf32>,
        %parallel_loop3A_859 = vector.shape_cast %parallel_loop3A_858 : vector<1x1x16xf32> to vector<16xf32>
        %parallel_loop3A_860 = vector.shape_cast %parallel_loop3A_853 : vector<16xf32> to vector<1x1x16xf32>
        tpu.vector_store %arg8[%parallel_loop3A_855, %parallel_loop3A_856, %parallel_loop3A_857], %parallel_loop3A_860 {add = true, strides = array<i32>} : memref<3x40x768xf32, #tpu.memory_space<vmem>>, vector<1x1x16xf32>,
        %parallel_loop3A_861 = arith.index_cast %parallel_loop3A_585 : i32 to index
        %parallel_loop3A_862 = arith.constant 400 : index
        %parallel_loop3A_863 = tpu.vector_load %arg7[%parallel_loop3A_861, %parallel_loop3A_862] {strides = array<i32>} : memref<40x768xf32, #tpu.memory_space<vmem>>, vector<1x16xf32>,
        %parallel_loop3A_864 = vector.shape_cast %parallel_loop3A_863 : vector<1x16xf32> to vector<16xf32>
        %parallel_loop3A_865 = arith.constant 2 : i32
        %parallel_loop3A_866 = arith.index_cast %parallel_loop3A_865 : i32 to index
        %parallel_loop3A_867 = arith.index_cast %parallel_loop3A_585 : i32 to index
        %parallel_loop3A_868 = arith.constant 400 : index
        %parallel_loop3A_869 = tpu.vector_load %arg8[%parallel_loop3A_866, %parallel_loop3A_867, %parallel_loop3A_868] {strides = array<i32>} : memref<3x40x768xf32, #tpu.memory_space<vmem>>, vector<1x1x16xf32>,
        %parallel_loop3A_870 = vector.shape_cast %parallel_loop3A_869 : vector<1x1x16xf32> to vector<16xf32>
        %parallel_loop3A_871 = vector.shape_cast %parallel_loop3A_864 : vector<16xf32> to vector<1x1x16xf32>
        tpu.vector_store %arg8[%parallel_loop3A_866, %parallel_loop3A_867, %parallel_loop3A_868], %parallel_loop3A_871 {add = true, strides = array<i32>} : memref<3x40x768xf32, #tpu.memory_space<vmem>>, vector<1x1x16xf32>,
        %parallel_loop3A_872 = arith.index_cast %parallel_loop3A_585 : i32 to index
        %parallel_loop3A_873 = arith.constant 416 : index
        %parallel_loop3A_874 = tpu.vector_load %arg7[%parallel_loop3A_872, %parallel_loop3A_873] {strides = array<i32>} : memref<40x768xf32, #tpu.memory_space<vmem>>, vector<1x16xf32>,
        %parallel_loop3A_875 = vector.shape_cast %parallel_loop3A_874 : vector<1x16xf32> to vector<16xf32>
        %parallel_loop3A_876 = arith.constant 2 : i32
        %parallel_loop3A_877 = arith.index_cast %parallel_loop3A_876 : i32 to index
        %parallel_loop3A_878 = arith.index_cast %parallel_loop3A_585 : i32 to index
        %parallel_loop3A_879 = arith.constant 416 : index
        %parallel_loop3A_880 = tpu.vector_load %arg8[%parallel_loop3A_877, %parallel_loop3A_878, %parallel_loop3A_879] {strides = array<i32>} : memref<3x40x768xf32, #tpu.memory_space<vmem>>, vector<1x1x16xf32>,
        %parallel_loop3A_881 = vector.shape_cast %parallel_loop3A_880 : vector<1x1x16xf32> to vector<16xf32>
        %parallel_loop3A_882 = vector.shape_cast %parallel_loop3A_875 : vector<16xf32> to vector<1x1x16xf32>
        tpu.vector_store %arg8[%parallel_loop3A_877, %parallel_loop3A_878, %parallel_loop3A_879], %parallel_loop3A_882 {add = true, strides = array<i32>} : memref<3x40x768xf32, #tpu.memory_space<vmem>>, vector<1x1x16xf32>,
        %parallel_loop3A_883 = arith.index_cast %parallel_loop3A_585 : i32 to index
        %parallel_loop3A_884 = arith.constant 432 : index
        %parallel_loop3A_885 = tpu.vector_load %arg7[%parallel_loop3A_883, %parallel_loop3A_884] {strides = array<i32>} : memref<40x768xf32, #tpu.memory_space<vmem>>, vector<1x16xf32>,
        %parallel_loop3A_886 = vector.shape_cast %parallel_loop3A_885 : vector<1x16xf32> to vector<16xf32>
        %parallel_loop3A_887 = arith.constant 2 : i32
        %parallel_loop3A_888 = arith.index_cast %parallel_loop3A_887 : i32 to index
        %parallel_loop3A_889 = arith.index_cast %parallel_loop3A_585 : i32 to index
        %parallel_loop3A_890 = arith.constant 432 : index
        %parallel_loop3A_891 = tpu.vector_load %arg8[%parallel_loop3A_888, %parallel_loop3A_889, %parallel_loop3A_890] {strides = array<i32>} : memref<3x40x768xf32, #tpu.memory_space<vmem>>, vector<1x1x16xf32>,
        %parallel_loop3A_892 = vector.shape_cast %parallel_loop3A_891 : vector<1x1x16xf32> to vector<16xf32>
        %parallel_loop3A_893 = vector.shape_cast %parallel_loop3A_886 : vector<16xf32> to vector<1x1x16xf32>
        tpu.vector_store %arg8[%parallel_loop3A_888, %parallel_loop3A_889, %parallel_loop3A_890], %parallel_loop3A_893 {add = true, strides = array<i32>} : memref<3x40x768xf32, #tpu.memory_space<vmem>>, vector<1x1x16xf32>,
        %parallel_loop3A_894 = arith.index_cast %parallel_loop3A_585 : i32 to index
        %parallel_loop3A_895 = arith.constant 448 : index
        %parallel_loop3A_896 = tpu.vector_load %arg7[%parallel_loop3A_894, %parallel_loop3A_895] {strides = array<i32>} : memref<40x768xf32, #tpu.memory_space<vmem>>, vector<1x16xf32>,
        %parallel_loop3A_897 = vector.shape_cast %parallel_loop3A_896 : vector<1x16xf32> to vector<16xf32>
        %parallel_loop3A_898 = arith.constant 2 : i32
        %parallel_loop3A_899 = arith.index_cast %parallel_loop3A_898 : i32 to index
        %parallel_loop3A_900 = arith.index_cast %parallel_loop3A_585 : i32 to index
        %parallel_loop3A_901 = arith.constant 448 : index
        %parallel_loop3A_902 = tpu.vector_load %arg8[%parallel_loop3A_899, %parallel_loop3A_900, %parallel_loop3A_901] {strides = array<i32>} : memref<3x40x768xf32, #tpu.memory_space<vmem>>, vector<1x1x16xf32>,
        %parallel_loop3A_903 = vector.shape_cast %parallel_loop3A_902 : vector<1x1x16xf32> to vector<16xf32>
        %parallel_loop3A_904 = vector.shape_cast %parallel_loop3A_897 : vector<16xf32> to vector<1x1x16xf32>
        tpu.vector_store %arg8[%parallel_loop3A_899, %parallel_loop3A_900, %parallel_loop3A_901], %parallel_loop3A_904 {add = true, strides = array<i32>} : memref<3x40x768xf32, #tpu.memory_space<vmem>>, vector<1x1x16xf32>,
        %parallel_loop3A_905 = arith.index_cast %parallel_loop3A_585 : i32 to index
        %parallel_loop3A_906 = arith.constant 464 : index
        %parallel_loop3A_907 = tpu.vector_load %arg7[%parallel_loop3A_905, %parallel_loop3A_906] {strides = array<i32>} : memref<40x768xf32, #tpu.memory_space<vmem>>, vector<1x16xf32>,
        %parallel_loop3A_908 = vector.shape_cast %parallel_loop3A_907 : vector<1x16xf32> to vector<16xf32>
        %parallel_loop3A_909 = arith.constant 2 : i32
        %parallel_loop3A_910 = arith.index_cast %parallel_loop3A_909 : i32 to index
        %parallel_loop3A_911 = arith.index_cast %parallel_loop3A_585 : i32 to index
        %parallel_loop3A_912 = arith.constant 464 : index
        %parallel_loop3A_913 = tpu.vector_load %arg8[%parallel_loop3A_910, %parallel_loop3A_911, %parallel_loop3A_912] {strides = array<i32>} : memref<3x40x768xf32, #tpu.memory_space<vmem>>, vector<1x1x16xf32>,
        %parallel_loop3A_914 = vector.shape_cast %parallel_loop3A_913 : vector<1x1x16xf32> to vector<16xf32>
        %parallel_loop3A_915 = vector.shape_cast %parallel_loop3A_908 : vector<16xf32> to vector<1x1x16xf32>
        tpu.vector_store %arg8[%parallel_loop3A_910, %parallel_loop3A_911, %parallel_loop3A_912], %parallel_loop3A_915 {add = true, strides = array<i32>} : memref<3x40x768xf32, #tpu.memory_space<vmem>>, vector<1x1x16xf32>,
        %parallel_loop3A_916 = arith.index_cast %parallel_loop3A_585 : i32 to index
        %parallel_loop3A_917 = arith.constant 480 : index
        %parallel_loop3A_918 = tpu.vector_load %arg7[%parallel_loop3A_916, %parallel_loop3A_917] {strides = array<i32>} : memref<40x768xf32, #tpu.memory_space<vmem>>, vector<1x16xf32>,
        %parallel_loop3A_919 = vector.shape_cast %parallel_loop3A_918 : vector<1x16xf32> to vector<16xf32>
        %parallel_loop3A_920 = arith.constant 2 : i32
        %parallel_loop3A_921 = arith.index_cast %parallel_loop3A_920 : i32 to index
        %parallel_loop3A_922 = arith.index_cast %parallel_loop3A_585 : i32 to index
        %parallel_loop3A_923 = arith.constant 480 : index
        %parallel_loop3A_924 = tpu.vector_load %arg8[%parallel_loop3A_921, %parallel_loop3A_922, %parallel_loop3A_923] {strides = array<i32>} : memref<3x40x768xf32, #tpu.memory_space<vmem>>, vector<1x1x16xf32>,
        %parallel_loop3A_925 = vector.shape_cast %parallel_loop3A_924 : vector<1x1x16xf32> to vector<16xf32>
        %parallel_loop3A_926 = vector.shape_cast %parallel_loop3A_919 : vector<16xf32> to vector<1x1x16xf32>
        tpu.vector_store %arg8[%parallel_loop3A_921, %parallel_loop3A_922, %parallel_loop3A_923], %parallel_loop3A_926 {add = true, strides = array<i32>} : memref<3x40x768xf32, #tpu.memory_space<vmem>>, vector<1x1x16xf32>,
        %parallel_loop3A_927 = arith.index_cast %parallel_loop3A_585 : i32 to index
        %parallel_loop3A_928 = arith.constant 496 : index
        %parallel_loop3A_929 = tpu.vector_load %arg7[%parallel_loop3A_927, %parallel_loop3A_928] {strides = array<i32>} : memref<40x768xf32, #tpu.memory_space<vmem>>, vector<1x16xf32>,
        %parallel_loop3A_930 = vector.shape_cast %parallel_loop3A_929 : vector<1x16xf32> to vector<16xf32>
        %parallel_loop3A_931 = arith.constant 2 : i32
        %parallel_loop3A_932 = arith.index_cast %parallel_loop3A_931 : i32 to index
        %parallel_loop3A_933 = arith.index_cast %parallel_loop3A_585 : i32 to index
        %parallel_loop3A_934 = arith.constant 496 : index
        %parallel_loop3A_935 = tpu.vector_load %arg8[%parallel_loop3A_932, %parallel_loop3A_933, %parallel_loop3A_934] {strides = array<i32>} : memref<3x40x768xf32, #tpu.memory_space<vmem>>, vector<1x1x16xf32>,
        %parallel_loop3A_936 = vector.shape_cast %parallel_loop3A_935 : vector<1x1x16xf32> to vector<16xf32>
        %parallel_loop3A_937 = vector.shape_cast %parallel_loop3A_930 : vector<16xf32> to vector<1x1x16xf32>
        tpu.vector_store %arg8[%parallel_loop3A_932, %parallel_loop3A_933, %parallel_loop3A_934], %parallel_loop3A_937 {add = true, strides = array<i32>} : memref<3x40x768xf32, #tpu.memory_space<vmem>>, vector<1x1x16xf32>,
        %parallel_loop3A_938 = arith.index_cast %parallel_loop3A_585 : i32 to index
        %parallel_loop3A_939 = arith.constant 512 : index
        %parallel_loop3A_940 = tpu.vector_load %arg7[%parallel_loop3A_938, %parallel_loop3A_939] {strides = array<i32>} : memref<40x768xf32, #tpu.memory_space<vmem>>, vector<1x16xf32>,
        %parallel_loop3A_941 = vector.shape_cast %parallel_loop3A_940 : vector<1x16xf32> to vector<16xf32>
        %parallel_loop3A_942 = arith.constant 2 : i32
        %parallel_loop3A_943 = arith.index_cast %parallel_loop3A_942 : i32 to index
        %parallel_loop3A_944 = arith.index_cast %parallel_loop3A_585 : i32 to index
        %parallel_loop3A_945 = arith.constant 512 : index
        %parallel_loop3A_946 = tpu.vector_load %arg8[%parallel_loop3A_943, %parallel_loop3A_944, %parallel_loop3A_945] {strides = array<i32>} : memref<3x40x768xf32, #tpu.memory_space<vmem>>, vector<1x1x16xf32>,
        %parallel_loop3A_947 = vector.shape_cast %parallel_loop3A_946 : vector<1x1x16xf32> to vector<16xf32>
        %parallel_loop3A_948 = vector.shape_cast %parallel_loop3A_941 : vector<16xf32> to vector<1x1x16xf32>
        tpu.vector_store %arg8[%parallel_loop3A_943, %parallel_loop3A_944, %parallel_loop3A_945], %parallel_loop3A_948 {add = true, strides = array<i32>} : memref<3x40x768xf32, #tpu.memory_space<vmem>>, vector<1x1x16xf32>,
        %parallel_loop3A_949 = arith.index_cast %parallel_loop3A_585 : i32 to index
        %parallel_loop3A_950 = arith.constant 528 : index
        %parallel_loop3A_951 = tpu.vector_load %arg7[%parallel_loop3A_949, %parallel_loop3A_950] {strides = array<i32>} : memref<40x768xf32, #tpu.memory_space<vmem>>, vector<1x16xf32>,
        %parallel_loop3A_952 = vector.shape_cast %parallel_loop3A_951 : vector<1x16xf32> to vector<16xf32>
        %parallel_loop3A_953 = arith.constant 2 : i32
        %parallel_loop3A_954 = arith.index_cast %parallel_loop3A_953 : i32 to index
        %parallel_loop3A_955 = arith.index_cast %parallel_loop3A_585 : i32 to index
        %parallel_loop3A_956 = arith.constant 528 : index
        %parallel_loop3A_957 = tpu.vector_load %arg8[%parallel_loop3A_954, %parallel_loop3A_955, %parallel_loop3A_956] {strides = array<i32>} : memref<3x40x768xf32, #tpu.memory_space<vmem>>, vector<1x1x16xf32>,
        %parallel_loop3A_958 = vector.shape_cast %parallel_loop3A_957 : vector<1x1x16xf32> to vector<16xf32>
        %parallel_loop3A_959 = vector.shape_cast %parallel_loop3A_952 : vector<16xf32> to vector<1x1x16xf32>
        tpu.vector_store %arg8[%parallel_loop3A_954, %parallel_loop3A_955, %parallel_loop3A_956], %parallel_loop3A_959 {add = true, strides = array<i32>} : memref<3x40x768xf32, #tpu.memory_space<vmem>>, vector<1x1x16xf32>,
        %parallel_loop3A_960 = arith.index_cast %parallel_loop3A_585 : i32 to index
        %parallel_loop3A_961 = arith.constant 544 : index
        %parallel_loop3A_962 = tpu.vector_load %arg7[%parallel_loop3A_960, %parallel_loop3A_961] {strides = array<i32>} : memref<40x768xf32, #tpu.memory_space<vmem>>, vector<1x16xf32>,
        %parallel_loop3A_963 = vector.shape_cast %parallel_loop3A_962 : vector<1x16xf32> to vector<16xf32>
        %parallel_loop3A_964 = arith.constant 2 : i32
        %parallel_loop3A_965 = arith.index_cast %parallel_loop3A_964 : i32 to index
        %parallel_loop3A_966 = arith.index_cast %parallel_loop3A_585 : i32 to index
        %parallel_loop3A_967 = arith.constant 544 : index
        %parallel_loop3A_968 = tpu.vector_load %arg8[%parallel_loop3A_965, %parallel_loop3A_966, %parallel_loop3A_967] {strides = array<i32>} : memref<3x40x768xf32, #tpu.memory_space<vmem>>, vector<1x1x16xf32>,
        %parallel_loop3A_969 = vector.shape_cast %parallel_loop3A_968 : vector<1x1x16xf32> to vector<16xf32>
        %parallel_loop3A_970 = vector.shape_cast %parallel_loop3A_963 : vector<16xf32> to vector<1x1x16xf32>
        tpu.vector_store %arg8[%parallel_loop3A_965, %parallel_loop3A_966, %parallel_loop3A_967], %parallel_loop3A_970 {add = true, strides = array<i32>} : memref<3x40x768xf32, #tpu.memory_space<vmem>>, vector<1x1x16xf32>,
        %parallel_loop3A_971 = arith.index_cast %parallel_loop3A_585 : i32 to index
        %parallel_loop3A_972 = arith.constant 560 : index
        %parallel_loop3A_973 = tpu.vector_load %arg7[%parallel_loop3A_971, %parallel_loop3A_972] {strides = array<i32>} : memref<40x768xf32, #tpu.memory_space<vmem>>, vector<1x16xf32>,
        %parallel_loop3A_974 = vector.shape_cast %parallel_loop3A_973 : vector<1x16xf32> to vector<16xf32>
        %parallel_loop3A_975 = arith.constant 2 : i32
        %parallel_loop3A_976 = arith.index_cast %parallel_loop3A_975 : i32 to index
        %parallel_loop3A_977 = arith.index_cast %parallel_loop3A_585 : i32 to index
        %parallel_loop3A_978 = arith.constant 560 : index
        %parallel_loop3A_979 = tpu.vector_load %arg8[%parallel_loop3A_976, %parallel_loop3A_977, %parallel_loop3A_978] {strides = array<i32>} : memref<3x40x768xf32, #tpu.memory_space<vmem>>, vector<1x1x16xf32>,
        %parallel_loop3A_980 = vector.shape_cast %parallel_loop3A_979 : vector<1x1x16xf32> to vector<16xf32>
        %parallel_loop3A_981 = vector.shape_cast %parallel_loop3A_974 : vector<16xf32> to vector<1x1x16xf32>
        tpu.vector_store %arg8[%parallel_loop3A_976, %parallel_loop3A_977, %parallel_loop3A_978], %parallel_loop3A_981 {add = true, strides = array<i32>} : memref<3x40x768xf32, #tpu.memory_space<vmem>>, vector<1x1x16xf32>,
        %parallel_loop3A_982 = arith.index_cast %parallel_loop3A_585 : i32 to index
        %parallel_loop3A_983 = arith.constant 576 : index
        %parallel_loop3A_984 = tpu.vector_load %arg7[%parallel_loop3A_982, %parallel_loop3A_983] {strides = array<i32>} : memref<40x768xf32, #tpu.memory_space<vmem>>, vector<1x16xf32>,
        %parallel_loop3A_985 = vector.shape_cast %parallel_loop3A_984 : vector<1x16xf32> to vector<16xf32>
        %parallel_loop3A_986 = arith.constant 2 : i32
        %parallel_loop3A_987 = arith.index_cast %parallel_loop3A_986 : i32 to index
        %parallel_loop3A_988 = arith.index_cast %parallel_loop3A_585 : i32 to index
        %parallel_loop3A_989 = arith.constant 576 : index
        %parallel_loop3A_990 = tpu.vector_load %arg8[%parallel_loop3A_987, %parallel_loop3A_988, %parallel_loop3A_989] {strides = array<i32>} : memref<3x40x768xf32, #tpu.memory_space<vmem>>, vector<1x1x16xf32>,
        %parallel_loop3A_991 = vector.shape_cast %parallel_loop3A_990 : vector<1x1x16xf32> to vector<16xf32>
        %parallel_loop3A_992 = vector.shape_cast %parallel_loop3A_985 : vector<16xf32> to vector<1x1x16xf32>
        tpu.vector_store %arg8[%parallel_loop3A_987, %parallel_loop3A_988, %parallel_loop3A_989], %parallel_loop3A_992 {add = true, strides = array<i32>} : memref<3x40x768xf32, #tpu.memory_space<vmem>>, vector<1x1x16xf32>,
        %parallel_loop3A_993 = arith.index_cast %parallel_loop3A_585 : i32 to index
        %parallel_loop3A_994 = arith.constant 592 : index
        %parallel_loop3A_995 = tpu.vector_load %arg7[%parallel_loop3A_993, %parallel_loop3A_994] {strides = array<i32>} : memref<40x768xf32, #tpu.memory_space<vmem>>, vector<1x16xf32>,
        %parallel_loop3A_996 = vector.shape_cast %parallel_loop3A_995 : vector<1x16xf32> to vector<16xf32>
        %parallel_loop3A_997 = arith.constant 2 : i32
        %parallel_loop3A_998 = arith.index_cast %parallel_loop3A_997 : i32 to index
        %parallel_loop3A_999 = arith.index_cast %parallel_loop3A_585 : i32 to index
        %parallel_loop3A_1000 = arith.constant 592 : index
        %parallel_loop3A_1001 = tpu.vector_load %arg8[%parallel_loop3A_998, %parallel_loop3A_999, %parallel_loop3A_1000] {strides = array<i32>} : memref<3x40x768xf32, #tpu.memory_space<vmem>>, vector<1x1x16xf32>,
        %parallel_loop3A_1002 = vector.shape_cast %parallel_loop3A_1001 : vector<1x1x16xf32> to vector<16xf32>
        %parallel_loop3A_1003 = vector.shape_cast %parallel_loop3A_996 : vector<16xf32> to vector<1x1x16xf32>
        tpu.vector_store %arg8[%parallel_loop3A_998, %parallel_loop3A_999, %parallel_loop3A_1000], %parallel_loop3A_1003 {add = true, strides = array<i32>} : memref<3x40x768xf32, #tpu.memory_space<vmem>>, vector<1x1x16xf32>,
        %parallel_loop3A_1004 = arith.index_cast %parallel_loop3A_585 : i32 to index
        %parallel_loop3A_1005 = arith.constant 608 : index
        %parallel_loop3A_1006 = tpu.vector_load %arg7[%parallel_loop3A_1004, %parallel_loop3A_1005] {strides = array<i32>} : memref<40x768xf32, #tpu.memory_space<vmem>>, vector<1x16xf32>,
        %parallel_loop3A_1007 = vector.shape_cast %parallel_loop3A_1006 : vector<1x16xf32> to vector<16xf32>
        %parallel_loop3A_1008 = arith.constant 2 : i32
        %parallel_loop3A_1009 = arith.index_cast %parallel_loop3A_1008 : i32 to index
        %parallel_loop3A_1010 = arith.index_cast %parallel_loop3A_585 : i32 to index
        %parallel_loop3A_1011 = arith.constant 608 : index
        %parallel_loop3A_1012 = tpu.vector_load %arg8[%parallel_loop3A_1009, %parallel_loop3A_1010, %parallel_loop3A_1011] {strides = array<i32>} : memref<3x40x768xf32, #tpu.memory_space<vmem>>, vector<1x1x16xf32>,
        %parallel_loop3A_1013 = vector.shape_cast %parallel_loop3A_1012 : vector<1x1x16xf32> to vector<16xf32>
        %parallel_loop3A_1014 = vector.shape_cast %parallel_loop3A_1007 : vector<16xf32> to vector<1x1x16xf32>
        tpu.vector_store %arg8[%parallel_loop3A_1009, %parallel_loop3A_1010, %parallel_loop3A_1011], %parallel_loop3A_1014 {add = true, strides = array<i32>} : memref<3x40x768xf32, #tpu.memory_space<vmem>>, vector<1x1x16xf32>,
        %parallel_loop3A_1015 = arith.index_cast %parallel_loop3A_585 : i32 to index
        %parallel_loop3A_1016 = arith.constant 624 : index
        %parallel_loop3A_1017 = tpu.vector_load %arg7[%parallel_loop3A_1015, %parallel_loop3A_1016] {strides = array<i32>} : memref<40x768xf32, #tpu.memory_space<vmem>>, vector<1x16xf32>,
        %parallel_loop3A_1018 = vector.shape_cast %parallel_loop3A_1017 : vector<1x16xf32> to vector<16xf32>
        %parallel_loop3A_1019 = arith.constant 2 : i32
        %parallel_loop3A_1020 = arith.index_cast %parallel_loop3A_1019 : i32 to index
        %parallel_loop3A_1021 = arith.index_cast %parallel_loop3A_585 : i32 to index
        %parallel_loop3A_1022 = arith.constant 624 : index
        %parallel_loop3A_1023 = tpu.vector_load %arg8[%parallel_loop3A_1020, %parallel_loop3A_1021, %parallel_loop3A_1022] {strides = array<i32>} : memref<3x40x768xf32, #tpu.memory_space<vmem>>, vector<1x1x16xf32>,
        %parallel_loop3A_1024 = vector.shape_cast %parallel_loop3A_1023 : vector<1x1x16xf32> to vector<16xf32>
        %parallel_loop3A_1025 = vector.shape_cast %parallel_loop3A_1018 : vector<16xf32> to vector<1x1x16xf32>
        tpu.vector_store %arg8[%parallel_loop3A_1020, %parallel_loop3A_1021, %parallel_loop3A_1022], %parallel_loop3A_1025 {add = true, strides = array<i32>} : memref<3x40x768xf32, #tpu.memory_space<vmem>>, vector<1x1x16xf32>,
        %parallel_loop3A_1026 = arith.index_cast %parallel_loop3A_585 : i32 to index
        %parallel_loop3A_1027 = arith.constant 640 : index
        %parallel_loop3A_1028 = tpu.vector_load %arg7[%parallel_loop3A_1026, %parallel_loop3A_1027] {strides = array<i32>} : memref<40x768xf32, #tpu.memory_space<vmem>>, vector<1x16xf32>,
        %parallel_loop3A_1029 = vector.shape_cast %parallel_loop3A_1028 : vector<1x16xf32> to vector<16xf32>
        %parallel_loop3A_1030 = arith.constant 2 : i32
        %parallel_loop3A_1031 = arith.index_cast %parallel_loop3A_1030 : i32 to index
        %parallel_loop3A_1032 = arith.index_cast %parallel_loop3A_585 : i32 to index
        %parallel_loop3A_1033 = arith.constant 640 : index
        %parallel_loop3A_1034 = tpu.vector_load %arg8[%parallel_loop3A_1031, %parallel_loop3A_1032, %parallel_loop3A_1033] {strides = array<i32>} : memref<3x40x768xf32, #tpu.memory_space<vmem>>, vector<1x1x16xf32>,
        %parallel_loop3A_1035 = vector.shape_cast %parallel_loop3A_1034 : vector<1x1x16xf32> to vector<16xf32>
        %parallel_loop3A_1036 = vector.shape_cast %parallel_loop3A_1029 : vector<16xf32> to vector<1x1x16xf32>
        tpu.vector_store %arg8[%parallel_loop3A_1031, %parallel_loop3A_1032, %parallel_loop3A_1033], %parallel_loop3A_1036 {add = true, strides = array<i32>} : memref<3x40x768xf32, #tpu.memory_space<vmem>>, vector<1x1x16xf32>,
        %parallel_loop3A_1037 = arith.index_cast %parallel_loop3A_585 : i32 to index
        %parallel_loop3A_1038 = arith.constant 656 : index
        %parallel_loop3A_1039 = tpu.vector_load %arg7[%parallel_loop3A_1037, %parallel_loop3A_1038] {strides = array<i32>} : memref<40x768xf32, #tpu.memory_space<vmem>>, vector<1x16xf32>,
        %parallel_loop3A_1040 = vector.shape_cast %parallel_loop3A_1039 : vector<1x16xf32> to vector<16xf32>
        %parallel_loop3A_1041 = arith.constant 2 : i32
        %parallel_loop3A_1042 = arith.index_cast %parallel_loop3A_1041 : i32 to index
        %parallel_loop3A_1043 = arith.index_cast %parallel_loop3A_585 : i32 to index
        %parallel_loop3A_1044 = arith.constant 656 : index
        %parallel_loop3A_1045 = tpu.vector_load %arg8[%parallel_loop3A_1042, %parallel_loop3A_1043, %parallel_loop3A_1044] {strides = array<i32>} : memref<3x40x768xf32, #tpu.memory_space<vmem>>, vector<1x1x16xf32>,
        %parallel_loop3A_1046 = vector.shape_cast %parallel_loop3A_1045 : vector<1x1x16xf32> to vector<16xf32>
        %parallel_loop3A_1047 = vector.shape_cast %parallel_loop3A_1040 : vector<16xf32> to vector<1x1x16xf32>
        tpu.vector_store %arg8[%parallel_loop3A_1042, %parallel_loop3A_1043, %parallel_loop3A_1044], %parallel_loop3A_1047 {add = true, strides = array<i32>} : memref<3x40x768xf32, #tpu.memory_space<vmem>>, vector<1x1x16xf32>,
        %parallel_loop3A_1048 = arith.index_cast %parallel_loop3A_585 : i32 to index
        %parallel_loop3A_1049 = arith.constant 672 : index
        %parallel_loop3A_1050 = tpu.vector_load %arg7[%parallel_loop3A_1048, %parallel_loop3A_1049] {strides = array<i32>} : memref<40x768xf32, #tpu.memory_space<vmem>>, vector<1x16xf32>,
        %parallel_loop3A_1051 = vector.shape_cast %parallel_loop3A_1050 : vector<1x16xf32> to vector<16xf32>
        %parallel_loop3A_1052 = arith.constant 2 : i32
        %parallel_loop3A_1053 = arith.index_cast %parallel_loop3A_1052 : i32 to index
        %parallel_loop3A_1054 = arith.index_cast %parallel_loop3A_585 : i32 to index
        %parallel_loop3A_1055 = arith.constant 672 : index
        %parallel_loop3A_1056 = tpu.vector_load %arg8[%parallel_loop3A_1053, %parallel_loop3A_1054, %parallel_loop3A_1055] {strides = array<i32>} : memref<3x40x768xf32, #tpu.memory_space<vmem>>, vector<1x1x16xf32>,
        %parallel_loop3A_1057 = vector.shape_cast %parallel_loop3A_1056 : vector<1x1x16xf32> to vector<16xf32>
        %parallel_loop3A_1058 = vector.shape_cast %parallel_loop3A_1051 : vector<16xf32> to vector<1x1x16xf32>
        tpu.vector_store %arg8[%parallel_loop3A_1053, %parallel_loop3A_1054, %parallel_loop3A_1055], %parallel_loop3A_1058 {add = true, strides = array<i32>} : memref<3x40x768xf32, #tpu.memory_space<vmem>>, vector<1x1x16xf32>,
        %parallel_loop3A_1059 = arith.index_cast %parallel_loop3A_585 : i32 to index
        %parallel_loop3A_1060 = arith.constant 688 : index
        %parallel_loop3A_1061 = tpu.vector_load %arg7[%parallel_loop3A_1059, %parallel_loop3A_1060] {strides = array<i32>} : memref<40x768xf32, #tpu.memory_space<vmem>>, vector<1x16xf32>,
        %parallel_loop3A_1062 = vector.shape_cast %parallel_loop3A_1061 : vector<1x16xf32> to vector<16xf32>
        %parallel_loop3A_1063 = arith.constant 2 : i32
        %parallel_loop3A_1064 = arith.index_cast %parallel_loop3A_1063 : i32 to index
        %parallel_loop3A_1065 = arith.index_cast %parallel_loop3A_585 : i32 to index
        %parallel_loop3A_1066 = arith.constant 688 : index
        %parallel_loop3A_1067 = tpu.vector_load %arg8[%parallel_loop3A_1064, %parallel_loop3A_1065, %parallel_loop3A_1066] {strides = array<i32>} : memref<3x40x768xf32, #tpu.memory_space<vmem>>, vector<1x1x16xf32>,
        %parallel_loop3A_1068 = vector.shape_cast %parallel_loop3A_1067 : vector<1x1x16xf32> to vector<16xf32>
        %parallel_loop3A_1069 = vector.shape_cast %parallel_loop3A_1062 : vector<16xf32> to vector<1x1x16xf32>
        tpu.vector_store %arg8[%parallel_loop3A_1064, %parallel_loop3A_1065, %parallel_loop3A_1066], %parallel_loop3A_1069 {add = true, strides = array<i32>} : memref<3x40x768xf32, #tpu.memory_space<vmem>>, vector<1x1x16xf32>,
        %parallel_loop3A_1070 = arith.index_cast %parallel_loop3A_585 : i32 to index
        %parallel_loop3A_1071 = arith.constant 704 : index
        %parallel_loop3A_1072 = tpu.vector_load %arg7[%parallel_loop3A_1070, %parallel_loop3A_1071] {strides = array<i32>} : memref<40x768xf32, #tpu.memory_space<vmem>>, vector<1x16xf32>,
        %parallel_loop3A_1073 = vector.shape_cast %parallel_loop3A_1072 : vector<1x16xf32> to vector<16xf32>
        %parallel_loop3A_1074 = arith.constant 2 : i32
        %parallel_loop3A_1075 = arith.index_cast %parallel_loop3A_1074 : i32 to index
        %parallel_loop3A_1076 = arith.index_cast %parallel_loop3A_585 : i32 to index
        %parallel_loop3A_1077 = arith.constant 704 : index
        %parallel_loop3A_1078 = tpu.vector_load %arg8[%parallel_loop3A_1075, %parallel_loop3A_1076, %parallel_loop3A_1077] {strides = array<i32>} : memref<3x40x768xf32, #tpu.memory_space<vmem>>, vector<1x1x16xf32>,
        %parallel_loop3A_1079 = vector.shape_cast %parallel_loop3A_1078 : vector<1x1x16xf32> to vector<16xf32>
        %parallel_loop3A_1080 = vector.shape_cast %parallel_loop3A_1073 : vector<16xf32> to vector<1x1x16xf32>
        tpu.vector_store %arg8[%parallel_loop3A_1075, %parallel_loop3A_1076, %parallel_loop3A_1077], %parallel_loop3A_1080 {add = true, strides = array<i32>} : memref<3x40x768xf32, #tpu.memory_space<vmem>>, vector<1x1x16xf32>,
        %parallel_loop3A_1081 = arith.index_cast %parallel_loop3A_585 : i32 to index
        %parallel_loop3A_1082 = arith.constant 720 : index
        %parallel_loop3A_1083 = tpu.vector_load %arg7[%parallel_loop3A_1081, %parallel_loop3A_1082] {strides = array<i32>} : memref<40x768xf32, #tpu.memory_space<vmem>>, vector<1x16xf32>,
        %parallel_loop3A_1084 = vector.shape_cast %parallel_loop3A_1083 : vector<1x16xf32> to vector<16xf32>
        %parallel_loop3A_1085 = arith.constant 2 : i32
        %parallel_loop3A_1086 = arith.index_cast %parallel_loop3A_1085 : i32 to index
        %parallel_loop3A_1087 = arith.index_cast %parallel_loop3A_585 : i32 to index
        %parallel_loop3A_1088 = arith.constant 720 : index
        %parallel_loop3A_1089 = tpu.vector_load %arg8[%parallel_loop3A_1086, %parallel_loop3A_1087, %parallel_loop3A_1088] {strides = array<i32>} : memref<3x40x768xf32, #tpu.memory_space<vmem>>, vector<1x1x16xf32>,
        %parallel_loop3A_1090 = vector.shape_cast %parallel_loop3A_1089 : vector<1x1x16xf32> to vector<16xf32>
        %parallel_loop3A_1091 = vector.shape_cast %parallel_loop3A_1084 : vector<16xf32> to vector<1x1x16xf32>
        tpu.vector_store %arg8[%parallel_loop3A_1086, %parallel_loop3A_1087, %parallel_loop3A_1088], %parallel_loop3A_1091 {add = true, strides = array<i32>} : memref<3x40x768xf32, #tpu.memory_space<vmem>>, vector<1x1x16xf32>,
        %parallel_loop3A_1092 = arith.index_cast %parallel_loop3A_585 : i32 to index
        %parallel_loop3A_1093 = arith.constant 736 : index
        %parallel_loop3A_1094 = tpu.vector_load %arg7[%parallel_loop3A_1092, %parallel_loop3A_1093] {strides = array<i32>} : memref<40x768xf32, #tpu.memory_space<vmem>>, vector<1x16xf32>,
        %parallel_loop3A_1095 = vector.shape_cast %parallel_loop3A_1094 : vector<1x16xf32> to vector<16xf32>
        %parallel_loop3A_1096 = arith.constant 2 : i32
        %parallel_loop3A_1097 = arith.index_cast %parallel_loop3A_1096 : i32 to index
        %parallel_loop3A_1098 = arith.index_cast %parallel_loop3A_585 : i32 to index
        %parallel_loop3A_1099 = arith.constant 736 : index
        %parallel_loop3A_1100 = tpu.vector_load %arg8[%parallel_loop3A_1097, %parallel_loop3A_1098, %parallel_loop3A_1099] {strides = array<i32>} : memref<3x40x768xf32, #tpu.memory_space<vmem>>, vector<1x1x16xf32>,
        %parallel_loop3A_1101 = vector.shape_cast %parallel_loop3A_1100 : vector<1x1x16xf32> to vector<16xf32>
        %parallel_loop3A_1102 = vector.shape_cast %parallel_loop3A_1095 : vector<16xf32> to vector<1x1x16xf32>
        tpu.vector_store %arg8[%parallel_loop3A_1097, %parallel_loop3A_1098, %parallel_loop3A_1099], %parallel_loop3A_1102 {add = true, strides = array<i32>} : memref<3x40x768xf32, #tpu.memory_space<vmem>>, vector<1x1x16xf32>,
        %parallel_loop3A_1103 = arith.index_cast %parallel_loop3A_585 : i32 to index
        %parallel_loop3A_1104 = arith.constant 752 : index
        %parallel_loop3A_1105 = tpu.vector_load %arg7[%parallel_loop3A_1103, %parallel_loop3A_1104] {strides = array<i32>} : memref<40x768xf32, #tpu.memory_space<vmem>>, vector<1x16xf32>,
        %parallel_loop3A_1106 = vector.shape_cast %parallel_loop3A_1105 : vector<1x16xf32> to vector<16xf32>
        %parallel_loop3A_1107 = arith.constant 2 : i32
        %parallel_loop3A_1108 = arith.index_cast %parallel_loop3A_1107 : i32 to index
        %parallel_loop3A_1109 = arith.index_cast %parallel_loop3A_585 : i32 to index
        %parallel_loop3A_1110 = arith.constant 752 : index
        %parallel_loop3A_1111 = tpu.vector_load %arg8[%parallel_loop3A_1108, %parallel_loop3A_1109, %parallel_loop3A_1110] {strides = array<i32>} : memref<3x40x768xf32, #tpu.memory_space<vmem>>, vector<1x1x16xf32>,
        %parallel_loop3A_1112 = vector.shape_cast %parallel_loop3A_1111 : vector<1x1x16xf32> to vector<16xf32>
        %parallel_loop3A_1113 = vector.shape_cast %parallel_loop3A_1106 : vector<16xf32> to vector<1x1x16xf32>
        tpu.vector_store %arg8[%parallel_loop3A_1108, %parallel_loop3A_1109, %parallel_loop3A_1110], %parallel_loop3A_1113 {add = true, strides = array<i32>} : memref<3x40x768xf32, #tpu.memory_space<vmem>>, vector<1x1x16xf32>,
      } {sc.loop_unroll_factor = 1 : i64, sc.parallel_access}
      %jit3A_524 = arith.constant 32 : i32
      %div3A_525 = arith.divsi %add3A_434, %jit3A_524 : i32
      %sign3A_526 = arith.constant 0 : i32
      %sign3A_527 = arith.cmpi sgt, %add3A_434, %sign3A_526 : i32
      %sign3A_528 = arith.extui %sign3A_527 : i1 to i32
      %sign3A_529 = arith.constant 0 : i32
      %sign3A_530 = arith.cmpi slt, %add3A_434, %sign3A_529 : i32
      %sign3A_531 = arith.extui %sign3A_530 : i1 to i32
      %sign3A_532 = arith.subi %sign3A_528, %sign3A_531 : i32
      %sign3A_533 = arith.constant 0 : i32
      %sign3A_534 = arith.cmpi sgt, %jit3A_524, %sign3A_533 : i32
      %sign3A_535 = arith.extui %sign3A_534 : i1 to i32
      %sign3A_536 = arith.constant 0 : i32
      %sign3A_537 = arith.cmpi slt, %jit3A_524, %sign3A_536 : i32
      %sign3A_538 = arith.extui %sign3A_537 : i1 to i32
      %sign3A_539 = arith.subi %sign3A_535, %sign3A_538 : i32
      %ne3A_540 = arith.cmpi ne, %sign3A_532, %sign3A_539 : i32
      %rem3A_541 = arith.remsi %add3A_434, %jit3A_524 : i32
      %ne3A_542 = arith.constant 0 : i32
      %ne3A_543 = arith.cmpi ne, %rem3A_541, %ne3A_542 : i32
      %and3A_544 = arith.andi %ne3A_540, %ne3A_543 : i1
      %sub3A_545 = arith.constant 1 : i32
      %sub3A_546 = arith.subi %div3A_525, %sub3A_545 : i32
      %select_n3A_547 = arith.select %and3A_544, %sub3A_546, %div3A_525 : i32
      %mul3A_548 = arith.constant 32 : i32
      %mul3A_549 = arith.muli %select_n3A_547, %mul3A_548 : i32
      %sub3A_550 = arith.subi %add3A_434, %mul3A_549 : i32
      %mul3A_551 = arith.constant 200 : i32
      %mul3A_552 = arith.muli %sub3A_550, %mul3A_551 : i32
      %mul3A_553 = arith.constant 40 : i32
      %mul3A_554 = arith.muli %select_n3A_547, %mul3A_553 : i32
      %add3A_555 = arith.addi %mul3A_552, %mul3A_554 : i32
      %add3A_556 = arith.addi %mul3A_2, %add3A_555 : i32
      %dma_start3A_557 = arith.constant 2 : i32
      %dma_start3A_558 = arith.constant 2 : i32
      %dma_start3A_559 = arith.constant 0 : i32
      %dma_start3A_560 = arith.constant 0 : i32
      %dma_start3A_561 = tpu.memref_slice %arg8[%dma_start3A_557, %dma_start3A_559, %dma_start3A_560] : memref<3x40x768xf32, #tpu.memory_space<vmem>> -> memref<1x40x768xf32, #tpu.memory_space<vmem>>
      %dma_start3A_562 = tpu.memref_squeeze %dma_start3A_561 : memref<1x40x768xf32, #tpu.memory_space<vmem>> -> memref<40x768xf32, #tpu.memory_space<vmem>>
      %dma_start3A_563 = arith.constant 0 : i32
      %dma_start3A_564 = tpu.memref_slice %arg5[%add3A_556, %dma_start3A_563] : memref<204800x768xf32, #tpu.memory_space<hbm>> -> memref<40x768xf32, #tpu.memory_space<hbm>>
      %dma_start3A_565 = tpu.memref_slice %arg10[%dma_start3A_558] : memref<3x!tpu.dma_semaphore, #tpu.memory_space<semaphore_mem>> -> memref<1x!tpu.dma_semaphore, #tpu.memory_space<semaphore_mem>>
      %dma_start3A_566 = tpu.memref_squeeze %dma_start3A_565 : memref<1x!tpu.dma_semaphore, #tpu.memory_space<semaphore_mem>> -> memref<!tpu.dma_semaphore, #tpu.memory_space<semaphore_mem>>
      %dma_start3A_567 = arith.constant 0 : i32
      %dma_start3A_568 = tpu.memref_slice %arg5[%add3A_556, %dma_start3A_567] : memref<204800x768xf32, #tpu.memory_space<hbm>> -> memref<40x768xf32, #tpu.memory_space<hbm>>
      %dma_start3A_569 = arith.constant 0 : i32
      %dma_start3A_570 = arith.constant 0 : i32
      %dma_start3A_571 = tpu.memref_slice %arg8[%dma_start3A_557, %dma_start3A_569, %dma_start3A_570] : memref<3x40x768xf32, #tpu.memory_space<vmem>> -> memref<1x40x768xf32, #tpu.memory_space<vmem>>
      %dma_start3A_572 = tpu.memref_squeeze %dma_start3A_571 : memref<1x40x768xf32, #tpu.memory_space<vmem>> -> memref<40x768xf32, #tpu.memory_space<vmem>>
      tpu.enqueue_dma source(%dma_start3A_572 : memref<40x768xf32, #tpu.memory_space<vmem>>) target(%dma_start3A_568 : memref<40x768xf32, #tpu.memory_space<hbm>>) target_semaphore(%dma_start3A_566 : memref<!tpu.dma_semaphore, #tpu.memory_space<semaphore_mem>>)
      %add3A_573 = arith.constant 3 : i32
      %add3A_574 = arith.addi %add3A_434, %add3A_573 : i32
      %sub3A_575 = arith.constant 1 : i32
      %sub3A_576 = arith.subi %add3A_574, %sub3A_575 : i32
      %ge3A_577 = arith.constant 1 : i32
      %ge3A_578 = arith.cmpi sge, %add3A_434, %ge3A_577 : i32
      %lt3A_579 = arith.constant 160 : i32
      %lt3A_580 = arith.cmpi slt, %sub3A_576, %lt3A_579 : i32
      %and3A_581 = arith.andi %ge3A_578, %lt3A_580 : i1
      %convert_element_type3A_582 = arith.extui %and3A_581 : i1 to i32
      %cond3A_583 = arith.constant 0 : i32
      %cond3A_584 = arith.cmpi ne, %convert_element_type3A_582, %cond3A_583 : i32
      scf.if %cond3A_584 {
        %sub3A_585 = arith.constant 1 : i32
        %sub3A_586 = arith.subi %add3A_434, %sub3A_585 : i32
        %jit3A_587 = arith.constant 32 : i32
        %div3A_588 = arith.divsi %sub3A_586, %jit3A_587 : i32
        %sign3A_589 = arith.constant 0 : i32
        %sign3A_590 = arith.cmpi sgt, %sub3A_586, %sign3A_589 : i32
        %sign3A_591 = arith.extui %sign3A_590 : i1 to i32
        %sign3A_592 = arith.constant 0 : i32
        %sign3A_593 = arith.cmpi slt, %sub3A_586, %sign3A_592 : i32
        %sign3A_594 = arith.extui %sign3A_593 : i1 to i32
        %sign3A_595 = arith.subi %sign3A_591, %sign3A_594 : i32
        %sign3A_596 = arith.constant 0 : i32
        %sign3A_597 = arith.cmpi sgt, %jit3A_587, %sign3A_596 : i32
        %sign3A_598 = arith.extui %sign3A_597 : i1 to i32
        %sign3A_599 = arith.constant 0 : i32
        %sign3A_600 = arith.cmpi slt, %jit3A_587, %sign3A_599 : i32
        %sign3A_601 = arith.extui %sign3A_600 : i1 to i32
        %sign3A_602 = arith.subi %sign3A_598, %sign3A_601 : i32
        %ne3A_603 = arith.cmpi ne, %sign3A_595, %sign3A_602 : i32
        %rem3A_604 = arith.remsi %sub3A_586, %jit3A_587 : i32
        %ne3A_605 = arith.constant 0 : i32
        %ne3A_606 = arith.cmpi ne, %rem3A_604, %ne3A_605 : i32
        %and3A_607 = arith.andi %ne3A_603, %ne3A_606 : i1
        %sub3A_608 = arith.constant 1 : i32
        %sub3A_609 = arith.subi %div3A_588, %sub3A_608 : i32
        %select_n3A_610 = arith.select %and3A_607, %sub3A_609, %div3A_588 : i32
        %mul3A_611 = arith.constant 32 : i32
        %mul3A_612 = arith.muli %select_n3A_610, %mul3A_611 : i32
        %sub3A_613 = arith.subi %sub3A_586, %mul3A_612 : i32
        %mul3A_614 = arith.constant 200 : i32
        %mul3A_615 = arith.muli %sub3A_613, %mul3A_614 : i32
        %mul3A_616 = arith.constant 40 : i32
        %mul3A_617 = arith.muli %select_n3A_610, %mul3A_616 : i32
        %add3A_618 = arith.addi %mul3A_615, %mul3A_617 : i32
        %add3A_619 = arith.addi %mul3A_2, %add3A_618 : i32
        %dma_wait3A_620 = arith.constant 1 : i32
        %dma_wait3A_621 = arith.constant 1 : i32
        %dma_wait3A_622 = arith.constant 0 : i32
        %dma_wait3A_623 = arith.constant 0 : i32
        %dma_wait3A_624 = tpu.memref_slice %arg8[%dma_wait3A_620, %dma_wait3A_622, %dma_wait3A_623] : memref<3x40x768xf32, #tpu.memory_space<vmem>> -> memref<1x40x768xf32, #tpu.memory_space<vmem>>
        %dma_wait3A_625 = tpu.memref_squeeze %dma_wait3A_624 : memref<1x40x768xf32, #tpu.memory_space<vmem>> -> memref<40x768xf32, #tpu.memory_space<vmem>>
        %dma_wait3A_626 = arith.constant 0 : i32
        %dma_wait3A_627 = tpu.memref_slice %arg5[%add3A_619, %dma_wait3A_626] : memref<204800x768xf32, #tpu.memory_space<hbm>> -> memref<40x768xf32, #tpu.memory_space<hbm>>
        %dma_wait3A_628 = tpu.memref_slice %arg10[%dma_wait3A_621] : memref<3x!tpu.dma_semaphore, #tpu.memory_space<semaphore_mem>> -> memref<1x!tpu.dma_semaphore, #tpu.memory_space<semaphore_mem>>
        %dma_wait3A_629 = tpu.memref_squeeze %dma_wait3A_628 : memref<1x!tpu.dma_semaphore, #tpu.memory_space<semaphore_mem>> -> memref<!tpu.dma_semaphore, #tpu.memory_space<semaphore_mem>>
        %dma_wait3A_630 = arith.constant 0 : i32
        %dma_wait3A_631 = tpu.memref_slice %arg5[%add3A_619, %dma_wait3A_630] : memref<204800x768xf32, #tpu.memory_space<hbm>> -> memref<40x768xf32, #tpu.memory_space<hbm>>
        %dma_wait3A_632 = arith.constant 0 : i32
        %dma_wait3A_633 = arith.constant 0 : i32
        %dma_wait3A_634 = tpu.memref_slice %arg8[%dma_wait3A_620, %dma_wait3A_632, %dma_wait3A_633] : memref<3x40x768xf32, #tpu.memory_space<vmem>> -> memref<1x40x768xf32, #tpu.memory_space<vmem>>
        %dma_wait3A_635 = tpu.memref_squeeze %dma_wait3A_634 : memref<1x40x768xf32, #tpu.memory_space<vmem>> -> memref<40x768xf32, #tpu.memory_space<vmem>>
        tpu.wait_dma2 semaphore(%dma_wait3A_629 : memref<!tpu.dma_semaphore, #tpu.memory_space<semaphore_mem>>) src(%dma_wait3A_635 : memref<40x768xf32, #tpu.memory_space<vmem>>) dst(%dma_wait3A_631 : memref<40x768xf32, #tpu.memory_space<hbm>>)
        %jit3A_636 = arith.constant 32 : i32
        %div3A_637 = arith.divsi %sub3A_576, %jit3A_636 : i32
        %sign3A_638 = arith.constant 0 : i32
        %sign3A_639 = arith.cmpi sgt, %sub3A_576, %sign3A_638 : i32
        %sign3A_640 = arith.extui %sign3A_639 : i1 to i32
        %sign3A_641 = arith.constant 0 : i32
        %sign3A_642 = arith.cmpi slt, %sub3A_576, %sign3A_641 : i32
        %sign3A_643 = arith.extui %sign3A_642 : i1 to i32
        %sign3A_644 = arith.subi %sign3A_640, %sign3A_643 : i32
        %sign3A_645 = arith.constant 0 : i32
        %sign3A_646 = arith.cmpi sgt, %jit3A_636, %sign3A_645 : i32
        %sign3A_647 = arith.extui %sign3A_646 : i1 to i32
        %sign3A_648 = arith.constant 0 : i32
        %sign3A_649 = arith.cmpi slt, %jit3A_636, %sign3A_648 : i32
        %sign3A_650 = arith.extui %sign3A_649 : i1 to i32
        %sign3A_651 = arith.subi %sign3A_647, %sign3A_650 : i32
        %ne3A_652 = arith.cmpi ne, %sign3A_644, %sign3A_651 : i32
        %rem3A_653 = arith.remsi %sub3A_576, %jit3A_636 : i32
        %ne3A_654 = arith.constant 0 : i32
        %ne3A_655 = arith.cmpi ne, %rem3A_653, %ne3A_654 : i32
        %and3A_656 = arith.andi %ne3A_652, %ne3A_655 : i1
        %sub3A_657 = arith.constant 1 : i32
        %sub3A_658 = arith.subi %div3A_637, %sub3A_657 : i32
        %select_n3A_659 = arith.select %and3A_656, %sub3A_658, %div3A_637 : i32
        %mul3A_660 = arith.constant 32 : i32
        %mul3A_661 = arith.muli %select_n3A_659, %mul3A_660 : i32
        %sub3A_662 = arith.subi %sub3A_576, %mul3A_661 : i32
        %mul3A_663 = arith.constant 200 : i32
        %mul3A_664 = arith.muli %sub3A_662, %mul3A_663 : i32
        %mul3A_665 = arith.constant 40 : i32
        %mul3A_666 = arith.muli %select_n3A_659, %mul3A_665 : i32
        %add3A_667 = arith.addi %mul3A_664, %mul3A_666 : i32
        %dma_start3A_668 = arith.constant 1 : i32
        %dma_start3A_669 = arith.constant 1 : i32
        %dma_start3A_670 = arith.constant 0 : i32
        %dma_start3A_671 = arith.constant 0 : i32
        %dma_start3A_672 = tpu.memref_slice %arg8[%dma_start3A_668, %dma_start3A_670, %dma_start3A_671] : memref<3x40x768xf32, #tpu.memory_space<vmem>> -> memref<1x40x768xf32, #tpu.memory_space<vmem>>
        %dma_start3A_673 = tpu.memref_squeeze %dma_start3A_672 : memref<1x40x768xf32, #tpu.memory_space<vmem>> -> memref<40x768xf32, #tpu.memory_space<vmem>>
        %dma_start3A_674 = tpu.memref_slice %arg6[%add3A_667] : memref<6400xi32, #tpu.memory_space<vmem>> -> memref<40xi32, #tpu.memory_space<vmem>>
        %dma_start3A_675 = arith.constant 0 : i32
        %dma_start3A_676 = arith.constant 0 : i32
        %dma_start3A_677 = tpu.memref_slice %arg3[%dma_start3A_675, %dma_start3A_676] : memref<100000x768xf32, #tpu.memory_space<hbm>> -> memref<100000x768xf32, #tpu.memory_space<hbm>>
        %dma_start3A_678 = tpu.memref_slice %arg9[%dma_start3A_669] : memref<3x!tpu.dma_semaphore, #tpu.memory_space<semaphore_mem>> -> memref<1x!tpu.dma_semaphore, #tpu.memory_space<semaphore_mem>>
        %dma_start3A_679 = tpu.memref_squeeze %dma_start3A_678 : memref<1x!tpu.dma_semaphore, #tpu.memory_space<semaphore_mem>> -> memref<!tpu.dma_semaphore, #tpu.memory_space<semaphore_mem>>
        tpu.enqueue_indirect_dma source(%dma_start3A_677 : memref<100000x768xf32, #tpu.memory_space<hbm>>) target(%dma_start3A_673 : memref<40x768xf32, #tpu.memory_space<vmem>>) offsets(%dma_start3A_674 : memref<40xi32, #tpu.memory_space<vmem>>) semaphore(%dma_start3A_679 : memref<!tpu.dma_semaphore, #tpu.memory_space<semaphore_mem>>)
      } else {
      }
    }
    %scan3A_44 = arith.constant 53 : i32
    %dma_wait3A = arith.constant 0 : i32
    %dma_wait3A_45 = arith.constant 0 : i32
    %dma_wait3A_46 = arith.constant 0 : i32
    %dma_wait3A_47 = arith.constant 0 : i32
    %dma_wait3A_48 = tpu.memref_slice %arg8[%dma_wait3A, %dma_wait3A_46, %dma_wait3A_47] : memref<3x40x768xf32, #tpu.memory_space<vmem>> -> memref<1x40x768xf32, #tpu.memory_space<vmem>>
    %dma_wait3A_49 = tpu.memref_squeeze %dma_wait3A_48 : memref<1x40x768xf32, #tpu.memory_space<vmem>> -> memref<40x768xf32, #tpu.memory_space<vmem>>
    %dma_wait3A_50 = arith.constant 6360 : i32
    %dma_wait3A_51 = tpu.memref_slice %arg6[%dma_wait3A_50] : memref<6400xi32, #tpu.memory_space<vmem>> -> memref<40xi32, #tpu.memory_space<vmem>>
    %dma_wait3A_52 = arith.constant 0 : i32
    %dma_wait3A_53 = arith.constant 0 : i32
    %dma_wait3A_54 = tpu.memref_slice %arg3[%dma_wait3A_52, %dma_wait3A_53] : memref<100000x768xf32, #tpu.memory_space<hbm>> -> memref<100000x768xf32, #tpu.memory_space<hbm>>
    %dma_wait3A_55 = tpu.memref_slice %arg9[%dma_wait3A_45] : memref<3x!tpu.dma_semaphore, #tpu.memory_space<semaphore_mem>> -> memref<1x!tpu.dma_semaphore, #tpu.memory_space<semaphore_mem>>
    %dma_wait3A_56 = tpu.memref_squeeze %dma_wait3A_55 : memref<1x!tpu.dma_semaphore, #tpu.memory_space<semaphore_mem>> -> memref<!tpu.dma_semaphore, #tpu.memory_space<semaphore_mem>>
    tpu.wait_indirect_dma semaphore(%dma_wait3A_56 : memref<!tpu.dma_semaphore, #tpu.memory_space<semaphore_mem>>) src(%dma_wait3A_54 : memref<100000x768xf32, #tpu.memory_space<hbm>>) dst(%dma_wait3A_49 : memref<40x768xf32, #tpu.memory_space<vmem>>)
    %parallel_loop3A = arith.constant 0 : i32
    %parallel_loop3A_57 = arith.constant 40 : i32
    %parallel_loop3A_58 = arith.constant 1 : i32
    scf.for %parallel_loop3A_134 = %parallel_loop3A to %parallel_loop3A_57 step %parallel_loop3A_58  : i32 {
      %parallel_loop3A_135 = arith.index_cast %parallel_loop3A_134 : i32 to index
      %parallel_loop3A_136 = arith.constant 0 : index
      %parallel_loop3A_137 = tpu.vector_load %arg7[%parallel_loop3A_135, %parallel_loop3A_136] {strides = array<i32>} : memref<40x768xf32, #tpu.memory_space<vmem>>, vector<1x16xf32>,
      %parallel_loop3A_138 = vector.shape_cast %parallel_loop3A_137 : vector<1x16xf32> to vector<16xf32>
      %parallel_loop3A_139 = arith.constant 0 : i32
      %parallel_loop3A_140 = arith.index_cast %parallel_loop3A_139 : i32 to index
      %parallel_loop3A_141 = arith.index_cast %parallel_loop3A_134 : i32 to index
      %parallel_loop3A_142 = arith.constant 0 : index
      %parallel_loop3A_143 = tpu.vector_load %arg8[%parallel_loop3A_140, %parallel_loop3A_141, %parallel_loop3A_142] {strides = array<i32>} : memref<3x40x768xf32, #tpu.memory_space<vmem>>, vector<1x1x16xf32>,
      %parallel_loop3A_144 = vector.shape_cast %parallel_loop3A_143 : vector<1x1x16xf32> to vector<16xf32>
      %parallel_loop3A_145 = vector.shape_cast %parallel_loop3A_138 : vector<16xf32> to vector<1x1x16xf32>
      tpu.vector_store %arg8[%parallel_loop3A_140, %parallel_loop3A_141, %parallel_loop3A_142], %parallel_loop3A_145 {add = true, strides = array<i32>} : memref<3x40x768xf32, #tpu.memory_space<vmem>>, vector<1x1x16xf32>,
      %parallel_loop3A_146 = arith.index_cast %parallel_loop3A_134 : i32 to index
      %parallel_loop3A_147 = arith.constant 16 : index
      %parallel_loop3A_148 = tpu.vector_load %arg7[%parallel_loop3A_146, %parallel_loop3A_147] {strides = array<i32>} : memref<40x768xf32, #tpu.memory_space<vmem>>, vector<1x16xf32>,
      %parallel_loop3A_149 = vector.shape_cast %parallel_loop3A_148 : vector<1x16xf32> to vector<16xf32>
      %parallel_loop3A_150 = arith.constant 0 : i32
      %parallel_loop3A_151 = arith.index_cast %parallel_loop3A_150 : i32 to index
      %parallel_loop3A_152 = arith.index_cast %parallel_loop3A_134 : i32 to index
      %parallel_loop3A_153 = arith.constant 16 : index
      %parallel_loop3A_154 = tpu.vector_load %arg8[%parallel_loop3A_151, %parallel_loop3A_152, %parallel_loop3A_153] {strides = array<i32>} : memref<3x40x768xf32, #tpu.memory_space<vmem>>, vector<1x1x16xf32>,
      %parallel_loop3A_155 = vector.shape_cast %parallel_loop3A_154 : vector<1x1x16xf32> to vector<16xf32>
      %parallel_loop3A_156 = vector.shape_cast %parallel_loop3A_149 : vector<16xf32> to vector<1x1x16xf32>
      tpu.vector_store %arg8[%parallel_loop3A_151, %parallel_loop3A_152, %parallel_loop3A_153], %parallel_loop3A_156 {add = true, strides = array<i32>} : memref<3x40x768xf32, #tpu.memory_space<vmem>>, vector<1x1x16xf32>,
      %parallel_loop3A_157 = arith.index_cast %parallel_loop3A_134 : i32 to index
      %parallel_loop3A_158 = arith.constant 32 : index
      %parallel_loop3A_159 = tpu.vector_load %arg7[%parallel_loop3A_157, %parallel_loop3A_158] {strides = array<i32>} : memref<40x768xf32, #tpu.memory_space<vmem>>, vector<1x16xf32>,
      %parallel_loop3A_160 = vector.shape_cast %parallel_loop3A_159 : vector<1x16xf32> to vector<16xf32>
      %parallel_loop3A_161 = arith.constant 0 : i32
      %parallel_loop3A_162 = arith.index_cast %parallel_loop3A_161 : i32 to index
      %parallel_loop3A_163 = arith.index_cast %parallel_loop3A_134 : i32 to index
      %parallel_loop3A_164 = arith.constant 32 : index
      %parallel_loop3A_165 = tpu.vector_load %arg8[%parallel_loop3A_162, %parallel_loop3A_163, %parallel_loop3A_164] {strides = array<i32>} : memref<3x40x768xf32, #tpu.memory_space<vmem>>, vector<1x1x16xf32>,
      %parallel_loop3A_166 = vector.shape_cast %parallel_loop3A_165 : vector<1x1x16xf32> to vector<16xf32>
      %parallel_loop3A_167 = vector.shape_cast %parallel_loop3A_160 : vector<16xf32> to vector<1x1x16xf32>
      tpu.vector_store %arg8[%parallel_loop3A_162, %parallel_loop3A_163, %parallel_loop3A_164], %parallel_loop3A_167 {add = true, strides = array<i32>} : memref<3x40x768xf32, #tpu.memory_space<vmem>>, vector<1x1x16xf32>,
      %parallel_loop3A_168 = arith.index_cast %parallel_loop3A_134 : i32 to index
      %parallel_loop3A_169 = arith.constant 48 : index
      %parallel_loop3A_170 = tpu.vector_load %arg7[%parallel_loop3A_168, %parallel_loop3A_169] {strides = array<i32>} : memref<40x768xf32, #tpu.memory_space<vmem>>, vector<1x16xf32>,
      %parallel_loop3A_171 = vector.shape_cast %parallel_loop3A_170 : vector<1x16xf32> to vector<16xf32>
      %parallel_loop3A_172 = arith.constant 0 : i32
      %parallel_loop3A_173 = arith.index_cast %parallel_loop3A_172 : i32 to index
      %parallel_loop3A_174 = arith.index_cast %parallel_loop3A_134 : i32 to index
      %parallel_loop3A_175 = arith.constant 48 : index
      %parallel_loop3A_176 = tpu.vector_load %arg8[%parallel_loop3A_173, %parallel_loop3A_174, %parallel_loop3A_175] {strides = array<i32>} : memref<3x40x768xf32, #tpu.memory_space<vmem>>, vector<1x1x16xf32>,
      %parallel_loop3A_177 = vector.shape_cast %parallel_loop3A_176 : vector<1x1x16xf32> to vector<16xf32>
      %parallel_loop3A_178 = vector.shape_cast %parallel_loop3A_171 : vector<16xf32> to vector<1x1x16xf32>
      tpu.vector_store %arg8[%parallel_loop3A_173, %parallel_loop3A_174, %parallel_loop3A_175], %parallel_loop3A_178 {add = true, strides = array<i32>} : memref<3x40x768xf32, #tpu.memory_space<vmem>>, vector<1x1x16xf32>,
      %parallel_loop3A_179 = arith.index_cast %parallel_loop3A_134 : i32 to index
      %parallel_loop3A_180 = arith.constant 64 : index
      %parallel_loop3A_181 = tpu.vector_load %arg7[%parallel_loop3A_179, %parallel_loop3A_180] {strides = array<i32>} : memref<40x768xf32, #tpu.memory_space<vmem>>, vector<1x16xf32>,
      %parallel_loop3A_182 = vector.shape_cast %parallel_loop3A_181 : vector<1x16xf32> to vector<16xf32>
      %parallel_loop3A_183 = arith.constant 0 : i32
      %parallel_loop3A_184 = arith.index_cast %parallel_loop3A_183 : i32 to index
      %parallel_loop3A_185 = arith.index_cast %parallel_loop3A_134 : i32 to index
      %parallel_loop3A_186 = arith.constant 64 : index
      %parallel_loop3A_187 = tpu.vector_load %arg8[%parallel_loop3A_184, %parallel_loop3A_185, %parallel_loop3A_186] {strides = array<i32>} : memref<3x40x768xf32, #tpu.memory_space<vmem>>, vector<1x1x16xf32>,
      %parallel_loop3A_188 = vector.shape_cast %parallel_loop3A_187 : vector<1x1x16xf32> to vector<16xf32>
      %parallel_loop3A_189 = vector.shape_cast %parallel_loop3A_182 : vector<16xf32> to vector<1x1x16xf32>
      tpu.vector_store %arg8[%parallel_loop3A_184, %parallel_loop3A_185, %parallel_loop3A_186], %parallel_loop3A_189 {add = true, strides = array<i32>} : memref<3x40x768xf32, #tpu.memory_space<vmem>>, vector<1x1x16xf32>,
      %parallel_loop3A_190 = arith.index_cast %parallel_loop3A_134 : i32 to index
      %parallel_loop3A_191 = arith.constant 80 : index
      %parallel_loop3A_192 = tpu.vector_load %arg7[%parallel_loop3A_190, %parallel_loop3A_191] {strides = array<i32>} : memref<40x768xf32, #tpu.memory_space<vmem>>, vector<1x16xf32>,
      %parallel_loop3A_193 = vector.shape_cast %parallel_loop3A_192 : vector<1x16xf32> to vector<16xf32>
      %parallel_loop3A_194 = arith.constant 0 : i32
      %parallel_loop3A_195 = arith.index_cast %parallel_loop3A_194 : i32 to index
      %parallel_loop3A_196 = arith.index_cast %parallel_loop3A_134 : i32 to index
      %parallel_loop3A_197 = arith.constant 80 : index
      %parallel_loop3A_198 = tpu.vector_load %arg8[%parallel_loop3A_195, %parallel_loop3A_196, %parallel_loop3A_197] {strides = array<i32>} : memref<3x40x768xf32, #tpu.memory_space<vmem>>, vector<1x1x16xf32>,
      %parallel_loop3A_199 = vector.shape_cast %parallel_loop3A_198 : vector<1x1x16xf32> to vector<16xf32>
      %parallel_loop3A_200 = vector.shape_cast %parallel_loop3A_193 : vector<16xf32> to vector<1x1x16xf32>
      tpu.vector_store %arg8[%parallel_loop3A_195, %parallel_loop3A_196, %parallel_loop3A_197], %parallel_loop3A_200 {add = true, strides = array<i32>} : memref<3x40x768xf32, #tpu.memory_space<vmem>>, vector<1x1x16xf32>,
      %parallel_loop3A_201 = arith.index_cast %parallel_loop3A_134 : i32 to index
      %parallel_loop3A_202 = arith.constant 96 : index
      %parallel_loop3A_203 = tpu.vector_load %arg7[%parallel_loop3A_201, %parallel_loop3A_202] {strides = array<i32>} : memref<40x768xf32, #tpu.memory_space<vmem>>, vector<1x16xf32>,
      %parallel_loop3A_204 = vector.shape_cast %parallel_loop3A_203 : vector<1x16xf32> to vector<16xf32>
      %parallel_loop3A_205 = arith.constant 0 : i32
      %parallel_loop3A_206 = arith.index_cast %parallel_loop3A_205 : i32 to index
      %parallel_loop3A_207 = arith.index_cast %parallel_loop3A_134 : i32 to index
      %parallel_loop3A_208 = arith.constant 96 : index
      %parallel_loop3A_209 = tpu.vector_load %arg8[%parallel_loop3A_206, %parallel_loop3A_207, %parallel_loop3A_208] {strides = array<i32>} : memref<3x40x768xf32, #tpu.memory_space<vmem>>, vector<1x1x16xf32>,
      %parallel_loop3A_210 = vector.shape_cast %parallel_loop3A_209 : vector<1x1x16xf32> to vector<16xf32>
      %parallel_loop3A_211 = vector.shape_cast %parallel_loop3A_204 : vector<16xf32> to vector<1x1x16xf32>
      tpu.vector_store %arg8[%parallel_loop3A_206, %parallel_loop3A_207, %parallel_loop3A_208], %parallel_loop3A_211 {add = true, strides = array<i32>} : memref<3x40x768xf32, #tpu.memory_space<vmem>>, vector<1x1x16xf32>,
      %parallel_loop3A_212 = arith.index_cast %parallel_loop3A_134 : i32 to index
      %parallel_loop3A_213 = arith.constant 112 : index
      %parallel_loop3A_214 = tpu.vector_load %arg7[%parallel_loop3A_212, %parallel_loop3A_213] {strides = array<i32>} : memref<40x768xf32, #tpu.memory_space<vmem>>, vector<1x16xf32>,
      %parallel_loop3A_215 = vector.shape_cast %parallel_loop3A_214 : vector<1x16xf32> to vector<16xf32>
      %parallel_loop3A_216 = arith.constant 0 : i32
      %parallel_loop3A_217 = arith.index_cast %parallel_loop3A_216 : i32 to index
      %parallel_loop3A_218 = arith.index_cast %parallel_loop3A_134 : i32 to index
      %parallel_loop3A_219 = arith.constant 112 : index
      %parallel_loop3A_220 = tpu.vector_load %arg8[%parallel_loop3A_217, %parallel_loop3A_218, %parallel_loop3A_219] {strides = array<i32>} : memref<3x40x768xf32, #tpu.memory_space<vmem>>, vector<1x1x16xf32>,
      %parallel_loop3A_221 = vector.shape_cast %parallel_loop3A_220 : vector<1x1x16xf32> to vector<16xf32>
      %parallel_loop3A_222 = vector.shape_cast %parallel_loop3A_215 : vector<16xf32> to vector<1x1x16xf32>
      tpu.vector_store %arg8[%parallel_loop3A_217, %parallel_loop3A_218, %parallel_loop3A_219], %parallel_loop3A_222 {add = true, strides = array<i32>} : memref<3x40x768xf32, #tpu.memory_space<vmem>>, vector<1x1x16xf32>,
      %parallel_loop3A_223 = arith.index_cast %parallel_loop3A_134 : i32 to index
      %parallel_loop3A_224 = arith.constant 128 : index
      %parallel_loop3A_225 = tpu.vector_load %arg7[%parallel_loop3A_223, %parallel_loop3A_224] {strides = array<i32>} : memref<40x768xf32, #tpu.memory_space<vmem>>, vector<1x16xf32>,
      %parallel_loop3A_226 = vector.shape_cast %parallel_loop3A_225 : vector<1x16xf32> to vector<16xf32>
      %parallel_loop3A_227 = arith.constant 0 : i32
      %parallel_loop3A_228 = arith.index_cast %parallel_loop3A_227 : i32 to index
      %parallel_loop3A_229 = arith.index_cast %parallel_loop3A_134 : i32 to index
      %parallel_loop3A_230 = arith.constant 128 : index
      %parallel_loop3A_231 = tpu.vector_load %arg8[%parallel_loop3A_228, %parallel_loop3A_229, %parallel_loop3A_230] {strides = array<i32>} : memref<3x40x768xf32, #tpu.memory_space<vmem>>, vector<1x1x16xf32>,
      %parallel_loop3A_232 = vector.shape_cast %parallel_loop3A_231 : vector<1x1x16xf32> to vector<16xf32>
      %parallel_loop3A_233 = vector.shape_cast %parallel_loop3A_226 : vector<16xf32> to vector<1x1x16xf32>
      tpu.vector_store %arg8[%parallel_loop3A_228, %parallel_loop3A_229, %parallel_loop3A_230], %parallel_loop3A_233 {add = true, strides = array<i32>} : memref<3x40x768xf32, #tpu.memory_space<vmem>>, vector<1x1x16xf32>,
      %parallel_loop3A_234 = arith.index_cast %parallel_loop3A_134 : i32 to index
      %parallel_loop3A_235 = arith.constant 144 : index
      %parallel_loop3A_236 = tpu.vector_load %arg7[%parallel_loop3A_234, %parallel_loop3A_235] {strides = array<i32>} : memref<40x768xf32, #tpu.memory_space<vmem>>, vector<1x16xf32>,
      %parallel_loop3A_237 = vector.shape_cast %parallel_loop3A_236 : vector<1x16xf32> to vector<16xf32>
      %parallel_loop3A_238 = arith.constant 0 : i32
      %parallel_loop3A_239 = arith.index_cast %parallel_loop3A_238 : i32 to index
      %parallel_loop3A_240 = arith.index_cast %parallel_loop3A_134 : i32 to index
      %parallel_loop3A_241 = arith.constant 144 : index
      %parallel_loop3A_242 = tpu.vector_load %arg8[%parallel_loop3A_239, %parallel_loop3A_240, %parallel_loop3A_241] {strides = array<i32>} : memref<3x40x768xf32, #tpu.memory_space<vmem>>, vector<1x1x16xf32>,
      %parallel_loop3A_243 = vector.shape_cast %parallel_loop3A_242 : vector<1x1x16xf32> to vector<16xf32>
      %parallel_loop3A_244 = vector.shape_cast %parallel_loop3A_237 : vector<16xf32> to vector<1x1x16xf32>
      tpu.vector_store %arg8[%parallel_loop3A_239, %parallel_loop3A_240, %parallel_loop3A_241], %parallel_loop3A_244 {add = true, strides = array<i32>} : memref<3x40x768xf32, #tpu.memory_space<vmem>>, vector<1x1x16xf32>,
      %parallel_loop3A_245 = arith.index_cast %parallel_loop3A_134 : i32 to index
      %parallel_loop3A_246 = arith.constant 160 : index
      %parallel_loop3A_247 = tpu.vector_load %arg7[%parallel_loop3A_245, %parallel_loop3A_246] {strides = array<i32>} : memref<40x768xf32, #tpu.memory_space<vmem>>, vector<1x16xf32>,
      %parallel_loop3A_248 = vector.shape_cast %parallel_loop3A_247 : vector<1x16xf32> to vector<16xf32>
      %parallel_loop3A_249 = arith.constant 0 : i32
      %parallel_loop3A_250 = arith.index_cast %parallel_loop3A_249 : i32 to index
      %parallel_loop3A_251 = arith.index_cast %parallel_loop3A_134 : i32 to index
      %parallel_loop3A_252 = arith.constant 160 : index
      %parallel_loop3A_253 = tpu.vector_load %arg8[%parallel_loop3A_250, %parallel_loop3A_251, %parallel_loop3A_252] {strides = array<i32>} : memref<3x40x768xf32, #tpu.memory_space<vmem>>, vector<1x1x16xf32>,
      %parallel_loop3A_254 = vector.shape_cast %parallel_loop3A_253 : vector<1x1x16xf32> to vector<16xf32>
      %parallel_loop3A_255 = vector.shape_cast %parallel_loop3A_248 : vector<16xf32> to vector<1x1x16xf32>
      tpu.vector_store %arg8[%parallel_loop3A_250, %parallel_loop3A_251, %parallel_loop3A_252], %parallel_loop3A_255 {add = true, strides = array<i32>} : memref<3x40x768xf32, #tpu.memory_space<vmem>>, vector<1x1x16xf32>,
      %parallel_loop3A_256 = arith.index_cast %parallel_loop3A_134 : i32 to index
      %parallel_loop3A_257 = arith.constant 176 : index
      %parallel_loop3A_258 = tpu.vector_load %arg7[%parallel_loop3A_256, %parallel_loop3A_257] {strides = array<i32>} : memref<40x768xf32, #tpu.memory_space<vmem>>, vector<1x16xf32>,
      %parallel_loop3A_259 = vector.shape_cast %parallel_loop3A_258 : vector<1x16xf32> to vector<16xf32>
      %parallel_loop3A_260 = arith.constant 0 : i32
      %parallel_loop3A_261 = arith.index_cast %parallel_loop3A_260 : i32 to index
      %parallel_loop3A_262 = arith.index_cast %parallel_loop3A_134 : i32 to index
      %parallel_loop3A_263 = arith.constant 176 : index
      %parallel_loop3A_264 = tpu.vector_load %arg8[%parallel_loop3A_261, %parallel_loop3A_262, %parallel_loop3A_263] {strides = array<i32>} : memref<3x40x768xf32, #tpu.memory_space<vmem>>, vector<1x1x16xf32>,
      %parallel_loop3A_265 = vector.shape_cast %parallel_loop3A_264 : vector<1x1x16xf32> to vector<16xf32>
      %parallel_loop3A_266 = vector.shape_cast %parallel_loop3A_259 : vector<16xf32> to vector<1x1x16xf32>
      tpu.vector_store %arg8[%parallel_loop3A_261, %parallel_loop3A_262, %parallel_loop3A_263], %parallel_loop3A_266 {add = true, strides = array<i32>} : memref<3x40x768xf32, #tpu.memory_space<vmem>>, vector<1x1x16xf32>,
      %parallel_loop3A_267 = arith.index_cast %parallel_loop3A_134 : i32 to index
      %parallel_loop3A_268 = arith.constant 192 : index
      %parallel_loop3A_269 = tpu.vector_load %arg7[%parallel_loop3A_267, %parallel_loop3A_268] {strides = array<i32>} : memref<40x768xf32, #tpu.memory_space<vmem>>, vector<1x16xf32>,
      %parallel_loop3A_270 = vector.shape_cast %parallel_loop3A_269 : vector<1x16xf32> to vector<16xf32>
      %parallel_loop3A_271 = arith.constant 0 : i32
      %parallel_loop3A_272 = arith.index_cast %parallel_loop3A_271 : i32 to index
      %parallel_loop3A_273 = arith.index_cast %parallel_loop3A_134 : i32 to index
      %parallel_loop3A_274 = arith.constant 192 : index
      %parallel_loop3A_275 = tpu.vector_load %arg8[%parallel_loop3A_272, %parallel_loop3A_273, %parallel_loop3A_274] {strides = array<i32>} : memref<3x40x768xf32, #tpu.memory_space<vmem>>, vector<1x1x16xf32>,
      %parallel_loop3A_276 = vector.shape_cast %parallel_loop3A_275 : vector<1x1x16xf32> to vector<16xf32>
      %parallel_loop3A_277 = vector.shape_cast %parallel_loop3A_270 : vector<16xf32> to vector<1x1x16xf32>
      tpu.vector_store %arg8[%parallel_loop3A_272, %parallel_loop3A_273, %parallel_loop3A_274], %parallel_loop3A_277 {add = true, strides = array<i32>} : memref<3x40x768xf32, #tpu.memory_space<vmem>>, vector<1x1x16xf32>,
      %parallel_loop3A_278 = arith.index_cast %parallel_loop3A_134 : i32 to index
      %parallel_loop3A_279 = arith.constant 208 : index
      %parallel_loop3A_280 = tpu.vector_load %arg7[%parallel_loop3A_278, %parallel_loop3A_279] {strides = array<i32>} : memref<40x768xf32, #tpu.memory_space<vmem>>, vector<1x16xf32>,
      %parallel_loop3A_281 = vector.shape_cast %parallel_loop3A_280 : vector<1x16xf32> to vector<16xf32>
      %parallel_loop3A_282 = arith.constant 0 : i32
      %parallel_loop3A_283 = arith.index_cast %parallel_loop3A_282 : i32 to index
      %parallel_loop3A_284 = arith.index_cast %parallel_loop3A_134 : i32 to index
      %parallel_loop3A_285 = arith.constant 208 : index
      %parallel_loop3A_286 = tpu.vector_load %arg8[%parallel_loop3A_283, %parallel_loop3A_284, %parallel_loop3A_285] {strides = array<i32>} : memref<3x40x768xf32, #tpu.memory_space<vmem>>, vector<1x1x16xf32>,
      %parallel_loop3A_287 = vector.shape_cast %parallel_loop3A_286 : vector<1x1x16xf32> to vector<16xf32>
      %parallel_loop3A_288 = vector.shape_cast %parallel_loop3A_281 : vector<16xf32> to vector<1x1x16xf32>
      tpu.vector_store %arg8[%parallel_loop3A_283, %parallel_loop3A_284, %parallel_loop3A_285], %parallel_loop3A_288 {add = true, strides = array<i32>} : memref<3x40x768xf32, #tpu.memory_space<vmem>>, vector<1x1x16xf32>,
      %parallel_loop3A_289 = arith.index_cast %parallel_loop3A_134 : i32 to index
      %parallel_loop3A_290 = arith.constant 224 : index
      %parallel_loop3A_291 = tpu.vector_load %arg7[%parallel_loop3A_289, %parallel_loop3A_290] {strides = array<i32>} : memref<40x768xf32, #tpu.memory_space<vmem>>, vector<1x16xf32>,
      %parallel_loop3A_292 = vector.shape_cast %parallel_loop3A_291 : vector<1x16xf32> to vector<16xf32>
      %parallel_loop3A_293 = arith.constant 0 : i32
      %parallel_loop3A_294 = arith.index_cast %parallel_loop3A_293 : i32 to index
      %parallel_loop3A_295 = arith.index_cast %parallel_loop3A_134 : i32 to index
      %parallel_loop3A_296 = arith.constant 224 : index
      %parallel_loop3A_297 = tpu.vector_load %arg8[%parallel_loop3A_294, %parallel_loop3A_295, %parallel_loop3A_296] {strides = array<i32>} : memref<3x40x768xf32, #tpu.memory_space<vmem>>, vector<1x1x16xf32>,
      %parallel_loop3A_298 = vector.shape_cast %parallel_loop3A_297 : vector<1x1x16xf32> to vector<16xf32>
      %parallel_loop3A_299 = vector.shape_cast %parallel_loop3A_292 : vector<16xf32> to vector<1x1x16xf32>
      tpu.vector_store %arg8[%parallel_loop3A_294, %parallel_loop3A_295, %parallel_loop3A_296], %parallel_loop3A_299 {add = true, strides = array<i32>} : memref<3x40x768xf32, #tpu.memory_space<vmem>>, vector<1x1x16xf32>,
      %parallel_loop3A_300 = arith.index_cast %parallel_loop3A_134 : i32 to index
      %parallel_loop3A_301 = arith.constant 240 : index
      %parallel_loop3A_302 = tpu.vector_load %arg7[%parallel_loop3A_300, %parallel_loop3A_301] {strides = array<i32>} : memref<40x768xf32, #tpu.memory_space<vmem>>, vector<1x16xf32>,
      %parallel_loop3A_303 = vector.shape_cast %parallel_loop3A_302 : vector<1x16xf32> to vector<16xf32>
      %parallel_loop3A_304 = arith.constant 0 : i32
      %parallel_loop3A_305 = arith.index_cast %parallel_loop3A_304 : i32 to index
      %parallel_loop3A_306 = arith.index_cast %parallel_loop3A_134 : i32 to index
      %parallel_loop3A_307 = arith.constant 240 : index
      %parallel_loop3A_308 = tpu.vector_load %arg8[%parallel_loop3A_305, %parallel_loop3A_306, %parallel_loop3A_307] {strides = array<i32>} : memref<3x40x768xf32, #tpu.memory_space<vmem>>, vector<1x1x16xf32>,
      %parallel_loop3A_309 = vector.shape_cast %parallel_loop3A_308 : vector<1x1x16xf32> to vector<16xf32>
      %parallel_loop3A_310 = vector.shape_cast %parallel_loop3A_303 : vector<16xf32> to vector<1x1x16xf32>
      tpu.vector_store %arg8[%parallel_loop3A_305, %parallel_loop3A_306, %parallel_loop3A_307], %parallel_loop3A_310 {add = true, strides = array<i32>} : memref<3x40x768xf32, #tpu.memory_space<vmem>>, vector<1x1x16xf32>,
      %parallel_loop3A_311 = arith.index_cast %parallel_loop3A_134 : i32 to index
      %parallel_loop3A_312 = arith.constant 256 : index
      %parallel_loop3A_313 = tpu.vector_load %arg7[%parallel_loop3A_311, %parallel_loop3A_312] {strides = array<i32>} : memref<40x768xf32, #tpu.memory_space<vmem>>, vector<1x16xf32>,
      %parallel_loop3A_314 = vector.shape_cast %parallel_loop3A_313 : vector<1x16xf32> to vector<16xf32>
      %parallel_loop3A_315 = arith.constant 0 : i32
      %parallel_loop3A_316 = arith.index_cast %parallel_loop3A_315 : i32 to index
      %parallel_loop3A_317 = arith.index_cast %parallel_loop3A_134 : i32 to index
      %parallel_loop3A_318 = arith.constant 256 : index
      %parallel_loop3A_319 = tpu.vector_load %arg8[%parallel_loop3A_316, %parallel_loop3A_317, %parallel_loop3A_318] {strides = array<i32>} : memref<3x40x768xf32, #tpu.memory_space<vmem>>, vector<1x1x16xf32>,
      %parallel_loop3A_320 = vector.shape_cast %parallel_loop3A_319 : vector<1x1x16xf32> to vector<16xf32>
      %parallel_loop3A_321 = vector.shape_cast %parallel_loop3A_314 : vector<16xf32> to vector<1x1x16xf32>
      tpu.vector_store %arg8[%parallel_loop3A_316, %parallel_loop3A_317, %parallel_loop3A_318], %parallel_loop3A_321 {add = true, strides = array<i32>} : memref<3x40x768xf32, #tpu.memory_space<vmem>>, vector<1x1x16xf32>,
      %parallel_loop3A_322 = arith.index_cast %parallel_loop3A_134 : i32 to index
      %parallel_loop3A_323 = arith.constant 272 : index
      %parallel_loop3A_324 = tpu.vector_load %arg7[%parallel_loop3A_322, %parallel_loop3A_323] {strides = array<i32>} : memref<40x768xf32, #tpu.memory_space<vmem>>, vector<1x16xf32>,
      %parallel_loop3A_325 = vector.shape_cast %parallel_loop3A_324 : vector<1x16xf32> to vector<16xf32>
      %parallel_loop3A_326 = arith.constant 0 : i32
      %parallel_loop3A_327 = arith.index_cast %parallel_loop3A_326 : i32 to index
      %parallel_loop3A_328 = arith.index_cast %parallel_loop3A_134 : i32 to index
      %parallel_loop3A_329 = arith.constant 272 : index
      %parallel_loop3A_330 = tpu.vector_load %arg8[%parallel_loop3A_327, %parallel_loop3A_328, %parallel_loop3A_329] {strides = array<i32>} : memref<3x40x768xf32, #tpu.memory_space<vmem>>, vector<1x1x16xf32>,
      %parallel_loop3A_331 = vector.shape_cast %parallel_loop3A_330 : vector<1x1x16xf32> to vector<16xf32>
      %parallel_loop3A_332 = vector.shape_cast %parallel_loop3A_325 : vector<16xf32> to vector<1x1x16xf32>
      tpu.vector_store %arg8[%parallel_loop3A_327, %parallel_loop3A_328, %parallel_loop3A_329], %parallel_loop3A_332 {add = true, strides = array<i32>} : memref<3x40x768xf32, #tpu.memory_space<vmem>>, vector<1x1x16xf32>,
      %parallel_loop3A_333 = arith.index_cast %parallel_loop3A_134 : i32 to index
      %parallel_loop3A_334 = arith.constant 288 : index
      %parallel_loop3A_335 = tpu.vector_load %arg7[%parallel_loop3A_333, %parallel_loop3A_334] {strides = array<i32>} : memref<40x768xf32, #tpu.memory_space<vmem>>, vector<1x16xf32>,
      %parallel_loop3A_336 = vector.shape_cast %parallel_loop3A_335 : vector<1x16xf32> to vector<16xf32>
      %parallel_loop3A_337 = arith.constant 0 : i32
      %parallel_loop3A_338 = arith.index_cast %parallel_loop3A_337 : i32 to index
      %parallel_loop3A_339 = arith.index_cast %parallel_loop3A_134 : i32 to index
      %parallel_loop3A_340 = arith.constant 288 : index
      %parallel_loop3A_341 = tpu.vector_load %arg8[%parallel_loop3A_338, %parallel_loop3A_339, %parallel_loop3A_340] {strides = array<i32>} : memref<3x40x768xf32, #tpu.memory_space<vmem>>, vector<1x1x16xf32>,
      %parallel_loop3A_342 = vector.shape_cast %parallel_loop3A_341 : vector<1x1x16xf32> to vector<16xf32>
      %parallel_loop3A_343 = vector.shape_cast %parallel_loop3A_336 : vector<16xf32> to vector<1x1x16xf32>
      tpu.vector_store %arg8[%parallel_loop3A_338, %parallel_loop3A_339, %parallel_loop3A_340], %parallel_loop3A_343 {add = true, strides = array<i32>} : memref<3x40x768xf32, #tpu.memory_space<vmem>>, vector<1x1x16xf32>,
      %parallel_loop3A_344 = arith.index_cast %parallel_loop3A_134 : i32 to index
      %parallel_loop3A_345 = arith.constant 304 : index
      %parallel_loop3A_346 = tpu.vector_load %arg7[%parallel_loop3A_344, %parallel_loop3A_345] {strides = array<i32>} : memref<40x768xf32, #tpu.memory_space<vmem>>, vector<1x16xf32>,
      %parallel_loop3A_347 = vector.shape_cast %parallel_loop3A_346 : vector<1x16xf32> to vector<16xf32>
      %parallel_loop3A_348 = arith.constant 0 : i32
      %parallel_loop3A_349 = arith.index_cast %parallel_loop3A_348 : i32 to index
      %parallel_loop3A_350 = arith.index_cast %parallel_loop3A_134 : i32 to index
      %parallel_loop3A_351 = arith.constant 304 : index
      %parallel_loop3A_352 = tpu.vector_load %arg8[%parallel_loop3A_349, %parallel_loop3A_350, %parallel_loop3A_351] {strides = array<i32>} : memref<3x40x768xf32, #tpu.memory_space<vmem>>, vector<1x1x16xf32>,
      %parallel_loop3A_353 = vector.shape_cast %parallel_loop3A_352 : vector<1x1x16xf32> to vector<16xf32>
      %parallel_loop3A_354 = vector.shape_cast %parallel_loop3A_347 : vector<16xf32> to vector<1x1x16xf32>
      tpu.vector_store %arg8[%parallel_loop3A_349, %parallel_loop3A_350, %parallel_loop3A_351], %parallel_loop3A_354 {add = true, strides = array<i32>} : memref<3x40x768xf32, #tpu.memory_space<vmem>>, vector<1x1x16xf32>,
      %parallel_loop3A_355 = arith.index_cast %parallel_loop3A_134 : i32 to index
      %parallel_loop3A_356 = arith.constant 320 : index
      %parallel_loop3A_357 = tpu.vector_load %arg7[%parallel_loop3A_355, %parallel_loop3A_356] {strides = array<i32>} : memref<40x768xf32, #tpu.memory_space<vmem>>, vector<1x16xf32>,
      %parallel_loop3A_358 = vector.shape_cast %parallel_loop3A_357 : vector<1x16xf32> to vector<16xf32>
      %parallel_loop3A_359 = arith.constant 0 : i32
      %parallel_loop3A_360 = arith.index_cast %parallel_loop3A_359 : i32 to index
      %parallel_loop3A_361 = arith.index_cast %parallel_loop3A_134 : i32 to index
      %parallel_loop3A_362 = arith.constant 320 : index
      %parallel_loop3A_363 = tpu.vector_load %arg8[%parallel_loop3A_360, %parallel_loop3A_361, %parallel_loop3A_362] {strides = array<i32>} : memref<3x40x768xf32, #tpu.memory_space<vmem>>, vector<1x1x16xf32>,
      %parallel_loop3A_364 = vector.shape_cast %parallel_loop3A_363 : vector<1x1x16xf32> to vector<16xf32>
      %parallel_loop3A_365 = vector.shape_cast %parallel_loop3A_358 : vector<16xf32> to vector<1x1x16xf32>
      tpu.vector_store %arg8[%parallel_loop3A_360, %parallel_loop3A_361, %parallel_loop3A_362], %parallel_loop3A_365 {add = true, strides = array<i32>} : memref<3x40x768xf32, #tpu.memory_space<vmem>>, vector<1x1x16xf32>,
      %parallel_loop3A_366 = arith.index_cast %parallel_loop3A_134 : i32 to index
      %parallel_loop3A_367 = arith.constant 336 : index
      %parallel_loop3A_368 = tpu.vector_load %arg7[%parallel_loop3A_366, %parallel_loop3A_367] {strides = array<i32>} : memref<40x768xf32, #tpu.memory_space<vmem>>, vector<1x16xf32>,
      %parallel_loop3A_369 = vector.shape_cast %parallel_loop3A_368 : vector<1x16xf32> to vector<16xf32>
      %parallel_loop3A_370 = arith.constant 0 : i32
      %parallel_loop3A_371 = arith.index_cast %parallel_loop3A_370 : i32 to index
      %parallel_loop3A_372 = arith.index_cast %parallel_loop3A_134 : i32 to index
      %parallel_loop3A_373 = arith.constant 336 : index
      %parallel_loop3A_374 = tpu.vector_load %arg8[%parallel_loop3A_371, %parallel_loop3A_372, %parallel_loop3A_373] {strides = array<i32>} : memref<3x40x768xf32, #tpu.memory_space<vmem>>, vector<1x1x16xf32>,
      %parallel_loop3A_375 = vector.shape_cast %parallel_loop3A_374 : vector<1x1x16xf32> to vector<16xf32>
      %parallel_loop3A_376 = vector.shape_cast %parallel_loop3A_369 : vector<16xf32> to vector<1x1x16xf32>
      tpu.vector_store %arg8[%parallel_loop3A_371, %parallel_loop3A_372, %parallel_loop3A_373], %parallel_loop3A_376 {add = true, strides = array<i32>} : memref<3x40x768xf32, #tpu.memory_space<vmem>>, vector<1x1x16xf32>,
      %parallel_loop3A_377 = arith.index_cast %parallel_loop3A_134 : i32 to index
      %parallel_loop3A_378 = arith.constant 352 : index
      %parallel_loop3A_379 = tpu.vector_load %arg7[%parallel_loop3A_377, %parallel_loop3A_378] {strides = array<i32>} : memref<40x768xf32, #tpu.memory_space<vmem>>, vector<1x16xf32>,
      %parallel_loop3A_380 = vector.shape_cast %parallel_loop3A_379 : vector<1x16xf32> to vector<16xf32>
      %parallel_loop3A_381 = arith.constant 0 : i32
      %parallel_loop3A_382 = arith.index_cast %parallel_loop3A_381 : i32 to index
      %parallel_loop3A_383 = arith.index_cast %parallel_loop3A_134 : i32 to index
      %parallel_loop3A_384 = arith.constant 352 : index
      %parallel_loop3A_385 = tpu.vector_load %arg8[%parallel_loop3A_382, %parallel_loop3A_383, %parallel_loop3A_384] {strides = array<i32>} : memref<3x40x768xf32, #tpu.memory_space<vmem>>, vector<1x1x16xf32>,
      %parallel_loop3A_386 = vector.shape_cast %parallel_loop3A_385 : vector<1x1x16xf32> to vector<16xf32>
      %parallel_loop3A_387 = vector.shape_cast %parallel_loop3A_380 : vector<16xf32> to vector<1x1x16xf32>
      tpu.vector_store %arg8[%parallel_loop3A_382, %parallel_loop3A_383, %parallel_loop3A_384], %parallel_loop3A_387 {add = true, strides = array<i32>} : memref<3x40x768xf32, #tpu.memory_space<vmem>>, vector<1x1x16xf32>,
      %parallel_loop3A_388 = arith.index_cast %parallel_loop3A_134 : i32 to index
      %parallel_loop3A_389 = arith.constant 368 : index
      %parallel_loop3A_390 = tpu.vector_load %arg7[%parallel_loop3A_388, %parallel_loop3A_389] {strides = array<i32>} : memref<40x768xf32, #tpu.memory_space<vmem>>, vector<1x16xf32>,
      %parallel_loop3A_391 = vector.shape_cast %parallel_loop3A_390 : vector<1x16xf32> to vector<16xf32>
      %parallel_loop3A_392 = arith.constant 0 : i32
      %parallel_loop3A_393 = arith.index_cast %parallel_loop3A_392 : i32 to index
      %parallel_loop3A_394 = arith.index_cast %parallel_loop3A_134 : i32 to index
      %parallel_loop3A_395 = arith.constant 368 : index
      %parallel_loop3A_396 = tpu.vector_load %arg8[%parallel_loop3A_393, %parallel_loop3A_394, %parallel_loop3A_395] {strides = array<i32>} : memref<3x40x768xf32, #tpu.memory_space<vmem>>, vector<1x1x16xf32>,
      %parallel_loop3A_397 = vector.shape_cast %parallel_loop3A_396 : vector<1x1x16xf32> to vector<16xf32>
      %parallel_loop3A_398 = vector.shape_cast %parallel_loop3A_391 : vector<16xf32> to vector<1x1x16xf32>
      tpu.vector_store %arg8[%parallel_loop3A_393, %parallel_loop3A_394, %parallel_loop3A_395], %parallel_loop3A_398 {add = true, strides = array<i32>} : memref<3x40x768xf32, #tpu.memory_space<vmem>>, vector<1x1x16xf32>,
      %parallel_loop3A_399 = arith.index_cast %parallel_loop3A_134 : i32 to index
      %parallel_loop3A_400 = arith.constant 384 : index
      %parallel_loop3A_401 = tpu.vector_load %arg7[%parallel_loop3A_399, %parallel_loop3A_400] {strides = array<i32>} : memref<40x768xf32, #tpu.memory_space<vmem>>, vector<1x16xf32>,
      %parallel_loop3A_402 = vector.shape_cast %parallel_loop3A_401 : vector<1x16xf32> to vector<16xf32>
      %parallel_loop3A_403 = arith.constant 0 : i32
      %parallel_loop3A_404 = arith.index_cast %parallel_loop3A_403 : i32 to index
      %parallel_loop3A_405 = arith.index_cast %parallel_loop3A_134 : i32 to index
      %parallel_loop3A_406 = arith.constant 384 : index
      %parallel_loop3A_407 = tpu.vector_load %arg8[%parallel_loop3A_404, %parallel_loop3A_405, %parallel_loop3A_406] {strides = array<i32>} : memref<3x40x768xf32, #tpu.memory_space<vmem>>, vector<1x1x16xf32>,
      %parallel_loop3A_408 = vector.shape_cast %parallel_loop3A_407 : vector<1x1x16xf32> to vector<16xf32>
      %parallel_loop3A_409 = vector.shape_cast %parallel_loop3A_402 : vector<16xf32> to vector<1x1x16xf32>
      tpu.vector_store %arg8[%parallel_loop3A_404, %parallel_loop3A_405, %parallel_loop3A_406], %parallel_loop3A_409 {add = true, strides = array<i32>} : memref<3x40x768xf32, #tpu.memory_space<vmem>>, vector<1x1x16xf32>,
      %parallel_loop3A_410 = arith.index_cast %parallel_loop3A_134 : i32 to index
      %parallel_loop3A_411 = arith.constant 400 : index
      %parallel_loop3A_412 = tpu.vector_load %arg7[%parallel_loop3A_410, %parallel_loop3A_411] {strides = array<i32>} : memref<40x768xf32, #tpu.memory_space<vmem>>, vector<1x16xf32>,
      %parallel_loop3A_413 = vector.shape_cast %parallel_loop3A_412 : vector<1x16xf32> to vector<16xf32>
      %parallel_loop3A_414 = arith.constant 0 : i32
      %parallel_loop3A_415 = arith.index_cast %parallel_loop3A_414 : i32 to index
      %parallel_loop3A_416 = arith.index_cast %parallel_loop3A_134 : i32 to index
      %parallel_loop3A_417 = arith.constant 400 : index
      %parallel_loop3A_418 = tpu.vector_load %arg8[%parallel_loop3A_415, %parallel_loop3A_416, %parallel_loop3A_417] {strides = array<i32>} : memref<3x40x768xf32, #tpu.memory_space<vmem>>, vector<1x1x16xf32>,
      %parallel_loop3A_419 = vector.shape_cast %parallel_loop3A_418 : vector<1x1x16xf32> to vector<16xf32>
      %parallel_loop3A_420 = vector.shape_cast %parallel_loop3A_413 : vector<16xf32> to vector<1x1x16xf32>
      tpu.vector_store %arg8[%parallel_loop3A_415, %parallel_loop3A_416, %parallel_loop3A_417], %parallel_loop3A_420 {add = true, strides = array<i32>} : memref<3x40x768xf32, #tpu.memory_space<vmem>>, vector<1x1x16xf32>,
      %parallel_loop3A_421 = arith.index_cast %parallel_loop3A_134 : i32 to index
      %parallel_loop3A_422 = arith.constant 416 : index
      %parallel_loop3A_423 = tpu.vector_load %arg7[%parallel_loop3A_421, %parallel_loop3A_422] {strides = array<i32>} : memref<40x768xf32, #tpu.memory_space<vmem>>, vector<1x16xf32>,
      %parallel_loop3A_424 = vector.shape_cast %parallel_loop3A_423 : vector<1x16xf32> to vector<16xf32>
      %parallel_loop3A_425 = arith.constant 0 : i32
      %parallel_loop3A_426 = arith.index_cast %parallel_loop3A_425 : i32 to index
      %parallel_loop3A_427 = arith.index_cast %parallel_loop3A_134 : i32 to index
      %parallel_loop3A_428 = arith.constant 416 : index
      %parallel_loop3A_429 = tpu.vector_load %arg8[%parallel_loop3A_426, %parallel_loop3A_427, %parallel_loop3A_428] {strides = array<i32>} : memref<3x40x768xf32, #tpu.memory_space<vmem>>, vector<1x1x16xf32>,
      %parallel_loop3A_430 = vector.shape_cast %parallel_loop3A_429 : vector<1x1x16xf32> to vector<16xf32>
      %parallel_loop3A_431 = vector.shape_cast %parallel_loop3A_424 : vector<16xf32> to vector<1x1x16xf32>
      tpu.vector_store %arg8[%parallel_loop3A_426, %parallel_loop3A_427, %parallel_loop3A_428], %parallel_loop3A_431 {add = true, strides = array<i32>} : memref<3x40x768xf32, #tpu.memory_space<vmem>>, vector<1x1x16xf32>,
      %parallel_loop3A_432 = arith.index_cast %parallel_loop3A_134 : i32 to index
      %parallel_loop3A_433 = arith.constant 432 : index
      %parallel_loop3A_434 = tpu.vector_load %arg7[%parallel_loop3A_432, %parallel_loop3A_433] {strides = array<i32>} : memref<40x768xf32, #tpu.memory_space<vmem>>, vector<1x16xf32>,
      %parallel_loop3A_435 = vector.shape_cast %parallel_loop3A_434 : vector<1x16xf32> to vector<16xf32>
      %parallel_loop3A_436 = arith.constant 0 : i32
      %parallel_loop3A_437 = arith.index_cast %parallel_loop3A_436 : i32 to index
      %parallel_loop3A_438 = arith.index_cast %parallel_loop3A_134 : i32 to index
      %parallel_loop3A_439 = arith.constant 432 : index
      %parallel_loop3A_440 = tpu.vector_load %arg8[%parallel_loop3A_437, %parallel_loop3A_438, %parallel_loop3A_439] {strides = array<i32>} : memref<3x40x768xf32, #tpu.memory_space<vmem>>, vector<1x1x16xf32>,
      %parallel_loop3A_441 = vector.shape_cast %parallel_loop3A_440 : vector<1x1x16xf32> to vector<16xf32>
      %parallel_loop3A_442 = vector.shape_cast %parallel_loop3A_435 : vector<16xf32> to vector<1x1x16xf32>
      tpu.vector_store %arg8[%parallel_loop3A_437, %parallel_loop3A_438, %parallel_loop3A_439], %parallel_loop3A_442 {add = true, strides = array<i32>} : memref<3x40x768xf32, #tpu.memory_space<vmem>>, vector<1x1x16xf32>,
      %parallel_loop3A_443 = arith.index_cast %parallel_loop3A_134 : i32 to index
      %parallel_loop3A_444 = arith.constant 448 : index
      %parallel_loop3A_445 = tpu.vector_load %arg7[%parallel_loop3A_443, %parallel_loop3A_444] {strides = array<i32>} : memref<40x768xf32, #tpu.memory_space<vmem>>, vector<1x16xf32>,
      %parallel_loop3A_446 = vector.shape_cast %parallel_loop3A_445 : vector<1x16xf32> to vector<16xf32>
      %parallel_loop3A_447 = arith.constant 0 : i32
      %parallel_loop3A_448 = arith.index_cast %parallel_loop3A_447 : i32 to index
      %parallel_loop3A_449 = arith.index_cast %parallel_loop3A_134 : i32 to index
      %parallel_loop3A_450 = arith.constant 448 : index
      %parallel_loop3A_451 = tpu.vector_load %arg8[%parallel_loop3A_448, %parallel_loop3A_449, %parallel_loop3A_450] {strides = array<i32>} : memref<3x40x768xf32, #tpu.memory_space<vmem>>, vector<1x1x16xf32>,
      %parallel_loop3A_452 = vector.shape_cast %parallel_loop3A_451 : vector<1x1x16xf32> to vector<16xf32>
      %parallel_loop3A_453 = vector.shape_cast %parallel_loop3A_446 : vector<16xf32> to vector<1x1x16xf32>
      tpu.vector_store %arg8[%parallel_loop3A_448, %parallel_loop3A_449, %parallel_loop3A_450], %parallel_loop3A_453 {add = true, strides = array<i32>} : memref<3x40x768xf32, #tpu.memory_space<vmem>>, vector<1x1x16xf32>,
      %parallel_loop3A_454 = arith.index_cast %parallel_loop3A_134 : i32 to index
      %parallel_loop3A_455 = arith.constant 464 : index
      %parallel_loop3A_456 = tpu.vector_load %arg7[%parallel_loop3A_454, %parallel_loop3A_455] {strides = array<i32>} : memref<40x768xf32, #tpu.memory_space<vmem>>, vector<1x16xf32>,
      %parallel_loop3A_457 = vector.shape_cast %parallel_loop3A_456 : vector<1x16xf32> to vector<16xf32>
      %parallel_loop3A_458 = arith.constant 0 : i32
      %parallel_loop3A_459 = arith.index_cast %parallel_loop3A_458 : i32 to index
      %parallel_loop3A_460 = arith.index_cast %parallel_loop3A_134 : i32 to index
      %parallel_loop3A_461 = arith.constant 464 : index
      %parallel_loop3A_462 = tpu.vector_load %arg8[%parallel_loop3A_459, %parallel_loop3A_460, %parallel_loop3A_461] {strides = array<i32>} : memref<3x40x768xf32, #tpu.memory_space<vmem>>, vector<1x1x16xf32>,
      %parallel_loop3A_463 = vector.shape_cast %parallel_loop3A_462 : vector<1x1x16xf32> to vector<16xf32>
      %parallel_loop3A_464 = vector.shape_cast %parallel_loop3A_457 : vector<16xf32> to vector<1x1x16xf32>
      tpu.vector_store %arg8[%parallel_loop3A_459, %parallel_loop3A_460, %parallel_loop3A_461], %parallel_loop3A_464 {add = true, strides = array<i32>} : memref<3x40x768xf32, #tpu.memory_space<vmem>>, vector<1x1x16xf32>,
      %parallel_loop3A_465 = arith.index_cast %parallel_loop3A_134 : i32 to index
      %parallel_loop3A_466 = arith.constant 480 : index
      %parallel_loop3A_467 = tpu.vector_load %arg7[%parallel_loop3A_465, %parallel_loop3A_466] {strides = array<i32>} : memref<40x768xf32, #tpu.memory_space<vmem>>, vector<1x16xf32>,
      %parallel_loop3A_468 = vector.shape_cast %parallel_loop3A_467 : vector<1x16xf32> to vector<16xf32>
      %parallel_loop3A_469 = arith.constant 0 : i32
      %parallel_loop3A_470 = arith.index_cast %parallel_loop3A_469 : i32 to index
      %parallel_loop3A_471 = arith.index_cast %parallel_loop3A_134 : i32 to index
      %parallel_loop3A_472 = arith.constant 480 : index
      %parallel_loop3A_473 = tpu.vector_load %arg8[%parallel_loop3A_470, %parallel_loop3A_471, %parallel_loop3A_472] {strides = array<i32>} : memref<3x40x768xf32, #tpu.memory_space<vmem>>, vector<1x1x16xf32>,
      %parallel_loop3A_474 = vector.shape_cast %parallel_loop3A_473 : vector<1x1x16xf32> to vector<16xf32>
      %parallel_loop3A_475 = vector.shape_cast %parallel_loop3A_468 : vector<16xf32> to vector<1x1x16xf32>
      tpu.vector_store %arg8[%parallel_loop3A_470, %parallel_loop3A_471, %parallel_loop3A_472], %parallel_loop3A_475 {add = true, strides = array<i32>} : memref<3x40x768xf32, #tpu.memory_space<vmem>>, vector<1x1x16xf32>,
      %parallel_loop3A_476 = arith.index_cast %parallel_loop3A_134 : i32 to index
      %parallel_loop3A_477 = arith.constant 496 : index
      %parallel_loop3A_478 = tpu.vector_load %arg7[%parallel_loop3A_476, %parallel_loop3A_477] {strides = array<i32>} : memref<40x768xf32, #tpu.memory_space<vmem>>, vector<1x16xf32>,
      %parallel_loop3A_479 = vector.shape_cast %parallel_loop3A_478 : vector<1x16xf32> to vector<16xf32>
      %parallel_loop3A_480 = arith.constant 0 : i32
      %parallel_loop3A_481 = arith.index_cast %parallel_loop3A_480 : i32 to index
      %parallel_loop3A_482 = arith.index_cast %parallel_loop3A_134 : i32 to index
      %parallel_loop3A_483 = arith.constant 496 : index
      %parallel_loop3A_484 = tpu.vector_load %arg8[%parallel_loop3A_481, %parallel_loop3A_482, %parallel_loop3A_483] {strides = array<i32>} : memref<3x40x768xf32, #tpu.memory_space<vmem>>, vector<1x1x16xf32>,
      %parallel_loop3A_485 = vector.shape_cast %parallel_loop3A_484 : vector<1x1x16xf32> to vector<16xf32>
      %parallel_loop3A_486 = vector.shape_cast %parallel_loop3A_479 : vector<16xf32> to vector<1x1x16xf32>
      tpu.vector_store %arg8[%parallel_loop3A_481, %parallel_loop3A_482, %parallel_loop3A_483], %parallel_loop3A_486 {add = true, strides = array<i32>} : memref<3x40x768xf32, #tpu.memory_space<vmem>>, vector<1x1x16xf32>,
      %parallel_loop3A_487 = arith.index_cast %parallel_loop3A_134 : i32 to index
      %parallel_loop3A_488 = arith.constant 512 : index
      %parallel_loop3A_489 = tpu.vector_load %arg7[%parallel_loop3A_487, %parallel_loop3A_488] {strides = array<i32>} : memref<40x768xf32, #tpu.memory_space<vmem>>, vector<1x16xf32>,
      %parallel_loop3A_490 = vector.shape_cast %parallel_loop3A_489 : vector<1x16xf32> to vector<16xf32>
      %parallel_loop3A_491 = arith.constant 0 : i32
      %parallel_loop3A_492 = arith.index_cast %parallel_loop3A_491 : i32 to index
      %parallel_loop3A_493 = arith.index_cast %parallel_loop3A_134 : i32 to index
      %parallel_loop3A_494 = arith.constant 512 : index
      %parallel_loop3A_495 = tpu.vector_load %arg8[%parallel_loop3A_492, %parallel_loop3A_493, %parallel_loop3A_494] {strides = array<i32>} : memref<3x40x768xf32, #tpu.memory_space<vmem>>, vector<1x1x16xf32>,
      %parallel_loop3A_496 = vector.shape_cast %parallel_loop3A_495 : vector<1x1x16xf32> to vector<16xf32>
      %parallel_loop3A_497 = vector.shape_cast %parallel_loop3A_490 : vector<16xf32> to vector<1x1x16xf32>
      tpu.vector_store %arg8[%parallel_loop3A_492, %parallel_loop3A_493, %parallel_loop3A_494], %parallel_loop3A_497 {add = true, strides = array<i32>} : memref<3x40x768xf32, #tpu.memory_space<vmem>>, vector<1x1x16xf32>,
      %parallel_loop3A_498 = arith.index_cast %parallel_loop3A_134 : i32 to index
      %parallel_loop3A_499 = arith.constant 528 : index
      %parallel_loop3A_500 = tpu.vector_load %arg7[%parallel_loop3A_498, %parallel_loop3A_499] {strides = array<i32>} : memref<40x768xf32, #tpu.memory_space<vmem>>, vector<1x16xf32>,
      %parallel_loop3A_501 = vector.shape_cast %parallel_loop3A_500 : vector<1x16xf32> to vector<16xf32>
      %parallel_loop3A_502 = arith.constant 0 : i32
      %parallel_loop3A_503 = arith.index_cast %parallel_loop3A_502 : i32 to index
      %parallel_loop3A_504 = arith.index_cast %parallel_loop3A_134 : i32 to index
      %parallel_loop3A_505 = arith.constant 528 : index
      %parallel_loop3A_506 = tpu.vector_load %arg8[%parallel_loop3A_503, %parallel_loop3A_504, %parallel_loop3A_505] {strides = array<i32>} : memref<3x40x768xf32, #tpu.memory_space<vmem>>, vector<1x1x16xf32>,
      %parallel_loop3A_507 = vector.shape_cast %parallel_loop3A_506 : vector<1x1x16xf32> to vector<16xf32>
      %parallel_loop3A_508 = vector.shape_cast %parallel_loop3A_501 : vector<16xf32> to vector<1x1x16xf32>
      tpu.vector_store %arg8[%parallel_loop3A_503, %parallel_loop3A_504, %parallel_loop3A_505], %parallel_loop3A_508 {add = true, strides = array<i32>} : memref<3x40x768xf32, #tpu.memory_space<vmem>>, vector<1x1x16xf32>,
      %parallel_loop3A_509 = arith.index_cast %parallel_loop3A_134 : i32 to index
      %parallel_loop3A_510 = arith.constant 544 : index
      %parallel_loop3A_511 = tpu.vector_load %arg7[%parallel_loop3A_509, %parallel_loop3A_510] {strides = array<i32>} : memref<40x768xf32, #tpu.memory_space<vmem>>, vector<1x16xf32>,
      %parallel_loop3A_512 = vector.shape_cast %parallel_loop3A_511 : vector<1x16xf32> to vector<16xf32>
      %parallel_loop3A_513 = arith.constant 0 : i32
      %parallel_loop3A_514 = arith.index_cast %parallel_loop3A_513 : i32 to index
      %parallel_loop3A_515 = arith.index_cast %parallel_loop3A_134 : i32 to index
      %parallel_loop3A_516 = arith.constant 544 : index
      %parallel_loop3A_517 = tpu.vector_load %arg8[%parallel_loop3A_514, %parallel_loop3A_515, %parallel_loop3A_516] {strides = array<i32>} : memref<3x40x768xf32, #tpu.memory_space<vmem>>, vector<1x1x16xf32>,
      %parallel_loop3A_518 = vector.shape_cast %parallel_loop3A_517 : vector<1x1x16xf32> to vector<16xf32>
      %parallel_loop3A_519 = vector.shape_cast %parallel_loop3A_512 : vector<16xf32> to vector<1x1x16xf32>
      tpu.vector_store %arg8[%parallel_loop3A_514, %parallel_loop3A_515, %parallel_loop3A_516], %parallel_loop3A_519 {add = true, strides = array<i32>} : memref<3x40x768xf32, #tpu.memory_space<vmem>>, vector<1x1x16xf32>,
      %parallel_loop3A_520 = arith.index_cast %parallel_loop3A_134 : i32 to index
      %parallel_loop3A_521 = arith.constant 560 : index
      %parallel_loop3A_522 = tpu.vector_load %arg7[%parallel_loop3A_520, %parallel_loop3A_521] {strides = array<i32>} : memref<40x768xf32, #tpu.memory_space<vmem>>, vector<1x16xf32>,
      %parallel_loop3A_523 = vector.shape_cast %parallel_loop3A_522 : vector<1x16xf32> to vector<16xf32>
      %parallel_loop3A_524 = arith.constant 0 : i32
      %parallel_loop3A_525 = arith.index_cast %parallel_loop3A_524 : i32 to index
      %parallel_loop3A_526 = arith.index_cast %parallel_loop3A_134 : i32 to index
      %parallel_loop3A_527 = arith.constant 560 : index
      %parallel_loop3A_528 = tpu.vector_load %arg8[%parallel_loop3A_525, %parallel_loop3A_526, %parallel_loop3A_527] {strides = array<i32>} : memref<3x40x768xf32, #tpu.memory_space<vmem>>, vector<1x1x16xf32>,
      %parallel_loop3A_529 = vector.shape_cast %parallel_loop3A_528 : vector<1x1x16xf32> to vector<16xf32>
      %parallel_loop3A_530 = vector.shape_cast %parallel_loop3A_523 : vector<16xf32> to vector<1x1x16xf32>
      tpu.vector_store %arg8[%parallel_loop3A_525, %parallel_loop3A_526, %parallel_loop3A_527], %parallel_loop3A_530 {add = true, strides = array<i32>} : memref<3x40x768xf32, #tpu.memory_space<vmem>>, vector<1x1x16xf32>,
      %parallel_loop3A_531 = arith.index_cast %parallel_loop3A_134 : i32 to index
      %parallel_loop3A_532 = arith.constant 576 : index
      %parallel_loop3A_533 = tpu.vector_load %arg7[%parallel_loop3A_531, %parallel_loop3A_532] {strides = array<i32>} : memref<40x768xf32, #tpu.memory_space<vmem>>, vector<1x16xf32>,
      %parallel_loop3A_534 = vector.shape_cast %parallel_loop3A_533 : vector<1x16xf32> to vector<16xf32>
      %parallel_loop3A_535 = arith.constant 0 : i32
      %parallel_loop3A_536 = arith.index_cast %parallel_loop3A_535 : i32 to index
      %parallel_loop3A_537 = arith.index_cast %parallel_loop3A_134 : i32 to index
      %parallel_loop3A_538 = arith.constant 576 : index
      %parallel_loop3A_539 = tpu.vector_load %arg8[%parallel_loop3A_536, %parallel_loop3A_537, %parallel_loop3A_538] {strides = array<i32>} : memref<3x40x768xf32, #tpu.memory_space<vmem>>, vector<1x1x16xf32>,
      %parallel_loop3A_540 = vector.shape_cast %parallel_loop3A_539 : vector<1x1x16xf32> to vector<16xf32>
      %parallel_loop3A_541 = vector.shape_cast %parallel_loop3A_534 : vector<16xf32> to vector<1x1x16xf32>
      tpu.vector_store %arg8[%parallel_loop3A_536, %parallel_loop3A_537, %parallel_loop3A_538], %parallel_loop3A_541 {add = true, strides = array<i32>} : memref<3x40x768xf32, #tpu.memory_space<vmem>>, vector<1x1x16xf32>,
      %parallel_loop3A_542 = arith.index_cast %parallel_loop3A_134 : i32 to index
      %parallel_loop3A_543 = arith.constant 592 : index
      %parallel_loop3A_544 = tpu.vector_load %arg7[%parallel_loop3A_542, %parallel_loop3A_543] {strides = array<i32>} : memref<40x768xf32, #tpu.memory_space<vmem>>, vector<1x16xf32>,
      %parallel_loop3A_545 = vector.shape_cast %parallel_loop3A_544 : vector<1x16xf32> to vector<16xf32>
      %parallel_loop3A_546 = arith.constant 0 : i32
      %parallel_loop3A_547 = arith.index_cast %parallel_loop3A_546 : i32 to index
      %parallel_loop3A_548 = arith.index_cast %parallel_loop3A_134 : i32 to index
      %parallel_loop3A_549 = arith.constant 592 : index
      %parallel_loop3A_550 = tpu.vector_load %arg8[%parallel_loop3A_547, %parallel_loop3A_548, %parallel_loop3A_549] {strides = array<i32>} : memref<3x40x768xf32, #tpu.memory_space<vmem>>, vector<1x1x16xf32>,
      %parallel_loop3A_551 = vector.shape_cast %parallel_loop3A_550 : vector<1x1x16xf32> to vector<16xf32>
      %parallel_loop3A_552 = vector.shape_cast %parallel_loop3A_545 : vector<16xf32> to vector<1x1x16xf32>
      tpu.vector_store %arg8[%parallel_loop3A_547, %parallel_loop3A_548, %parallel_loop3A_549], %parallel_loop3A_552 {add = true, strides = array<i32>} : memref<3x40x768xf32, #tpu.memory_space<vmem>>, vector<1x1x16xf32>,
      %parallel_loop3A_553 = arith.index_cast %parallel_loop3A_134 : i32 to index
      %parallel_loop3A_554 = arith.constant 608 : index
      %parallel_loop3A_555 = tpu.vector_load %arg7[%parallel_loop3A_553, %parallel_loop3A_554] {strides = array<i32>} : memref<40x768xf32, #tpu.memory_space<vmem>>, vector<1x16xf32>,
      %parallel_loop3A_556 = vector.shape_cast %parallel_loop3A_555 : vector<1x16xf32> to vector<16xf32>
      %parallel_loop3A_557 = arith.constant 0 : i32
      %parallel_loop3A_558 = arith.index_cast %parallel_loop3A_557 : i32 to index
      %parallel_loop3A_559 = arith.index_cast %parallel_loop3A_134 : i32 to index
      %parallel_loop3A_560 = arith.constant 608 : index
      %parallel_loop3A_561 = tpu.vector_load %arg8[%parallel_loop3A_558, %parallel_loop3A_559, %parallel_loop3A_560] {strides = array<i32>} : memref<3x40x768xf32, #tpu.memory_space<vmem>>, vector<1x1x16xf32>,
      %parallel_loop3A_562 = vector.shape_cast %parallel_loop3A_561 : vector<1x1x16xf32> to vector<16xf32>
      %parallel_loop3A_563 = vector.shape_cast %parallel_loop3A_556 : vector<16xf32> to vector<1x1x16xf32>
      tpu.vector_store %arg8[%parallel_loop3A_558, %parallel_loop3A_559, %parallel_loop3A_560], %parallel_loop3A_563 {add = true, strides = array<i32>} : memref<3x40x768xf32, #tpu.memory_space<vmem>>, vector<1x1x16xf32>,
      %parallel_loop3A_564 = arith.index_cast %parallel_loop3A_134 : i32 to index
      %parallel_loop3A_565 = arith.constant 624 : index
      %parallel_loop3A_566 = tpu.vector_load %arg7[%parallel_loop3A_564, %parallel_loop3A_565] {strides = array<i32>} : memref<40x768xf32, #tpu.memory_space<vmem>>, vector<1x16xf32>,
      %parallel_loop3A_567 = vector.shape_cast %parallel_loop3A_566 : vector<1x16xf32> to vector<16xf32>
      %parallel_loop3A_568 = arith.constant 0 : i32
      %parallel_loop3A_569 = arith.index_cast %parallel_loop3A_568 : i32 to index
      %parallel_loop3A_570 = arith.index_cast %parallel_loop3A_134 : i32 to index
      %parallel_loop3A_571 = arith.constant 624 : index
      %parallel_loop3A_572 = tpu.vector_load %arg8[%parallel_loop3A_569, %parallel_loop3A_570, %parallel_loop3A_571] {strides = array<i32>} : memref<3x40x768xf32, #tpu.memory_space<vmem>>, vector<1x1x16xf32>,
      %parallel_loop3A_573 = vector.shape_cast %parallel_loop3A_572 : vector<1x1x16xf32> to vector<16xf32>
      %parallel_loop3A_574 = vector.shape_cast %parallel_loop3A_567 : vector<16xf32> to vector<1x1x16xf32>
      tpu.vector_store %arg8[%parallel_loop3A_569, %parallel_loop3A_570, %parallel_loop3A_571], %parallel_loop3A_574 {add = true, strides = array<i32>} : memref<3x40x768xf32, #tpu.memory_space<vmem>>, vector<1x1x16xf32>,
      %parallel_loop3A_575 = arith.index_cast %parallel_loop3A_134 : i32 to index
      %parallel_loop3A_576 = arith.constant 640 : index
      %parallel_loop3A_577 = tpu.vector_load %arg7[%parallel_loop3A_575, %parallel_loop3A_576] {strides = array<i32>} : memref<40x768xf32, #tpu.memory_space<vmem>>, vector<1x16xf32>,
      %parallel_loop3A_578 = vector.shape_cast %parallel_loop3A_577 : vector<1x16xf32> to vector<16xf32>
      %parallel_loop3A_579 = arith.constant 0 : i32
      %parallel_loop3A_580 = arith.index_cast %parallel_loop3A_579 : i32 to index
      %parallel_loop3A_581 = arith.index_cast %parallel_loop3A_134 : i32 to index
      %parallel_loop3A_582 = arith.constant 640 : index
      %parallel_loop3A_583 = tpu.vector_load %arg8[%parallel_loop3A_580, %parallel_loop3A_581, %parallel_loop3A_582] {strides = array<i32>} : memref<3x40x768xf32, #tpu.memory_space<vmem>>, vector<1x1x16xf32>,
      %parallel_loop3A_584 = vector.shape_cast %parallel_loop3A_583 : vector<1x1x16xf32> to vector<16xf32>
      %parallel_loop3A_585 = vector.shape_cast %parallel_loop3A_578 : vector<16xf32> to vector<1x1x16xf32>
      tpu.vector_store %arg8[%parallel_loop3A_580, %parallel_loop3A_581, %parallel_loop3A_582], %parallel_loop3A_585 {add = true, strides = array<i32>} : memref<3x40x768xf32, #tpu.memory_space<vmem>>, vector<1x1x16xf32>,
      %parallel_loop3A_586 = arith.index_cast %parallel_loop3A_134 : i32 to index
      %parallel_loop3A_587 = arith.constant 656 : index
      %parallel_loop3A_588 = tpu.vector_load %arg7[%parallel_loop3A_586, %parallel_loop3A_587] {strides = array<i32>} : memref<40x768xf32, #tpu.memory_space<vmem>>, vector<1x16xf32>,
      %parallel_loop3A_589 = vector.shape_cast %parallel_loop3A_588 : vector<1x16xf32> to vector<16xf32>
      %parallel_loop3A_590 = arith.constant 0 : i32
      %parallel_loop3A_591 = arith.index_cast %parallel_loop3A_590 : i32 to index
      %parallel_loop3A_592 = arith.index_cast %parallel_loop3A_134 : i32 to index
      %parallel_loop3A_593 = arith.constant 656 : index
      %parallel_loop3A_594 = tpu.vector_load %arg8[%parallel_loop3A_591, %parallel_loop3A_592, %parallel_loop3A_593] {strides = array<i32>} : memref<3x40x768xf32, #tpu.memory_space<vmem>>, vector<1x1x16xf32>,
      %parallel_loop3A_595 = vector.shape_cast %parallel_loop3A_594 : vector<1x1x16xf32> to vector<16xf32>
      %parallel_loop3A_596 = vector.shape_cast %parallel_loop3A_589 : vector<16xf32> to vector<1x1x16xf32>
      tpu.vector_store %arg8[%parallel_loop3A_591, %parallel_loop3A_592, %parallel_loop3A_593], %parallel_loop3A_596 {add = true, strides = array<i32>} : memref<3x40x768xf32, #tpu.memory_space<vmem>>, vector<1x1x16xf32>,
      %parallel_loop3A_597 = arith.index_cast %parallel_loop3A_134 : i32 to index
      %parallel_loop3A_598 = arith.constant 672 : index
      %parallel_loop3A_599 = tpu.vector_load %arg7[%parallel_loop3A_597, %parallel_loop3A_598] {strides = array<i32>} : memref<40x768xf32, #tpu.memory_space<vmem>>, vector<1x16xf32>,
      %parallel_loop3A_600 = vector.shape_cast %parallel_loop3A_599 : vector<1x16xf32> to vector<16xf32>
      %parallel_loop3A_601 = arith.constant 0 : i32
      %parallel_loop3A_602 = arith.index_cast %parallel_loop3A_601 : i32 to index
      %parallel_loop3A_603 = arith.index_cast %parallel_loop3A_134 : i32 to index
      %parallel_loop3A_604 = arith.constant 672 : index
      %parallel_loop3A_605 = tpu.vector_load %arg8[%parallel_loop3A_602, %parallel_loop3A_603, %parallel_loop3A_604] {strides = array<i32>} : memref<3x40x768xf32, #tpu.memory_space<vmem>>, vector<1x1x16xf32>,
      %parallel_loop3A_606 = vector.shape_cast %parallel_loop3A_605 : vector<1x1x16xf32> to vector<16xf32>
      %parallel_loop3A_607 = vector.shape_cast %parallel_loop3A_600 : vector<16xf32> to vector<1x1x16xf32>
      tpu.vector_store %arg8[%parallel_loop3A_602, %parallel_loop3A_603, %parallel_loop3A_604], %parallel_loop3A_607 {add = true, strides = array<i32>} : memref<3x40x768xf32, #tpu.memory_space<vmem>>, vector<1x1x16xf32>,
      %parallel_loop3A_608 = arith.index_cast %parallel_loop3A_134 : i32 to index
      %parallel_loop3A_609 = arith.constant 688 : index
      %parallel_loop3A_610 = tpu.vector_load %arg7[%parallel_loop3A_608, %parallel_loop3A_609] {strides = array<i32>} : memref<40x768xf32, #tpu.memory_space<vmem>>, vector<1x16xf32>,
      %parallel_loop3A_611 = vector.shape_cast %parallel_loop3A_610 : vector<1x16xf32> to vector<16xf32>
      %parallel_loop3A_612 = arith.constant 0 : i32
      %parallel_loop3A_613 = arith.index_cast %parallel_loop3A_612 : i32 to index
      %parallel_loop3A_614 = arith.index_cast %parallel_loop3A_134 : i32 to index
      %parallel_loop3A_615 = arith.constant 688 : index
      %parallel_loop3A_616 = tpu.vector_load %arg8[%parallel_loop3A_613, %parallel_loop3A_614, %parallel_loop3A_615] {strides = array<i32>} : memref<3x40x768xf32, #tpu.memory_space<vmem>>, vector<1x1x16xf32>,
      %parallel_loop3A_617 = vector.shape_cast %parallel_loop3A_616 : vector<1x1x16xf32> to vector<16xf32>
      %parallel_loop3A_618 = vector.shape_cast %parallel_loop3A_611 : vector<16xf32> to vector<1x1x16xf32>
      tpu.vector_store %arg8[%parallel_loop3A_613, %parallel_loop3A_614, %parallel_loop3A_615], %parallel_loop3A_618 {add = true, strides = array<i32>} : memref<3x40x768xf32, #tpu.memory_space<vmem>>, vector<1x1x16xf32>,
      %parallel_loop3A_619 = arith.index_cast %parallel_loop3A_134 : i32 to index
      %parallel_loop3A_620 = arith.constant 704 : index
      %parallel_loop3A_621 = tpu.vector_load %arg7[%parallel_loop3A_619, %parallel_loop3A_620] {strides = array<i32>} : memref<40x768xf32, #tpu.memory_space<vmem>>, vector<1x16xf32>,
      %parallel_loop3A_622 = vector.shape_cast %parallel_loop3A_621 : vector<1x16xf32> to vector<16xf32>
      %parallel_loop3A_623 = arith.constant 0 : i32
      %parallel_loop3A_624 = arith.index_cast %parallel_loop3A_623 : i32 to index
      %parallel_loop3A_625 = arith.index_cast %parallel_loop3A_134 : i32 to index
      %parallel_loop3A_626 = arith.constant 704 : index
      %parallel_loop3A_627 = tpu.vector_load %arg8[%parallel_loop3A_624, %parallel_loop3A_625, %parallel_loop3A_626] {strides = array<i32>} : memref<3x40x768xf32, #tpu.memory_space<vmem>>, vector<1x1x16xf32>,
      %parallel_loop3A_628 = vector.shape_cast %parallel_loop3A_627 : vector<1x1x16xf32> to vector<16xf32>
      %parallel_loop3A_629 = vector.shape_cast %parallel_loop3A_622 : vector<16xf32> to vector<1x1x16xf32>
      tpu.vector_store %arg8[%parallel_loop3A_624, %parallel_loop3A_625, %parallel_loop3A_626], %parallel_loop3A_629 {add = true, strides = array<i32>} : memref<3x40x768xf32, #tpu.memory_space<vmem>>, vector<1x1x16xf32>,
      %parallel_loop3A_630 = arith.index_cast %parallel_loop3A_134 : i32 to index
      %parallel_loop3A_631 = arith.constant 720 : index
      %parallel_loop3A_632 = tpu.vector_load %arg7[%parallel_loop3A_630, %parallel_loop3A_631] {strides = array<i32>} : memref<40x768xf32, #tpu.memory_space<vmem>>, vector<1x16xf32>,
      %parallel_loop3A_633 = vector.shape_cast %parallel_loop3A_632 : vector<1x16xf32> to vector<16xf32>
      %parallel_loop3A_634 = arith.constant 0 : i32
      %parallel_loop3A_635 = arith.index_cast %parallel_loop3A_634 : i32 to index
      %parallel_loop3A_636 = arith.index_cast %parallel_loop3A_134 : i32 to index
      %parallel_loop3A_637 = arith.constant 720 : index
      %parallel_loop3A_638 = tpu.vector_load %arg8[%parallel_loop3A_635, %parallel_loop3A_636, %parallel_loop3A_637] {strides = array<i32>} : memref<3x40x768xf32, #tpu.memory_space<vmem>>, vector<1x1x16xf32>,
      %parallel_loop3A_639 = vector.shape_cast %parallel_loop3A_638 : vector<1x1x16xf32> to vector<16xf32>
      %parallel_loop3A_640 = vector.shape_cast %parallel_loop3A_633 : vector<16xf32> to vector<1x1x16xf32>
      tpu.vector_store %arg8[%parallel_loop3A_635, %parallel_loop3A_636, %parallel_loop3A_637], %parallel_loop3A_640 {add = true, strides = array<i32>} : memref<3x40x768xf32, #tpu.memory_space<vmem>>, vector<1x1x16xf32>,
      %parallel_loop3A_641 = arith.index_cast %parallel_loop3A_134 : i32 to index
      %parallel_loop3A_642 = arith.constant 736 : index
      %parallel_loop3A_643 = tpu.vector_load %arg7[%parallel_loop3A_641, %parallel_loop3A_642] {strides = array<i32>} : memref<40x768xf32, #tpu.memory_space<vmem>>, vector<1x16xf32>,
      %parallel_loop3A_644 = vector.shape_cast %parallel_loop3A_643 : vector<1x16xf32> to vector<16xf32>
      %parallel_loop3A_645 = arith.constant 0 : i32
      %parallel_loop3A_646 = arith.index_cast %parallel_loop3A_645 : i32 to index
      %parallel_loop3A_647 = arith.index_cast %parallel_loop3A_134 : i32 to index
      %parallel_loop3A_648 = arith.constant 736 : index
      %parallel_loop3A_649 = tpu.vector_load %arg8[%parallel_loop3A_646, %parallel_loop3A_647, %parallel_loop3A_648] {strides = array<i32>} : memref<3x40x768xf32, #tpu.memory_space<vmem>>, vector<1x1x16xf32>,
      %parallel_loop3A_650 = vector.shape_cast %parallel_loop3A_649 : vector<1x1x16xf32> to vector<16xf32>
      %parallel_loop3A_651 = vector.shape_cast %parallel_loop3A_644 : vector<16xf32> to vector<1x1x16xf32>
      tpu.vector_store %arg8[%parallel_loop3A_646, %parallel_loop3A_647, %parallel_loop3A_648], %parallel_loop3A_651 {add = true, strides = array<i32>} : memref<3x40x768xf32, #tpu.memory_space<vmem>>, vector<1x1x16xf32>,
      %parallel_loop3A_652 = arith.index_cast %parallel_loop3A_134 : i32 to index
      %parallel_loop3A_653 = arith.constant 752 : index
      %parallel_loop3A_654 = tpu.vector_load %arg7[%parallel_loop3A_652, %parallel_loop3A_653] {strides = array<i32>} : memref<40x768xf32, #tpu.memory_space<vmem>>, vector<1x16xf32>,
      %parallel_loop3A_655 = vector.shape_cast %parallel_loop3A_654 : vector<1x16xf32> to vector<16xf32>
      %parallel_loop3A_656 = arith.constant 0 : i32
      %parallel_loop3A_657 = arith.index_cast %parallel_loop3A_656 : i32 to index
      %parallel_loop3A_658 = arith.index_cast %parallel_loop3A_134 : i32 to index
      %parallel_loop3A_659 = arith.constant 752 : index
      %parallel_loop3A_660 = tpu.vector_load %arg8[%parallel_loop3A_657, %parallel_loop3A_658, %parallel_loop3A_659] {strides = array<i32>} : memref<3x40x768xf32, #tpu.memory_space<vmem>>, vector<1x1x16xf32>,
      %parallel_loop3A_661 = vector.shape_cast %parallel_loop3A_660 : vector<1x1x16xf32> to vector<16xf32>
      %parallel_loop3A_662 = vector.shape_cast %parallel_loop3A_655 : vector<16xf32> to vector<1x1x16xf32>
      tpu.vector_store %arg8[%parallel_loop3A_657, %parallel_loop3A_658, %parallel_loop3A_659], %parallel_loop3A_662 {add = true, strides = array<i32>} : memref<3x40x768xf32, #tpu.memory_space<vmem>>, vector<1x1x16xf32>,
    } {sc.loop_unroll_factor = 1 : i64, sc.parallel_access}
    %add3A_59 = arith.constant 6360 : i32
    %add3A_60 = arith.addi %mul3A_2, %add3A_59 : i32
    %dma_start3A_61 = arith.constant 0 : i32
    %dma_start3A_62 = arith.constant 0 : i32
    %dma_start3A_63 = arith.constant 0 : i32
    %dma_start3A_64 = arith.constant 0 : i32
    %dma_start3A_65 = tpu.memref_slice %arg8[%dma_start3A_61, %dma_start3A_63, %dma_start3A_64] : memref<3x40x768xf32, #tpu.memory_space<vmem>> -> memref<1x40x768xf32, #tpu.memory_space<vmem>>
    %dma_start3A_66 = tpu.memref_squeeze %dma_start3A_65 : memref<1x40x768xf32, #tpu.memory_space<vmem>> -> memref<40x768xf32, #tpu.memory_space<vmem>>
    %dma_start3A_67 = arith.constant 0 : i32
    %dma_start3A_68 = tpu.memref_slice %arg5[%add3A_60, %dma_start3A_67] : memref<204800x768xf32, #tpu.memory_space<hbm>> -> memref<40x768xf32, #tpu.memory_space<hbm>>
    %dma_start3A_69 = tpu.memref_slice %arg10[%dma_start3A_62] : memref<3x!tpu.dma_semaphore, #tpu.memory_space<semaphore_mem>> -> memref<1x!tpu.dma_semaphore, #tpu.memory_space<semaphore_mem>>
    %dma_start3A_70 = tpu.memref_squeeze %dma_start3A_69 : memref<1x!tpu.dma_semaphore, #tpu.memory_space<semaphore_mem>> -> memref<!tpu.dma_semaphore, #tpu.memory_space<semaphore_mem>>
    %dma_start3A_71 = arith.constant 0 : i32
    %dma_start3A_72 = tpu.memref_slice %arg5[%add3A_60, %dma_start3A_71] : memref<204800x768xf32, #tpu.memory_space<hbm>> -> memref<40x768xf32, #tpu.memory_space<hbm>>
    %dma_start3A_73 = arith.constant 0 : i32
    %dma_start3A_74 = arith.constant 0 : i32
    %dma_start3A_75 = tpu.memref_slice %arg8[%dma_start3A_61, %dma_start3A_73, %dma_start3A_74] : memref<3x40x768xf32, #tpu.memory_space<vmem>> -> memref<1x40x768xf32, #tpu.memory_space<vmem>>
    %dma_start3A_76 = tpu.memref_squeeze %dma_start3A_75 : memref<1x40x768xf32, #tpu.memory_space<vmem>> -> memref<40x768xf32, #tpu.memory_space<vmem>>
    tpu.enqueue_dma source(%dma_start3A_76 : memref<40x768xf32, #tpu.memory_space<vmem>>) target(%dma_start3A_72 : memref<40x768xf32, #tpu.memory_space<hbm>>) target_semaphore(%dma_start3A_70 : memref<!tpu.dma_semaphore, #tpu.memory_space<semaphore_mem>>)
    %and3A = arith.constant true
    %and3A_77 = arith.constant false
    %and3A_78 = arith.andi %and3A, %and3A_77 : i1
    %convert_element_type3A = arith.extui %and3A_78 : i1 to i32
    %cond3A = arith.constant 0 : i32
    %cond3A_79 = arith.cmpi ne, %convert_element_type3A, %cond3A : i32
    scf.if %cond3A_79 {
      %add3A_134 = arith.constant 6160 : i32
      %add3A_135 = arith.addi %mul3A_2, %add3A_134 : i32
      %dma_wait3A_136 = arith.constant 2 : i32
      %dma_wait3A_137 = arith.constant 2 : i32
      %dma_wait3A_138 = arith.constant 0 : i32
      %dma_wait3A_139 = arith.constant 0 : i32
      %dma_wait3A_140 = tpu.memref_slice %arg8[%dma_wait3A_136, %dma_wait3A_138, %dma_wait3A_139] : memref<3x40x768xf32, #tpu.memory_space<vmem>> -> memref<1x40x768xf32, #tpu.memory_space<vmem>>
      %dma_wait3A_141 = tpu.memref_squeeze %dma_wait3A_140 : memref<1x40x768xf32, #tpu.memory_space<vmem>> -> memref<40x768xf32, #tpu.memory_space<vmem>>
      %dma_wait3A_142 = arith.constant 0 : i32
      %dma_wait3A_143 = tpu.memref_slice %arg5[%add3A_135, %dma_wait3A_142] : memref<204800x768xf32, #tpu.memory_space<hbm>> -> memref<40x768xf32, #tpu.memory_space<hbm>>
      %dma_wait3A_144 = tpu.memref_slice %arg10[%dma_wait3A_137] : memref<3x!tpu.dma_semaphore, #tpu.memory_space<semaphore_mem>> -> memref<1x!tpu.dma_semaphore, #tpu.memory_space<semaphore_mem>>
      %dma_wait3A_145 = tpu.memref_squeeze %dma_wait3A_144 : memref<1x!tpu.dma_semaphore, #tpu.memory_space<semaphore_mem>> -> memref<!tpu.dma_semaphore, #tpu.memory_space<semaphore_mem>>
      %dma_wait3A_146 = arith.constant 0 : i32
      %dma_wait3A_147 = tpu.memref_slice %arg5[%add3A_135, %dma_wait3A_146] : memref<204800x768xf32, #tpu.memory_space<hbm>> -> memref<40x768xf32, #tpu.memory_space<hbm>>
      %dma_wait3A_148 = arith.constant 0 : i32
      %dma_wait3A_149 = arith.constant 0 : i32
      %dma_wait3A_150 = tpu.memref_slice %arg8[%dma_wait3A_136, %dma_wait3A_148, %dma_wait3A_149] : memref<3x40x768xf32, #tpu.memory_space<vmem>> -> memref<1x40x768xf32, #tpu.memory_space<vmem>>
      %dma_wait3A_151 = tpu.memref_squeeze %dma_wait3A_150 : memref<1x40x768xf32, #tpu.memory_space<vmem>> -> memref<40x768xf32, #tpu.memory_space<vmem>>
      tpu.wait_dma2 semaphore(%dma_wait3A_145 : memref<!tpu.dma_semaphore, #tpu.memory_space<semaphore_mem>>) src(%dma_wait3A_151 : memref<40x768xf32, #tpu.memory_space<vmem>>) dst(%dma_wait3A_147 : memref<40x768xf32, #tpu.memory_space<hbm>>)
      %dma_start3A_152 = arith.constant 2 : i32
      %dma_start3A_153 = arith.constant 2 : i32
      %dma_start3A_154 = arith.constant 0 : i32
      %dma_start3A_155 = arith.constant 0 : i32
      %dma_start3A_156 = tpu.memref_slice %arg8[%dma_start3A_152, %dma_start3A_154, %dma_start3A_155] : memref<3x40x768xf32, #tpu.memory_space<vmem>> -> memref<1x40x768xf32, #tpu.memory_space<vmem>>
      %dma_start3A_157 = tpu.memref_squeeze %dma_start3A_156 : memref<1x40x768xf32, #tpu.memory_space<vmem>> -> memref<40x768xf32, #tpu.memory_space<vmem>>
      %dma_start3A_158 = arith.constant 400 : i32
      %dma_start3A_159 = tpu.memref_slice %arg6[%dma_start3A_158] : memref<6400xi32, #tpu.memory_space<vmem>> -> memref<40xi32, #tpu.memory_space<vmem>>
      %dma_start3A_160 = arith.constant 0 : i32
      %dma_start3A_161 = arith.constant 0 : i32
      %dma_start3A_162 = tpu.memref_slice %arg3[%dma_start3A_160, %dma_start3A_161] : memref<100000x768xf32, #tpu.memory_space<hbm>> -> memref<100000x768xf32, #tpu.memory_space<hbm>>
      %dma_start3A_163 = tpu.memref_slice %arg9[%dma_start3A_153] : memref<3x!tpu.dma_semaphore, #tpu.memory_space<semaphore_mem>> -> memref<1x!tpu.dma_semaphore, #tpu.memory_space<semaphore_mem>>
      %dma_start3A_164 = tpu.memref_squeeze %dma_start3A_163 : memref<1x!tpu.dma_semaphore, #tpu.memory_space<semaphore_mem>> -> memref<!tpu.dma_semaphore, #tpu.memory_space<semaphore_mem>>
      tpu.enqueue_indirect_dma source(%dma_start3A_162 : memref<100000x768xf32, #tpu.memory_space<hbm>>) target(%dma_start3A_157 : memref<40x768xf32, #tpu.memory_space<vmem>>) offsets(%dma_start3A_159 : memref<40xi32, #tpu.memory_space<vmem>>) semaphore(%dma_start3A_164 : memref<!tpu.dma_semaphore, #tpu.memory_space<semaphore_mem>>)
    } else {
    }
    %add3A_80 = arith.constant 5960 : i32
    %add3A_81 = arith.addi %mul3A_2, %add3A_80 : i32
    %dma_wait3A_82 = arith.constant 1 : i32
    %dma_wait3A_83 = arith.constant 1 : i32
    %dma_wait3A_84 = arith.constant 0 : i32
    %dma_wait3A_85 = arith.constant 0 : i32
    %dma_wait3A_86 = tpu.memref_slice %arg8[%dma_wait3A_82, %dma_wait3A_84, %dma_wait3A_85] : memref<3x40x768xf32, #tpu.memory_space<vmem>> -> memref<1x40x768xf32, #tpu.memory_space<vmem>>
    %dma_wait3A_87 = tpu.memref_squeeze %dma_wait3A_86 : memref<1x40x768xf32, #tpu.memory_space<vmem>> -> memref<40x768xf32, #tpu.memory_space<vmem>>
    %dma_wait3A_88 = arith.constant 0 : i32
    %dma_wait3A_89 = tpu.memref_slice %arg5[%add3A_81, %dma_wait3A_88] : memref<204800x768xf32, #tpu.memory_space<hbm>> -> memref<40x768xf32, #tpu.memory_space<hbm>>
    %dma_wait3A_90 = tpu.memref_slice %arg10[%dma_wait3A_83] : memref<3x!tpu.dma_semaphore, #tpu.memory_space<semaphore_mem>> -> memref<1x!tpu.dma_semaphore, #tpu.memory_space<semaphore_mem>>
    %dma_wait3A_91 = tpu.memref_squeeze %dma_wait3A_90 : memref<1x!tpu.dma_semaphore, #tpu.memory_space<semaphore_mem>> -> memref<!tpu.dma_semaphore, #tpu.memory_space<semaphore_mem>>
    %dma_wait3A_92 = arith.constant 0 : i32
    %dma_wait3A_93 = tpu.memref_slice %arg5[%add3A_81, %dma_wait3A_92] : memref<204800x768xf32, #tpu.memory_space<hbm>> -> memref<40x768xf32, #tpu.memory_space<hbm>>
    %dma_wait3A_94 = arith.constant 0 : i32
    %dma_wait3A_95 = arith.constant 0 : i32
    %dma_wait3A_96 = tpu.memref_slice %arg8[%dma_wait3A_82, %dma_wait3A_94, %dma_wait3A_95] : memref<3x40x768xf32, #tpu.memory_space<vmem>> -> memref<1x40x768xf32, #tpu.memory_space<vmem>>
    %dma_wait3A_97 = tpu.memref_squeeze %dma_wait3A_96 : memref<1x40x768xf32, #tpu.memory_space<vmem>> -> memref<40x768xf32, #tpu.memory_space<vmem>>
    tpu.wait_dma2 semaphore(%dma_wait3A_91 : memref<!tpu.dma_semaphore, #tpu.memory_space<semaphore_mem>>) src(%dma_wait3A_97 : memref<40x768xf32, #tpu.memory_space<vmem>>) dst(%dma_wait3A_93 : memref<40x768xf32, #tpu.memory_space<hbm>>)
    %add3A_98 = arith.constant 6160 : i32
    %add3A_99 = arith.addi %mul3A_2, %add3A_98 : i32
    %dma_wait3A_100 = arith.constant 2 : i32
    %dma_wait3A_101 = arith.constant 2 : i32
    %dma_wait3A_102 = arith.constant 0 : i32
    %dma_wait3A_103 = arith.constant 0 : i32
    %dma_wait3A_104 = tpu.memref_slice %arg8[%dma_wait3A_100, %dma_wait3A_102, %dma_wait3A_103] : memref<3x40x768xf32, #tpu.memory_space<vmem>> -> memref<1x40x768xf32, #tpu.memory_space<vmem>>
    %dma_wait3A_105 = tpu.memref_squeeze %dma_wait3A_104 : memref<1x40x768xf32, #tpu.memory_space<vmem>> -> memref<40x768xf32, #tpu.memory_space<vmem>>
    %dma_wait3A_106 = arith.constant 0 : i32
    %dma_wait3A_107 = tpu.memref_slice %arg5[%add3A_99, %dma_wait3A_106] : memref<204800x768xf32, #tpu.memory_space<hbm>> -> memref<40x768xf32, #tpu.memory_space<hbm>>
    %dma_wait3A_108 = tpu.memref_slice %arg10[%dma_wait3A_101] : memref<3x!tpu.dma_semaphore, #tpu.memory_space<semaphore_mem>> -> memref<1x!tpu.dma_semaphore, #tpu.memory_space<semaphore_mem>>
    %dma_wait3A_109 = tpu.memref_squeeze %dma_wait3A_108 : memref<1x!tpu.dma_semaphore, #tpu.memory_space<semaphore_mem>> -> memref<!tpu.dma_semaphore, #tpu.memory_space<semaphore_mem>>
    %dma_wait3A_110 = arith.constant 0 : i32
    %dma_wait3A_111 = tpu.memref_slice %arg5[%add3A_99, %dma_wait3A_110] : memref<204800x768xf32, #tpu.memory_space<hbm>> -> memref<40x768xf32, #tpu.memory_space<hbm>>
    %dma_wait3A_112 = arith.constant 0 : i32
    %dma_wait3A_113 = arith.constant 0 : i32
    %dma_wait3A_114 = tpu.memref_slice %arg8[%dma_wait3A_100, %dma_wait3A_112, %dma_wait3A_113] : memref<3x40x768xf32, #tpu.memory_space<vmem>> -> memref<1x40x768xf32, #tpu.memory_space<vmem>>
    %dma_wait3A_115 = tpu.memref_squeeze %dma_wait3A_114 : memref<1x40x768xf32, #tpu.memory_space<vmem>> -> memref<40x768xf32, #tpu.memory_space<vmem>>
    tpu.wait_dma2 semaphore(%dma_wait3A_109 : memref<!tpu.dma_semaphore, #tpu.memory_space<semaphore_mem>>) src(%dma_wait3A_115 : memref<40x768xf32, #tpu.memory_space<vmem>>) dst(%dma_wait3A_111 : memref<40x768xf32, #tpu.memory_space<hbm>>)
    %add3A_116 = arith.constant 6360 : i32
    %add3A_117 = arith.addi %mul3A_2, %add3A_116 : i32
    %dma_wait3A_118 = arith.constant 0 : i32
    %dma_wait3A_119 = arith.constant 0 : i32
    %dma_wait3A_120 = arith.constant 0 : i32
    %dma_wait3A_121 = arith.constant 0 : i32
    %dma_wait3A_122 = tpu.memref_slice %arg8[%dma_wait3A_118, %dma_wait3A_120, %dma_wait3A_121] : memref<3x40x768xf32, #tpu.memory_space<vmem>> -> memref<1x40x768xf32, #tpu.memory_space<vmem>>
    %dma_wait3A_123 = tpu.memref_squeeze %dma_wait3A_122 : memref<1x40x768xf32, #tpu.memory_space<vmem>> -> memref<40x768xf32, #tpu.memory_space<vmem>>
    %dma_wait3A_124 = arith.constant 0 : i32
    %dma_wait3A_125 = tpu.memref_slice %arg5[%add3A_117, %dma_wait3A_124] : memref<204800x768xf32, #tpu.memory_space<hbm>> -> memref<40x768xf32, #tpu.memory_space<hbm>>
    %dma_wait3A_126 = tpu.memref_slice %arg10[%dma_wait3A_119] : memref<3x!tpu.dma_semaphore, #tpu.memory_space<semaphore_mem>> -> memref<1x!tpu.dma_semaphore, #tpu.memory_space<semaphore_mem>>
    %dma_wait3A_127 = tpu.memref_squeeze %dma_wait3A_126 : memref<1x!tpu.dma_semaphore, #tpu.memory_space<semaphore_mem>> -> memref<!tpu.dma_semaphore, #tpu.memory_space<semaphore_mem>>
    %dma_wait3A_128 = arith.constant 0 : i32
    %dma_wait3A_129 = tpu.memref_slice %arg5[%add3A_117, %dma_wait3A_128] : memref<204800x768xf32, #tpu.memory_space<hbm>> -> memref<40x768xf32, #tpu.memory_space<hbm>>
    %dma_wait3A_130 = arith.constant 0 : i32
    %dma_wait3A_131 = arith.constant 0 : i32
    %dma_wait3A_132 = tpu.memref_slice %arg8[%dma_wait3A_118, %dma_wait3A_130, %dma_wait3A_131] : memref<3x40x768xf32, #tpu.memory_space<vmem>> -> memref<1x40x768xf32, #tpu.memory_space<vmem>>
    %dma_wait3A_133 = tpu.memref_squeeze %dma_wait3A_132 : memref<1x40x768xf32, #tpu.memory_space<vmem>> -> memref<40x768xf32, #tpu.memory_space<vmem>>
    tpu.wait_dma2 semaphore(%dma_wait3A_127 : memref<!tpu.dma_semaphore, #tpu.memory_space<semaphore_mem>>) src(%dma_wait3A_133 : memref<40x768xf32, #tpu.memory_space<vmem>>) dst(%dma_wait3A_129 : memref<40x768xf32, #tpu.memory_space<hbm>>)
    return
  }
}

</mosaic_0001>

<sc_bundles>
// kernel: kernel.3.cloned.1.call-start
scs
__scs_entry_jumppad:
0x0: {  	(pc) =	sbr.rel $0x88, $3  }
0x1: {  	(tag) =	ssettag $0x0;
	lr =	simm.s32 $0x1  }
0x2: {  	[smem:$0x3F9E] =	sst lr;
	_ =	strace $0xD0000000  }
0x3: {  	_ = 	snop  }
0x4: {  	_ = 	snop  }
0x5: {  	_ = 	snop  }
0x6: {  	_ = 	snop  }
0x7: {  	_ = 	snop  }
__scs_overlays_trampoline_lowered:
0x8: {  	[smem:$0x3FAD] =	sst s0  }
0x9: {  	[smem:$0x3FAE] =	sst s1  }
0xa: {  	[smem:$0x3FAF] =	sst s2  }
0xb: {  	[smem:$0x3FB0] =	sst s3  }
0xc: {  	[smem:$0x3FB1] =	sst s4  }
0xd: {  	[smem:$0x3FB2] =	sst s5  }
0xe: {  	[smem:$0x3FB3] =	sst s6  }
0xf: {  	[smem:$0x3FB4] =	sst s7  }
0x10: {  	[smem:$0x3FB5] =	sst s8  }
0x11: {  	[smem:$0x3FB6] =	sst s9;
	s0 =	simm.s32 @!p0 $0x0  }
0x12: {  	s1 =	sld [smem:$0x3F9C];
	s0 =	simm.s32 @p0 $0x1  }
0x13: {  	[smem:$0x3FB7] =	sst s0;
	s0 =	simm.s32 @!p1 $0x0  }
0x14: {  	s2 =	sld [smem:$0x3F9B];
	s0 =	simm.s32 @p1 $0x1  }
0x15: {  	[smem:$0x3FB8] =	sst s0;
	s0 =	simm.s32 @!p2 $0x0  }
0x16: {  	s3 =	sld [smem:$0x3FDB];
	s0 =	simm.s32 @p2 $0x1  }
0x17: {  	s4 =	simm.s32 $0x1BF5;
	[smem:$0x3FBA] =	sst s0  }
0x18: {  	s0 =	sld [smem:$0x3F9D];
	_ =	swait.ge [sflag:s4], $0x0  }
0x19: {  	s7 =	sld [smem:$0x3F9E]  }
0x1a: {  	s8 =	sadd.s32 $0xFFFFE003, lr  }
0x1b: {  	s9 =	sadd.s32 $0xFFFFFEF7, lr;
	s5 =	simm.s32 $0xFFFFFFFF;
	p2 =	slt.u32 s8, $0xFFFFF086  }
0x1c: {  	p1 =	slt.u32 s9, $0xF7A;
	s5 =	simm.s32 @!p2 $0x0  }
0x1d: {  	s5 =	simm.s32 @p1 $0x1;
	p0 =	seq.s32 s7, s2  }
0x1e: {  	s7 =	smul.u32 @!p0 $0xF7A, s2;
	p2 =	seq.s32 @!p0 s5, $0x0  }
0x1f: {  	s9 =	smul.u32 $0xF7A, s1;
	s8 =	simm.s32 @!p0 $0x1BF5;
	p2 =	por !p2, p0  }
0x20: {  	[sflag:s8] =	ssyncset.s32 @!p0 $0xFFFFF086;
	s6 =	sadd.s32 @!p0 s3, s7;
	s7 =	simm.s32 @!p0 $0x108  }
0x21: {  	s3 =	sadd.s32 s3, s9;
	s6 =	sadd.s32 @!p0 $0x88, s6;
	s7 =	simm.s32 @p2 $0x1082  }
0x22: {  	[simem:s7], [sflag:s8] =	dma.local @!p0 [hbm:s6], $0xF7A  }
0x23: {  	s9 =	sor.u32 $0xD0000000, s2;
	s6 =	simm.s32 $0x108;
	_ =	swait.ge @!p0 [sflag:s8], $0x0  }
0x24: {  	s3 =	sadd.s32 $0x88, s3;
	s6 =	simm.s32 @!p1 $0x1082;
	[sflag:s4] =	ssyncset.s32 $0xFFFFF086  }
0x25: {  	[simem:s6], [sflag:s4] =	dma.local [hbm:s3], $0xF7A  }
0x26: {  	[smem:$0x3F9E] =	sst s1;
	(tag) =	ssettag s2;
	_ =	strace s9  }
0x27: {  	s1 =	sld [smem:$0x3FAE]  }
0x28: {  	s2 =	sld [smem:$0x3FAF]  }
0x29: {  	s4 =	sld [smem:$0x3FB1]  }
0x2a: {  	p0 =	seq.s32 s5, $0x0;
	s5 =	sld [smem:$0x3FB2]  }
0x2b: {  	s6 =	sld [smem:$0x3FB3]  }
0x2c: {  	s7 =	sld [smem:$0x3FB4]  }
0x2d: {  	s3 =	simm.s32 $0x108;
	s8 =	sld [smem:$0x3FB5]  }
0x2e: {  	s3 =	simm.s32 @!p0 $0x1082;
	s9 =	sld [smem:$0x3FB6]  }
0x2f: {  	lr =	sadd.s32 s0, s3;
	s0 =	sld [smem:$0x3FAD]  }
0x30: {  	s3 =	sld [smem:$0x3FB0]  }
0x31: {  	[smem:$0x3FB9] =	sst s10  }
0x32: {  	s10 =	sld [smem:$0x3FB7];
	_ =	sdelay $0x3  }
0x33: {  	p0 =	seq.s32 s10, $0x1;
	s10 =	sld [smem:$0x3FB9];
	_ =	sdelay $0x3  }
0x34: {  	[smem:$0x3FB9] =	sst s10  }
0x35: {  	s10 =	sld [smem:$0x3FB8];
	_ =	sdelay $0x3  }
0x36: {  	p1 =	seq.s32 s10, $0x1;
	s10 =	sld [smem:$0x3FB9];
	_ =	sdelay $0x3  }
0x37: {  	[smem:$0x3FB9] =	sst s10  }
0x38: {  	s10 =	sld [smem:$0x3FBA]  }
0x39: {  	_ = 	snop;
	(pc) =	sbr.ind lr, $3  }
0x3a: {  	_ = 	snop  }
0x3b: {  	_ = 	snop  }
0x3c: {  	p2 =	seq.s32 s10, $0x1;
	s10 =	sld [smem:$0x3FB9]  }
0x3d: {  	_ =	shalt  }
0x3e: {  	_ =	shalt  }
0x3f: {  	_ =	shalt  }
0x40: {  	_ =	shalt  }
0x41: {  	_ =	shalt  }
0x42: {  	_ =	shalt  }
0x43: {  	_ =	shalt  }
0x44: {  	_ =	shalt  }
0x45: {  	_ =	shalt  }
0x46: {  	_ =	shalt  }
0x47: {  	_ =	shalt  }
0x48: {  	_ =	shalt  }
0x49: {  	_ =	shalt  }
0x4a: {  	_ =	shalt  }
0x4b: {  	_ =	shalt  }
0x4c: {  	_ =	shalt  }
0x4d: {  	_ =	shalt  }
0x4e: {  	_ =	shalt  }
0x4f: {  	_ =	shalt  }
0x50: {  	_ =	shalt  }
0x51: {  	_ =	shalt  }
0x52: {  	_ =	shalt  }
0x53: {  	_ =	shalt  }
0x54: {  	_ =	shalt  }
0x55: {  	_ =	shalt  }
0x56: {  	_ =	shalt  }
0x57: {  	_ =	shalt  }
0x58: {  	_ =	shalt  }
0x59: {  	_ =	shalt  }
0x5a: {  	_ =	shalt  }
0x5b: {  	_ =	shalt  }
0x5c: {  	_ =	shalt  }
0x5d: {  	_ =	shalt  }
0x5e: {  	_ =	shalt  }
0x5f: {  	_ =	shalt  }
0x60: {  	_ =	shalt  }
0x61: {  	_ =	shalt  }
0x62: {  	_ =	shalt  }
0x63: {  	_ =	shalt  }
0x64: {  	_ =	shalt  }
0x65: {  	_ =	shalt  }
0x66: {  	_ =	shalt  }
0x67: {  	_ =	shalt  }
0x68: {  	_ =	shalt  }
0x69: {  	_ =	shalt  }
0x6a: {  	_ =	shalt  }
0x6b: {  	_ =	shalt  }
0x6c: {  	_ =	shalt  }
0x6d: {  	_ =	shalt  }
0x6e: {  	_ =	shalt  }
0x6f: {  	_ =	shalt  }
0x70: {  	_ =	shalt  }
0x71: {  	_ =	shalt  }
0x72: {  	_ =	shalt  }
0x73: {  	_ =	shalt  }
0x74: {  	_ =	shalt  }
0x75: {  	_ =	shalt  }
0x76: {  	_ =	shalt  }
0x77: {  	_ =	shalt  }
0x78: {  	_ =	shalt  }
0x79: {  	_ =	shalt  }
0x7a: {  	_ =	shalt  }
0x7b: {  	_ =	shalt  }
0x7c: {  	_ =	shalt  }
0x7d: {  	_ =	shalt  }
0x7e: {  	_ =	shalt  }
0x7f: {  	_ =	shalt  }
0x80: {  	_ =	shalt  }
0x81: {  	_ =	shalt  }
0x82: {  	_ =	shalt  }
0x83: {  	_ =	shalt  }
0x84: {  	_ =	shalt  }
0x85: {  	_ =	shalt  }
0x86: {  	_ =	shalt  }
0x87: {  	_ =	shalt  }
.Lfunc_end0:
.L_simem_size_0:
called_computation_lowered:
.L_overlay_start_0:
0x88: {  	s2 =	sld [smem:$0x3FD9]  }
0x89: {  	s3 =	sld [smem:$0x3FFE];
	_ =	sdelay $0x1  }
0x8a: {  	s1 =	srdreg.scid  }
0x8b: {  	s0 =	sand.u32 $0x1, s1  }
0x8c: {  	s17 =	sshll.u32 s0, $0xA;
	s2 =	sadd.s32 s3, s2  }
0x8d: {  	s2 =	sadd.s32 s2, s17  }
0x8e: {  	[smem:$0x3FC5] =	sst s2  }
0x8f: {  	_ = 	snop  }
0x90: {  	s2 =	sld [smem:$0x3FC8]  }
0x91: {  	s18 =	sld [smem:$0x3FD0];
	(tm) =	ssettm $0x1  }
0x92: {  	s4 =	sld [smem:$0x3FFB];
	_ =	sdelay $0x3  }
0x93: {  	_ =	strace s4  }
0x94: {  	s4 =	sld [smem:$0x3FFC];
	_ =	sdelay $0x3  }
0x95: {  	_ =	strace s4  }
0x96: {  	s4 =	sld [smem:$0x3FFD];
	_ =	sdelay $0x3  }
0x97: {  	_ =	strace s4  }
0x98: {  	_ =	strace $0x8FFFFFFF  }
0x99: {  	s19 =	sld [smem:$0x3FDB];
	_ =	sdelay $0x1  }
0x9a: {  	s5 =	simm.s32 $_scs_section_size  }
0x9b: {  	s6 =	simm.s32 $_size__tile_overlayer_lowered;
	s7 =	simm.s32 $_tile_overlayer_lowered  }
0x9c: {  	s22 =	simm.s32 $0x1BFF;
	s21 =	sshll.u32 s7, $0x1;
	s4 =	sadd.s32 s5, s19  }
0x9d: {  	s8 =	simm.s32 $0x0;
	s20 =	sshll.u32 s6, $0x1;
	s6 =	sadd.s32 s21, s4  }
0x9e: {  	[timem:s8], [sflag:s22] =	dma.local [hbm:s6], s20  }
0x9f: {  	_ =	swait.ge [sflag:s22], s20  }
0xa0: {  	s5 =	ssub.s32 $0x0, s20;
	[sflag:s22] =	ssyncset.done $0x0  }
0xa1: {  	[sflag:s22] =	ssyncadd.s32 s5;
	_ =	sdelay $0x1  }
0xa2: {  	s23 =	simm.s32 $0x1B8B  }
0xa3: {  	_ =	swait.ge [sflag:s23], $0x1  }
0xa4: {  	[sflag:s23] =	ssyncset.done $0x0  }
0xa5: {  	s25 =	simm.s32 $0x1B8E;
	s24 =	sld [smem:$0x3FFE];
	[sflag:s23] =	ssyncadd.s32 $0xFFFFFFFF  }
0xa6: {  	s26 =	simm.s32 $execute0_lowered;
	[smem:$0x3FD2] =	sst s25  }
0xa7: {  	s6 =	sshll.u32 s26, $0x1;
	_ =	strace $0x80000046;
	[dreg:$0x1] =	wrdreg $0xFFFFFFFF  }
0xa8: {  	s28 =	simm.s32 $_size_execute0_lowered;
	s4 =	sadd.s32 s4, s6;
	[dreg:$0x0] =	wrdreg $0x0  }
0xa9: {  	s6 =	sshll.u32 s28, $0x1;
	[dreg:$0x2] =	wrdreg s4  }
0xaa: {  	[dreg:$0x3] =	wrdreg s6  }
0xab: {  	[dreg:$0x4] =	wrdreg $0xC0  }
0xac: {  	_ =	task [dreg:s8], $0x5FFFF  }
0xad: {  	[dreg:$0x1] =	wrdreg $0xFFFFFFFF  }
0xae: {  	[dreg:$0x0] =	wrdreg $0x60  }
0xaf: {  	[dreg:$0x2] =	wrdreg s24  }
0xb0: {  	[dreg:$0x3] =	wrdreg s2  }
0xb1: {  	[dreg:$0x4] =	wrdreg s18  }
0xb2: {  	[dreg:$0x5] =	wrdreg $0x9  }
0xb3: {  	_ =	task.clear_ibuf [dreg:s8], $0x6FFFF;
	_ =	strace $0x90000046  }
0xb4: {  	s29 =	simm.s32 $0x9;
	_ =	strace $0x80000048  }
0xb5: {  	_ =	swait.ge [sflag:s29], $0x1  }
0xb6: {  	[sflag:s29] =	ssyncadd.s32 $0xFFFFFFFF  }
0xb7: {  	_ =	strace $0x90000048  }
0xb8: {  	_ =	sfence  }
0xb9: {  	s30 =	sld [smem:$0x0];
	_ =	sdelay $0x2  }
0xba: {  	s31 =	sshll.u32 s1, $0xD;
	s1 =	sshrl.u32 s1, $0x2  }
0xbb: {  	s3 =	sand.u32 $0x4000, s31;
	s1 =	sadd.s32 s1, s30  }
0xbc: {  	s0 =	sor.u32 s3, s0;
	s1 =	sshll.u32 s1, $0x11  }
0xbd: {  	s0 =	sor.u32 s1, s0  }
0xbe: {  	s0 =	sadd.s32 $0x8F2B, s0  }
0xbf: {  	[sflag:s0] =	ssyncadd.remote.s32 $0x1  }
0xc0: {  	_ =	sfence.sel $0xFFFF  }
0xc1: {  	[dreg:$0x0] =	wrdreg $0xFFFFFFFF;
	(pc) =	sbr.abs _section_cstart, $3  }
0xc2: {  	[dreg:$0x1] =	wrdreg $0xFFFFFFFF  }
0xc3: {  	_ =	task.clear_ibuf [dreg:s8], $0x2FFFF;
	_ =	strace $0x9FFFFFFF  }
0xc4: {  	(tm) =	ssettm $0x7FFFFFFF  }
0xc5: {  	_ =	shalt  }
tec
execute0_lowered:
.L_overlay_start_1:
0x0: {  	(tag) =	ssettag $0x1  }
0x1: {  	s0 =	rddreg [dreg:$0x0];
	s1 =	srdreg.scid  }
0x2: {  	s3 =	stileid.u32;
	s2 =	rddreg [dreg:$0x1];
	s13 =	simm.s32 $0x9100  }
0x3: {  	s28 =	simm.s32 $0x10100;
	s29 =	simm.s32 $0x10900;
	s11 =	simm.s32 $0x18100  }
0x4: {  	s12 =	simm.s32 $0x2;
	s1 =	sand.u32 $0x1, s1;
	s4 =	sshll.u32 s3, $0x1  }
0x5: {  	s30 =	simm.s32 $0x7;
	s31 =	simm.s32 $0x4;
	s5 =	sor.u32 s1, s4  }
0x6: {  	s3 =	rddreg [dreg:$0x2];
	s4 =	simm.s32 $0x0;
	s5 =	smul.u32 $0x1900, s5  }
0x7: {  	s9 =	sadd.s32 $0x200, s2;
	s1 =	ssub.s32 $0x2, s1;
	[smem:$0x7FF] =	sst s4  }
0x8: {  	s24 =	sshrl.u32 s1, $0x1;
	s6 =	sshrl.u32 s5, $0x3;
	s7 =	sadd.s32 $0x18D8, s5  }
0x9: {  	s8 =	sadd.s32 s6, s0;
	s7 =	sshrl.u32 s7, $0x3;
	s6 =	sadd.s32 $0x400, s0  }
0xa: {  	s0 =	ssub.s32 s1, s24;
	s7 =	smul.u32 $0x300, s7;
	s25 =	sadd.s32 $0x5000, s8  }
0xb: {  	v2 =	vlaneseq.u32;
	_ =	strace $0x80000047;
	s0 =	smax.u32 s0, $0x1;
	[dreg:$0x4] =	wrdreg s25  }
0xc: {  	vm0 =	vmmov $0xffff;
	v1 =	vshrl.u32 v2, $0x3;
	s1 =	simm.s32 $0x5;
	[dreg:$0x6] =	wrdreg s0;
	s26 =	sadd.s32 s3, s7  }
0xd: {  	v0 =	vand.u32 $0x7, v2;
	v2 =	vor.u32 $0x8, v2;
	v1 =	vmul.u32 $0x8, v1;
	s8 =	sadd.s32 $0x100, s2;
	s7 =	simm.s32 $0x0;
	[dreg:$0x5] =	wrdreg s26  }
.LBB2_1:
0xe: {  	[dreg:$0x7] =	wrdreg s7  }
0xf: {  	s0 =	rddreg [dreg:$0x4];
	s15 =	simm.s32 $0x8  }
0x10: {  	[tilespmem:s4], [sflag:$0x8] =	stream.linear.gather [hbm4b:s0+s4], $0x1900, $0x38;
	[tilespmem:$0x1F900] =	vst v63  }
0x11: {  	_ =	swait.ge [sflag:s15], $0x1900  }
0x12: {  	[sflag:s15] =	ssyncset.done $0x0  }
0x13: {  	[sflag:s15] =	ssyncadd.s32 $0xFFFFE700  }
0x14: {  	v3 =	vld [tilespmem:$0x0];
	_ =	sdelay $0x4  }
0x15: {  	v4 =	vshrl.u32 v3, $0x3  }
0x16: {  	v4 =	vmul.u32 $0x30, v4  }
0x17: {  	v3 =	vand.u32 $0x7, v3  }
0x18: {  	v3 =	vor.u32 v3, v4  }
0x19: {  	v4 =	vperm.xlane v3, v0;
	_ =	sdelay $0x1  }
0x1a: {  	v4 =	vadd.s32 v1, v4;
	_ =	sdelay $0x3  }
0x1b: {  	v3 =	vperm.xlane v3, v2  }
0x1c: {  	[tilespmem:s13], [sflag:$0x1] =	stream.indirect_vreg.gather [hbm4b:s2+s4], $0x80, v4, vm0, $0xb8;
	[tilespmem:$0x1F900] =	vst v63  }
0x1d: {  	s16 =	simm.s32 $0x9900;
	v3 =	vadd.s32 v1, v3  }
0x1e: {  	[tilespmem:s16], [sflag:$0x1] =	stream.indirect_vreg.gather [hbm4b:s8+s4], $0x80, v4, vm0, $0xb8;
	[tilespmem:$0x1F900] =	vst v63  }
0x1f: {  	s17 =	simm.s32 $0xA100  }
0x20: {  	[tilespmem:s17], [sflag:$0x1] =	stream.indirect_vreg.gather [hbm4b:s9+s4], $0x80, v4, vm0, $0xb8;
	[tilespmem:$0x1F900] =	vst v63  }
0x21: {  	s18 =	simm.s32 $0xA900  }
0x22: {  	[tilespmem:s18], [sflag:$0x1] =	stream.indirect_vreg.gather [hbm4b:s2+s4], $0x80, v3, vm0, $0xb8;
	[tilespmem:$0x1F900] =	vst v63  }
0x23: {  	s19 =	simm.s32 $0xB100  }
0x24: {  	[tilespmem:s19], [sflag:$0x1] =	stream.indirect_vreg.gather [hbm4b:s8+s4], $0x80, v3, vm0, $0xb8;
	[tilespmem:$0x1F900] =	vst v63  }
0x25: {  	s20 =	simm.s32 $0xB900  }
0x26: {  	[tilespmem:s20], [sflag:$0x1] =	stream.indirect_vreg.gather [hbm4b:s9+s4], $0x80, v3, vm0, $0xb8;
	[tilespmem:$0x1F900] =	vst v63  }
0x27: {  	v3 =	vld [tilespmem:$0x10];
	_ =	sdelay $0x4  }
0x28: {  	v56 =	vshrl.u32 v3, $0x3  }
0x29: {  	v4 =	vmul.u32 $0x30, v56  }
0x2a: {  	v3 =	vand.u32 $0x7, v3  }
0x2b: {  	v3 =	vor.u32 v3, v4  }
0x2c: {  	v4 =	vperm.xlane v3, v0;
	_ =	sdelay $0x1  }
0x2d: {  	v4 =	vadd.s32 v1, v4;
	_ =	sdelay $0x3  }
0x2e: {  	s21 =	simm.s32 $0xC100;
	v3 =	vperm.xlane v3, v2  }
0x2f: {  	[tilespmem:s21], [sflag:$0x1] =	stream.indirect_vreg.gather [hbm4b:s2+s4], $0x80, v4, vm0, $0xb8;
	[tilespmem:$0x1F900] =	vst v63  }
0x30: {  	s22 =	simm.s32 $0xC900;
	v3 =	vadd.s32 v1, v3  }
0x31: {  	[tilespmem:s22], [sflag:$0x1] =	stream.indirect_vreg.gather [hbm4b:s8+s4], $0x80, v4, vm0, $0xb8;
	[tilespmem:$0x1F900] =	vst v63  }
0x32: {  	s23 =	simm.s32 $0xD100  }
0x33: {  	[tilespmem:s23], [sflag:$0x1] =	stream.indirect_vreg.gather [hbm4b:s9+s4], $0x80, v4, vm0, $0xb8;
	[tilespmem:$0x1F900] =	vst v63  }
0x34: {  	s24 =	simm.s32 $0xD900  }
0x35: {  	[tilespmem:s24], [sflag:$0x1] =	stream.indirect_vreg.gather [hbm4b:s2+s4], $0x80, v3, vm0, $0xb8;
	[tilespmem:$0x1F900] =	vst v63  }
0x36: {  	s25 =	simm.s32 $0xE100  }
0x37: {  	[tilespmem:s25], [sflag:$0x1] =	stream.indirect_vreg.gather [hbm4b:s8+s4], $0x80, v3, vm0, $0xb8;
	[tilespmem:$0x1F900] =	vst v63  }
0x38: {  	s26 =	simm.s32 $0xE900  }
0x39: {  	[tilespmem:s26], [sflag:$0x1] =	stream.indirect_vreg.gather [hbm4b:s9+s4], $0x80, v3, vm0, $0xb8;
	[tilespmem:$0x1F900] =	vst v63  }
0x3a: {  	v3 =	vld.msk [tilespmem:$0x20], $0xff;
	_ =	sdelay $0x4  }
0x3b: {  	v57 =	vshrl.u32 v3, $0x3  }
0x3c: {  	v4 =	vmul.u32 $0x30, v57  }
0x3d: {  	v3 =	vand.u32 $0x7, v3  }
0x3e: {  	v3 =	vor.u32 v3, v4  }
0x3f: {  	v3 =	vperm.xlane v3, v0;
	_ =	sdelay $0x1  }
0x40: {  	v3 =	vadd.s32 v1, v3;
	_ =	sdelay $0x3  }
0x41: {  	s7 =	simm.s32 $0xF100  }
0x42: {  	[tilespmem:s7], [sflag:$0x1] =	stream.indirect_vreg.gather [hbm4b:s2+s4], $0x80, v3, vm0, $0xb8;
	[tilespmem:$0x1F900] =	vst v63  }
0x43: {  	s10 =	simm.s32 $0xF900  }
0x44: {  	[tilespmem:s10], [sflag:$0x1] =	stream.indirect_vreg.gather [hbm4b:s8+s4], $0x80, v3, vm0, $0xb8;
	[tilespmem:$0x1F900] =	vst v63  }
0x45: {  	_ = 	snop  }
0x46: {  	[tilespmem:s28], [sflag:$0x1] =	stream.indirect_vreg.gather [hbm4b:s9+s4], $0x80, v3, vm0, $0xb8;
	[tilespmem:$0x1F900] =	vst v63  }
0x47: {  	v3 =	vld [tilespmem:$0xC8];
	_ =	sdelay $0x4  }
0x48: {  	v58 =	vshrl.u32 v3, $0x3  }
0x49: {  	v4 =	vmul.u32 $0x30, v58  }
0x4a: {  	v3 =	vand.u32 $0x7, v3  }
0x4b: {  	v3 =	vor.u32 v3, v4  }
0x4c: {  	v4 =	vperm.xlane v3, v0;
	_ =	sdelay $0x1  }
0x4d: {  	v4 =	vadd.s32 v1, v4;
	_ =	sdelay $0x3  }
0x4e: {  	v3 =	vperm.xlane v3, v2  }
0x4f: {  	[tilespmem:s29], [sflag:$0x2] =	stream.indirect_vreg.gather [hbm4b:s2+s4], $0x80, v4, vm0, $0xb8;
	[tilespmem:$0x1F900] =	vst v63  }
0x50: {  	s14 =	simm.s32 $0x11100;
	v3 =	vadd.s32 v1, v3  }
0x51: {  	[tilespmem:s14], [sflag:$0x2] =	stream.indirect_vreg.gather [hbm4b:s8+s4], $0x80, v4, vm0, $0xb8;
	[tilespmem:$0x1F900] =	vst v63  }
0x52: {  	s15 =	simm.s32 $0x11900  }
0x53: {  	[tilespmem:s15], [sflag:$0x2] =	stream.indirect_vreg.gather [hbm4b:s9+s4], $0x80, v4, vm0, $0xb8;
	[tilespmem:$0x1F900] =	vst v63  }
0x54: {  	s16 =	simm.s32 $0x12100  }
0x55: {  	[tilespmem:s16], [sflag:$0x2] =	stream.indirect_vreg.gather [hbm4b:s2+s4], $0x80, v3, vm0, $0xb8;
	[tilespmem:$0x1F900] =	vst v63  }
0x56: {  	s17 =	simm.s32 $0x12900  }
0x57: {  	[tilespmem:s17], [sflag:$0x2] =	stream.indirect_vreg.gather [hbm4b:s8+s4], $0x80, v3, vm0, $0xb8;
	[tilespmem:$0x1F900] =	vst v63  }
0x58: {  	s18 =	simm.s32 $0x13100  }
0x59: {  	[tilespmem:s18], [sflag:$0x2] =	stream.indirect_vreg.gather [hbm4b:s9+s4], $0x80, v3, vm0, $0xb8;
	[tilespmem:$0x1F900] =	vst v63  }
0x5a: {  	v3 =	vld [tilespmem:$0xD8];
	_ =	sdelay $0x4  }
0x5b: {  	v59 =	vshrl.u32 v3, $0x3  }
0x5c: {  	v4 =	vmul.u32 $0x30, v59  }
0x5d: {  	v3 =	vand.u32 $0x7, v3  }
0x5e: {  	v3 =	vor.u32 v3, v4  }
0x5f: {  	v4 =	vperm.xlane v3, v0;
	_ =	sdelay $0x1  }
0x60: {  	v4 =	vadd.s32 v1, v4;
	_ =	sdelay $0x3  }
0x61: {  	s19 =	simm.s32 $0x13900;
	v3 =	vperm.xlane v3, v2  }
0x62: {  	[tilespmem:s19], [sflag:$0x2] =	stream.indirect_vreg.gather [hbm4b:s2+s4], $0x80, v4, vm0, $0xb8;
	[tilespmem:$0x1F900] =	vst v63  }
0x63: {  	s20 =	simm.s32 $0x14100;
	v3 =	vadd.s32 v1, v3  }
0x64: {  	[tilespmem:s20], [sflag:$0x2] =	stream.indirect_vreg.gather [hbm4b:s8+s4], $0x80, v4, vm0, $0xb8;
	[tilespmem:$0x1F900] =	vst v63  }
0x65: {  	s21 =	simm.s32 $0x14900  }
0x66: {  	[tilespmem:s21], [sflag:$0x2] =	stream.indirect_vreg.gather [hbm4b:s9+s4], $0x80, v4, vm0, $0xb8;
	[tilespmem:$0x1F900] =	vst v63  }
0x67: {  	s22 =	simm.s32 $0x15100  }
0x68: {  	[tilespmem:s22], [sflag:$0x2] =	stream.indirect_vreg.gather [hbm4b:s2+s4], $0x80, v3, vm0, $0xb8;
	[tilespmem:$0x1F900] =	vst v63  }
0x69: {  	s23 =	simm.s32 $0x15900  }
0x6a: {  	[tilespmem:s23], [sflag:$0x2] =	stream.indirect_vreg.gather [hbm4b:s8+s4], $0x80, v3, vm0, $0xb8;
	[tilespmem:$0x1F900] =	vst v63  }
0x6b: {  	s24 =	simm.s32 $0x16100  }
0x6c: {  	[tilespmem:s24], [sflag:$0x2] =	stream.indirect_vreg.gather [hbm4b:s9+s4], $0x80, v3, vm0, $0xb8;
	[tilespmem:$0x1F900] =	vst v63  }
0x6d: {  	v3 =	vld.msk [tilespmem:$0xE8], $0xff;
	_ =	sdelay $0x4  }
0x6e: {  	v60 =	vshrl.u32 v3, $0x3  }
0x6f: {  	v4 =	vmul.u32 $0x30, v60  }
0x70: {  	v3 =	vand.u32 $0x7, v3  }
0x71: {  	v3 =	vor.u32 v3, v4  }
0x72: {  	v3 =	vperm.xlane v3, v0;
	_ =	sdelay $0x1  }
0x73: {  	v3 =	vadd.s32 v1, v3;
	_ =	sdelay $0x3  }
0x74: {  	s25 =	simm.s32 $0x16900  }
0x75: {  	[tilespmem:s25], [sflag:$0x2] =	stream.indirect_vreg.gather [hbm4b:s2+s4], $0x80, v3, vm0, $0xb8;
	[tilespmem:$0x1F900] =	vst v63  }
0x76: {  	s26 =	simm.s32 $0x17100  }
0x77: {  	[tilespmem:s26], [sflag:$0x2] =	stream.indirect_vreg.gather [hbm4b:s8+s4], $0x80, v3, vm0, $0xb8;
	[tilespmem:$0x1F900] =	vst v63  }
0x78: {  	s7 =	simm.s32 $0x17900  }
0x79: {  	[tilespmem:s7], [sflag:$0x2] =	stream.indirect_vreg.gather [hbm4b:s9+s4], $0x80, v3, vm0, $0xb8;
	[tilespmem:$0x1F900] =	vst v63  }
0x7a: {  	v3 =	vld [tilespmem:$0x190];
	_ =	sdelay $0x4  }
0x7b: {  	v61 =	vshrl.u32 v3, $0x3  }
0x7c: {  	v4 =	vmul.u32 $0x30, v61  }
0x7d: {  	v3 =	vand.u32 $0x7, v3  }
0x7e: {  	v3 =	vor.u32 v3, v4  }
0x7f: {  	v4 =	vperm.xlane v3, v0;
	_ =	sdelay $0x1  }
0x80: {  	v4 =	vadd.s32 v1, v4;
	_ =	sdelay $0x3  }
0x81: {  	v3 =	vperm.xlane v3, v2  }
0x82: {  	[tilespmem:s11], [sflag:$0x3] =	stream.indirect_vreg.gather [hbm4b:s2+s4], $0x80, v4, vm0, $0xb8;
	[tilespmem:$0x1F900] =	vst v63  }
0x83: {  	s10 =	simm.s32 $0x18900;
	v3 =	vadd.s32 v1, v3  }
0x84: {  	[tilespmem:s10], [sflag:$0x3] =	stream.indirect_vreg.gather [hbm4b:s8+s4], $0x80, v4, vm0, $0xb8;
	[tilespmem:$0x1F900] =	vst v63  }
0x85: {  	s14 =	simm.s32 $0x19100  }
0x86: {  	[tilespmem:s14], [sflag:$0x3] =	stream.indirect_vreg.gather [hbm4b:s9+s4], $0x80, v4, vm0, $0xb8;
	[tilespmem:$0x1F900] =	vst v63  }
0x87: {  	s15 =	simm.s32 $0x19900  }
0x88: {  	[tilespmem:s15], [sflag:$0x3] =	stream.indirect_vreg.gather [hbm4b:s2+s4], $0x80, v3, vm0, $0xb8;
	[tilespmem:$0x1F900] =	vst v63  }
0x89: {  	s16 =	simm.s32 $0x1A100  }
0x8a: {  	[tilespmem:s16], [sflag:$0x3] =	stream.indirect_vreg.gather [hbm4b:s8+s4], $0x80, v3, vm0, $0xb8;
	[tilespmem:$0x1F900] =	vst v63  }
0x8b: {  	s17 =	simm.s32 $0x1A900  }
0x8c: {  	[tilespmem:s17], [sflag:$0x3] =	stream.indirect_vreg.gather [hbm4b:s9+s4], $0x80, v3, vm0, $0xb8;
	[tilespmem:$0x1F900] =	vst v63  }
0x8d: {  	v3 =	vld [tilespmem:$0x1A0];
	_ =	sdelay $0x4  }
0x8e: {  	v62 =	vshrl.u32 v3, $0x3  }
0x8f: {  	v4 =	vmul.u32 $0x30, v62  }
0x90: {  	v3 =	vand.u32 $0x7, v3  }
0x91: {  	v3 =	vor.u32 v3, v4  }
0x92: {  	v4 =	vperm.xlane v3, v0;
	_ =	sdelay $0x1  }
0x93: {  	v4 =	vadd.s32 v1, v4;
	_ =	sdelay $0x3  }
0x94: {  	s18 =	simm.s32 $0x1B100;
	v3 =	vperm.xlane v3, v2  }
0x95: {  	[tilespmem:s18], [sflag:$0x3] =	stream.indirect_vreg.gather [hbm4b:s2+s4], $0x80, v4, vm0, $0xb8;
	[tilespmem:$0x1F900] =	vst v63  }
0x96: {  	s19 =	simm.s32 $0x1B900;
	v3 =	vadd.s32 v1, v3  }
0x97: {  	[tilespmem:s19], [sflag:$0x3] =	stream.indirect_vreg.gather [hbm4b:s8+s4], $0x80, v4, vm0, $0xb8;
	[tilespmem:$0x1F900] =	vst v63  }
0x98: {  	s20 =	simm.s32 $0x1C100  }
0x99: {  	[tilespmem:s20], [sflag:$0x3] =	stream.indirect_vreg.gather [hbm4b:s9+s4], $0x80, v4, vm0, $0xb8;
	[tilespmem:$0x1F900] =	vst v63  }
0x9a: {  	s21 =	simm.s32 $0x1C900  }
0x9b: {  	[tilespmem:s21], [sflag:$0x3] =	stream.indirect_vreg.gather [hbm4b:s2+s4], $0x80, v3, vm0, $0xb8;
	[tilespmem:$0x1F900] =	vst v63  }
0x9c: {  	s22 =	simm.s32 $0x1D100  }
0x9d: {  	[tilespmem:s22], [sflag:$0x3] =	stream.indirect_vreg.gather [hbm4b:s8+s4], $0x80, v3, vm0, $0xb8;
	[tilespmem:$0x1F900] =	vst v63  }
0x9e: {  	s23 =	simm.s32 $0x1D900  }
0x9f: {  	[tilespmem:s23], [sflag:$0x3] =	stream.indirect_vreg.gather [hbm4b:s9+s4], $0x80, v3, vm0, $0xb8;
	[tilespmem:$0x1F900] =	vst v63  }
0xa0: {  	v3 =	vld.msk [tilespmem:$0x1B0], $0xff;
	_ =	sdelay $0x4  }
0xa1: {  	v63 =	vshrl.u32 v3, $0x3  }
0xa2: {  	v4 =	vmul.u32 $0x30, v63  }
0xa3: {  	v3 =	vand.u32 $0x7, v3  }
0xa4: {  	v3 =	vor.u32 v3, v4  }
0xa5: {  	v3 =	vperm.xlane v3, v0;
	_ =	sdelay $0x1  }
0xa6: {  	v3 =	vadd.s32 v1, v3;
	_ =	sdelay $0x3  }
0xa7: {  	s24 =	simm.s32 $0x1E100  }
0xa8: {  	[tilespmem:s24], [sflag:$0x3] =	stream.indirect_vreg.gather [hbm4b:s2+s4], $0x80, v3, vm0, $0xb8;
	[tilespmem:$0x1F900] =	vst v63  }
0xa9: {  	s25 =	simm.s32 $0x1E900  }
0xaa: {  	[tilespmem:s25], [sflag:$0x3] =	stream.indirect_vreg.gather [hbm4b:s8+s4], $0x80, v3, vm0, $0xb8;
	[tilespmem:$0x1F900] =	vst v63  }
0xab: {  	s0 =	simm.s32 $0x0;
	s26 =	simm.s32 $0x1F100  }
0xac: {  	[tilespmem:s26], [sflag:$0x3] =	stream.indirect_vreg.gather [hbm4b:s9+s4], $0x80, v3, vm0, $0xb8;
	[tilespmem:$0x1F900] =	vst v63  }
.LBB2_2:
0xad: {  	s7 =	smul.u32 $0x3, s0;
	_ =	sdelay $0x1  }
0xae: {  	s10 =	sand.u32 $0x1F, s7  }
0xaf: {  	p0 =	sne.s32 s10, $0x0  }
0xb0: {  	s14 =	sshrl.u32 @!p0 s7, $0x5  }
0xb1: {  	s14 =	smul.u32 @!p0 $0xF00, s14;
	_ =	sdelay $0x1  }
0xb2: {  	s15 =	simm.s32 @!p0 $0x0;
	s16 =	simm.s32 @!p0 $0x1900;
	s14 =	sadd.s32 @!p0 s6, s14  }
0xb3: {  	[tilespmem:s16], [sflag:$0x7] =	stream.linear.gather @!p0 [hbm4b:s14+s15], $0x7800, $0x38;
	[tilespmem:$0x1F900] =	vst v63  }
0xb4: {  	s14 =	simm.s32 @!p0 $0x1  }
0xb5: {  	_ =	swait.ge @!p0 [sflag:s14], $0x7800  }
0xb6: {  	s15 =	simm.s32 @!p0 $0x7;
	[sflag:s14] =	ssyncset.done @!p0 $0x0  }
0xb7: {  	s26 =	simm.s32 $0x0;
	s15 =	simm.s32 @p0 $0x1;
	[sflag:s14] =	ssyncadd.s32 @!p0 $0xFFFF8800  }
0xb8: {  	s16 =	smul.u32 $0x1800, s26;
	s14 =	simm.s32 $0x0;
	_ =	swait.ge [sflag:s15], $0x7800  }
0xb9: {  	s17 =	sand.u32 $0x380, s14;
	[sflag:s15] =	ssyncset.done $0x0  }
0xba: {  	[sflag:s15] =	ssyncadd.s32 $0xFFFF8800;
	s15 =	sor.u32 s17, s16  }
0xbb: {  	v3 =	vld [tilespmem:s15+$0x2D70]  }
0xbc: {  	v6 =	vld [tilespmem:s15+$0x1900]  }
0xbd: {  	v7 =	vld [tilespmem:s15+$0x1910]  }
0xbe: {  	v8 =	vld [tilespmem:s15+$0x1920]  }
0xbf: {  	v9 =	vld [tilespmem:s15+$0x1930]  }
0xc0: {  	v10 =	vld [tilespmem:s15+$0x1940]  }
0xc1: {  	v11 =	vld [tilespmem:s15+$0x1950]  }
0xc2: {  	v12 =	vld [tilespmem:s15+$0x1960]  }
0xc3: {  	v13 =	vld [tilespmem:s15+$0x1970]  }
0xc4: {  	v14 =	vld [tilespmem:s15+$0x1D00]  }
0xc5: {  	v15 =	vld [tilespmem:s15+$0x1D10]  }
0xc6: {  	v16 =	vld [tilespmem:s15+$0x1D20]  }
0xc7: {  	v17 =	vld [tilespmem:s15+$0x1D30]  }
0xc8: {  	v18 =	vld [tilespmem:s15+$0x1D40]  }
0xc9: {  	v19 =	vld [tilespmem:s15+$0x1D50]  }
0xca: {  	v20 =	vld [tilespmem:s15+$0x1D60]  }
0xcb: {  	v21 =	vld [tilespmem:s15+$0x1D70]  }
0xcc: {  	v22 =	vld [tilespmem:s15+$0x2100]  }
0xcd: {  	v23 =	vld [tilespmem:s15+$0x2110]  }
0xce: {  	v24 =	vld [tilespmem:s15+$0x2120]  }
0xcf: {  	v25 =	vld [tilespmem:s15+$0x2130]  }
0xd0: {  	v26 =	vld [tilespmem:s15+$0x2140]  }
0xd1: {  	v27 =	vld [tilespmem:s15+$0x2150]  }
0xd2: {  	v28 =	vld [tilespmem:s15+$0x2160]  }
0xd3: {  	v29 =	vld [tilespmem:s15+$0x2170]  }
0xd4: {  	v30 =	vld [tilespmem:s15+$0x2500]  }
0xd5: {  	v31 =	vld [tilespmem:s15+$0x2510]  }
0xd6: {  	v32 =	vld [tilespmem:s15+$0x2520]  }
0xd7: {  	v33 =	vld [tilespmem:s15+$0x2530]  }
0xd8: {  	v34 =	vld [tilespmem:s15+$0x2540]  }
0xd9: {  	v35 =	vld [tilespmem:s15+$0x2550]  }
0xda: {  	v36 =	vld [tilespmem:s15+$0x2560]  }
0xdb: {  	v37 =	vld [tilespmem:s15+$0x2570]  }
0xdc: {  	v38 =	vld [tilespmem:s15+$0x2900]  }
0xdd: {  	v39 =	vld [tilespmem:s15+$0x2910]  }
0xde: {  	v40 =	vld [tilespmem:s15+$0x2920]  }
0xdf: {  	v41 =	vld [tilespmem:s15+$0x2930]  }
0xe0: {  	v42 =	vld [tilespmem:s15+$0x2940]  }
0xe1: {  	v43 =	vld [tilespmem:s15+$0x2950]  }
0xe2: {  	v44 =	vld [tilespmem:s15+$0x2960]  }
0xe3: {  	v45 =	vld [tilespmem:s15+$0x2970]  }
0xe4: {  	v46 =	vld [tilespmem:s15+$0x2D00]  }
0xe5: {  	v47 =	vld [tilespmem:s15+$0x2D10]  }
0xe6: {  	v48 =	vld [tilespmem:s15+$0x2D20]  }
0xe7: {  	v49 =	vld [tilespmem:s15+$0x2D30]  }
0xe8: {  	v5 =	vld [tilespmem:s15+$0x2D40]  }
0xe9: {  	v4 =	vld [tilespmem:s15+$0x2D50]  }
0xea: {  	[tilespmem:s15+$0xA570] =	vst.add.f32.msk $0xffff, v3  }
0xeb: {  	v3 =	vld [tilespmem:s15+$0x2D60]  }
0xec: {  	[tilespmem:s15+$0x9100] =	vst.add.f32.msk $0xffff, v6  }
0xed: {  	[tilespmem:s15+$0x9110] =	vst.add.f32.msk $0xffff, v7  }
0xee: {  	[tilespmem:s15+$0x9120] =	vst.add.f32.msk $0xffff, v8  }
0xef: {  	[tilespmem:s15+$0x9130] =	vst.add.f32.msk $0xffff, v9  }
0xf0: {  	[tilespmem:s15+$0x9140] =	vst.add.f32.msk $0xffff, v10  }
0xf1: {  	[tilespmem:s15+$0x9150] =	vst.add.f32.msk $0xffff, v11  }
0xf2: {  	[tilespmem:s15+$0x9160] =	vst.add.f32.msk $0xffff, v12  }
0xf3: {  	[tilespmem:s15+$0x9170] =	vst.add.f32.msk $0xffff, v13  }
0xf4: {  	[tilespmem:s15+$0x9500] =	vst.add.f32.msk $0xffff, v14  }
0xf5: {  	[tilespmem:s15+$0x9510] =	vst.add.f32.msk $0xffff, v15  }
0xf6: {  	[tilespmem:s15+$0x9520] =	vst.add.f32.msk $0xffff, v16  }
0xf7: {  	[tilespmem:s15+$0x9530] =	vst.add.f32.msk $0xffff, v17  }
0xf8: {  	[tilespmem:s15+$0x9540] =	vst.add.f32.msk $0xffff, v18  }
0xf9: {  	[tilespmem:s15+$0x9550] =	vst.add.f32.msk $0xffff, v19  }
0xfa: {  	[tilespmem:s15+$0x9560] =	vst.add.f32.msk $0xffff, v20  }
0xfb: {  	[tilespmem:s15+$0x9570] =	vst.add.f32.msk $0xffff, v21  }
0xfc: {  	[tilespmem:s15+$0x9900] =	vst.add.f32.msk $0xffff, v22  }
0xfd: {  	[tilespmem:s15+$0x9910] =	vst.add.f32.msk $0xffff, v23  }
0xfe: {  	[tilespmem:s15+$0x9920] =	vst.add.f32.msk $0xffff, v24  }
0xff: {  	[tilespmem:s15+$0x9930] =	vst.add.f32.msk $0xffff, v25  }
0x100: {  	[tilespmem:s15+$0x9940] =	vst.add.f32.msk $0xffff, v26  }
0x101: {  	[tilespmem:s15+$0x9950] =	vst.add.f32.msk $0xffff, v27  }
0x102: {  	[tilespmem:s15+$0x9960] =	vst.add.f32.msk $0xffff, v28  }
0x103: {  	[tilespmem:s15+$0x9970] =	vst.add.f32.msk $0xffff, v29  }
0x104: {  	[tilespmem:s15+$0x9D00] =	vst.add.f32.msk $0xffff, v30  }
0x105: {  	[tilespmem:s15+$0x9D10] =	vst.add.f32.msk $0xffff, v31  }
0x106: {  	[tilespmem:s15+$0x9D20] =	vst.add.f32.msk $0xffff, v32  }
0x107: {  	[tilespmem:s15+$0x9D30] =	vst.add.f32.msk $0xffff, v33  }
0x108: {  	[tilespmem:s15+$0x9D40] =	vst.add.f32.msk $0xffff, v34  }
0x109: {  	[tilespmem:s15+$0x9D50] =	vst.add.f32.msk $0xffff, v35  }
0x10a: {  	[tilespmem:s15+$0x9D60] =	vst.add.f32.msk $0xffff, v36  }
0x10b: {  	[tilespmem:s15+$0x9D70] =	vst.add.f32.msk $0xffff, v37  }
0x10c: {  	[tilespmem:s15+$0xA100] =	vst.add.f32.msk $0xffff, v38  }
0x10d: {  	[tilespmem:s15+$0xA110] =	vst.add.f32.msk $0xffff, v39  }
0x10e: {  	[tilespmem:s15+$0xA120] =	vst.add.f32.msk $0xffff, v40  }
0x10f: {  	[tilespmem:s15+$0xA130] =	vst.add.f32.msk $0xffff, v41  }
0x110: {  	[tilespmem:s15+$0xA140] =	vst.add.f32.msk $0xffff, v42  }
0x111: {  	[tilespmem:s15+$0xA150] =	vst.add.f32.msk $0xffff, v43  }
0x112: {  	[tilespmem:s15+$0xA160] =	vst.add.f32.msk $0xffff, v44  }
0x113: {  	[tilespmem:s15+$0xA170] =	vst.add.f32.msk $0xffff, v45  }
0x114: {  	[tilespmem:s15+$0xA500] =	vst.add.f32.msk $0xffff, v46  }
0x115: {  	[tilespmem:s15+$0xA510] =	vst.add.f32.msk $0xffff, v47  }
0x116: {  	[tilespmem:s15+$0xA520] =	vst.add.f32.msk $0xffff, v48  }
0x117: {  	s17 =	simm.s32 $0x0;
	s16 =	simm.s32 $0x2;
	[tilespmem:s15+$0xA530] =	vst.add.f32.msk $0xffff, v49  }
.LBB2_3:
0x118: {  	p0 =	sne.s32 s16, $0x27;
	s17 =	smul.u32 $0x1800, s17;
	[tilespmem:s15+$0xA540] =	vst.add.f32.msk $0xffff, v5;
	s14 =	sadd.s32 $0x80, s14  }
0x119: {  	s18 =	sand.u32 $0x380, s14;
	[tilespmem:s15+$0xA550] =	vst.add.f32.msk $0xffff, v4  }
0x11a: {  	[tilespmem:s15+$0xA560] =	vst.add.f32.msk $0xffff, v3;
	s15 =	sor.u32 s18, s17  }
0x11b: {  	v3 =	vld [tilespmem:s15+$0x2D70]  }
0x11c: {  	v6 =	vld [tilespmem:s15+$0x1900]  }
0x11d: {  	v7 =	vld [tilespmem:s15+$0x1910]  }
0x11e: {  	v8 =	vld [tilespmem:s15+$0x1920]  }
0x11f: {  	v9 =	vld [tilespmem:s15+$0x1930]  }
0x120: {  	[tilespmem:s15+$0xA570] =	vst.add.f32.msk $0xffff, v3  }
0x121: {  	v10 =	vld [tilespmem:s15+$0x1940]  }
0x122: {  	v11 =	vld [tilespmem:s15+$0x1950]  }
0x123: {  	v12 =	vld [tilespmem:s15+$0x1960]  }
0x124: {  	v13 =	vld [tilespmem:s15+$0x1970]  }
0x125: {  	v14 =	vld [tilespmem:s15+$0x1D00]  }
0x126: {  	v15 =	vld [tilespmem:s15+$0x1D10]  }
0x127: {  	v16 =	vld [tilespmem:s15+$0x1D20]  }
0x128: {  	v17 =	vld [tilespmem:s15+$0x1D30]  }
0x129: {  	v18 =	vld [tilespmem:s15+$0x1D40]  }
0x12a: {  	v19 =	vld [tilespmem:s15+$0x1D50]  }
0x12b: {  	v20 =	vld [tilespmem:s15+$0x1D60]  }
0x12c: {  	v21 =	vld [tilespmem:s15+$0x1D70]  }
0x12d: {  	v22 =	vld [tilespmem:s15+$0x2100]  }
0x12e: {  	v23 =	vld [tilespmem:s15+$0x2110]  }
0x12f: {  	v24 =	vld [tilespmem:s15+$0x2120]  }
0x130: {  	v25 =	vld [tilespmem:s15+$0x2130]  }
0x131: {  	v26 =	vld [tilespmem:s15+$0x2140]  }
0x132: {  	v27 =	vld [tilespmem:s15+$0x2150]  }
0x133: {  	v28 =	vld [tilespmem:s15+$0x2160]  }
0x134: {  	v29 =	vld [tilespmem:s15+$0x2170]  }
0x135: {  	v30 =	vld [tilespmem:s15+$0x2500]  }
0x136: {  	v31 =	vld [tilespmem:s15+$0x2510]  }
0x137: {  	v32 =	vld [tilespmem:s15+$0x2520]  }
0x138: {  	v33 =	vld [tilespmem:s15+$0x2530]  }
0x139: {  	v34 =	vld [tilespmem:s15+$0x2540]  }
0x13a: {  	v35 =	vld [tilespmem:s15+$0x2550]  }
0x13b: {  	v36 =	vld [tilespmem:s15+$0x2560]  }
0x13c: {  	v37 =	vld [tilespmem:s15+$0x2570]  }
0x13d: {  	v38 =	vld [tilespmem:s15+$0x2900]  }
0x13e: {  	v39 =	vld [tilespmem:s15+$0x2910]  }
0x13f: {  	v40 =	vld [tilespmem:s15+$0x2920]  }
0x140: {  	v41 =	vld [tilespmem:s15+$0x2930]  }
0x141: {  	v42 =	vld [tilespmem:s15+$0x2940]  }
0x142: {  	v43 =	vld [tilespmem:s15+$0x2950]  }
0x143: {  	v44 =	vld [tilespmem:s15+$0x2960]  }
0x144: {  	v45 =	vld [tilespmem:s15+$0x2970]  }
0x145: {  	v46 =	vld [tilespmem:s15+$0x2D00]  }
0x146: {  	v47 =	vld [tilespmem:s15+$0x2D10]  }
0x147: {  	v48 =	vld [tilespmem:s15+$0x2D20]  }
0x148: {  	v49 =	vld [tilespmem:s15+$0x2D30]  }
0x149: {  	v5 =	vld [tilespmem:s15+$0x2D40]  }
0x14a: {  	v4 =	vld [tilespmem:s15+$0x2D50]  }
0x14b: {  	v3 =	vld [tilespmem:s15+$0x2D60]  }
0x14c: {  	[tilespmem:s15+$0x9100] =	vst.add.f32.msk $0xffff, v6  }
0x14d: {  	[tilespmem:s15+$0x9110] =	vst.add.f32.msk $0xffff, v7  }
0x14e: {  	[tilespmem:s15+$0x9120] =	vst.add.f32.msk $0xffff, v8  }
0x14f: {  	[tilespmem:s15+$0x9130] =	vst.add.f32.msk $0xffff, v9  }
0x150: {  	[tilespmem:s15+$0x9140] =	vst.add.f32.msk $0xffff, v10  }
0x151: {  	[tilespmem:s15+$0x9150] =	vst.add.f32.msk $0xffff, v11  }
0x152: {  	[tilespmem:s15+$0x9160] =	vst.add.f32.msk $0xffff, v12  }
0x153: {  	[tilespmem:s15+$0x9170] =	vst.add.f32.msk $0xffff, v13  }
0x154: {  	[tilespmem:s15+$0x9500] =	vst.add.f32.msk $0xffff, v14  }
0x155: {  	[tilespmem:s15+$0x9510] =	vst.add.f32.msk $0xffff, v15  }
0x156: {  	[tilespmem:s15+$0x9520] =	vst.add.f32.msk $0xffff, v16  }
0x157: {  	[tilespmem:s15+$0x9530] =	vst.add.f32.msk $0xffff, v17  }
0x158: {  	[tilespmem:s15+$0x9540] =	vst.add.f32.msk $0xffff, v18  }
0x159: {  	[tilespmem:s15+$0x9550] =	vst.add.f32.msk $0xffff, v19  }
0x15a: {  	[tilespmem:s15+$0x9560] =	vst.add.f32.msk $0xffff, v20  }
0x15b: {  	[tilespmem:s15+$0x9570] =	vst.add.f32.msk $0xffff, v21  }
0x15c: {  	[tilespmem:s15+$0x9900] =	vst.add.f32.msk $0xffff, v22  }
0x15d: {  	[tilespmem:s15+$0x9910] =	vst.add.f32.msk $0xffff, v23  }
0x15e: {  	[tilespmem:s15+$0x9920] =	vst.add.f32.msk $0xffff, v24  }
0x15f: {  	[tilespmem:s15+$0x9930] =	vst.add.f32.msk $0xffff, v25  }
0x160: {  	[tilespmem:s15+$0x9940] =	vst.add.f32.msk $0xffff, v26  }
0x161: {  	[tilespmem:s15+$0x9950] =	vst.add.f32.msk $0xffff, v27  }
0x162: {  	[tilespmem:s15+$0x9960] =	vst.add.f32.msk $0xffff, v28  }
0x163: {  	[tilespmem:s15+$0x9970] =	vst.add.f32.msk $0xffff, v29  }
0x164: {  	[tilespmem:s15+$0x9D00] =	vst.add.f32.msk $0xffff, v30  }
0x165: {  	[tilespmem:s15+$0x9D10] =	vst.add.f32.msk $0xffff, v31  }
0x166: {  	[tilespmem:s15+$0x9D20] =	vst.add.f32.msk $0xffff, v32  }
0x167: {  	[tilespmem:s15+$0x9D30] =	vst.add.f32.msk $0xffff, v33  }
0x168: {  	[tilespmem:s15+$0x9D40] =	vst.add.f32.msk $0xffff, v34  }
0x169: {  	[tilespmem:s15+$0x9D50] =	vst.add.f32.msk $0xffff, v35  }
0x16a: {  	[tilespmem:s15+$0x9D60] =	vst.add.f32.msk $0xffff, v36  }
0x16b: {  	[tilespmem:s15+$0x9D70] =	vst.add.f32.msk $0xffff, v37  }
0x16c: {  	[tilespmem:s15+$0xA100] =	vst.add.f32.msk $0xffff, v38  }
0x16d: {  	[tilespmem:s15+$0xA110] =	vst.add.f32.msk $0xffff, v39  }
0x16e: {  	[tilespmem:s15+$0xA120] =	vst.add.f32.msk $0xffff, v40  }
0x16f: {  	[tilespmem:s15+$0xA130] =	vst.add.f32.msk $0xffff, v41  }
0x170: {  	[tilespmem:s15+$0xA140] =	vst.add.f32.msk $0xffff, v42  }
0x171: {  	[tilespmem:s15+$0xA150] =	vst.add.f32.msk $0xffff, v43  }
0x172: {  	[tilespmem:s15+$0xA160] =	vst.add.f32.msk $0xffff, v44  }
.Ltmp0:
0x173: {  	[tilespmem:s15+$0xA170] =	vst.add.f32.msk $0xffff, v45;
	(pc) =	sbr.rel @p0 .LBB2_3-.Ltmp0, $4  }
0x174: {  	[tilespmem:s15+$0xA500] =	vst.add.f32.msk $0xffff, v46  }
0x175: {  	[tilespmem:s15+$0xA510] =	vst.add.f32.msk $0xffff, v47  }
0x176: {  	[tilespmem:s15+$0xA520] =	vst.add.f32.msk $0xffff, v48  }
0x177: {  	s17 =	sshrl.u32 s16, $0x3;
	s16 =	sadd.s32 $0x1, s16;
	[tilespmem:s15+$0xA530] =	vst.add.f32.msk $0xffff, v49  }
0x178: {  	s16 =	smul.u32 $0x1800, s17;
	[tilespmem:s15+$0xA540] =	vst.add.f32.msk $0xffff, v5;
	s14 =	sadd.s32 $0x80, s14  }
0x179: {  	[tilespmem:s15+$0xA550] =	vst.add.f32.msk $0xffff, v4;
	s14 =	sand.u32 $0x380, s14  }
0x17a: {  	[tilespmem:s15+$0xA560] =	vst.add.f32.msk $0xffff, v3;
	s14 =	sor.u32 s14, s16  }
0x17b: {  	v3 =	vld [tilespmem:s14+$0x2D70]  }
0x17c: {  	v62 =	vld [tilespmem:s14+$0x1900]  }
0x17d: {  	v63 =	vld [tilespmem:s14+$0x1910]  }
0x17e: {  	v6 =	vld [tilespmem:s14+$0x1920]  }
0x17f: {  	v7 =	vld [tilespmem:s14+$0x1930]  }
0x180: {  	v8 =	vld [tilespmem:s14+$0x1950]  }
0x181: {  	v9 =	vld [tilespmem:s14+$0x1960]  }
0x182: {  	v10 =	vld [tilespmem:s14+$0x1970]  }
0x183: {  	v11 =	vld [tilespmem:s14+$0x1D00]  }
0x184: {  	v12 =	vld [tilespmem:s14+$0x1D10]  }
0x185: {  	v13 =	vld [tilespmem:s14+$0x1D20]  }
0x186: {  	v14 =	vld [tilespmem:s14+$0x1D30]  }
0x187: {  	v15 =	vld [tilespmem:s14+$0x1D40]  }
0x188: {  	v16 =	vld [tilespmem:s14+$0x1D50]  }
0x189: {  	v17 =	vld [tilespmem:s14+$0x1D60]  }
0x18a: {  	v18 =	vld [tilespmem:s14+$0x1D70]  }
0x18b: {  	v19 =	vld [tilespmem:s14+$0x2100]  }
0x18c: {  	v20 =	vld [tilespmem:s14+$0x2110]  }
0x18d: {  	v21 =	vld [tilespmem:s14+$0x2120]  }
0x18e: {  	v22 =	vld [tilespmem:s14+$0x2130]  }
0x18f: {  	v23 =	vld [tilespmem:s14+$0x2140]  }
0x190: {  	v24 =	vld [tilespmem:s14+$0x2150]  }
0x191: {  	v25 =	vld [tilespmem:s14+$0x2160]  }
0x192: {  	v26 =	vld [tilespmem:s14+$0x2170]  }
0x193: {  	v27 =	vld [tilespmem:s14+$0x2500]  }
0x194: {  	v28 =	vld [tilespmem:s14+$0x2510]  }
0x195: {  	v29 =	vld [tilespmem:s14+$0x2520]  }
0x196: {  	v30 =	vld [tilespmem:s14+$0x2530]  }
0x197: {  	v31 =	vld [tilespmem:s14+$0x2540]  }
0x198: {  	v32 =	vld [tilespmem:s14+$0x2550]  }
0x199: {  	v33 =	vld [tilespmem:s14+$0x2560]  }
0x19a: {  	v34 =	vld [tilespmem:s14+$0x2570]  }
0x19b: {  	v35 =	vld [tilespmem:s14+$0x2900]  }
0x19c: {  	v36 =	vld [tilespmem:s14+$0x2910]  }
0x19d: {  	v37 =	vld [tilespmem:s14+$0x2920]  }
0x19e: {  	v38 =	vld [tilespmem:s14+$0x2930]  }
0x19f: {  	v39 =	vld [tilespmem:s14+$0x2940]  }
0x1a0: {  	v40 =	vld [tilespmem:s14+$0x2950]  }
0x1a1: {  	v41 =	vld [tilespmem:s14+$0x2960]  }
0x1a2: {  	v42 =	vld [tilespmem:s14+$0x2970]  }
0x1a3: {  	v43 =	vld [tilespmem:s14+$0x2D00]  }
0x1a4: {  	v44 =	vld [tilespmem:s14+$0x2D10]  }
0x1a5: {  	v45 =	vld [tilespmem:s14+$0x2D20]  }
0x1a6: {  	v46 =	vld [tilespmem:s14+$0x2D30]  }
0x1a7: {  	v47 =	vld [tilespmem:s14+$0x2D40]  }
0x1a8: {  	v48 =	vld [tilespmem:s14+$0x2D50]  }
0x1a9: {  	v49 =	vld [tilespmem:s14+$0x2D60]  }
0x1aa: {  	[tilespmem:s14+$0xA570] =	vst.add.f32.msk $0xffff, v3  }
0x1ab: {  	v3 =	vld [tilespmem:s14+$0x1940]  }
0x1ac: {  	[tilespmem:s14+$0x9100] =	vst.add.f32.msk $0xffff, v62  }
0x1ad: {  	[tilespmem:s14+$0x9110] =	vst.add.f32.msk $0xffff, v63  }
0x1ae: {  	[tilespmem:s14+$0x9120] =	vst.add.f32.msk $0xffff, v6  }
0x1af: {  	[tilespmem:s14+$0x9130] =	vst.add.f32.msk $0xffff, v7  }
0x1b0: {  	[tilespmem:s14+$0x9150] =	vst.add.f32.msk $0xffff, v8  }
0x1b1: {  	[tilespmem:s14+$0x9160] =	vst.add.f32.msk $0xffff, v9  }
0x1b2: {  	[tilespmem:s14+$0x9170] =	vst.add.f32.msk $0xffff, v10  }
0x1b3: {  	[tilespmem:s14+$0x9500] =	vst.add.f32.msk $0xffff, v11  }
0x1b4: {  	[tilespmem:s14+$0x9510] =	vst.add.f32.msk $0xffff, v12  }
0x1b5: {  	[tilespmem:s14+$0x9520] =	vst.add.f32.msk $0xffff, v13  }
0x1b6: {  	[tilespmem:s14+$0x9530] =	vst.add.f32.msk $0xffff, v14  }
0x1b7: {  	[tilespmem:s14+$0x9540] =	vst.add.f32.msk $0xffff, v15  }
0x1b8: {  	[tilespmem:s14+$0x9550] =	vst.add.f32.msk $0xffff, v16  }
0x1b9: {  	[tilespmem:s14+$0x9560] =	vst.add.f32.msk $0xffff, v17  }
0x1ba: {  	[tilespmem:s14+$0x9570] =	vst.add.f32.msk $0xffff, v18  }
0x1bb: {  	[tilespmem:s14+$0x9900] =	vst.add.f32.msk $0xffff, v19  }
0x1bc: {  	[tilespmem:s14+$0x9910] =	vst.add.f32.msk $0xffff, v20  }
0x1bd: {  	[tilespmem:s14+$0x9920] =	vst.add.f32.msk $0xffff, v21  }
0x1be: {  	[tilespmem:s14+$0x9930] =	vst.add.f32.msk $0xffff, v22  }
0x1bf: {  	[tilespmem:s14+$0x9940] =	vst.add.f32.msk $0xffff, v23  }
0x1c0: {  	[tilespmem:s14+$0x9950] =	vst.add.f32.msk $0xffff, v24  }
0x1c1: {  	[tilespmem:s14+$0x9960] =	vst.add.f32.msk $0xffff, v25  }
0x1c2: {  	[tilespmem:s14+$0x9970] =	vst.add.f32.msk $0xffff, v26  }
0x1c3: {  	[tilespmem:s14+$0x9D00] =	vst.add.f32.msk $0xffff, v27  }
0x1c4: {  	[tilespmem:s14+$0x9D10] =	vst.add.f32.msk $0xffff, v28  }
0x1c5: {  	[tilespmem:s14+$0x9D20] =	vst.add.f32.msk $0xffff, v29  }
0x1c6: {  	[tilespmem:s14+$0x9D30] =	vst.add.f32.msk $0xffff, v30  }
0x1c7: {  	[tilespmem:s14+$0x9D40] =	vst.add.f32.msk $0xffff, v31  }
0x1c8: {  	[tilespmem:s14+$0x9D50] =	vst.add.f32.msk $0xffff, v32  }
0x1c9: {  	[tilespmem:s14+$0x9D60] =	vst.add.f32.msk $0xffff, v33  }
0x1ca: {  	[tilespmem:s14+$0x9D70] =	vst.add.f32.msk $0xffff, v34  }
0x1cb: {  	[tilespmem:s14+$0xA100] =	vst.add.f32.msk $0xffff, v35  }
0x1cc: {  	[tilespmem:s14+$0xA110] =	vst.add.f32.msk $0xffff, v36  }
0x1cd: {  	[tilespmem:s14+$0xA120] =	vst.add.f32.msk $0xffff, v37  }
0x1ce: {  	[tilespmem:s14+$0xA130] =	vst.add.f32.msk $0xffff, v38  }
0x1cf: {  	[tilespmem:s14+$0xA140] =	vst.add.f32.msk $0xffff, v39  }
0x1d0: {  	[tilespmem:s14+$0xA150] =	vst.add.f32.msk $0xffff, v40  }
0x1d1: {  	[tilespmem:s14+$0xA160] =	vst.add.f32.msk $0xffff, v41  }
0x1d2: {  	s26 =	sshrl.u32 s7, $0x5;
	[tilespmem:s14+$0xA170] =	vst.add.f32.msk $0xffff, v42  }
0x1d3: {  	s15 =	smul.u32 $0x28, s26;
	[tilespmem:s14+$0xA500] =	vst.add.f32.msk $0xffff, v43  }
0x1d4: {  	s10 =	smul.u32 $0xC8, s10;
	[tilespmem:s14+$0xA510] =	vst.add.f32.msk $0xffff, v44  }
0x1d5: {  	s15 =	sadd.s32 s5, s15;
	[tilespmem:s14+$0xA520] =	vst.add.f32.msk $0xffff, v45  }
0x1d6: {  	s10 =	sadd.s32 s10, s15;
	[tilespmem:s14+$0xA530] =	vst.add.f32.msk $0xffff, v46  }
0x1d7: {  	s10 =	sshrl.u32 s10, $0x3;
	[tilespmem:s14+$0xA540] =	vst.add.f32.msk $0xffff, v47  }
0x1d8: {  	s10 =	smul.u32 $0x300, s10;
	[tilespmem:s14+$0xA550] =	vst.add.f32.msk $0xffff, v48  }
0x1d9: {  	[tilespmem:s14+$0xA560] =	vst.add.f32.msk $0xffff, v49  }
0x1da: {  	s10 =	sadd.s32 s3, s10;
	[tilespmem:s14+$0x9140] =	vst.add.f32.msk $0xffff, v3  }
0x1db: {  	[hbm4b:s10+s4] =	stream.linear.scatter [tilespmem:s13], [sflag:$0x4], $0x7800, $0x38;
	[tilespmem:$0x1F900] =	vst v63  }
0x1dc: {  	p0 =	seq.s32 s0, $0x0;
	s10 =	sadd.s32 $0x2, s7  }
0x1dd: {  	s14 =	sand.u32 @!p0 $0x1F, s10  }
0x1de: {  	s15 =	sshrl.u32 @!p0 s10, $0x5;
	s14 =	smul.u32 @!p0 $0x320, s14  }
0x1df: {  	s16 =	simm.s32 @!p0 $0x6;
	s15 =	smul.u32 @!p0 $0xA0, s15  }
0x1e0: {  	_ =	swait.ge @!p0 [sflag:s16], $0x7800  }
0x1e1: {  	[sflag:s16] =	ssyncset.done @!p0 $0x0;
	s14 =	sshrl.u32 @!p0 s14, $0x2;
	s15 =	sshra.s32 @!p0 s15, $0x2  }
0x1e2: {  	[sflag:s16] =	ssyncadd.s32 @!p0 $0xFFFF8800;
	s14 =	sadd.s32 @!p0 s15, s14  }
0x1e3: {  	v3 =	vld @!p0 [tilespmem:s14+$0x0];
	_ =	sdelay $0x4  }
0x1e4: {  	v4 =	vshrl.u32 @!p0 v3, $0x3  }
0x1e5: {  	v4 =	vmul.u32 @!p0 $0x30, v4  }
0x1e6: {  	v5 =	vlaneseq.u32 @!p0;
	v3 =	vand.u32 @!p0 $0x7, v3  }
0x1e7: {  	v6 =	vshrl.u32 @!p0 v5, $0x3;
	v3 =	vor.u32 @!p0 v3, v4;
	v4 =	vand.u32 @!p0 $0x7, v5  }
0x1e8: {  	v6 =	vmul.u32 @!p0 $0x8, v6;
	v7 =	vperm.xlane @!p0 v3, v4;
	_ =	sdelay $0x1  }
0x1e9: {  	v7 =	vadd.s32 @!p0 v6, v7;
	_ =	sdelay $0x2  }
0x1ea: {  	v5 =	vor.u32 @!p0 $0x8, v5  }
0x1eb: {  	vm1 =	vmmov @!p0 $0xffff;
	s16 =	simm.s32 @!p0 $0x18100;
	s15 =	simm.s32 @!p0 $0x0;
	v3 =	vperm.xlane @!p0 v3, v5  }
0x1ec: {  	[tilespmem:s16], [sflag:$0x3] =	stream.indirect_vreg.gather @!p0 [hbm4b:s2+s15], $0x80, v7, vm1, $0xb8;
	[tilespmem:$0x1F900] =	vst v63  }
0x1ed: {  	v3 =	vadd.s32 @!p0 v6, v3;
	s16 =	simm.s32 @!p0 $0x18900  }
0x1ee: {  	[tilespmem:s16], [sflag:$0x3] =	stream.indirect_vreg.gather @!p0 [hbm4b:s8+s15], $0x80, v7, vm1, $0xb8;
	[tilespmem:$0x1F900] =	vst v63  }
0x1ef: {  	s16 =	simm.s32 @!p0 $0x19100  }
0x1f0: {  	[tilespmem:s16], [sflag:$0x3] =	stream.indirect_vreg.gather @!p0 [hbm4b:s9+s15], $0x80, v7, vm1, $0xb8;
	[tilespmem:$0x1F900] =	vst v63  }
0x1f1: {  	s16 =	simm.s32 @!p0 $0x19900  }
0x1f2: {  	[tilespmem:s16], [sflag:$0x3] =	stream.indirect_vreg.gather @!p0 [hbm4b:s2+s15], $0x80, v3, vm1, $0xb8;
	[tilespmem:$0x1F900] =	vst v63  }
0x1f3: {  	s16 =	simm.s32 @!p0 $0x1A100  }
0x1f4: {  	[tilespmem:s16], [sflag:$0x3] =	stream.indirect_vreg.gather @!p0 [hbm4b:s8+s15], $0x80, v3, vm1, $0xb8;
	[tilespmem:$0x1F900] =	vst v63  }
0x1f5: {  	s16 =	simm.s32 @!p0 $0x1A900  }
0x1f6: {  	[tilespmem:s16], [sflag:$0x3] =	stream.indirect_vreg.gather @!p0 [hbm4b:s9+s15], $0x80, v3, vm1, $0xb8;
	[tilespmem:$0x1F900] =	vst v63  }
0x1f7: {  	v3 =	vld @!p0 [tilespmem:s14+$0x10];
	_ =	sdelay $0x4  }
0x1f8: {  	v7 =	vshrl.u32 @!p0 v3, $0x3  }
0x1f9: {  	v7 =	vmul.u32 @!p0 $0x30, v7  }
0x1fa: {  	v3 =	vand.u32 @!p0 $0x7, v3  }
0x1fb: {  	v3 =	vor.u32 @!p0 v3, v7  }
0x1fc: {  	v7 =	vperm.xlane @!p0 v3, v4;
	_ =	sdelay $0x1  }
0x1fd: {  	v7 =	vadd.s32 @!p0 v6, v7;
	_ =	sdelay $0x3  }
0x1fe: {  	s16 =	simm.s32 @!p0 $0x1B100;
	v3 =	vperm.xlane @!p0 v3, v5  }
0x1ff: {  	[tilespmem:s16], [sflag:$0x3] =	stream.indirect_vreg.gather @!p0 [hbm4b:s2+s15], $0x80, v7, vm1, $0xb8;
	[tilespmem:$0x1F900] =	vst v63  }
0x200: {  	v3 =	vadd.s32 @!p0 v6, v3;
	s16 =	simm.s32 @!p0 $0x1B900  }
0x201: {  	[tilespmem:s16], [sflag:$0x3] =	stream.indirect_vreg.gather @!p0 [hbm4b:s8+s15], $0x80, v7, vm1, $0xb8;
	[tilespmem:$0x1F900] =	vst v63  }
0x202: {  	s16 =	simm.s32 @!p0 $0x1C100  }
0x203: {  	[tilespmem:s16], [sflag:$0x3] =	stream.indirect_vreg.gather @!p0 [hbm4b:s9+s15], $0x80, v7, vm1, $0xb8;
	[tilespmem:$0x1F900] =	vst v63  }
0x204: {  	s16 =	simm.s32 @!p0 $0x1C900  }
0x205: {  	[tilespmem:s16], [sflag:$0x3] =	stream.indirect_vreg.gather @!p0 [hbm4b:s2+s15], $0x80, v3, vm1, $0xb8;
	[tilespmem:$0x1F900] =	vst v63  }
0x206: {  	s16 =	simm.s32 @!p0 $0x1D100  }
0x207: {  	[tilespmem:s16], [sflag:$0x3] =	stream.indirect_vreg.gather @!p0 [hbm4b:s8+s15], $0x80, v3, vm1, $0xb8;
	[tilespmem:$0x1F900] =	vst v63  }
0x208: {  	s16 =	simm.s32 @!p0 $0x1D900  }
0x209: {  	[tilespmem:s16], [sflag:$0x3] =	stream.indirect_vreg.gather @!p0 [hbm4b:s9+s15], $0x80, v3, vm1, $0xb8;
	[tilespmem:$0x1F900] =	vst v63  }
0x20a: {  	v3 =	vld.msk @!p0 [tilespmem:s14+$0x20], $0xff;
	_ =	sdelay $0x4  }
0x20b: {  	v5 =	vshrl.u32 @!p0 v3, $0x3  }
0x20c: {  	v5 =	vmul.u32 @!p0 $0x30, v5  }
0x20d: {  	v3 =	vand.u32 @!p0 $0x7, v3  }
0x20e: {  	v3 =	vor.u32 @!p0 v3, v5  }
0x20f: {  	v3 =	vperm.xlane @!p0 v3, v4;
	_ =	sdelay $0x1  }
0x210: {  	v3 =	vadd.s32 @!p0 v6, v3;
	_ =	sdelay $0x3  }
0x211: {  	s14 =	simm.s32 @!p0 $0x1E100  }
0x212: {  	[tilespmem:s14], [sflag:$0x3] =	stream.indirect_vreg.gather @!p0 [hbm4b:s2+s15], $0x80, v3, vm1, $0xb8;
	[tilespmem:$0x1F900] =	vst v63  }
0x213: {  	s14 =	simm.s32 @!p0 $0x1E900  }
0x214: {  	[tilespmem:s14], [sflag:$0x3] =	stream.indirect_vreg.gather @!p0 [hbm4b:s8+s15], $0x80, v3, vm1, $0xb8;
	[tilespmem:$0x1F900] =	vst v63  }
0x215: {  	s14 =	simm.s32 @!p0 $0x1F100  }
0x216: {  	[tilespmem:s14], [sflag:$0x3] =	stream.indirect_vreg.gather @!p0 [hbm4b:s9+s15], $0x80, v3, vm1, $0xb8;
	[tilespmem:$0x1F900] =	vst v63  }
0x217: {  	s14 =	sadd.s32 @!p0 $0x1, s7  }
0x218: {  	s15 =	sand.u32 @!p0 $0x1F, s14  }
0x219: {  	p1 =	sne.s32 @!p0 s15, $0x0  }
0x21a: {  	p1 =	por p0, p1  }
.Ltmp1:
0x21b: {  	_ = 	snop;
	(pc) =	sbr.rel @!p1 .LBB2_5-.Ltmp1, $1  }
0x21c: {  	_ =	sdelay $0x3  }
.Ltmp2:
0x21d: {  	(pc) =	sbr.rel .LBB2_7-.Ltmp2, $4  }
0x21e: {  	_ = 	snop  }
0x21f: {  	_ =	swait.ge [sflag:s12], $0x7800  }
0x220: {  	s15 =	simm.s32 @p0 $0x1;
	[sflag:s12] =	ssyncset.done $0x0  }
0x221: {  	s14 =	simm.s32 @p0 $0x1;
	s15 =	smul.u32 $0xC8, s15;
	[sflag:s12] =	ssyncadd.s32 $0xFFFF8800  }
.LBB2_5:
0x222: {  	s15 =	sshrl.u32 s14, $0x5  }
0x223: {  	s15 =	smul.u32 $0xF00, s15;
	_ =	sdelay $0x1  }
0x224: {  	s17 =	simm.s32 $0x1900;
	s16 =	sadd.s32 s6, s15;
	s15 =	simm.s32 $0x0  }
0x225: {  	[tilespmem:s17], [sflag:$0x7] =	stream.linear.gather [hbm4b:s16+s15], $0x7800, $0x38;
	[tilespmem:$0x1F900] =	vst v63  }
0x226: {  	_ =	swait.ge [sflag:s12], $0x7800  }
0x227: {  	[sflag:s12] =	ssyncset.done $0x0  }
0x228: {  	[sflag:s12] =	ssyncadd.s32 $0xFFFF8800  }
0x229: {  	_ =	swait.ge [sflag:s30], $0x7800  }
0x22a: {  	[sflag:s30] =	ssyncset.done $0x0  }
0x22b: {  	[sflag:s30] =	ssyncadd.s32 $0xFFFF8800  }
.LBB2_7:
0x22c: {  	s16 =	simm.s32 $0x0  }
0x22d: {  	s17 =	simm.s32 $0x0;
	s16 =	smul.u32 $0x1800, s16  }
0x22e: {  	s17 =	sand.u32 $0x380, s17  }
0x22f: {  	s16 =	sor.u32 s17, s16  }
0x230: {  	v3 =	vld [tilespmem:s16+$0x1900]  }
0x231: {  	v4 =	vld [tilespmem:s16+$0x1910];
	_ =	sdelay $0x2  }
0x232: {  	s17 =	sadd.s32 $0x10900, s16  }
0x233: {  	s18 =	sor.u32 $0x10, s17;
	[tilespmem:s16+$0x10900] =	vst.add.f32.msk $0xffff, v3  }
0x234: {  	[tilespmem:s18+$0x0] =	vst.add.f32.msk $0xffff, v4  }
0x235: {  	v3 =	vld [tilespmem:s16+$0x1920];
	_ =	sdelay $0x3  }
0x236: {  	s26 =	sor.u32 $0x20, s17  }
0x237: {  	[tilespmem:s26+$0x0] =	vst.add.f32.msk $0xffff, v3  }
0x238: {  	v3 =	vld [tilespmem:s16+$0x1930];
	_ =	sdelay $0x3  }
0x239: {  	s19 =	sor.u32 $0x30, s17  }
0x23a: {  	[tilespmem:s19+$0x0] =	vst.add.f32.msk $0xffff, v3  }
0x23b: {  	v3 =	vld [tilespmem:s16+$0x1940];
	_ =	sdelay $0x3  }
0x23c: {  	s20 =	sor.u32 $0x40, s17  }
0x23d: {  	[tilespmem:s20+$0x0] =	vst.add.f32.msk $0xffff, v3  }
0x23e: {  	v3 =	vld [tilespmem:s16+$0x1950];
	_ =	sdelay $0x3  }
0x23f: {  	s21 =	sor.u32 $0x50, s17  }
0x240: {  	[tilespmem:s21+$0x0] =	vst.add.f32.msk $0xffff, v3  }
0x241: {  	v3 =	vld [tilespmem:s16+$0x1960];
	_ =	sdelay $0x3  }
0x242: {  	s22 =	sor.u32 $0x60, s17  }
0x243: {  	[tilespmem:s22+$0x0] =	vst.add.f32.msk $0xffff, v3  }
0x244: {  	v3 =	vld [tilespmem:s16+$0x1970];
	_ =	sdelay $0x3  }
0x245: {  	s17 =	sor.u32 $0x70, s17  }
0x246: {  	[tilespmem:s17+$0x0] =	vst.add.f32.msk $0xffff, v3  }
0x247: {  	v3 =	vld [tilespmem:s16+$0x1D00]  }
0x248: {  	v4 =	vld [tilespmem:s16+$0x1D10];
	_ =	sdelay $0x2  }
0x249: {  	s23 =	sadd.s32 $0x10D00, s16  }
0x24a: {  	s24 =	sor.u32 $0x10, s23;
	[tilespmem:s16+$0x10D00] =	vst.add.f32.msk $0xffff, v3  }
0x24b: {  	[tilespmem:s24+$0x0] =	vst.add.f32.msk $0xffff, v4  }
0x24c: {  	v3 =	vld [tilespmem:s16+$0x1D20];
	_ =	sdelay $0x3  }
0x24d: {  	s25 =	sor.u32 $0x20, s23  }
0x24e: {  	[tilespmem:s25+$0x0] =	vst.add.f32.msk $0xffff, v3  }
0x24f: {  	v3 =	vld [tilespmem:s16+$0x1D30];
	_ =	sdelay $0x3  }
0x250: {  	s26 =	sor.u32 $0x30, s23  }
0x251: {  	[tilespmem:s26+$0x0] =	vst.add.f32.msk $0xffff, v3  }
0x252: {  	v3 =	vld [tilespmem:s16+$0x1D40];
	_ =	sdelay $0x3  }
0x253: {  	s19 =	sor.u32 $0x40, s23  }
0x254: {  	[tilespmem:s19+$0x0] =	vst.add.f32.msk $0xffff, v3  }
0x255: {  	v3 =	vld [tilespmem:s16+$0x1D50];
	_ =	sdelay $0x3  }
0x256: {  	s20 =	sor.u32 $0x50, s23  }
0x257: {  	[tilespmem:s20+$0x0] =	vst.add.f32.msk $0xffff, v3  }
0x258: {  	v3 =	vld [tilespmem:s16+$0x1D60];
	_ =	sdelay $0x3  }
0x259: {  	s21 =	sor.u32 $0x60, s23  }
0x25a: {  	[tilespmem:s21+$0x0] =	vst.add.f32.msk $0xffff, v3  }
0x25b: {  	v3 =	vld [tilespmem:s16+$0x1D70];
	_ =	sdelay $0x3  }
0x25c: {  	s17 =	sor.u32 $0x70, s23  }
0x25d: {  	[tilespmem:s17+$0x0] =	vst.add.f32.msk $0xffff, v3  }
0x25e: {  	v3 =	vld [tilespmem:s16+$0x2100]  }
0x25f: {  	v4 =	vld [tilespmem:s16+$0x2110];
	_ =	sdelay $0x2  }
0x260: {  	s18 =	sadd.s32 $0x11100, s16  }
0x261: {  	s22 =	sor.u32 $0x10, s18;
	[tilespmem:s16+$0x11100] =	vst.add.f32.msk $0xffff, v3  }
0x262: {  	s19 =	simm.s32 $0x0;
	[tilespmem:s22+$0x0] =	vst.add.f32.msk $0xffff, v4  }
0x263: {  	s24 =	simm.s32 $0x80;
	s23 =	smul.u32 $0x1800, s19;
	v3 =	vld [tilespmem:s16+$0x2120]  }
0x264: {  	s19 =	sand.u32 $0x380, s24  }
0x265: {  	s17 =	sor.u32 s19, s23  }
0x266: {  	v4 =	vld [tilespmem:s17+$0x1900]  }
0x267: {  	s25 =	sor.u32 $0x20, s18;
	v5 =	vld [tilespmem:s17+$0x1910]  }
0x268: {  	[tilespmem:s25+$0x0] =	vst.add.f32.msk $0xffff, v3  }
0x269: {  	v3 =	vld [tilespmem:s16+$0x2130]  }
0x26a: {  	s19 =	sadd.s32 $0x10900, s17  }
0x26b: {  	s20 =	sor.u32 $0x10, s19;
	[tilespmem:s17+$0x10900] =	vst.add.f32.msk $0xffff, v4  }
0x26c: {  	[tilespmem:s20+$0x0] =	vst.add.f32.msk $0xffff, v5  }
0x26d: {  	s26 =	sor.u32 $0x30, s18;
	v4 =	vld [tilespmem:s17+$0x1920]  }
0x26e: {  	[tilespmem:s26+$0x0] =	vst.add.f32.msk $0xffff, v3  }
0x26f: {  	v3 =	vld [tilespmem:s16+$0x2140];
	_ =	sdelay $0x1  }
0x270: {  	s21 =	sor.u32 $0x20, s19  }
0x271: {  	[tilespmem:s21+$0x0] =	vst.add.f32.msk $0xffff, v4  }
0x272: {  	s22 =	sor.u32 $0x40, s18;
	v4 =	vld [tilespmem:s17+$0x1930]  }
0x273: {  	[tilespmem:s22+$0x0] =	vst.add.f32.msk $0xffff, v3  }
0x274: {  	v3 =	vld [tilespmem:s16+$0x2150];
	_ =	sdelay $0x1  }
0x275: {  	s23 =	sor.u32 $0x30, s19  }
0x276: {  	[tilespmem:s23+$0x0] =	vst.add.f32.msk $0xffff, v4  }
0x277: {  	s24 =	sor.u32 $0x50, s18;
	v4 =	vld [tilespmem:s17+$0x1940]  }
0x278: {  	[tilespmem:s24+$0x0] =	vst.add.f32.msk $0xffff, v3  }
0x279: {  	v3 =	vld [tilespmem:s16+$0x2160];
	_ =	sdelay $0x1  }
0x27a: {  	s25 =	sor.u32 $0x40, s19  }
0x27b: {  	[tilespmem:s25+$0x0] =	vst.add.f32.msk $0xffff, v4  }
0x27c: {  	s26 =	sor.u32 $0x60, s18;
	v4 =	vld [tilespmem:s17+$0x1950]  }
0x27d: {  	[tilespmem:s26+$0x0] =	vst.add.f32.msk $0xffff, v3  }
0x27e: {  	v3 =	vld [tilespmem:s16+$0x2170];
	_ =	sdelay $0x1  }
0x27f: {  	s21 =	sor.u32 $0x50, s19  }
0x280: {  	[tilespmem:s21+$0x0] =	vst.add.f32.msk $0xffff, v4  }
0x281: {  	s18 =	sor.u32 $0x70, s18;
	v4 =	vld [tilespmem:s17+$0x1960]  }
0x282: {  	[tilespmem:s18+$0x0] =	vst.add.f32.msk $0xffff, v3  }
0x283: {  	v3 =	vld [tilespmem:s16+$0x2500]  }
0x284: {  	v5 =	vld [tilespmem:s16+$0x2510]  }
0x285: {  	s22 =	sor.u32 $0x60, s19  }
0x286: {  	[tilespmem:s22+$0x0] =	vst.add.f32.msk $0xffff, v4  }
0x287: {  	s20 =	sadd.s32 $0x11500, s16;
	v4 =	vld [tilespmem:s17+$0x1970]  }
0x288: {  	s23 =	sor.u32 $0x10, s20;
	[tilespmem:s16+$0x11500] =	vst.add.f32.msk $0xffff, v3  }
0x289: {  	[tilespmem:s23+$0x0] =	vst.add.f32.msk $0xffff, v5  }
0x28a: {  	v3 =	vld [tilespmem:s16+$0x2520]  }
0x28b: {  	s24 =	sor.u32 $0x70, s19  }
0x28c: {  	[tilespmem:s24+$0x0] =	vst.add.f32.msk $0xffff, v4  }
0x28d: {  	v4 =	vld [tilespmem:s17+$0x1D00]  }
0x28e: {  	s25 =	sor.u32 $0x20, s20;
	v5 =	vld [tilespmem:s17+$0x1D10]  }
0x28f: {  	[tilespmem:s25+$0x0] =	vst.add.f32.msk $0xffff, v3  }
0x290: {  	v3 =	vld [tilespmem:s16+$0x2530]  }
0x291: {  	s21 =	sadd.s32 $0x10D00, s17  }
0x292: {  	s26 =	sor.u32 $0x10, s21;
	[tilespmem:s17+$0x10D00] =	vst.add.f32.msk $0xffff, v4  }
0x293: {  	[tilespmem:s26+$0x0] =	vst.add.f32.msk $0xffff, v5  }
0x294: {  	s19 =	sor.u32 $0x30, s20;
	v4 =	vld [tilespmem:s17+$0x1D20]  }
0x295: {  	[tilespmem:s19+$0x0] =	vst.add.f32.msk $0xffff, v3  }
0x296: {  	v3 =	vld [tilespmem:s16+$0x2540];
	_ =	sdelay $0x1  }
0x297: {  	s22 =	sor.u32 $0x20, s21  }
0x298: {  	[tilespmem:s22+$0x0] =	vst.add.f32.msk $0xffff, v4  }
0x299: {  	s23 =	sor.u32 $0x40, s20;
	v4 =	vld [tilespmem:s17+$0x1D30]  }
0x29a: {  	[tilespmem:s23+$0x0] =	vst.add.f32.msk $0xffff, v3  }
0x29b: {  	v3 =	vld [tilespmem:s16+$0x2550];
	_ =	sdelay $0x1  }
0x29c: {  	s24 =	sor.u32 $0x30, s21  }
0x29d: {  	s25 =	simm.s32 $0x0;
	[tilespmem:s24+$0x0] =	vst.add.f32.msk $0xffff, v4  }
0x29e: {  	s26 =	smul.u32 $0x1800, s25;
	s19 =	simm.s32 $0x100;
	s22 =	sor.u32 $0x50, s20;
	v4 =	vld [tilespmem:s17+$0x1D40]  }
0x29f: {  	s23 =	sand.u32 $0x380, s19;
	[tilespmem:s22+$0x0] =	vst.add.f32.msk $0xffff, v3  }
0x2a0: {  	s18 =	sor.u32 s23, s26;
	v3 =	vld [tilespmem:s16+$0x2560]  }
0x2a1: {  	v5 =	vld [tilespmem:s18+$0x1900]  }
0x2a2: {  	s23 =	sor.u32 $0x40, s21;
	v6 =	vld [tilespmem:s18+$0x1910]  }
0x2a3: {  	[tilespmem:s23+$0x0] =	vst.add.f32.msk $0xffff, v4  }
0x2a4: {  	s24 =	sor.u32 $0x60, s20;
	v4 =	vld [tilespmem:s17+$0x1D50]  }
0x2a5: {  	[tilespmem:s24+$0x0] =	vst.add.f32.msk $0xffff, v3  }
0x2a6: {  	s22 =	sadd.s32 $0x10900, s18;
	v3 =	vld [tilespmem:s16+$0x2570]  }
0x2a7: {  	[tilespmem:s18+$0x10900] =	vst.add.f32.msk $0xffff, v5;
	s25 =	sor.u32 $0x10, s22  }
0x2a8: {  	s26 =	sor.u32 $0x50, s21;
	[tilespmem:s25+$0x0] =	vst.add.f32.msk $0xffff, v6  }
0x2a9: {  	[tilespmem:s26+$0x0] =	vst.add.f32.msk $0xffff, v4  }
0x2aa: {  	s20 =	sor.u32 $0x70, s20;
	v4 =	vld [tilespmem:s17+$0x1D60]  }
0x2ab: {  	[tilespmem:s20+$0x0] =	vst.add.f32.msk $0xffff, v3  }
0x2ac: {  	v3 =	vld [tilespmem:s16+$0x2900]  }
0x2ad: {  	v5 =	vld [tilespmem:s16+$0x2910]  }
0x2ae: {  	v6 =	vld [tilespmem:s18+$0x1920];
	s24 =	sor.u32 $0x60, s21  }
0x2af: {  	[tilespmem:s24+$0x0] =	vst.add.f32.msk $0xffff, v4  }
0x2b0: {  	s20 =	sadd.s32 $0x11900, s16;
	v4 =	vld [tilespmem:s17+$0x1D70]  }
0x2b1: {  	s25 =	sor.u32 $0x10, s20;
	[tilespmem:s16+$0x11900] =	vst.add.f32.msk $0xffff, v3  }
0x2b2: {  	[tilespmem:s25+$0x0] =	vst.add.f32.msk $0xffff, v5  }
0x2b3: {  	s26 =	sor.u32 $0x20, s22;
	v3 =	vld [tilespmem:s16+$0x2920]  }
0x2b4: {  	s21 =	sor.u32 $0x70, s21;
	[tilespmem:s26+$0x0] =	vst.add.f32.msk $0xffff, v6  }
0x2b5: {  	[tilespmem:s21+$0x0] =	vst.add.f32.msk $0xffff, v4  }
0x2b6: {  	v4 =	vld [tilespmem:s17+$0x2100]  }
0x2b7: {  	s23 =	sor.u32 $0x20, s20;
	v5 =	vld [tilespmem:s17+$0x2110]  }
0x2b8: {  	[tilespmem:s23+$0x0] =	vst.add.f32.msk $0xffff, v3  }
0x2b9: {  	v3 =	vld [tilespmem:s16+$0x2930]  }
0x2ba: {  	v6 =	vld [tilespmem:s18+$0x1930];
	s23 =	sadd.s32 $0x11100, s17  }
0x2bb: {  	[tilespmem:s17+$0x11100] =	vst.add.f32.msk $0xffff, v4;
	s24 =	sor.u32 $0x10, s23  }
0x2bc: {  	[tilespmem:s24+$0x0] =	vst.add.f32.msk $0xffff, v5  }
0x2bd: {  	s25 =	sor.u32 $0x30, s20;
	v5 =	vld [tilespmem:s17+$0x2120]  }
0x2be: {  	[tilespmem:s25+$0x0] =	vst.add.f32.msk $0xffff, v3  }
0x2bf: {  	s26 =	sor.u32 $0x30, s22;
	v3 =	vld [tilespmem:s16+$0x2940]  }
0x2c0: {  	[tilespmem:s26+$0x0] =	vst.add.f32.msk $0xffff, v6  }
0x2c1: {  	v4 =	vld [tilespmem:s18+$0x1940];
	s24 =	sor.u32 $0x20, s23  }
0x2c2: {  	s21 =	simm.s32 $0x3;
	[tilespmem:s24+$0x0] =	vst.add.f32.msk $0xffff, v5  }
.LBB2_8:
0x2c3: {  	p0 =	sne.s32 s21, $0x27;
	v5 =	vld [tilespmem:s17+$0x2130];
	s24 =	sor.u32 $0x40, s20  }
0x2c4: {  	[tilespmem:s24+$0x0] =	vst.add.f32.msk $0xffff, v3  }
0x2c5: {  	s24 =	sor.u32 $0x40, s22;
	v3 =	vld [tilespmem:s16+$0x2950]  }
0x2c6: {  	[tilespmem:s24+$0x0] =	vst.add.f32.msk $0xffff, v4  }
0x2c7: {  	s24 =	sor.u32 $0x30, s23;
	v4 =	vld [tilespmem:s18+$0x1950]  }
0x2c8: {  	[tilespmem:s24+$0x0] =	vst.add.f32.msk $0xffff, v5  }
0x2c9: {  	s24 =	sor.u32 $0x50, s20;
	v5 =	vld [tilespmem:s17+$0x2140]  }
0x2ca: {  	[tilespmem:s24+$0x0] =	vst.add.f32.msk $0xffff, v3  }
0x2cb: {  	s24 =	sor.u32 $0x50, s22;
	v3 =	vld [tilespmem:s16+$0x2960]  }
0x2cc: {  	[tilespmem:s24+$0x0] =	vst.add.f32.msk $0xffff, v4  }
0x2cd: {  	s24 =	sor.u32 $0x40, s23;
	v4 =	vld [tilespmem:s18+$0x1960]  }
0x2ce: {  	s25 =	sshrl.u32 s21, $0x3;
	[tilespmem:s24+$0x0] =	vst.add.f32.msk $0xffff, v5  }
0x2cf: {  	s19 =	sadd.s32 $0x80, s19;
	s24 =	smul.u32 $0x1800, s25;
	s25 =	sor.u32 $0x60, s20;
	v5 =	vld [tilespmem:s17+$0x2150]  }
0x2d0: {  	s26 =	sand.u32 $0x380, s19;
	[tilespmem:s25+$0x0] =	vst.add.f32.msk $0xffff, v3  }
0x2d1: {  	s24 =	sor.u32 s26, s24;
	v6 =	vld [tilespmem:s16+$0x2970]  }
0x2d2: {  	s25 =	sor.u32 $0x60, s22;
	v3 =	vld [tilespmem:s24+$0x1900]  }
0x2d3: {  	[tilespmem:s25+$0x0] =	vst.add.f32.msk $0xffff, v4;
	s25 =	sor.u32 $0x50, s23  }
0x2d4: {  	[tilespmem:s25+$0x0] =	vst.add.f32.msk $0xffff, v5  }
0x2d5: {  	s20 =	sor.u32 $0x70, s20;
	v4 =	vld [tilespmem:s17+$0x2160]  }
0x2d6: {  	[tilespmem:s20+$0x0] =	vst.add.f32.msk $0xffff, v6  }
0x2d7: {  	v5 =	vld [tilespmem:s16+$0x2D00]  }
0x2d8: {  	v6 =	vld [tilespmem:s16+$0x2D10]  }
0x2d9: {  	s20 =	sor.u32 $0x60, s23;
	v7 =	vld [tilespmem:s18+$0x1970]  }
0x2da: {  	[tilespmem:s20+$0x0] =	vst.add.f32.msk $0xffff, v4  }
0x2db: {  	s25 =	sadd.s32 $0x11D00, s16;
	v4 =	vld [tilespmem:s17+$0x2170]  }
0x2dc: {  	s20 =	sor.u32 $0x10, s25;
	[tilespmem:s16+$0x11D00] =	vst.add.f32.msk $0xffff, v5  }
0x2dd: {  	[tilespmem:s20+$0x0] =	vst.add.f32.msk $0xffff, v6  }
0x2de: {  	s20 =	sor.u32 $0x70, s22;
	v5 =	vld [tilespmem:s16+$0x2D20]  }
0x2df: {  	[tilespmem:s20+$0x0] =	vst.add.f32.msk $0xffff, v7;
	s20 =	sor.u32 $0x70, s23  }
0x2e0: {  	[tilespmem:s20+$0x0] =	vst.add.f32.msk $0xffff, v4  }
0x2e1: {  	v4 =	vld [tilespmem:s17+$0x2500]  }
0x2e2: {  	s20 =	sor.u32 $0x20, s25;
	v6 =	vld [tilespmem:s17+$0x2510]  }
0x2e3: {  	[tilespmem:s20+$0x0] =	vst.add.f32.msk $0xffff, v5  }
0x2e4: {  	v5 =	vld [tilespmem:s16+$0x2D30]  }
0x2e5: {  	s20 =	sadd.s32 $0x11500, s17;
	v7 =	vld [tilespmem:s18+$0x1D00]  }
0x2e6: {  	s22 =	sor.u32 $0x10, s20;
	[tilespmem:s17+$0x11500] =	vst.add.f32.msk $0xffff, v4  }
0x2e7: {  	[tilespmem:s22+$0x0] =	vst.add.f32.msk $0xffff, v6  }
0x2e8: {  	s22 =	sor.u32 $0x30, s25;
	v4 =	vld [tilespmem:s17+$0x2520]  }
0x2e9: {  	[tilespmem:s22+$0x0] =	vst.add.f32.msk $0xffff, v5  }
0x2ea: {  	v5 =	vld [tilespmem:s16+$0x2D40]  }
0x2eb: {  	v6 =	vld [tilespmem:s18+$0x1D10]  }
0x2ec: {  	s22 =	sor.u32 $0x20, s20;
	[tilespmem:s18+$0x10D00] =	vst.add.f32.msk $0xffff, v7  }
0x2ed: {  	[tilespmem:s22+$0x0] =	vst.add.f32.msk $0xffff, v4  }
0x2ee: {  	s22 =	sor.u32 $0x40, s25;
	v4 =	vld [tilespmem:s17+$0x2530]  }
0x2ef: {  	s23 =	sadd.s32 $0x10D00, s18;
	[tilespmem:s22+$0x0] =	vst.add.f32.msk $0xffff, v5  }
0x2f0: {  	s22 =	sor.u32 $0x10, s23;
	v5 =	vld [tilespmem:s16+$0x2D50]  }
0x2f1: {  	[tilespmem:s22+$0x0] =	vst.add.f32.msk $0xffff, v6  }
0x2f2: {  	s22 =	sor.u32 $0x30, s20;
	v6 =	vld [tilespmem:s18+$0x1D20]  }
0x2f3: {  	[tilespmem:s22+$0x0] =	vst.add.f32.msk $0xffff, v4  }
0x2f4: {  	s22 =	sor.u32 $0x50, s25;
	v4 =	vld [tilespmem:s17+$0x2540]  }
0x2f5: {  	[tilespmem:s22+$0x0] =	vst.add.f32.msk $0xffff, v5  }
0x2f6: {  	s22 =	sor.u32 $0x20, s23;
	v5 =	vld [tilespmem:s16+$0x2D60]  }
0x2f7: {  	[tilespmem:s22+$0x0] =	vst.add.f32.msk $0xffff, v6  }
0x2f8: {  	s22 =	sor.u32 $0x40, s20;
	v6 =	vld [tilespmem:s18+$0x1D30]  }
0x2f9: {  	[tilespmem:s22+$0x0] =	vst.add.f32.msk $0xffff, v4  }
0x2fa: {  	s22 =	sor.u32 $0x60, s25;
	v4 =	vld [tilespmem:s17+$0x2550]  }
0x2fb: {  	[tilespmem:s22+$0x0] =	vst.add.f32.msk $0xffff, v5  }
0x2fc: {  	s22 =	sor.u32 $0x30, s23;
	v5 =	vld [tilespmem:s16+$0x2D70];
	s16 =	smov.u32 s17;
	s17 =	smov.u32 s18  }
0x2fd: {  	s18 =	smov.u32 s24;
	[tilespmem:s22+$0x0] =	vst.add.f32.msk $0xffff, v6  }
0x2fe: {  	s22 =	sor.u32 $0x50, s20;
	v6 =	vld [tilespmem:s17+$0x1D40]  }
0x2ff: {  	[tilespmem:s22+$0x0] =	vst.add.f32.msk $0xffff, v4  }
0x300: {  	s22 =	sor.u32 $0x70, s25;
	v4 =	vld [tilespmem:s16+$0x2560]  }
0x301: {  	[tilespmem:s22+$0x0] =	vst.add.f32.msk $0xffff, v5  }
0x302: {  	s22 =	sor.u32 $0x40, s23;
	v5 =	vld [tilespmem:s18+$0x1910]  }
0x303: {  	[tilespmem:s22+$0x0] =	vst.add.f32.msk $0xffff, v6  }
0x304: {  	s22 =	sor.u32 $0x60, s20;
	v6 =	vld [tilespmem:s17+$0x1D50]  }
0x305: {  	[tilespmem:s22+$0x0] =	vst.add.f32.msk $0xffff, v4  }
0x306: {  	s22 =	sadd.s32 $0x10900, s18;
	v4 =	vld [tilespmem:s16+$0x2570]  }
0x307: {  	s24 =	sor.u32 $0x10, s22;
	[tilespmem:s18+$0x10900] =	vst.add.f32.msk $0xffff, v3  }
0x308: {  	[tilespmem:s24+$0x0] =	vst.add.f32.msk $0xffff, v5;
	s24 =	sor.u32 $0x50, s23  }
0x309: {  	[tilespmem:s24+$0x0] =	vst.add.f32.msk $0xffff, v6  }
0x30a: {  	s20 =	sor.u32 $0x70, s20;
	v3 =	vld [tilespmem:s17+$0x1D60]  }
0x30b: {  	[tilespmem:s20+$0x0] =	vst.add.f32.msk $0xffff, v4  }
0x30c: {  	v4 =	vld [tilespmem:s16+$0x2900]  }
0x30d: {  	v5 =	vld [tilespmem:s16+$0x2910]  }
0x30e: {  	s20 =	sor.u32 $0x60, s23;
	v6 =	vld [tilespmem:s18+$0x1920]  }
0x30f: {  	[tilespmem:s20+$0x0] =	vst.add.f32.msk $0xffff, v3  }
0x310: {  	s20 =	sadd.s32 $0x11900, s16;
	v3 =	vld [tilespmem:s17+$0x1D70]  }
0x311: {  	s24 =	sor.u32 $0x10, s20;
	[tilespmem:s16+$0x11900] =	vst.add.f32.msk $0xffff, v4  }
0x312: {  	[tilespmem:s24+$0x0] =	vst.add.f32.msk $0xffff, v5  }
0x313: {  	s24 =	sor.u32 $0x20, s22;
	v4 =	vld [tilespmem:s16+$0x2920]  }
0x314: {  	s23 =	sor.u32 $0x70, s23;
	[tilespmem:s24+$0x0] =	vst.add.f32.msk $0xffff, v6  }
0x315: {  	[tilespmem:s23+$0x0] =	vst.add.f32.msk $0xffff, v3  }
0x316: {  	v3 =	vld [tilespmem:s17+$0x2100]  }
0x317: {  	s23 =	sor.u32 $0x20, s20;
	v5 =	vld [tilespmem:s17+$0x2110]  }
0x318: {  	[tilespmem:s23+$0x0] =	vst.add.f32.msk $0xffff, v4  }
0x319: {  	v4 =	vld [tilespmem:s16+$0x2930]  }
0x31a: {  	s23 =	sadd.s32 $0x11100, s17;
	v6 =	vld [tilespmem:s18+$0x1930]  }
0x31b: {  	s24 =	sor.u32 $0x10, s23;
	[tilespmem:s17+$0x11100] =	vst.add.f32.msk $0xffff, v3  }
0x31c: {  	[tilespmem:s24+$0x0] =	vst.add.f32.msk $0xffff, v5  }
0x31d: {  	s24 =	sor.u32 $0x30, s20;
	v5 =	vld [tilespmem:s17+$0x2120]  }
.Ltmp3:
0x31e: {  	[tilespmem:s24+$0x0] =	vst.add.f32.msk $0xffff, v4;
	(pc) =	sbr.rel @p0 .LBB2_8-.Ltmp3, $4  }
0x31f: {  	s24 =	sor.u32 $0x30, s22;
	v3 =	vld [tilespmem:s16+$0x2940]  }
0x320: {  	[tilespmem:s24+$0x0] =	vst.add.f32.msk $0xffff, v6  }
0x321: {  	s24 =	sor.u32 $0x20, s23;
	v4 =	vld [tilespmem:s18+$0x1940]  }
0x322: {  	s21 =	sadd.s32 $0x1, s21;
	[tilespmem:s24+$0x0] =	vst.add.f32.msk $0xffff, v5  }
0x323: {  	_ =	sdelay $0x1  }
0x324: {  	s19 =	sor.u32 $0x40, s22  }
0x325: {  	[tilespmem:s19+$0x0] =	vst.add.f32.msk $0xffff, v4  }
0x326: {  	v4 =	vld [tilespmem:s18+$0x1950];
	_ =	sdelay $0x3  }
0x327: {  	s25 =	sor.u32 $0x50, s22  }
0x328: {  	[tilespmem:s25+$0x0] =	vst.add.f32.msk $0xffff, v4  }
0x329: {  	v4 =	vld [tilespmem:s18+$0x1960];
	_ =	sdelay $0x3  }
0x32a: {  	s26 =	sor.u32 $0x60, s22  }
0x32b: {  	[tilespmem:s26+$0x0] =	vst.add.f32.msk $0xffff, v4  }
0x32c: {  	v4 =	vld [tilespmem:s18+$0x1970];
	_ =	sdelay $0x3  }
0x32d: {  	s21 =	sor.u32 $0x70, s22  }
0x32e: {  	[tilespmem:s21+$0x0] =	vst.add.f32.msk $0xffff, v4  }
0x32f: {  	v4 =	vld [tilespmem:s18+$0x1D00]  }
0x330: {  	v5 =	vld [tilespmem:s18+$0x1D10];
	_ =	sdelay $0x2  }
0x331: {  	s19 =	sadd.s32 $0x10D00, s18  }
0x332: {  	s21 =	sor.u32 $0x10, s19;
	[tilespmem:s18+$0x10D00] =	vst.add.f32.msk $0xffff, v4  }
0x333: {  	[tilespmem:s21+$0x0] =	vst.add.f32.msk $0xffff, v5  }
0x334: {  	v4 =	vld [tilespmem:s18+$0x1D20];
	_ =	sdelay $0x3  }
0x335: {  	s22 =	sor.u32 $0x20, s19  }
0x336: {  	[tilespmem:s22+$0x0] =	vst.add.f32.msk $0xffff, v4  }
0x337: {  	v4 =	vld [tilespmem:s18+$0x1D30];
	_ =	sdelay $0x3  }
0x338: {  	s24 =	sor.u32 $0x30, s19  }
0x339: {  	[tilespmem:s24+$0x0] =	vst.add.f32.msk $0xffff, v4  }
0x33a: {  	v4 =	vld [tilespmem:s18+$0x1D40];
	_ =	sdelay $0x3  }
0x33b: {  	s25 =	sor.u32 $0x40, s19  }
0x33c: {  	[tilespmem:s25+$0x0] =	vst.add.f32.msk $0xffff, v4  }
0x33d: {  	v4 =	vld [tilespmem:s18+$0x1D50];
	_ =	sdelay $0x3  }
0x33e: {  	s26 =	sor.u32 $0x50, s19  }
0x33f: {  	[tilespmem:s26+$0x0] =	vst.add.f32.msk $0xffff, v4  }
0x340: {  	v4 =	vld [tilespmem:s18+$0x1D60];
	_ =	sdelay $0x3  }
0x341: {  	s22 =	sor.u32 $0x60, s19  }
0x342: {  	[tilespmem:s22+$0x0] =	vst.add.f32.msk $0xffff, v4  }
0x343: {  	v4 =	vld [tilespmem:s18+$0x1D70];
	_ =	sdelay $0x3  }
0x344: {  	s19 =	sor.u32 $0x70, s19  }
0x345: {  	[tilespmem:s19+$0x0] =	vst.add.f32.msk $0xffff, v4  }
0x346: {  	v4 =	vld [tilespmem:s18+$0x2100]  }
0x347: {  	v5 =	vld [tilespmem:s18+$0x2110];
	_ =	sdelay $0x2  }
0x348: {  	s19 =	sadd.s32 $0x11100, s18  }
0x349: {  	s24 =	sor.u32 $0x10, s19;
	[tilespmem:s18+$0x11100] =	vst.add.f32.msk $0xffff, v4  }
0x34a: {  	[tilespmem:s24+$0x0] =	vst.add.f32.msk $0xffff, v5  }
0x34b: {  	v4 =	vld [tilespmem:s18+$0x2120];
	_ =	sdelay $0x2  }
0x34c: {  	v5 =	vld [tilespmem:s17+$0x2130]  }
0x34d: {  	s25 =	sor.u32 $0x20, s19  }
0x34e: {  	[tilespmem:s25+$0x0] =	vst.add.f32.msk $0xffff, v4  }
0x34f: {  	v4 =	vld [tilespmem:s18+$0x2130]  }
0x350: {  	s26 =	sor.u32 $0x30, s23  }
0x351: {  	[tilespmem:s26+$0x0] =	vst.add.f32.msk $0xffff, v5  }
0x352: {  	v5 =	vld [tilespmem:s17+$0x2140]  }
0x353: {  	s22 =	sor.u32 $0x30, s19  }
0x354: {  	[tilespmem:s22+$0x0] =	vst.add.f32.msk $0xffff, v4  }
0x355: {  	v4 =	vld [tilespmem:s18+$0x2140]  }
0x356: {  	s24 =	sor.u32 $0x40, s23  }
0x357: {  	[tilespmem:s24+$0x0] =	vst.add.f32.msk $0xffff, v5  }
0x358: {  	v5 =	vld [tilespmem:s17+$0x2150]  }
0x359: {  	s25 =	sor.u32 $0x40, s19  }
0x35a: {  	[tilespmem:s25+$0x0] =	vst.add.f32.msk $0xffff, v4  }
0x35b: {  	v4 =	vld [tilespmem:s18+$0x2150]  }
0x35c: {  	s26 =	sor.u32 $0x50, s23  }
0x35d: {  	[tilespmem:s26+$0x0] =	vst.add.f32.msk $0xffff, v5  }
0x35e: {  	v5 =	vld [tilespmem:s17+$0x2160]  }
0x35f: {  	s22 =	sor.u32 $0x50, s19  }
0x360: {  	[tilespmem:s22+$0x0] =	vst.add.f32.msk $0xffff, v4  }
0x361: {  	v4 =	vld [tilespmem:s18+$0x2160]  }
0x362: {  	s24 =	sor.u32 $0x60, s23  }
0x363: {  	[tilespmem:s24+$0x0] =	vst.add.f32.msk $0xffff, v5  }
0x364: {  	v5 =	vld [tilespmem:s17+$0x2170]  }
0x365: {  	s25 =	sor.u32 $0x60, s19  }
0x366: {  	[tilespmem:s25+$0x0] =	vst.add.f32.msk $0xffff, v4  }
0x367: {  	v4 =	vld [tilespmem:s18+$0x2170]  }
0x368: {  	s26 =	sor.u32 $0x70, s23  }
0x369: {  	[tilespmem:s26+$0x0] =	vst.add.f32.msk $0xffff, v5  }
0x36a: {  	v5 =	vld [tilespmem:s17+$0x2500]  }
0x36b: {  	s19 =	sor.u32 $0x70, s19;
	v6 =	vld [tilespmem:s17+$0x2510]  }
0x36c: {  	[tilespmem:s19+$0x0] =	vst.add.f32.msk $0xffff, v4  }
0x36d: {  	v4 =	vld [tilespmem:s18+$0x2500]  }
0x36e: {  	s19 =	sadd.s32 $0x11500, s17;
	v7 =	vld [tilespmem:s18+$0x2510]  }
0x36f: {  	[tilespmem:s17+$0x11500] =	vst.add.f32.msk $0xffff, v5;
	s22 =	sor.u32 $0x10, s19  }
0x370: {  	[tilespmem:s22+$0x0] =	vst.add.f32.msk $0xffff, v6  }
0x371: {  	s21 =	sadd.s32 $0x11500, s18;
	v5 =	vld [tilespmem:s17+$0x2520]  }
0x372: {  	s23 =	sor.u32 $0x10, s21;
	[tilespmem:s18+$0x11500] =	vst.add.f32.msk $0xffff, v4  }
0x373: {  	[tilespmem:s23+$0x0] =	vst.add.f32.msk $0xffff, v7  }
0x374: {  	v4 =	vld [tilespmem:s18+$0x2520]  }
0x375: {  	s24 =	sor.u32 $0x20, s19  }
0x376: {  	[tilespmem:s24+$0x0] =	vst.add.f32.msk $0xffff, v5  }
0x377: {  	v5 =	vld [tilespmem:s17+$0x2530]  }
0x378: {  	s25 =	sor.u32 $0x20, s21  }
0x379: {  	[tilespmem:s25+$0x0] =	vst.add.f32.msk $0xffff, v4  }
0x37a: {  	v4 =	vld [tilespmem:s18+$0x2530]  }
0x37b: {  	s26 =	sor.u32 $0x30, s19  }
0x37c: {  	[tilespmem:s26+$0x0] =	vst.add.f32.msk $0xffff, v5  }
0x37d: {  	v5 =	vld [tilespmem:s17+$0x2540]  }
0x37e: {  	s23 =	sor.u32 $0x30, s21  }
0x37f: {  	[tilespmem:s23+$0x0] =	vst.add.f32.msk $0xffff, v4  }
0x380: {  	v4 =	vld [tilespmem:s18+$0x2540]  }
0x381: {  	s24 =	sor.u32 $0x40, s19  }
0x382: {  	[tilespmem:s24+$0x0] =	vst.add.f32.msk $0xffff, v5  }
0x383: {  	v5 =	vld [tilespmem:s17+$0x2550]  }
0x384: {  	s25 =	sor.u32 $0x40, s21  }
0x385: {  	[tilespmem:s25+$0x0] =	vst.add.f32.msk $0xffff, v4  }
0x386: {  	v4 =	vld [tilespmem:s18+$0x2550]  }
0x387: {  	s26 =	sor.u32 $0x50, s19  }
0x388: {  	[tilespmem:s26+$0x0] =	vst.add.f32.msk $0xffff, v5  }
0x389: {  	s23 =	sor.u32 $0x40, s20;
	v5 =	vld [tilespmem:s17+$0x2560]  }
0x38a: {  	[tilespmem:s23+$0x0] =	vst.add.f32.msk $0xffff, v3;
	s24 =	sor.u32 $0x50, s21  }
0x38b: {  	[tilespmem:s24+$0x0] =	vst.add.f32.msk $0xffff, v4  }
0x38c: {  	v3 =	vld [tilespmem:s18+$0x2560]  }
0x38d: {  	s25 =	sor.u32 $0x60, s19;
	v4 =	vld [tilespmem:s16+$0x2950]  }
0x38e: {  	[tilespmem:s25+$0x0] =	vst.add.f32.msk $0xffff, v5  }
0x38f: {  	v5 =	vld [tilespmem:s17+$0x2570]  }
0x390: {  	s26 =	sor.u32 $0x60, s21  }
0x391: {  	[tilespmem:s26+$0x0] =	vst.add.f32.msk $0xffff, v3  }
0x392: {  	s23 =	sor.u32 $0x50, s20;
	v3 =	vld [tilespmem:s18+$0x2570]  }
0x393: {  	s19 =	sor.u32 $0x70, s19;
	[tilespmem:s23+$0x0] =	vst.add.f32.msk $0xffff, v4  }
0x394: {  	[tilespmem:s19+$0x0] =	vst.add.f32.msk $0xffff, v5  }
0x395: {  	v4 =	vld [tilespmem:s17+$0x2900]  }
0x396: {  	s24 =	sor.u32 $0x70, s21;
	v5 =	vld [tilespmem:s17+$0x2910]  }
0x397: {  	[tilespmem:s24+$0x0] =	vst.add.f32.msk $0xffff, v3  }
0x398: {  	v3 =	vld [tilespmem:s18+$0x2900]  }
0x399: {  	s21 =	sadd.s32 $0x11900, s17;
	v6 =	vld [tilespmem:s18+$0x2910]  }
0x39a: {  	s25 =	sor.u32 $0x10, s21;
	[tilespmem:s17+$0x11900] =	vst.add.f32.msk $0xffff, v4  }
0x39b: {  	[tilespmem:s25+$0x0] =	vst.add.f32.msk $0xffff, v5  }
0x39c: {  	s22 =	sadd.s32 $0x11900, s18;
	v4 =	vld [tilespmem:s17+$0x2920]  }
0x39d: {  	s26 =	sor.u32 $0x10, s22;
	[tilespmem:s18+$0x11900] =	vst.add.f32.msk $0xffff, v3  }
0x39e: {  	[tilespmem:s26+$0x0] =	vst.add.f32.msk $0xffff, v6  }
0x39f: {  	v3 =	vld [tilespmem:s18+$0x2920]  }
0x3a0: {  	s23 =	sor.u32 $0x20, s21;
	v5 =	vld [tilespmem:s16+$0x2960]  }
0x3a1: {  	[tilespmem:s23+$0x0] =	vst.add.f32.msk $0xffff, v4  }
0x3a2: {  	v4 =	vld [tilespmem:s17+$0x2930]  }
0x3a3: {  	s24 =	sor.u32 $0x20, s22  }
0x3a4: {  	[tilespmem:s24+$0x0] =	vst.add.f32.msk $0xffff, v3  }
0x3a5: {  	s25 =	sor.u32 $0x60, s20;
	v3 =	vld [tilespmem:s18+$0x2930]  }
0x3a6: {  	[tilespmem:s25+$0x0] =	vst.add.f32.msk $0xffff, v5;
	s26 =	sor.u32 $0x30, s21  }
0x3a7: {  	[tilespmem:s26+$0x0] =	vst.add.f32.msk $0xffff, v4  }
0x3a8: {  	v4 =	vld [tilespmem:s17+$0x2940]  }
0x3a9: {  	v5 =	vld [tilespmem:s16+$0x2970];
	s23 =	sor.u32 $0x30, s22  }
0x3aa: {  	[tilespmem:s23+$0x0] =	vst.add.f32.msk $0xffff, v3  }
0x3ab: {  	v3 =	vld [tilespmem:s18+$0x2940]  }
0x3ac: {  	s24 =	sor.u32 $0x40, s21  }
0x3ad: {  	[tilespmem:s24+$0x0] =	vst.add.f32.msk $0xffff, v4  }
0x3ae: {  	s25 =	sor.u32 $0x70, s20;
	v4 =	vld [tilespmem:s17+$0x2950]  }
0x3af: {  	[tilespmem:s25+$0x0] =	vst.add.f32.msk $0xffff, v5;
	s26 =	sor.u32 $0x40, s22  }
0x3b0: {  	[tilespmem:s26+$0x0] =	vst.add.f32.msk $0xffff, v3  }
0x3b1: {  	v3 =	vld [tilespmem:s18+$0x2950]  }
0x3b2: {  	s20 =	sor.u32 $0x50, s21;
	v5 =	vld [tilespmem:s16+$0x2D00]  }
0x3b3: {  	[tilespmem:s20+$0x0] =	vst.add.f32.msk $0xffff, v4  }
0x3b4: {  	v4 =	vld [tilespmem:s17+$0x2960]  }
0x3b5: {  	v6 =	vld [tilespmem:s16+$0x2D10];
	s23 =	sor.u32 $0x50, s22  }
0x3b6: {  	[tilespmem:s23+$0x0] =	vst.add.f32.msk $0xffff, v3  }
0x3b7: {  	v3 =	vld [tilespmem:s18+$0x2960]  }
0x3b8: {  	[tilespmem:s16+$0x11D00] =	vst.add.f32.msk $0xffff, v5;
	s24 =	sor.u32 $0x60, s21  }
0x3b9: {  	s19 =	sadd.s32 $0x11D00, s16;
	[tilespmem:s24+$0x0] =	vst.add.f32.msk $0xffff, v4  }
0x3ba: {  	s25 =	sor.u32 $0x10, s19;
	v4 =	vld [tilespmem:s17+$0x2970]  }
0x3bb: {  	[tilespmem:s25+$0x0] =	vst.add.f32.msk $0xffff, v6;
	s26 =	sor.u32 $0x60, s22  }
0x3bc: {  	[tilespmem:s26+$0x0] =	vst.add.f32.msk $0xffff, v3  }
0x3bd: {  	v3 =	vld [tilespmem:s18+$0x2970]  }
0x3be: {  	s21 =	sor.u32 $0x70, s21;
	v5 =	vld [tilespmem:s16+$0x2D20]  }
0x3bf: {  	[tilespmem:s21+$0x0] =	vst.add.f32.msk $0xffff, v4  }
0x3c0: {  	v4 =	vld [tilespmem:s17+$0x2D00]  }
0x3c1: {  	s22 =	sor.u32 $0x70, s22;
	v6 =	vld [tilespmem:s17+$0x2D10]  }
0x3c2: {  	[tilespmem:s22+$0x0] =	vst.add.f32.msk $0xffff, v3  }
0x3c3: {  	v3 =	vld [tilespmem:s18+$0x2D00]  }
0x3c4: {  	s20 =	sadd.s32 $0x11D00, s17;
	v7 =	vld [tilespmem:s18+$0x2D10]  }
0x3c5: {  	s23 =	sor.u32 $0x10, s20;
	[tilespmem:s17+$0x11D00] =	vst.add.f32.msk $0xffff, v4  }
0x3c6: {  	[tilespmem:s23+$0x0] =	vst.add.f32.msk $0xffff, v6  }
0x3c7: {  	s21 =	sadd.s32 $0x11D00, s18;
	v4 =	vld [tilespmem:s17+$0x2D20]  }
0x3c8: {  	s24 =	sor.u32 $0x10, s21;
	[tilespmem:s18+$0x11D00] =	vst.add.f32.msk $0xffff, v3  }
0x3c9: {  	[tilespmem:s24+$0x0] =	vst.add.f32.msk $0xffff, v7  }
0x3ca: {  	s25 =	sor.u32 $0x20, s19;
	v3 =	vld [tilespmem:s18+$0x2D20]  }
0x3cb: {  	[tilespmem:s25+$0x0] =	vst.add.f32.msk $0xffff, v5  }
0x3cc: {  	v5 =	vld [tilespmem:s16+$0x2D30];
	s26 =	sor.u32 $0x20, s20  }
0x3cd: {  	[tilespmem:s26+$0x0] =	vst.add.f32.msk $0xffff, v4  }
0x3ce: {  	s23 =	sor.u32 $0x20, s21;
	v4 =	vld [tilespmem:s17+$0x2D30]  }
0x3cf: {  	[tilespmem:s23+$0x0] =	vst.add.f32.msk $0xffff, v3  }
0x3d0: {  	s24 =	sor.u32 $0x30, s19;
	v3 =	vld [tilespmem:s18+$0x2D30]  }
0x3d1: {  	[tilespmem:s24+$0x0] =	vst.add.f32.msk $0xffff, v5  }
0x3d2: {  	s25 =	sor.u32 $0x30, s20;
	v5 =	vld [tilespmem:s16+$0x2D40]  }
0x3d3: {  	[tilespmem:s25+$0x0] =	vst.add.f32.msk $0xffff, v4  }
0x3d4: {  	s26 =	sor.u32 $0x30, s21;
	v4 =	vld [tilespmem:s17+$0x2D40]  }
0x3d5: {  	[tilespmem:s26+$0x0] =	vst.add.f32.msk $0xffff, v3  }
0x3d6: {  	s23 =	sor.u32 $0x40, s19;
	v3 =	vld [tilespmem:s18+$0x2D40]  }
0x3d7: {  	[tilespmem:s23+$0x0] =	vst.add.f32.msk $0xffff, v5  }
0x3d8: {  	s24 =	sor.u32 $0x40, s20;
	v5 =	vld [tilespmem:s16+$0x2D50]  }
0x3d9: {  	[tilespmem:s24+$0x0] =	vst.add.f32.msk $0xffff, v4  }
0x3da: {  	s25 =	sor.u32 $0x40, s21;
	v4 =	vld [tilespmem:s17+$0x2D50]  }
0x3db: {  	[tilespmem:s25+$0x0] =	vst.add.f32.msk $0xffff, v3  }
0x3dc: {  	s26 =	sor.u32 $0x50, s19;
	v3 =	vld [tilespmem:s18+$0x2D50]  }
0x3dd: {  	[tilespmem:s26+$0x0] =	vst.add.f32.msk $0xffff, v5  }
0x3de: {  	s23 =	sor.u32 $0x50, s20;
	v5 =	vld [tilespmem:s16+$0x2D60]  }
0x3df: {  	[tilespmem:s23+$0x0] =	vst.add.f32.msk $0xffff, v4  }
0x3e0: {  	s24 =	sor.u32 $0x50, s21;
	v4 =	vld [tilespmem:s17+$0x2D60]  }
0x3e1: {  	[tilespmem:s24+$0x0] =	vst.add.f32.msk $0xffff, v3  }
0x3e2: {  	s25 =	sor.u32 $0x60, s19;
	v3 =	vld [tilespmem:s18+$0x2D60]  }
0x3e3: {  	[tilespmem:s25+$0x0] =	vst.add.f32.msk $0xffff, v5  }
0x3e4: {  	s26 =	sor.u32 $0x60, s20;
	v5 =	vld [tilespmem:s16+$0x2D70]  }
0x3e5: {  	[tilespmem:s26+$0x0] =	vst.add.f32.msk $0xffff, v4  }
0x3e6: {  	s14 =	sshrl.u32 s14, $0x5;
	v4 =	vld [tilespmem:s17+$0x2D70];
	s17 =	sor.u32 $0x60, s21  }
0x3e7: {  	s14 =	smul.u32 $0x28, s14;
	[tilespmem:s17+$0x0] =	vst.add.f32.msk $0xffff, v3  }
0x3e8: {  	s15 =	sadd.s32 s5, s15;
	v3 =	vld [tilespmem:s18+$0x2D70]  }
0x3e9: {  	s14 =	sadd.s32 s14, s15  }
0x3ea: {  	s14 =	sshrl.u32 s14, $0x3;
	s22 =	sor.u32 $0x70, s19  }
0x3eb: {  	s14 =	smul.u32 $0x300, s14;
	s23 =	sor.u32 $0x70, s20;
	[tilespmem:s22+$0x0] =	vst.add.f32.msk $0xffff, v5  }
0x3ec: {  	s25 =	sadd.s32 $0x3, s7;
	s24 =	sor.u32 $0x70, s21;
	[tilespmem:s23+$0x0] =	vst.add.f32.msk $0xffff, v4  }
0x3ed: {  	s14 =	sadd.s32 s3, s14;
	s26 =	sand.u32 $0x1F, s25;
	[tilespmem:s24+$0x0] =	vst.add.f32.msk $0xffff, v3  }
0x3ee: {  	[hbm4b:s14+s4] =	stream.linear.scatter [tilespmem:s29], [sflag:$0x5], $0x7800, $0x38;
	[tilespmem:$0x1F900] =	vst v63  }
0x3ef: {  	s15 =	smul.u32 $0x320, s26;
	s14 =	sshrl.u32 s25, $0x5  }
0x3f0: {  	s14 =	smul.u32 $0xA0, s14  }
0x3f1: {  	_ =	swait.ge [sflag:s31], $0x7800  }
0x3f2: {  	s15 =	sshrl.u32 s15, $0x2;
	[sflag:s31] =	ssyncset.done $0x0;
	s14 =	sshra.s32 s14, $0x2  }
0x3f3: {  	[sflag:s31] =	ssyncadd.s32 $0xFFFF8800;
	s14 =	sadd.s32 s14, s15  }
0x3f4: {  	v3 =	vld [tilespmem:s14+$0x0];
	_ =	sdelay $0x4  }
0x3f5: {  	v4 =	vshrl.u32 v3, $0x3  }
0x3f6: {  	v4 =	vmul.u32 $0x30, v4  }
0x3f7: {  	v3 =	vand.u32 $0x7, v3  }
0x3f8: {  	v3 =	vor.u32 v3, v4  }
0x3f9: {  	v4 =	vperm.xlane v3, v0;
	_ =	sdelay $0x1  }
0x3fa: {  	v4 =	vadd.s32 v1, v4;
	_ =	sdelay $0x3  }
0x3fb: {  	v3 =	vperm.xlane v3, v2  }
0x3fc: {  	[tilespmem:s13], [sflag:$0x1] =	stream.indirect_vreg.gather [hbm4b:s2+s4], $0x80, v4, vm0, $0xb8;
	[tilespmem:$0x1F900] =	vst v63  }
0x3fd: {  	s16 =	simm.s32 $0x9900;
	v3 =	vadd.s32 v1, v3  }
0x3fe: {  	[tilespmem:s16], [sflag:$0x1] =	stream.indirect_vreg.gather [hbm4b:s8+s4], $0x80, v4, vm0, $0xb8;
	[tilespmem:$0x1F900] =	vst v63  }
0x3ff: {  	s17 =	simm.s32 $0xA100  }
0x400: {  	[tilespmem:s17], [sflag:$0x1] =	stream.indirect_vreg.gather [hbm4b:s9+s4], $0x80, v4, vm0, $0xb8;
	[tilespmem:$0x1F900] =	vst v63  }
0x401: {  	s18 =	simm.s32 $0xA900  }
0x402: {  	[tilespmem:s18], [sflag:$0x1] =	stream.indirect_vreg.gather [hbm4b:s2+s4], $0x80, v3, vm0, $0xb8;
	[tilespmem:$0x1F900] =	vst v63  }
0x403: {  	s19 =	simm.s32 $0xB100  }
0x404: {  	[tilespmem:s19], [sflag:$0x1] =	stream.indirect_vreg.gather [hbm4b:s8+s4], $0x80, v3, vm0, $0xb8;
	[tilespmem:$0x1F900] =	vst v63  }
0x405: {  	s20 =	simm.s32 $0xB900  }
0x406: {  	[tilespmem:s20], [sflag:$0x1] =	stream.indirect_vreg.gather [hbm4b:s9+s4], $0x80, v3, vm0, $0xb8;
	[tilespmem:$0x1F900] =	vst v63  }
0x407: {  	v3 =	vld [tilespmem:s14+$0x10];
	_ =	sdelay $0x4  }
0x408: {  	v4 =	vshrl.u32 v3, $0x3  }
0x409: {  	v4 =	vmul.u32 $0x30, v4  }
0x40a: {  	v3 =	vand.u32 $0x7, v3  }
0x40b: {  	v3 =	vor.u32 v3, v4  }
0x40c: {  	v4 =	vperm.xlane v3, v0;
	_ =	sdelay $0x1  }
0x40d: {  	v4 =	vadd.s32 v1, v4;
	_ =	sdelay $0x3  }
0x40e: {  	s21 =	simm.s32 $0xC100;
	v3 =	vperm.xlane v3, v2  }
0x40f: {  	[tilespmem:s21], [sflag:$0x1] =	stream.indirect_vreg.gather [hbm4b:s2+s4], $0x80, v4, vm0, $0xb8;
	[tilespmem:$0x1F900] =	vst v63  }
0x410: {  	s22 =	simm.s32 $0xC900;
	v3 =	vadd.s32 v1, v3  }
0x411: {  	[tilespmem:s22], [sflag:$0x1] =	stream.indirect_vreg.gather [hbm4b:s8+s4], $0x80, v4, vm0, $0xb8;
	[tilespmem:$0x1F900] =	vst v63  }
0x412: {  	s23 =	simm.s32 $0xD100  }
0x413: {  	[tilespmem:s23], [sflag:$0x1] =	stream.indirect_vreg.gather [hbm4b:s9+s4], $0x80, v4, vm0, $0xb8;
	[tilespmem:$0x1F900] =	vst v63  }
0x414: {  	s24 =	simm.s32 $0xD900  }
0x415: {  	[tilespmem:s24], [sflag:$0x1] =	stream.indirect_vreg.gather [hbm4b:s2+s4], $0x80, v3, vm0, $0xb8;
	[tilespmem:$0x1F900] =	vst v63  }
0x416: {  	s25 =	simm.s32 $0xE100  }
0x417: {  	[tilespmem:s25], [sflag:$0x1] =	stream.indirect_vreg.gather [hbm4b:s8+s4], $0x80, v3, vm0, $0xb8;
	[tilespmem:$0x1F900] =	vst v63  }
0x418: {  	s26 =	simm.s32 $0xE900  }
0x419: {  	[tilespmem:s26], [sflag:$0x1] =	stream.indirect_vreg.gather [hbm4b:s9+s4], $0x80, v3, vm0, $0xb8;
	[tilespmem:$0x1F900] =	vst v63  }
0x41a: {  	v3 =	vld.msk [tilespmem:s14+$0x20], $0xff;
	_ =	sdelay $0x4  }
0x41b: {  	v4 =	vshrl.u32 v3, $0x3  }
0x41c: {  	v4 =	vmul.u32 $0x30, v4  }
0x41d: {  	v3 =	vand.u32 $0x7, v3  }
0x41e: {  	v3 =	vor.u32 v3, v4  }
0x41f: {  	v3 =	vperm.xlane v3, v0;
	_ =	sdelay $0x1  }
0x420: {  	v3 =	vadd.s32 v1, v3;
	_ =	sdelay $0x2  }
0x421: {  	s14 =	sand.u32 $0x1F, s10  }
0x422: {  	s16 =	simm.s32 $0xF100;
	p0 =	sne.s32 s14, $0x0  }
0x423: {  	[tilespmem:s16], [sflag:$0x1] =	stream.indirect_vreg.gather [hbm4b:s2+s4], $0x80, v3, vm0, $0xb8;
	[tilespmem:$0x1F900] =	vst v63  }
0x424: {  	s17 =	simm.s32 $0xF900;
	s15 =	sshrl.u32 @!p0 s10, $0x5  }
0x425: {  	[tilespmem:s17], [sflag:$0x1] =	stream.indirect_vreg.gather [hbm4b:s8+s4], $0x80, v3, vm0, $0xb8;
	[tilespmem:$0x1F900] =	vst v63  }
0x426: {  	s15 =	smul.u32 @!p0 $0xF00, s15  }
0x427: {  	[tilespmem:s28], [sflag:$0x1] =	stream.indirect_vreg.gather [hbm4b:s9+s4], $0x80, v3, vm0, $0xb8;
	[tilespmem:$0x1F900] =	vst v63  }
0x428: {  	s15 =	sadd.s32 @!p0 s6, s15;
	s16 =	simm.s32 @!p0 $0x0;
	s17 =	simm.s32 @!p0 $0x1900  }
0x429: {  	[tilespmem:s17], [sflag:$0x7] =	stream.linear.gather @!p0 [hbm4b:s15+s16], $0x7800, $0x38;
	[tilespmem:$0x1F900] =	vst v63  }
0x42a: {  	s15 =	simm.s32 @!p0 $0x3  }
0x42b: {  	_ =	swait.ge @!p0 [sflag:s15], $0x7800  }
0x42c: {  	s16 =	simm.s32 @!p0 $0x7;
	[sflag:s15] =	ssyncset.done @!p0 $0x0  }
0x42d: {  	s18 =	simm.s32 $0x0;
	s16 =	simm.s32 @p0 $0x3;
	[sflag:s15] =	ssyncadd.s32 @!p0 $0xFFFF8800  }
0x42e: {  	s19 =	simm.s32 $0x0;
	s15 =	smul.u32 $0x1800, s18;
	_ =	swait.ge [sflag:s16], $0x7800  }
0x42f: {  	s17 =	sand.u32 $0x380, s19;
	[sflag:s16] =	ssyncset.done $0x0  }
0x430: {  	[sflag:s16] =	ssyncadd.s32 $0xFFFF8800;
	s16 =	sor.u32 s17, s15  }
0x431: {  	v3 =	vld [tilespmem:s16+$0x1900]  }
0x432: {  	v4 =	vld [tilespmem:s16+$0x1910];
	_ =	sdelay $0x2  }
0x433: {  	s15 =	sadd.s32 $0x18100, s16  }
0x434: {  	s20 =	sor.u32 $0x10, s15;
	[tilespmem:s16+$0x18100] =	vst.add.f32.msk $0xffff, v3  }
0x435: {  	[tilespmem:s20+$0x0] =	vst.add.f32.msk $0xffff, v4  }
0x436: {  	v3 =	vld [tilespmem:s16+$0x1920];
	_ =	sdelay $0x3  }
0x437: {  	s21 =	sor.u32 $0x20, s15  }
0x438: {  	[tilespmem:s21+$0x0] =	vst.add.f32.msk $0xffff, v3  }
0x439: {  	v3 =	vld [tilespmem:s16+$0x1930];
	_ =	sdelay $0x3  }
0x43a: {  	s22 =	sor.u32 $0x30, s15  }
0x43b: {  	[tilespmem:s22+$0x0] =	vst.add.f32.msk $0xffff, v3  }
0x43c: {  	v3 =	vld [tilespmem:s16+$0x1940];
	_ =	sdelay $0x3  }
0x43d: {  	s23 =	sor.u32 $0x40, s15  }
0x43e: {  	[tilespmem:s23+$0x0] =	vst.add.f32.msk $0xffff, v3  }
0x43f: {  	v3 =	vld [tilespmem:s16+$0x1950];
	_ =	sdelay $0x3  }
0x440: {  	s24 =	sor.u32 $0x50, s15  }
0x441: {  	[tilespmem:s24+$0x0] =	vst.add.f32.msk $0xffff, v3  }
0x442: {  	v3 =	vld [tilespmem:s16+$0x1960];
	_ =	sdelay $0x3  }
0x443: {  	s25 =	sor.u32 $0x60, s15  }
0x444: {  	[tilespmem:s25+$0x0] =	vst.add.f32.msk $0xffff, v3  }
0x445: {  	v3 =	vld [tilespmem:s16+$0x1970];
	_ =	sdelay $0x3  }
0x446: {  	s15 =	sor.u32 $0x70, s15  }
0x447: {  	[tilespmem:s15+$0x0] =	vst.add.f32.msk $0xffff, v3  }
0x448: {  	v3 =	vld [tilespmem:s16+$0x1D00]  }
0x449: {  	v4 =	vld [tilespmem:s16+$0x1D10];
	_ =	sdelay $0x2  }
0x44a: {  	s26 =	sadd.s32 $0x18500, s16  }
0x44b: {  	s18 =	sor.u32 $0x10, s26;
	[tilespmem:s16+$0x18500] =	vst.add.f32.msk $0xffff, v3  }
0x44c: {  	[tilespmem:s18+$0x0] =	vst.add.f32.msk $0xffff, v4  }
0x44d: {  	v3 =	vld [tilespmem:s16+$0x1D20];
	_ =	sdelay $0x3  }
0x44e: {  	s19 =	sor.u32 $0x20, s26  }
0x44f: {  	[tilespmem:s19+$0x0] =	vst.add.f32.msk $0xffff, v3  }
0x450: {  	v3 =	vld [tilespmem:s16+$0x1D30];
	_ =	sdelay $0x3  }
0x451: {  	s20 =	sor.u32 $0x30, s26  }
0x452: {  	[tilespmem:s20+$0x0] =	vst.add.f32.msk $0xffff, v3  }
0x453: {  	v3 =	vld [tilespmem:s16+$0x1D40];
	_ =	sdelay $0x3  }
0x454: {  	s21 =	sor.u32 $0x40, s26  }
0x455: {  	[tilespmem:s21+$0x0] =	vst.add.f32.msk $0xffff, v3  }
0x456: {  	v3 =	vld [tilespmem:s16+$0x1D50];
	_ =	sdelay $0x3  }
0x457: {  	s22 =	sor.u32 $0x50, s26  }
0x458: {  	[tilespmem:s22+$0x0] =	vst.add.f32.msk $0xffff, v3  }
0x459: {  	v3 =	vld [tilespmem:s16+$0x1D60];
	_ =	sdelay $0x3  }
0x45a: {  	s23 =	sor.u32 $0x60, s26  }
0x45b: {  	[tilespmem:s23+$0x0] =	vst.add.f32.msk $0xffff, v3  }
0x45c: {  	v3 =	vld [tilespmem:s16+$0x1D70];
	_ =	sdelay $0x3  }
0x45d: {  	s15 =	sor.u32 $0x70, s26  }
0x45e: {  	[tilespmem:s15+$0x0] =	vst.add.f32.msk $0xffff, v3  }
0x45f: {  	v3 =	vld [tilespmem:s16+$0x2100]  }
0x460: {  	v4 =	vld [tilespmem:s16+$0x2110];
	_ =	sdelay $0x1  }
0x461: {  	s25 =	simm.s32 $0x0  }
0x462: {  	s17 =	sadd.s32 $0x18900, s16;
	s26 =	smul.u32 $0x1800, s25;
	s19 =	simm.s32 $0x80  }
0x463: {  	s24 =	sor.u32 $0x10, s17;
	s18 =	sand.u32 $0x380, s19;
	[tilespmem:s16+$0x18900] =	vst.add.f32.msk $0xffff, v3  }
0x464: {  	s15 =	sor.u32 s18, s26;
	[tilespmem:s24+$0x0] =	vst.add.f32.msk $0xffff, v4  }
0x465: {  	v4 =	vld [tilespmem:s15+$0x1900]  }
0x466: {  	v3 =	vld [tilespmem:s16+$0x2120]  }
0x467: {  	v5 =	vld [tilespmem:s15+$0x1910];
	_ =	sdelay $0x2  }
0x468: {  	s20 =	sor.u32 $0x20, s17;
	s18 =	sadd.s32 $0x18100, s15;
	[tilespmem:s15+$0x18100] =	vst.add.f32.msk $0xffff, v4  }
0x469: {  	s21 =	sor.u32 $0x10, s18;
	[tilespmem:s20+$0x0] =	vst.add.f32.msk $0xffff, v3  }
0x46a: {  	[tilespmem:s21+$0x0] =	vst.add.f32.msk $0xffff, v5  }
0x46b: {  	v3 =	vld [tilespmem:s16+$0x2130]  }
0x46c: {  	v4 =	vld [tilespmem:s15+$0x1920];
	_ =	sdelay $0x2  }
0x46d: {  	s22 =	sor.u32 $0x30, s17  }
0x46e: {  	s23 =	sor.u32 $0x20, s18;
	[tilespmem:s22+$0x0] =	vst.add.f32.msk $0xffff, v3  }
0x46f: {  	[tilespmem:s23+$0x0] =	vst.add.f32.msk $0xffff, v4  }
0x470: {  	v3 =	vld [tilespmem:s16+$0x2140]  }
0x471: {  	v4 =	vld [tilespmem:s15+$0x1930];
	_ =	sdelay $0x2  }
0x472: {  	s24 =	sor.u32 $0x40, s17  }
0x473: {  	s25 =	sor.u32 $0x30, s18;
	[tilespmem:s24+$0x0] =	vst.add.f32.msk $0xffff, v3  }
0x474: {  	[tilespmem:s25+$0x0] =	vst.add.f32.msk $0xffff, v4  }
0x475: {  	v3 =	vld [tilespmem:s16+$0x2150]  }
0x476: {  	v4 =	vld [tilespmem:s15+$0x1940];
	_ =	sdelay $0x2  }
0x477: {  	s26 =	sor.u32 $0x50, s17  }
0x478: {  	s20 =	sor.u32 $0x40, s18;
	[tilespmem:s26+$0x0] =	vst.add.f32.msk $0xffff, v3  }
0x479: {  	[tilespmem:s20+$0x0] =	vst.add.f32.msk $0xffff, v4  }
0x47a: {  	v3 =	vld [tilespmem:s16+$0x2160]  }
0x47b: {  	v4 =	vld [tilespmem:s15+$0x1950];
	_ =	sdelay $0x2  }
0x47c: {  	s21 =	sor.u32 $0x60, s17  }
0x47d: {  	s22 =	sor.u32 $0x50, s18;
	[tilespmem:s21+$0x0] =	vst.add.f32.msk $0xffff, v3  }
0x47e: {  	[tilespmem:s22+$0x0] =	vst.add.f32.msk $0xffff, v4  }
0x47f: {  	v3 =	vld [tilespmem:s16+$0x2170]  }
0x480: {  	v4 =	vld [tilespmem:s15+$0x1960];
	_ =	sdelay $0x2  }
0x481: {  	s17 =	sor.u32 $0x70, s17  }
0x482: {  	s23 =	sor.u32 $0x60, s18;
	[tilespmem:s17+$0x0] =	vst.add.f32.msk $0xffff, v3  }
0x483: {  	[tilespmem:s23+$0x0] =	vst.add.f32.msk $0xffff, v4  }
0x484: {  	v3 =	vld [tilespmem:s16+$0x2500]  }
0x485: {  	v4 =	vld [tilespmem:s15+$0x1970]  }
0x486: {  	v5 =	vld [tilespmem:s16+$0x2510];
	_ =	sdelay $0x2  }
0x487: {  	s18 =	sor.u32 $0x70, s18;
	s17 =	sadd.s32 $0x18D00, s16;
	[tilespmem:s16+$0x18D00] =	vst.add.f32.msk $0xffff, v3  }
0x488: {  	s24 =	sor.u32 $0x10, s17;
	[tilespmem:s18+$0x0] =	vst.add.f32.msk $0xffff, v4  }
0x489: {  	[tilespmem:s24+$0x0] =	vst.add.f32.msk $0xffff, v5  }
0x48a: {  	v4 =	vld [tilespmem:s15+$0x1D00]  }
0x48b: {  	v3 =	vld [tilespmem:s16+$0x2520]  }
0x48c: {  	v5 =	vld [tilespmem:s15+$0x1D10];
	_ =	sdelay $0x2  }
0x48d: {  	s25 =	sor.u32 $0x20, s17;
	s18 =	sadd.s32 $0x18500, s15;
	[tilespmem:s15+$0x18500] =	vst.add.f32.msk $0xffff, v4  }
0x48e: {  	s26 =	sor.u32 $0x10, s18;
	[tilespmem:s25+$0x0] =	vst.add.f32.msk $0xffff, v3  }
0x48f: {  	[tilespmem:s26+$0x0] =	vst.add.f32.msk $0xffff, v5  }
0x490: {  	v3 =	vld [tilespmem:s16+$0x2530]  }
0x491: {  	v4 =	vld [tilespmem:s15+$0x1D20];
	_ =	sdelay $0x2  }
0x492: {  	s20 =	sor.u32 $0x30, s17  }
0x493: {  	s21 =	sor.u32 $0x20, s18;
	[tilespmem:s20+$0x0] =	vst.add.f32.msk $0xffff, v3  }
0x494: {  	[tilespmem:s21+$0x0] =	vst.add.f32.msk $0xffff, v4  }
0x495: {  	v3 =	vld [tilespmem:s16+$0x2540]  }
0x496: {  	v4 =	vld [tilespmem:s15+$0x1D30];
	_ =	sdelay $0x2  }
0x497: {  	s22 =	sor.u32 $0x40, s17  }
0x498: {  	s23 =	sor.u32 $0x30, s18;
	[tilespmem:s22+$0x0] =	vst.add.f32.msk $0xffff, v3  }
0x499: {  	[tilespmem:s23+$0x0] =	vst.add.f32.msk $0xffff, v4  }
0x49a: {  	v3 =	vld [tilespmem:s16+$0x2550]  }
0x49b: {  	v4 =	vld [tilespmem:s15+$0x1D40];
	_ =	sdelay $0x2  }
0x49c: {  	s24 =	sor.u32 $0x50, s17  }
0x49d: {  	s25 =	sor.u32 $0x40, s18;
	[tilespmem:s24+$0x0] =	vst.add.f32.msk $0xffff, v3  }
0x49e: {  	[tilespmem:s25+$0x0] =	vst.add.f32.msk $0xffff, v4  }
0x49f: {  	v3 =	vld [tilespmem:s16+$0x2560]  }
0x4a0: {  	v4 =	vld [tilespmem:s15+$0x1D50];
	_ =	sdelay $0x2  }
0x4a1: {  	s26 =	sor.u32 $0x60, s17  }
0x4a2: {  	s20 =	sor.u32 $0x50, s18;
	[tilespmem:s26+$0x0] =	vst.add.f32.msk $0xffff, v3  }
0x4a3: {  	[tilespmem:s20+$0x0] =	vst.add.f32.msk $0xffff, v4  }
0x4a4: {  	v3 =	vld [tilespmem:s16+$0x2570]  }
0x4a5: {  	v4 =	vld [tilespmem:s15+$0x1D60];
	_ =	sdelay $0x2  }
0x4a6: {  	s17 =	sor.u32 $0x70, s17  }
0x4a7: {  	s21 =	sor.u32 $0x60, s18;
	[tilespmem:s17+$0x0] =	vst.add.f32.msk $0xffff, v3  }
0x4a8: {  	[tilespmem:s21+$0x0] =	vst.add.f32.msk $0xffff, v4  }
0x4a9: {  	v3 =	vld [tilespmem:s16+$0x2D70]  }
0x4aa: {  	v11 =	vld [tilespmem:s16+$0x2900]  }
0x4ab: {  	v12 =	vld [tilespmem:s16+$0x2910]  }
0x4ac: {  	v4 =	vld [tilespmem:s15+$0x1D70]  }
0x4ad: {  	v10 =	vld [tilespmem:s16+$0x2920]  }
0x4ae: {  	v9 =	vld [tilespmem:s16+$0x2930]  }
0x4af: {  	v8 =	vld [tilespmem:s16+$0x2940]  }
0x4b0: {  	s22 =	sor.u32 $0x70, s18;
	v7 =	vld [tilespmem:s16+$0x2950]  }
0x4b1: {  	s24 =	simm.s32 $0x0;
	[tilespmem:s22+$0x0] =	vst.add.f32.msk $0xffff, v4  }
0x4b2: {  	s18 =	simm.s32 $0x100;
	s25 =	smul.u32 $0x1800, s24;
	v4 =	vld [tilespmem:s15+$0x2100]  }
0x4b3: {  	s26 =	sand.u32 $0x380, s18;
	v6 =	vld [tilespmem:s15+$0x2110]  }
0x4b4: {  	s17 =	sor.u32 s26, s25;
	v5 =	vld [tilespmem:s16+$0x2960]  }
0x4b5: {  	v14 =	vld [tilespmem:s17+$0x1900]  }
0x4b6: {  	s20 =	sadd.s32 $0x18900, s15;
	[tilespmem:s16+$0x19570] =	vst.add.f32.msk $0xffff, v3  }
0x4b7: {  	s23 =	sor.u32 $0x10, s20;
	[tilespmem:s15+$0x18900] =	vst.add.f32.msk $0xffff, v4  }
0x4b8: {  	[tilespmem:s23+$0x0] =	vst.add.f32.msk $0xffff, v6  }
0x4b9: {  	v13 =	vld [tilespmem:s15+$0x2120]  }
0x4ba: {  	v3 =	vld [tilespmem:s16+$0x2970]  }
0x4bb: {  	v4 =	vld [tilespmem:s16+$0x2D10]  }
0x4bc: {  	s19 =	simm.s32 $0x3;
	v6 =	vld [tilespmem:s16+$0x2D00]  }
.LBB2_10:
0x4bd: {  	p0 =	sne.s32 s19, $0x27;
	v15 =	vld [tilespmem:s17+$0x1910];
	s21 =	sor.u32 $0x20, s20  }
0x4be: {  	[tilespmem:s21+$0x0] =	vst.add.f32.msk $0xffff, v13  }
0x4bf: {  	v16 =	vld [tilespmem:s15+$0x2130]  }
0x4c0: {  	s21 =	sadd.s32 $0x18100, s17;
	v13 =	vld [tilespmem:s16+$0x2D20]  }
0x4c1: {  	s22 =	sor.u32 $0x10, s21;
	[tilespmem:s17+$0x18100] =	vst.add.f32.msk $0xffff, v14  }
0x4c2: {  	[tilespmem:s22+$0x0] =	vst.add.f32.msk $0xffff, v15  }
0x4c3: {  	s22 =	sor.u32 $0x30, s20;
	v17 =	vld [tilespmem:s17+$0x1920]  }
0x4c4: {  	[tilespmem:s22+$0x0] =	vst.add.f32.msk $0xffff, v16  }
0x4c5: {  	v16 =	vld [tilespmem:s15+$0x2140]  }
0x4c6: {  	v14 =	vld [tilespmem:s16+$0x2D30]  }
0x4c7: {  	s22 =	sor.u32 $0x20, s21;
	v15 =	vld [tilespmem:s16+$0x2D40]  }
0x4c8: {  	[tilespmem:s22+$0x0] =	vst.add.f32.msk $0xffff, v17  }
0x4c9: {  	s22 =	sor.u32 $0x40, s20;
	v18 =	vld [tilespmem:s17+$0x1930]  }
0x4ca: {  	[tilespmem:s22+$0x0] =	vst.add.f32.msk $0xffff, v16  }
0x4cb: {  	v19 =	vld [tilespmem:s15+$0x2150]  }
0x4cc: {  	v16 =	vld [tilespmem:s16+$0x2D50]  }
0x4cd: {  	s22 =	sor.u32 $0x30, s21;
	v17 =	vld [tilespmem:s16+$0x2D60]  }
0x4ce: {  	[tilespmem:s22+$0x0] =	vst.add.f32.msk $0xffff, v18  }
0x4cf: {  	s22 =	sor.u32 $0x50, s20;
	v18 =	vld [tilespmem:s17+$0x1940]  }
0x4d0: {  	[tilespmem:s22+$0x0] =	vst.add.f32.msk $0xffff, v19  }
0x4d1: {  	v19 =	vld [tilespmem:s15+$0x2160]  }
0x4d2: {  	[tilespmem:s16+$0x19100] =	vst.add.f32.msk $0xffff, v11  }
0x4d3: {  	s22 =	sor.u32 $0x40, s21;
	[tilespmem:s16+$0x19110] =	vst.add.f32.msk $0xffff, v12  }
0x4d4: {  	[tilespmem:s22+$0x0] =	vst.add.f32.msk $0xffff, v18  }
0x4d5: {  	s22 =	sor.u32 $0x60, s20;
	v11 =	vld [tilespmem:s17+$0x1950]  }
0x4d6: {  	[tilespmem:s22+$0x0] =	vst.add.f32.msk $0xffff, v19  }
0x4d7: {  	v12 =	vld [tilespmem:s15+$0x2170]  }
0x4d8: {  	[tilespmem:s16+$0x19120] =	vst.add.f32.msk $0xffff, v10  }
0x4d9: {  	s22 =	sor.u32 $0x50, s21;
	[tilespmem:s16+$0x19130] =	vst.add.f32.msk $0xffff, v9  }
0x4da: {  	[tilespmem:s22+$0x0] =	vst.add.f32.msk $0xffff, v11  }
0x4db: {  	s20 =	sor.u32 $0x70, s20;
	v9 =	vld [tilespmem:s17+$0x1960]  }
0x4dc: {  	[tilespmem:s20+$0x0] =	vst.add.f32.msk $0xffff, v12  }
0x4dd: {  	v10 =	vld [tilespmem:s15+$0x2500]  }
0x4de: {  	v11 =	vld [tilespmem:s15+$0x2510]  }
0x4df: {  	s20 =	sor.u32 $0x60, s21;
	[tilespmem:s16+$0x19140] =	vst.add.f32.msk $0xffff, v8  }
0x4e0: {  	[tilespmem:s20+$0x0] =	vst.add.f32.msk $0xffff, v9  }
0x4e1: {  	s20 =	sadd.s32 $0x18D00, s15;
	v8 =	vld [tilespmem:s17+$0x1970]  }
0x4e2: {  	s22 =	sor.u32 $0x10, s20;
	[tilespmem:s15+$0x18D00] =	vst.add.f32.msk $0xffff, v10  }
0x4e3: {  	[tilespmem:s22+$0x0] =	vst.add.f32.msk $0xffff, v11  }
0x4e4: {  	v9 =	vld [tilespmem:s15+$0x2520]  }
0x4e5: {  	s21 =	sor.u32 $0x70, s21;
	[tilespmem:s16+$0x19150] =	vst.add.f32.msk $0xffff, v7  }
0x4e6: {  	[tilespmem:s21+$0x0] =	vst.add.f32.msk $0xffff, v8  }
0x4e7: {  	v7 =	vld [tilespmem:s17+$0x1D00]  }
0x4e8: {  	s21 =	sor.u32 $0x20, s20;
	v8 =	vld [tilespmem:s17+$0x1D10]  }
0x4e9: {  	[tilespmem:s21+$0x0] =	vst.add.f32.msk $0xffff, v9  }
0x4ea: {  	v9 =	vld [tilespmem:s15+$0x2530]  }
0x4eb: {  	s21 =	sadd.s32 $0x18500, s17;
	[tilespmem:s16+$0x19160] =	vst.add.f32.msk $0xffff, v5  }
0x4ec: {  	s22 =	sor.u32 $0x10, s21;
	[tilespmem:s17+$0x18500] =	vst.add.f32.msk $0xffff, v7  }
0x4ed: {  	[tilespmem:s22+$0x0] =	vst.add.f32.msk $0xffff, v8  }
0x4ee: {  	s22 =	sor.u32 $0x30, s20;
	v5 =	vld [tilespmem:s17+$0x1D20]  }
0x4ef: {  	[tilespmem:s22+$0x0] =	vst.add.f32.msk $0xffff, v9  }
0x4f0: {  	v7 =	vld [tilespmem:s15+$0x2540]  }
0x4f1: {  	[tilespmem:s16+$0x19170] =	vst.add.f32.msk $0xffff, v3  }
0x4f2: {  	s22 =	sor.u32 $0x20, s21;
	[tilespmem:s16+$0x19500] =	vst.add.f32.msk $0xffff, v6  }
0x4f3: {  	[tilespmem:s22+$0x0] =	vst.add.f32.msk $0xffff, v5  }
0x4f4: {  	s22 =	sor.u32 $0x40, s20;
	v3 =	vld [tilespmem:s17+$0x1D30]  }
0x4f5: {  	[tilespmem:s22+$0x0] =	vst.add.f32.msk $0xffff, v7  }
0x4f6: {  	v5 =	vld [tilespmem:s15+$0x2550]  }
0x4f7: {  	[tilespmem:s16+$0x19510] =	vst.add.f32.msk $0xffff, v4  }
0x4f8: {  	s22 =	sor.u32 $0x30, s21;
	[tilespmem:s16+$0x19520] =	vst.add.f32.msk $0xffff, v13  }
0x4f9: {  	[tilespmem:s22+$0x0] =	vst.add.f32.msk $0xffff, v3  }
0x4fa: {  	s22 =	sor.u32 $0x50, s20;
	v3 =	vld [tilespmem:s17+$0x1D40]  }
0x4fb: {  	[tilespmem:s22+$0x0] =	vst.add.f32.msk $0xffff, v5  }
0x4fc: {  	v4 =	vld [tilespmem:s15+$0x2560]  }
0x4fd: {  	[tilespmem:s16+$0x19530] =	vst.add.f32.msk $0xffff, v14  }
0x4fe: {  	s22 =	sor.u32 $0x40, s21;
	[tilespmem:s16+$0x19540] =	vst.add.f32.msk $0xffff, v15  }
0x4ff: {  	[tilespmem:s22+$0x0] =	vst.add.f32.msk $0xffff, v3  }
0x500: {  	s22 =	sor.u32 $0x60, s20;
	v3 =	vld [tilespmem:s17+$0x1D50]  }
0x501: {  	[tilespmem:s22+$0x0] =	vst.add.f32.msk $0xffff, v4  }
0x502: {  	v4 =	vld [tilespmem:s15+$0x2570]  }
0x503: {  	[tilespmem:s16+$0x19550] =	vst.add.f32.msk $0xffff, v16  }
0x504: {  	s22 =	sor.u32 $0x50, s21;
	[tilespmem:s16+$0x19560] =	vst.add.f32.msk $0xffff, v17;
	s16 =	smov.u32 s15;
	s15 =	smov.u32 s17  }
0x505: {  	[tilespmem:s22+$0x0] =	vst.add.f32.msk $0xffff, v3  }
0x506: {  	s17 =	sor.u32 $0x70, s20;
	v3 =	vld [tilespmem:s15+$0x1D60]  }
0x507: {  	[tilespmem:s17+$0x0] =	vst.add.f32.msk $0xffff, v4  }
0x508: {  	v4 =	vld [tilespmem:s16+$0x2D70]  }
0x509: {  	v11 =	vld [tilespmem:s16+$0x2900]  }
0x50a: {  	s17 =	sor.u32 $0x60, s21;
	v12 =	vld [tilespmem:s16+$0x2910]  }
0x50b: {  	[tilespmem:s17+$0x0] =	vst.add.f32.msk $0xffff, v3  }
0x50c: {  	v3 =	vld [tilespmem:s15+$0x1D70]  }
0x50d: {  	[tilespmem:s16+$0x19570] =	vst.add.f32.msk $0xffff, v4  }
0x50e: {  	v10 =	vld [tilespmem:s16+$0x2920]  }
0x50f: {  	v9 =	vld [tilespmem:s16+$0x2930]  }
0x510: {  	s17 =	sor.u32 $0x70, s21;
	v8 =	vld [tilespmem:s16+$0x2940]  }
0x511: {  	[tilespmem:s17+$0x0] =	vst.add.f32.msk $0xffff, v3  }
0x512: {  	v4 =	vld [tilespmem:s15+$0x2100]  }
0x513: {  	v6 =	vld [tilespmem:s15+$0x2110]  }
0x514: {  	v7 =	vld [tilespmem:s16+$0x2950]  }
0x515: {  	v5 =	vld [tilespmem:s16+$0x2960]  }
0x516: {  	s20 =	sadd.s32 $0x18900, s15;
	v3 =	vld [tilespmem:s16+$0x2970]  }
0x517: {  	s17 =	sor.u32 $0x10, s20;
	[tilespmem:s15+$0x18900] =	vst.add.f32.msk $0xffff, v4  }
.Ltmp4:
0x518: {  	s21 =	sshrl.u32 s19, $0x3;
	[tilespmem:s17+$0x0] =	vst.add.f32.msk $0xffff, v6;
	(pc) =	sbr.rel @p0 .LBB2_10-.Ltmp4, $4  }
0x519: {  	s18 =	sadd.s32 $0x80, s18;
	s17 =	smul.u32 $0x1800, s21;
	v13 =	vld [tilespmem:s15+$0x2120]  }
0x51a: {  	s21 =	sand.u32 $0x380, s18;
	v6 =	vld [tilespmem:s16+$0x2D00]  }
0x51b: {  	s17 =	sor.u32 s21, s17;
	v4 =	vld [tilespmem:s16+$0x2D10]  }
0x51c: {  	s19 =	sadd.s32 $0x1, s19;
	v14 =	vld [tilespmem:s17+$0x1900]  }
0x51d: {  	v15 =	vld [tilespmem:s17+$0x1910];
	_ =	sdelay $0x2  }
0x51e: {  	s18 =	sadd.s32 $0x18100, s17  }
0x51f: {  	s19 =	sor.u32 $0x10, s18;
	[tilespmem:s17+$0x18100] =	vst.add.f32.msk $0xffff, v14  }
0x520: {  	[tilespmem:s19+$0x0] =	vst.add.f32.msk $0xffff, v15  }
0x521: {  	v24 =	vld [tilespmem:s17+$0x1920];
	_ =	sdelay $0x3  }
0x522: {  	s23 =	sor.u32 $0x20, s18  }
0x523: {  	[tilespmem:s23+$0x0] =	vst.add.f32.msk $0xffff, v24  }
0x524: {  	v14 =	vld [tilespmem:s17+$0x1930];
	_ =	sdelay $0x3  }
0x525: {  	s24 =	sor.u32 $0x30, s18  }
0x526: {  	[tilespmem:s24+$0x0] =	vst.add.f32.msk $0xffff, v14  }
0x527: {  	v14 =	vld [tilespmem:s17+$0x1940];
	_ =	sdelay $0x3  }
0x528: {  	s25 =	sor.u32 $0x40, s18  }
0x529: {  	[tilespmem:s25+$0x0] =	vst.add.f32.msk $0xffff, v14  }
0x52a: {  	v14 =	vld [tilespmem:s17+$0x1950];
	_ =	sdelay $0x3  }
0x52b: {  	s26 =	sor.u32 $0x50, s18  }
0x52c: {  	[tilespmem:s26+$0x0] =	vst.add.f32.msk $0xffff, v14  }
0x52d: {  	v14 =	vld [tilespmem:s17+$0x1960];
	_ =	sdelay $0x3  }
0x52e: {  	s21 =	sor.u32 $0x60, s18  }
0x52f: {  	[tilespmem:s21+$0x0] =	vst.add.f32.msk $0xffff, v14  }
0x530: {  	v14 =	vld [tilespmem:s17+$0x1970];
	_ =	sdelay $0x3  }
0x531: {  	s18 =	sor.u32 $0x70, s18  }
0x532: {  	[tilespmem:s18+$0x0] =	vst.add.f32.msk $0xffff, v14  }
0x533: {  	v14 =	vld [tilespmem:s17+$0x1D00]  }
0x534: {  	v15 =	vld [tilespmem:s17+$0x1D10]  }
0x535: {  	s22 =	sor.u32 $0x20, s20  }
0x536: {  	[tilespmem:s22+$0x0] =	vst.add.f32.msk $0xffff, v13  }
0x537: {  	v13 =	vld [tilespmem:s15+$0x2130];
	s18 =	sadd.s32 $0x18500, s17  }
0x538: {  	s23 =	sor.u32 $0x10, s18;
	[tilespmem:s17+$0x18500] =	vst.add.f32.msk $0xffff, v14  }
0x539: {  	[tilespmem:s23+$0x0] =	vst.add.f32.msk $0xffff, v15  }
0x53a: {  	v25 =	vld [tilespmem:s17+$0x1D20];
	_ =	sdelay $0x1  }
0x53b: {  	s24 =	sor.u32 $0x30, s20  }
0x53c: {  	[tilespmem:s24+$0x0] =	vst.add.f32.msk $0xffff, v13  }
0x53d: {  	v13 =	vld [tilespmem:s15+$0x2140];
	s25 =	sor.u32 $0x20, s18  }
0x53e: {  	[tilespmem:s25+$0x0] =	vst.add.f32.msk $0xffff, v25  }
0x53f: {  	v14 =	vld [tilespmem:s17+$0x1D30];
	_ =	sdelay $0x1  }
0x540: {  	v26 =	vld [tilespmem:s16+$0x2D20];
	s26 =	sor.u32 $0x40, s20  }
0x541: {  	[tilespmem:s26+$0x0] =	vst.add.f32.msk $0xffff, v13  }
0x542: {  	v13 =	vld [tilespmem:s15+$0x2150];
	s21 =	sor.u32 $0x30, s18  }
0x543: {  	[tilespmem:s21+$0x0] =	vst.add.f32.msk $0xffff, v14  }
0x544: {  	v14 =	vld [tilespmem:s17+$0x1D40]  }
0x545: {  	v16 =	vld [tilespmem:s16+$0x2D30]  }
0x546: {  	v17 =	vld [tilespmem:s16+$0x2D40];
	s22 =	sor.u32 $0x50, s20  }
0x547: {  	[tilespmem:s22+$0x0] =	vst.add.f32.msk $0xffff, v13  }
0x548: {  	v13 =	vld [tilespmem:s15+$0x2160];
	s23 =	sor.u32 $0x40, s18  }
0x549: {  	[tilespmem:s23+$0x0] =	vst.add.f32.msk $0xffff, v14  }
0x54a: {  	v14 =	vld [tilespmem:s17+$0x1D50]  }
0x54b: {  	v18 =	vld [tilespmem:s16+$0x2D50]  }
0x54c: {  	v19 =	vld [tilespmem:s16+$0x2D60];
	s24 =	sor.u32 $0x60, s20  }
0x54d: {  	[tilespmem:s24+$0x0] =	vst.add.f32.msk $0xffff, v13  }
0x54e: {  	v13 =	vld [tilespmem:s15+$0x2170];
	s25 =	sor.u32 $0x50, s18  }
0x54f: {  	[tilespmem:s25+$0x0] =	vst.add.f32.msk $0xffff, v14  }
0x550: {  	v14 =	vld [tilespmem:s17+$0x1D60]  }
0x551: {  	[tilespmem:s16+$0x19100] =	vst.add.f32.msk $0xffff, v11  }
0x552: {  	[tilespmem:s16+$0x19110] =	vst.add.f32.msk $0xffff, v12;
	s26 =	sor.u32 $0x70, s20  }
0x553: {  	[tilespmem:s26+$0x0] =	vst.add.f32.msk $0xffff, v13  }
0x554: {  	s20 =	sor.u32 $0x60, s18;
	v27 =	vld [tilespmem:s15+$0x2500]  }
0x555: {  	[tilespmem:s20+$0x0] =	vst.add.f32.msk $0xffff, v14  }
0x556: {  	v28 =	vld [tilespmem:s17+$0x1D70]  }
0x557: {  	[tilespmem:s16+$0x19120] =	vst.add.f32.msk $0xffff, v10  }
0x558: {  	[tilespmem:s16+$0x19130] =	vst.add.f32.msk $0xffff, v9  }
0x559: {  	v29 =	vld [tilespmem:s15+$0x2510]  }
0x55a: {  	[tilespmem:s15+$0x18D00] =	vst.add.f32.msk $0xffff, v27;
	s18 =	sor.u32 $0x70, s18  }
0x55b: {  	[tilespmem:s18+$0x0] =	vst.add.f32.msk $0xffff, v28  }
0x55c: {  	s18 =	sadd.s32 $0x18D00, s15;
	v30 =	vld [tilespmem:s17+$0x2100]  }
0x55d: {  	s21 =	sor.u32 $0x10, s18;
	v31 =	vld [tilespmem:s17+$0x2110]  }
0x55e: {  	[tilespmem:s21+$0x0] =	vst.add.f32.msk $0xffff, v29  }
0x55f: {  	v9 =	vld [tilespmem:s15+$0x2520]  }
0x560: {  	[tilespmem:s16+$0x19140] =	vst.add.f32.msk $0xffff, v8;
	s19 =	sadd.s32 $0x18900, s17  }
0x561: {  	s22 =	sor.u32 $0x10, s19;
	[tilespmem:s17+$0x18900] =	vst.add.f32.msk $0xffff, v30  }
0x562: {  	[tilespmem:s22+$0x0] =	vst.add.f32.msk $0xffff, v31  }
0x563: {  	s23 =	sor.u32 $0x20, s18;
	v32 =	vld [tilespmem:s17+$0x2120]  }
0x564: {  	[tilespmem:s23+$0x0] =	vst.add.f32.msk $0xffff, v9  }
0x565: {  	v9 =	vld [tilespmem:s15+$0x2530]  }
0x566: {  	[tilespmem:s16+$0x19150] =	vst.add.f32.msk $0xffff, v7  }
0x567: {  	[tilespmem:s16+$0x19160] =	vst.add.f32.msk $0xffff, v5;
	s24 =	sor.u32 $0x20, s19  }
0x568: {  	[tilespmem:s24+$0x0] =	vst.add.f32.msk $0xffff, v32  }
0x569: {  	s25 =	sor.u32 $0x30, s18;
	v33 =	vld [tilespmem:s17+$0x2130]  }
0x56a: {  	[tilespmem:s25+$0x0] =	vst.add.f32.msk $0xffff, v9  }
0x56b: {  	v34 =	vld [tilespmem:s15+$0x2540]  }
0x56c: {  	[tilespmem:s16+$0x19170] =	vst.add.f32.msk $0xffff, v3  }
0x56d: {  	[tilespmem:s16+$0x19500] =	vst.add.f32.msk $0xffff, v6;
	s26 =	sor.u32 $0x30, s19  }
0x56e: {  	[tilespmem:s26+$0x0] =	vst.add.f32.msk $0xffff, v33  }
0x56f: {  	s21 =	sor.u32 $0x40, s18;
	v3 =	vld [tilespmem:s17+$0x2140]  }
0x570: {  	[tilespmem:s21+$0x0] =	vst.add.f32.msk $0xffff, v34  }
0x571: {  	v35 =	vld [tilespmem:s15+$0x2550]  }
0x572: {  	[tilespmem:s16+$0x19510] =	vst.add.f32.msk $0xffff, v4  }
0x573: {  	[tilespmem:s16+$0x19520] =	vst.add.f32.msk $0xffff, v26;
	s22 =	sor.u32 $0x40, s19  }
0x574: {  	[tilespmem:s22+$0x0] =	vst.add.f32.msk $0xffff, v3  }
0x575: {  	s23 =	sor.u32 $0x50, s18;
	v3 =	vld [tilespmem:s17+$0x2150]  }
0x576: {  	[tilespmem:s23+$0x0] =	vst.add.f32.msk $0xffff, v35  }
0x577: {  	v36 =	vld [tilespmem:s15+$0x2560]  }
0x578: {  	[tilespmem:s16+$0x19530] =	vst.add.f32.msk $0xffff, v16  }
0x579: {  	[tilespmem:s16+$0x19540] =	vst.add.f32.msk $0xffff, v17;
	s24 =	sor.u32 $0x50, s19  }
0x57a: {  	[tilespmem:s24+$0x0] =	vst.add.f32.msk $0xffff, v3  }
0x57b: {  	s25 =	sor.u32 $0x60, s18;
	v3 =	vld [tilespmem:s17+$0x2160]  }
0x57c: {  	[tilespmem:s25+$0x0] =	vst.add.f32.msk $0xffff, v36  }
0x57d: {  	v4 =	vld [tilespmem:s15+$0x2570]  }
0x57e: {  	[tilespmem:s16+$0x19550] =	vst.add.f32.msk $0xffff, v18  }
0x57f: {  	[tilespmem:s16+$0x19560] =	vst.add.f32.msk $0xffff, v19;
	s26 =	sor.u32 $0x60, s19  }
0x580: {  	[tilespmem:s26+$0x0] =	vst.add.f32.msk $0xffff, v3  }
0x581: {  	s18 =	sor.u32 $0x70, s18;
	v3 =	vld [tilespmem:s17+$0x2170]  }
0x582: {  	[tilespmem:s18+$0x0] =	vst.add.f32.msk $0xffff, v4  }
0x583: {  	v4 =	vld [tilespmem:s15+$0x2D70]  }
0x584: {  	v5 =	vld [tilespmem:s15+$0x2900]  }
0x585: {  	v37 =	vld [tilespmem:s15+$0x2910]  }
0x586: {  	v39 =	vld [tilespmem:s15+$0x2920]  }
0x587: {  	s19 =	sor.u32 $0x70, s19;
	v40 =	vld [tilespmem:s15+$0x2930]  }
0x588: {  	[tilespmem:s19+$0x0] =	vst.add.f32.msk $0xffff, v3  }
0x589: {  	v3 =	vld [tilespmem:s17+$0x2500]  }
0x58a: {  	v38 =	vld [tilespmem:s17+$0x2510]  }
0x58b: {  	v41 =	vld [tilespmem:s15+$0x2940]  }
0x58c: {  	v9 =	vld [tilespmem:s15+$0x2950]  }
0x58d: {  	s20 =	sadd.s32 $0x18D00, s17;
	v42 =	vld [tilespmem:s15+$0x2960]  }
0x58e: {  	s21 =	sor.u32 $0x10, s20;
	[tilespmem:s17+$0x18D00] =	vst.add.f32.msk $0xffff, v3  }
0x58f: {  	[tilespmem:s21+$0x0] =	vst.add.f32.msk $0xffff, v38  }
0x590: {  	v3 =	vld [tilespmem:s17+$0x2520]  }
0x591: {  	v43 =	vld [tilespmem:s15+$0x2970]  }
0x592: {  	v44 =	vld [tilespmem:s15+$0x2D00]  }
0x593: {  	v13 =	vld [tilespmem:s15+$0x2D10]  }
0x594: {  	s22 =	sor.u32 $0x20, s20;
	v45 =	vld [tilespmem:s15+$0x2D20]  }
0x595: {  	[tilespmem:s22+$0x0] =	vst.add.f32.msk $0xffff, v3  }
0x596: {  	v3 =	vld [tilespmem:s17+$0x2530]  }
0x597: {  	v46 =	vld [tilespmem:s15+$0x2D30]  }
0x598: {  	v47 =	vld [tilespmem:s15+$0x2D40]  }
0x599: {  	v48 =	vld [tilespmem:s15+$0x2D50]  }
0x59a: {  	s23 =	sor.u32 $0x30, s20;
	v49 =	vld [tilespmem:s15+$0x2D60]  }
0x59b: {  	[tilespmem:s23+$0x0] =	vst.add.f32.msk $0xffff, v3  }
0x59c: {  	v3 =	vld [tilespmem:s17+$0x2540]  }
0x59d: {  	[tilespmem:s15+$0x19570] =	vst.add.f32.msk $0xffff, v4  }
0x59e: {  	[tilespmem:s15+$0x19100] =	vst.add.f32.msk $0xffff, v5  }
0x59f: {  	[tilespmem:s15+$0x19110] =	vst.add.f32.msk $0xffff, v37  }
0x5a0: {  	s24 =	sor.u32 $0x40, s20;
	[tilespmem:s15+$0x19120] =	vst.add.f32.msk $0xffff, v39  }
0x5a1: {  	[tilespmem:s24+$0x0] =	vst.add.f32.msk $0xffff, v3  }
0x5a2: {  	v3 =	vld [tilespmem:s17+$0x2550]  }
0x5a3: {  	[tilespmem:s15+$0x19130] =	vst.add.f32.msk $0xffff, v40  }
0x5a4: {  	[tilespmem:s15+$0x19140] =	vst.add.f32.msk $0xffff, v41  }
0x5a5: {  	[tilespmem:s15+$0x19150] =	vst.add.f32.msk $0xffff, v9  }
0x5a6: {  	s25 =	sor.u32 $0x50, s20;
	[tilespmem:s15+$0x19160] =	vst.add.f32.msk $0xffff, v42  }
0x5a7: {  	[tilespmem:s25+$0x0] =	vst.add.f32.msk $0xffff, v3  }
0x5a8: {  	v3 =	vld [tilespmem:s17+$0x2560]  }
0x5a9: {  	[tilespmem:s15+$0x19170] =	vst.add.f32.msk $0xffff, v43  }
0x5aa: {  	[tilespmem:s15+$0x19500] =	vst.add.f32.msk $0xffff, v44  }
0x5ab: {  	[tilespmem:s15+$0x19510] =	vst.add.f32.msk $0xffff, v13  }
0x5ac: {  	s26 =	sor.u32 $0x60, s20;
	[tilespmem:s15+$0x19520] =	vst.add.f32.msk $0xffff, v45  }
0x5ad: {  	[tilespmem:s26+$0x0] =	vst.add.f32.msk $0xffff, v3  }
0x5ae: {  	v3 =	vld [tilespmem:s17+$0x2570]  }
0x5af: {  	[tilespmem:s15+$0x19530] =	vst.add.f32.msk $0xffff, v46  }
0x5b0: {  	[tilespmem:s15+$0x19540] =	vst.add.f32.msk $0xffff, v47  }
0x5b1: {  	[tilespmem:s15+$0x19550] =	vst.add.f32.msk $0xffff, v48  }
0x5b2: {  	s16 =	sor.u32 $0x70, s20;
	[tilespmem:s15+$0x19560] =	vst.add.f32.msk $0xffff, v49  }
0x5b3: {  	[tilespmem:s16+$0x0] =	vst.add.f32.msk $0xffff, v3  }
0x5b4: {  	v3 =	vld [tilespmem:s17+$0x2D70]  }
0x5b5: {  	v50 =	vld [tilespmem:s17+$0x2900]  }
0x5b6: {  	v51 =	vld [tilespmem:s17+$0x2910]  }
0x5b7: {  	v52 =	vld [tilespmem:s17+$0x2930]  }
0x5b8: {  	v53 =	vld [tilespmem:s17+$0x2940]  }
0x5b9: {  	v54 =	vld [tilespmem:s17+$0x2950]  }
0x5ba: {  	v55 =	vld [tilespmem:s17+$0x2960]  }
0x5bb: {  	v56 =	vld [tilespmem:s17+$0x2970]  }
0x5bc: {  	v57 =	vld [tilespmem:s17+$0x2D00]  }
0x5bd: {  	v58 =	vld [tilespmem:s17+$0x2D10]  }
0x5be: {  	v59 =	vld [tilespmem:s17+$0x2D20]  }
0x5bf: {  	v60 =	vld [tilespmem:s17+$0x2D30]  }
0x5c0: {  	v61 =	vld [tilespmem:s17+$0x2D40]  }
0x5c1: {  	v62 =	vld [tilespmem:s17+$0x2D50]  }
0x5c2: {  	v63 =	vld [tilespmem:s17+$0x2D60]  }
0x5c3: {  	[tilespmem:s17+$0x19570] =	vst.add.f32.msk $0xffff, v3  }
0x5c4: {  	v3 =	vld [tilespmem:s17+$0x2920]  }
0x5c5: {  	[tilespmem:s17+$0x19100] =	vst.add.f32.msk $0xffff, v50  }
0x5c6: {  	[tilespmem:s17+$0x19110] =	vst.add.f32.msk $0xffff, v51  }
0x5c7: {  	[tilespmem:s17+$0x19130] =	vst.add.f32.msk $0xffff, v52  }
0x5c8: {  	[tilespmem:s17+$0x19140] =	vst.add.f32.msk $0xffff, v53  }
0x5c9: {  	[tilespmem:s17+$0x19150] =	vst.add.f32.msk $0xffff, v54  }
0x5ca: {  	[tilespmem:s17+$0x19160] =	vst.add.f32.msk $0xffff, v55  }
0x5cb: {  	s10 =	sshrl.u32 s10, $0x5;
	[tilespmem:s17+$0x19170] =	vst.add.f32.msk $0xffff, v56  }
0x5cc: {  	s10 =	smul.u32 $0x28, s10;
	[tilespmem:s17+$0x19500] =	vst.add.f32.msk $0xffff, v57  }
0x5cd: {  	s14 =	smul.u32 $0xC8, s14;
	[tilespmem:s17+$0x19510] =	vst.add.f32.msk $0xffff, v58  }
0x5ce: {  	s10 =	sadd.s32 s5, s10;
	[tilespmem:s17+$0x19520] =	vst.add.f32.msk $0xffff, v59  }
0x5cf: {  	p0 =	seq.s32 s0, $0x34;
	s10 =	sadd.s32 s14, s10;
	[tilespmem:s17+$0x19530] =	vst.add.f32.msk $0xffff, v60  }
.Ltmp5:
0x5d0: {  	s10 =	sshrl.u32 s10, $0x3;
	[tilespmem:s17+$0x19540] =	vst.add.f32.msk $0xffff, v61;
	(pc) =	sbr.rel @p0 .LBB2_13-.Ltmp5, $4  }
0x5d1: {  	s10 =	smul.u32 $0x300, s10;
	[tilespmem:s17+$0x19550] =	vst.add.f32.msk $0xffff, v62  }
0x5d2: {  	[tilespmem:s17+$0x19560] =	vst.add.f32.msk $0xffff, v63  }
0x5d3: {  	s10 =	sadd.s32 s3, s10;
	[tilespmem:s17+$0x19120] =	vst.add.f32.msk $0xffff, v3  }
0x5d4: {  	[hbm4b:s10+s4] =	stream.linear.scatter [tilespmem:s11], [sflag:$0x6], $0x7800, $0x38;
	[tilespmem:$0x1F900] =	vst v63  }
0x5d5: {  	s7 =	sadd.s32 $0x4, s7  }
0x5d6: {  	s10 =	sand.u32 $0x1F, s7  }
0x5d7: {  	s7 =	sshrl.u32 s7, $0x5;
	s10 =	smul.u32 $0x320, s10  }
0x5d8: {  	s7 =	smul.u32 $0xA0, s7  }
0x5d9: {  	_ =	swait.ge [sflag:s1], $0x7800  }
0x5da: {  	[sflag:s1] =	ssyncset.done $0x0;
	s10 =	sshrl.u32 s10, $0x2;
	s7 =	sshra.s32 s7, $0x2  }
0x5db: {  	[sflag:s1] =	ssyncadd.s32 $0xFFFF8800;
	s7 =	sadd.s32 s7, s10  }
0x5dc: {  	v3 =	vld [tilespmem:s7+$0x0];
	_ =	sdelay $0x4  }
0x5dd: {  	v4 =	vshrl.u32 v3, $0x3  }
0x5de: {  	v4 =	vmul.u32 $0x30, v4  }
0x5df: {  	v3 =	vand.u32 $0x7, v3  }
0x5e0: {  	v3 =	vor.u32 v3, v4  }
0x5e1: {  	v4 =	vperm.xlane v3, v0;
	_ =	sdelay $0x1  }
0x5e2: {  	v4 =	vadd.s32 v1, v4;
	_ =	sdelay $0x3  }
0x5e3: {  	v3 =	vperm.xlane v3, v2  }
0x5e4: {  	[tilespmem:s29], [sflag:$0x2] =	stream.indirect_vreg.gather [hbm4b:s2+s4], $0x80, v4, vm0, $0xb8;
	[tilespmem:$0x1F900] =	vst v63  }
0x5e5: {  	s26 =	simm.s32 $0x11100;
	v3 =	vadd.s32 v1, v3  }
0x5e6: {  	[tilespmem:s26], [sflag:$0x2] =	stream.indirect_vreg.gather [hbm4b:s8+s4], $0x80, v4, vm0, $0xb8;
	[tilespmem:$0x1F900] =	vst v63  }
0x5e7: {  	s14 =	simm.s32 $0x11900  }
0x5e8: {  	[tilespmem:s14], [sflag:$0x2] =	stream.indirect_vreg.gather [hbm4b:s9+s4], $0x80, v4, vm0, $0xb8;
	[tilespmem:$0x1F900] =	vst v63  }
0x5e9: {  	s15 =	simm.s32 $0x12100  }
0x5ea: {  	[tilespmem:s15], [sflag:$0x2] =	stream.indirect_vreg.gather [hbm4b:s2+s4], $0x80, v3, vm0, $0xb8;
	[tilespmem:$0x1F900] =	vst v63  }
0x5eb: {  	s16 =	simm.s32 $0x12900  }
0x5ec: {  	[tilespmem:s16], [sflag:$0x2] =	stream.indirect_vreg.gather [hbm4b:s8+s4], $0x80, v3, vm0, $0xb8;
	[tilespmem:$0x1F900] =	vst v63  }
0x5ed: {  	s17 =	simm.s32 $0x13100  }
0x5ee: {  	[tilespmem:s17], [sflag:$0x2] =	stream.indirect_vreg.gather [hbm4b:s9+s4], $0x80, v3, vm0, $0xb8;
	[tilespmem:$0x1F900] =	vst v63  }
0x5ef: {  	v3 =	vld [tilespmem:s7+$0x10];
	_ =	sdelay $0x4  }
0x5f0: {  	v62 =	vshrl.u32 v3, $0x3  }
0x5f1: {  	v4 =	vmul.u32 $0x30, v62  }
0x5f2: {  	v3 =	vand.u32 $0x7, v3  }
0x5f3: {  	v3 =	vor.u32 v3, v4  }
0x5f4: {  	v4 =	vperm.xlane v3, v0;
	_ =	sdelay $0x1  }
0x5f5: {  	v4 =	vadd.s32 v1, v4;
	_ =	sdelay $0x3  }
0x5f6: {  	s18 =	simm.s32 $0x13900;
	v3 =	vperm.xlane v3, v2  }
0x5f7: {  	[tilespmem:s18], [sflag:$0x2] =	stream.indirect_vreg.gather [hbm4b:s2+s4], $0x80, v4, vm0, $0xb8;
	[tilespmem:$0x1F900] =	vst v63  }
0x5f8: {  	s19 =	simm.s32 $0x14100;
	v3 =	vadd.s32 v1, v3  }
0x5f9: {  	[tilespmem:s19], [sflag:$0x2] =	stream.indirect_vreg.gather [hbm4b:s8+s4], $0x80, v4, vm0, $0xb8;
	[tilespmem:$0x1F900] =	vst v63  }
0x5fa: {  	s20 =	simm.s32 $0x14900  }
0x5fb: {  	[tilespmem:s20], [sflag:$0x2] =	stream.indirect_vreg.gather [hbm4b:s9+s4], $0x80, v4, vm0, $0xb8;
	[tilespmem:$0x1F900] =	vst v63  }
0x5fc: {  	s21 =	simm.s32 $0x15100  }
0x5fd: {  	[tilespmem:s21], [sflag:$0x2] =	stream.indirect_vreg.gather [hbm4b:s2+s4], $0x80, v3, vm0, $0xb8;
	[tilespmem:$0x1F900] =	vst v63  }
0x5fe: {  	s22 =	simm.s32 $0x15900  }
0x5ff: {  	[tilespmem:s22], [sflag:$0x2] =	stream.indirect_vreg.gather [hbm4b:s8+s4], $0x80, v3, vm0, $0xb8;
	[tilespmem:$0x1F900] =	vst v63  }
0x600: {  	s23 =	simm.s32 $0x16100  }
0x601: {  	[tilespmem:s23], [sflag:$0x2] =	stream.indirect_vreg.gather [hbm4b:s9+s4], $0x80, v3, vm0, $0xb8;
	[tilespmem:$0x1F900] =	vst v63  }
0x602: {  	v3 =	vld.msk [tilespmem:s7+$0x20], $0xff;
	_ =	sdelay $0x4  }
0x603: {  	v63 =	vshrl.u32 v3, $0x3  }
0x604: {  	v4 =	vmul.u32 $0x30, v63  }
0x605: {  	v3 =	vand.u32 $0x7, v3  }
0x606: {  	v3 =	vor.u32 v3, v4  }
0x607: {  	v3 =	vperm.xlane v3, v0;
	_ =	sdelay $0x1  }
0x608: {  	v3 =	vadd.s32 v1, v3;
	_ =	sdelay $0x3  }
0x609: {  	s24 =	simm.s32 $0x16900  }
0x60a: {  	[tilespmem:s24], [sflag:$0x2] =	stream.indirect_vreg.gather [hbm4b:s2+s4], $0x80, v3, vm0, $0xb8;
	[tilespmem:$0x1F900] =	vst v63  }
.Ltmp6:
0x60b: {  	_ = 	snop;
	(pc) =	sbr.rel .LBB2_2-.Ltmp6, $4  }
0x60c: {  	s25 =	simm.s32 $0x17100  }
0x60d: {  	[tilespmem:s25], [sflag:$0x2] =	stream.indirect_vreg.gather [hbm4b:s8+s4], $0x80, v3, vm0, $0xb8;
	[tilespmem:$0x1F900] =	vst v63  }
0x60e: {  	s0 =	sadd.s32 $0x1, s0;
	s26 =	simm.s32 $0x17900  }
0x60f: {  	[tilespmem:s26], [sflag:$0x2] =	stream.indirect_vreg.gather [hbm4b:s9+s4], $0x80, v3, vm0, $0xb8;
	[tilespmem:$0x1F900] =	vst v63  }
.LBB2_13:
0x610: {  	s7 =	simm.s32 $0x0;
	s14 =	simm.s32 $0x1  }
0x611: {  	s0 =	simm.s32 $0x0;
	_ =	swait.ge [sflag:s14], $0x7800;
	s7 =	smul.u32 $0x1800, s7  }
0x612: {  	s10 =	sand.u32 $0x380, s0;
	[sflag:s14] =	ssyncset.done $0x0  }
0x613: {  	[sflag:s14] =	ssyncadd.s32 $0xFFFF8800;
	s7 =	sor.u32 s10, s7  }
0x614: {  	v3 =	vld [tilespmem:s7+$0x2D70]  }
0x615: {  	v6 =	vld [tilespmem:s7+$0x1900]  }
0x616: {  	v7 =	vld [tilespmem:s7+$0x1910]  }
0x617: {  	v8 =	vld [tilespmem:s7+$0x1920]  }
0x618: {  	v9 =	vld [tilespmem:s7+$0x1930]  }
0x619: {  	v10 =	vld [tilespmem:s7+$0x1940]  }
0x61a: {  	v11 =	vld [tilespmem:s7+$0x1950]  }
0x61b: {  	v12 =	vld [tilespmem:s7+$0x1960]  }
0x61c: {  	v13 =	vld [tilespmem:s7+$0x1970]  }
0x61d: {  	v14 =	vld [tilespmem:s7+$0x1D00]  }
0x61e: {  	v15 =	vld [tilespmem:s7+$0x1D10]  }
0x61f: {  	v16 =	vld [tilespmem:s7+$0x1D20]  }
0x620: {  	v17 =	vld [tilespmem:s7+$0x1D30]  }
0x621: {  	v18 =	vld [tilespmem:s7+$0x1D40]  }
0x622: {  	v19 =	vld [tilespmem:s7+$0x1D50]  }
0x623: {  	v20 =	vld [tilespmem:s7+$0x1D60]  }
0x624: {  	v21 =	vld [tilespmem:s7+$0x1D70]  }
0x625: {  	v22 =	vld [tilespmem:s7+$0x2100]  }
0x626: {  	v23 =	vld [tilespmem:s7+$0x2110]  }
0x627: {  	v24 =	vld [tilespmem:s7+$0x2120]  }
0x628: {  	v25 =	vld [tilespmem:s7+$0x2130]  }
0x629: {  	v26 =	vld [tilespmem:s7+$0x2140]  }
0x62a: {  	v27 =	vld [tilespmem:s7+$0x2150]  }
0x62b: {  	v28 =	vld [tilespmem:s7+$0x2160]  }
0x62c: {  	v29 =	vld [tilespmem:s7+$0x2170]  }
0x62d: {  	v30 =	vld [tilespmem:s7+$0x2500]  }
0x62e: {  	v31 =	vld [tilespmem:s7+$0x2510]  }
0x62f: {  	v32 =	vld [tilespmem:s7+$0x2520]  }
0x630: {  	v33 =	vld [tilespmem:s7+$0x2530]  }
0x631: {  	v34 =	vld [tilespmem:s7+$0x2540]  }
0x632: {  	v35 =	vld [tilespmem:s7+$0x2550]  }
0x633: {  	v36 =	vld [tilespmem:s7+$0x2560]  }
0x634: {  	v37 =	vld [tilespmem:s7+$0x2570]  }
0x635: {  	v38 =	vld [tilespmem:s7+$0x2900]  }
0x636: {  	v39 =	vld [tilespmem:s7+$0x2910]  }
0x637: {  	v40 =	vld [tilespmem:s7+$0x2920]  }
0x638: {  	v41 =	vld [tilespmem:s7+$0x2930]  }
0x639: {  	v42 =	vld [tilespmem:s7+$0x2940]  }
0x63a: {  	v43 =	vld [tilespmem:s7+$0x2950]  }
0x63b: {  	v44 =	vld [tilespmem:s7+$0x2960]  }
0x63c: {  	v45 =	vld [tilespmem:s7+$0x2970]  }
0x63d: {  	v46 =	vld [tilespmem:s7+$0x2D00]  }
0x63e: {  	v47 =	vld [tilespmem:s7+$0x2D10]  }
0x63f: {  	v48 =	vld [tilespmem:s7+$0x2D20]  }
0x640: {  	v49 =	vld [tilespmem:s7+$0x2D30]  }
0x641: {  	v5 =	vld [tilespmem:s7+$0x2D40]  }
0x642: {  	v4 =	vld [tilespmem:s7+$0x2D50]  }
0x643: {  	[tilespmem:s7+$0xA570] =	vst.add.f32.msk $0xffff, v3  }
0x644: {  	v3 =	vld [tilespmem:s7+$0x2D60]  }
0x645: {  	[tilespmem:s7+$0x9100] =	vst.add.f32.msk $0xffff, v6  }
0x646: {  	[tilespmem:s7+$0x9110] =	vst.add.f32.msk $0xffff, v7  }
0x647: {  	[tilespmem:s7+$0x9120] =	vst.add.f32.msk $0xffff, v8  }
0x648: {  	[tilespmem:s7+$0x9130] =	vst.add.f32.msk $0xffff, v9  }
0x649: {  	[tilespmem:s7+$0x9140] =	vst.add.f32.msk $0xffff, v10  }
0x64a: {  	[tilespmem:s7+$0x9150] =	vst.add.f32.msk $0xffff, v11  }
0x64b: {  	[tilespmem:s7+$0x9160] =	vst.add.f32.msk $0xffff, v12  }
0x64c: {  	[tilespmem:s7+$0x9170] =	vst.add.f32.msk $0xffff, v13  }
0x64d: {  	[tilespmem:s7+$0x9500] =	vst.add.f32.msk $0xffff, v14  }
0x64e: {  	[tilespmem:s7+$0x9510] =	vst.add.f32.msk $0xffff, v15  }
0x64f: {  	[tilespmem:s7+$0x9520] =	vst.add.f32.msk $0xffff, v16  }
0x650: {  	[tilespmem:s7+$0x9530] =	vst.add.f32.msk $0xffff, v17  }
0x651: {  	[tilespmem:s7+$0x9540] =	vst.add.f32.msk $0xffff, v18  }
0x652: {  	[tilespmem:s7+$0x9550] =	vst.add.f32.msk $0xffff, v19  }
0x653: {  	[tilespmem:s7+$0x9560] =	vst.add.f32.msk $0xffff, v20  }
0x654: {  	[tilespmem:s7+$0x9570] =	vst.add.f32.msk $0xffff, v21  }
0x655: {  	[tilespmem:s7+$0x9900] =	vst.add.f32.msk $0xffff, v22  }
0x656: {  	[tilespmem:s7+$0x9910] =	vst.add.f32.msk $0xffff, v23  }
0x657: {  	[tilespmem:s7+$0x9920] =	vst.add.f32.msk $0xffff, v24  }
0x658: {  	[tilespmem:s7+$0x9930] =	vst.add.f32.msk $0xffff, v25  }
0x659: {  	[tilespmem:s7+$0x9940] =	vst.add.f32.msk $0xffff, v26  }
0x65a: {  	[tilespmem:s7+$0x9950] =	vst.add.f32.msk $0xffff, v27  }
0x65b: {  	[tilespmem:s7+$0x9960] =	vst.add.f32.msk $0xffff, v28  }
0x65c: {  	[tilespmem:s7+$0x9970] =	vst.add.f32.msk $0xffff, v29  }
0x65d: {  	[tilespmem:s7+$0x9D00] =	vst.add.f32.msk $0xffff, v30  }
0x65e: {  	[tilespmem:s7+$0x9D10] =	vst.add.f32.msk $0xffff, v31  }
0x65f: {  	[tilespmem:s7+$0x9D20] =	vst.add.f32.msk $0xffff, v32  }
0x660: {  	[tilespmem:s7+$0x9D30] =	vst.add.f32.msk $0xffff, v33  }
0x661: {  	[tilespmem:s7+$0x9D40] =	vst.add.f32.msk $0xffff, v34  }
0x662: {  	[tilespmem:s7+$0x9D50] =	vst.add.f32.msk $0xffff, v35  }
0x663: {  	[tilespmem:s7+$0x9D60] =	vst.add.f32.msk $0xffff, v36  }
0x664: {  	[tilespmem:s7+$0x9D70] =	vst.add.f32.msk $0xffff, v37  }
0x665: {  	[tilespmem:s7+$0xA100] =	vst.add.f32.msk $0xffff, v38  }
0x666: {  	[tilespmem:s7+$0xA110] =	vst.add.f32.msk $0xffff, v39  }
0x667: {  	[tilespmem:s7+$0xA120] =	vst.add.f32.msk $0xffff, v40  }
0x668: {  	[tilespmem:s7+$0xA130] =	vst.add.f32.msk $0xffff, v41  }
0x669: {  	[tilespmem:s7+$0xA140] =	vst.add.f32.msk $0xffff, v42  }
0x66a: {  	[tilespmem:s7+$0xA150] =	vst.add.f32.msk $0xffff, v43  }
0x66b: {  	[tilespmem:s7+$0xA160] =	vst.add.f32.msk $0xffff, v44  }
0x66c: {  	[tilespmem:s7+$0xA170] =	vst.add.f32.msk $0xffff, v45  }
0x66d: {  	[tilespmem:s7+$0xA500] =	vst.add.f32.msk $0xffff, v46  }
0x66e: {  	[tilespmem:s7+$0xA510] =	vst.add.f32.msk $0xffff, v47  }
0x66f: {  	[tilespmem:s7+$0xA520] =	vst.add.f32.msk $0xffff, v48  }
0x670: {  	s14 =	simm.s32 $0x0;
	s10 =	simm.s32 $0x2;
	[tilespmem:s7+$0xA530] =	vst.add.f32.msk $0xffff, v49  }
.LBB2_14:
0x671: {  	p0 =	sne.s32 s10, $0x27;
	s14 =	smul.u32 $0x1800, s14;
	[tilespmem:s7+$0xA540] =	vst.add.f32.msk $0xffff, v5;
	s0 =	sadd.s32 $0x80, s0  }
0x672: {  	s15 =	sand.u32 $0x380, s0;
	[tilespmem:s7+$0xA550] =	vst.add.f32.msk $0xffff, v4  }
0x673: {  	[tilespmem:s7+$0xA560] =	vst.add.f32.msk $0xffff, v3;
	s7 =	sor.u32 s15, s14  }
0x674: {  	v3 =	vld [tilespmem:s7+$0x2D70]  }
0x675: {  	v6 =	vld [tilespmem:s7+$0x1900]  }
0x676: {  	v7 =	vld [tilespmem:s7+$0x1910]  }
0x677: {  	v8 =	vld [tilespmem:s7+$0x1920]  }
0x678: {  	v9 =	vld [tilespmem:s7+$0x1930]  }
0x679: {  	[tilespmem:s7+$0xA570] =	vst.add.f32.msk $0xffff, v3  }
0x67a: {  	v10 =	vld [tilespmem:s7+$0x1940]  }
0x67b: {  	v11 =	vld [tilespmem:s7+$0x1950]  }
0x67c: {  	v12 =	vld [tilespmem:s7+$0x1960]  }
0x67d: {  	v13 =	vld [tilespmem:s7+$0x1970]  }
0x67e: {  	v14 =	vld [tilespmem:s7+$0x1D00]  }
0x67f: {  	v15 =	vld [tilespmem:s7+$0x1D10]  }
0x680: {  	v16 =	vld [tilespmem:s7+$0x1D20]  }
0x681: {  	v17 =	vld [tilespmem:s7+$0x1D30]  }
0x682: {  	v18 =	vld [tilespmem:s7+$0x1D40]  }
0x683: {  	v19 =	vld [tilespmem:s7+$0x1D50]  }
0x684: {  	v20 =	vld [tilespmem:s7+$0x1D60]  }
0x685: {  	v21 =	vld [tilespmem:s7+$0x1D70]  }
0x686: {  	v22 =	vld [tilespmem:s7+$0x2100]  }
0x687: {  	v23 =	vld [tilespmem:s7+$0x2110]  }
0x688: {  	v24 =	vld [tilespmem:s7+$0x2120]  }
0x689: {  	v25 =	vld [tilespmem:s7+$0x2130]  }
0x68a: {  	v26 =	vld [tilespmem:s7+$0x2140]  }
0x68b: {  	v27 =	vld [tilespmem:s7+$0x2150]  }
0x68c: {  	v28 =	vld [tilespmem:s7+$0x2160]  }
0x68d: {  	v29 =	vld [tilespmem:s7+$0x2170]  }
0x68e: {  	v30 =	vld [tilespmem:s7+$0x2500]  }
0x68f: {  	v31 =	vld [tilespmem:s7+$0x2510]  }
0x690: {  	v32 =	vld [tilespmem:s7+$0x2520]  }
0x691: {  	v33 =	vld [tilespmem:s7+$0x2530]  }
0x692: {  	v34 =	vld [tilespmem:s7+$0x2540]  }
0x693: {  	v35 =	vld [tilespmem:s7+$0x2550]  }
0x694: {  	v36 =	vld [tilespmem:s7+$0x2560]  }
0x695: {  	v37 =	vld [tilespmem:s7+$0x2570]  }
0x696: {  	v38 =	vld [tilespmem:s7+$0x2900]  }
0x697: {  	v39 =	vld [tilespmem:s7+$0x2910]  }
0x698: {  	v40 =	vld [tilespmem:s7+$0x2920]  }
0x699: {  	v41 =	vld [tilespmem:s7+$0x2930]  }
0x69a: {  	v42 =	vld [tilespmem:s7+$0x2940]  }
0x69b: {  	v43 =	vld [tilespmem:s7+$0x2950]  }
0x69c: {  	v44 =	vld [tilespmem:s7+$0x2960]  }
0x69d: {  	v45 =	vld [tilespmem:s7+$0x2970]  }
0x69e: {  	v46 =	vld [tilespmem:s7+$0x2D00]  }
0x69f: {  	v47 =	vld [tilespmem:s7+$0x2D10]  }
0x6a0: {  	v48 =	vld [tilespmem:s7+$0x2D20]  }
0x6a1: {  	v49 =	vld [tilespmem:s7+$0x2D30]  }
0x6a2: {  	v5 =	vld [tilespmem:s7+$0x2D40]  }
0x6a3: {  	v4 =	vld [tilespmem:s7+$0x2D50]  }
0x6a4: {  	v3 =	vld [tilespmem:s7+$0x2D60]  }
0x6a5: {  	[tilespmem:s7+$0x9100] =	vst.add.f32.msk $0xffff, v6  }
0x6a6: {  	[tilespmem:s7+$0x9110] =	vst.add.f32.msk $0xffff, v7  }
0x6a7: {  	[tilespmem:s7+$0x9120] =	vst.add.f32.msk $0xffff, v8  }
0x6a8: {  	[tilespmem:s7+$0x9130] =	vst.add.f32.msk $0xffff, v9  }
0x6a9: {  	[tilespmem:s7+$0x9140] =	vst.add.f32.msk $0xffff, v10  }
0x6aa: {  	[tilespmem:s7+$0x9150] =	vst.add.f32.msk $0xffff, v11  }
0x6ab: {  	[tilespmem:s7+$0x9160] =	vst.add.f32.msk $0xffff, v12  }
0x6ac: {  	[tilespmem:s7+$0x9170] =	vst.add.f32.msk $0xffff, v13  }
0x6ad: {  	[tilespmem:s7+$0x9500] =	vst.add.f32.msk $0xffff, v14  }
0x6ae: {  	[tilespmem:s7+$0x9510] =	vst.add.f32.msk $0xffff, v15  }
0x6af: {  	[tilespmem:s7+$0x9520] =	vst.add.f32.msk $0xffff, v16  }
0x6b0: {  	[tilespmem:s7+$0x9530] =	vst.add.f32.msk $0xffff, v17  }
0x6b1: {  	[tilespmem:s7+$0x9540] =	vst.add.f32.msk $0xffff, v18  }
0x6b2: {  	[tilespmem:s7+$0x9550] =	vst.add.f32.msk $0xffff, v19  }
0x6b3: {  	[tilespmem:s7+$0x9560] =	vst.add.f32.msk $0xffff, v20  }
0x6b4: {  	[tilespmem:s7+$0x9570] =	vst.add.f32.msk $0xffff, v21  }
0x6b5: {  	[tilespmem:s7+$0x9900] =	vst.add.f32.msk $0xffff, v22  }
0x6b6: {  	[tilespmem:s7+$0x9910] =	vst.add.f32.msk $0xffff, v23  }
0x6b7: {  	[tilespmem:s7+$0x9920] =	vst.add.f32.msk $0xffff, v24  }
0x6b8: {  	[tilespmem:s7+$0x9930] =	vst.add.f32.msk $0xffff, v25  }
0x6b9: {  	[tilespmem:s7+$0x9940] =	vst.add.f32.msk $0xffff, v26  }
0x6ba: {  	[tilespmem:s7+$0x9950] =	vst.add.f32.msk $0xffff, v27  }
0x6bb: {  	[tilespmem:s7+$0x9960] =	vst.add.f32.msk $0xffff, v28  }
0x6bc: {  	[tilespmem:s7+$0x9970] =	vst.add.f32.msk $0xffff, v29  }
0x6bd: {  	[tilespmem:s7+$0x9D00] =	vst.add.f32.msk $0xffff, v30  }
0x6be: {  	[tilespmem:s7+$0x9D10] =	vst.add.f32.msk $0xffff, v31  }
0x6bf: {  	[tilespmem:s7+$0x9D20] =	vst.add.f32.msk $0xffff, v32  }
0x6c0: {  	[tilespmem:s7+$0x9D30] =	vst.add.f32.msk $0xffff, v33  }
0x6c1: {  	[tilespmem:s7+$0x9D40] =	vst.add.f32.msk $0xffff, v34  }
0x6c2: {  	[tilespmem:s7+$0x9D50] =	vst.add.f32.msk $0xffff, v35  }
0x6c3: {  	[tilespmem:s7+$0x9D60] =	vst.add.f32.msk $0xffff, v36  }
0x6c4: {  	[tilespmem:s7+$0x9D70] =	vst.add.f32.msk $0xffff, v37  }
0x6c5: {  	[tilespmem:s7+$0xA100] =	vst.add.f32.msk $0xffff, v38  }
0x6c6: {  	[tilespmem:s7+$0xA110] =	vst.add.f32.msk $0xffff, v39  }
0x6c7: {  	[tilespmem:s7+$0xA120] =	vst.add.f32.msk $0xffff, v40  }
0x6c8: {  	[tilespmem:s7+$0xA130] =	vst.add.f32.msk $0xffff, v41  }
0x6c9: {  	[tilespmem:s7+$0xA140] =	vst.add.f32.msk $0xffff, v42  }
0x6ca: {  	[tilespmem:s7+$0xA150] =	vst.add.f32.msk $0xffff, v43  }
0x6cb: {  	[tilespmem:s7+$0xA160] =	vst.add.f32.msk $0xffff, v44  }
.Ltmp7:
0x6cc: {  	[tilespmem:s7+$0xA170] =	vst.add.f32.msk $0xffff, v45;
	(pc) =	sbr.rel @p0 .LBB2_14-.Ltmp7, $4  }
0x6cd: {  	[tilespmem:s7+$0xA500] =	vst.add.f32.msk $0xffff, v46  }
0x6ce: {  	[tilespmem:s7+$0xA510] =	vst.add.f32.msk $0xffff, v47  }
0x6cf: {  	[tilespmem:s7+$0xA520] =	vst.add.f32.msk $0xffff, v48  }
0x6d0: {  	s14 =	sshrl.u32 s10, $0x3;
	s10 =	sadd.s32 $0x1, s10;
	[tilespmem:s7+$0xA530] =	vst.add.f32.msk $0xffff, v49  }
0x6d1: {  	s10 =	smul.u32 $0x1800, s14;
	[tilespmem:s7+$0xA540] =	vst.add.f32.msk $0xffff, v5;
	s0 =	sadd.s32 $0x80, s0  }
0x6d2: {  	[tilespmem:s7+$0xA550] =	vst.add.f32.msk $0xffff, v4;
	s0 =	sand.u32 $0x380, s0  }
0x6d3: {  	[tilespmem:s7+$0xA560] =	vst.add.f32.msk $0xffff, v3;
	s0 =	sor.u32 s0, s10  }
0x6d4: {  	v3 =	vld [tilespmem:s0+$0x2D70]  }
0x6d5: {  	v62 =	vld [tilespmem:s0+$0x1900]  }
0x6d6: {  	v63 =	vld [tilespmem:s0+$0x1910]  }
0x6d7: {  	v6 =	vld [tilespmem:s0+$0x1920]  }
0x6d8: {  	v7 =	vld [tilespmem:s0+$0x1930]  }
0x6d9: {  	v8 =	vld [tilespmem:s0+$0x1950]  }
0x6da: {  	v9 =	vld [tilespmem:s0+$0x1960]  }
0x6db: {  	v10 =	vld [tilespmem:s0+$0x1970]  }
0x6dc: {  	v11 =	vld [tilespmem:s0+$0x1D00]  }
0x6dd: {  	v12 =	vld [tilespmem:s0+$0x1D10]  }
0x6de: {  	v13 =	vld [tilespmem:s0+$0x1D20]  }
0x6df: {  	v14 =	vld [tilespmem:s0+$0x1D30]  }
0x6e0: {  	v15 =	vld [tilespmem:s0+$0x1D40]  }
0x6e1: {  	v16 =	vld [tilespmem:s0+$0x1D50]  }
0x6e2: {  	v17 =	vld [tilespmem:s0+$0x1D60]  }
0x6e3: {  	v18 =	vld [tilespmem:s0+$0x1D70]  }
0x6e4: {  	v19 =	vld [tilespmem:s0+$0x2100]  }
0x6e5: {  	v20 =	vld [tilespmem:s0+$0x2110]  }
0x6e6: {  	v21 =	vld [tilespmem:s0+$0x2120]  }
0x6e7: {  	v22 =	vld [tilespmem:s0+$0x2130]  }
0x6e8: {  	v23 =	vld [tilespmem:s0+$0x2140]  }
0x6e9: {  	v24 =	vld [tilespmem:s0+$0x2150]  }
0x6ea: {  	v25 =	vld [tilespmem:s0+$0x2160]  }
0x6eb: {  	v26 =	vld [tilespmem:s0+$0x2170]  }
0x6ec: {  	v27 =	vld [tilespmem:s0+$0x2500]  }
0x6ed: {  	v28 =	vld [tilespmem:s0+$0x2510]  }
0x6ee: {  	v29 =	vld [tilespmem:s0+$0x2520]  }
0x6ef: {  	v30 =	vld [tilespmem:s0+$0x2530]  }
0x6f0: {  	v31 =	vld [tilespmem:s0+$0x2540]  }
0x6f1: {  	v32 =	vld [tilespmem:s0+$0x2550]  }
0x6f2: {  	v33 =	vld [tilespmem:s0+$0x2560]  }
0x6f3: {  	v34 =	vld [tilespmem:s0+$0x2570]  }
0x6f4: {  	v35 =	vld [tilespmem:s0+$0x2900]  }
0x6f5: {  	v36 =	vld [tilespmem:s0+$0x2910]  }
0x6f6: {  	v37 =	vld [tilespmem:s0+$0x2920]  }
0x6f7: {  	v38 =	vld [tilespmem:s0+$0x2930]  }
0x6f8: {  	v39 =	vld [tilespmem:s0+$0x2940]  }
0x6f9: {  	v40 =	vld [tilespmem:s0+$0x2950]  }
0x6fa: {  	v41 =	vld [tilespmem:s0+$0x2960]  }
0x6fb: {  	v42 =	vld [tilespmem:s0+$0x2970]  }
0x6fc: {  	v43 =	vld [tilespmem:s0+$0x2D00]  }
0x6fd: {  	v44 =	vld [tilespmem:s0+$0x2D10]  }
0x6fe: {  	v45 =	vld [tilespmem:s0+$0x2D20]  }
0x6ff: {  	v46 =	vld [tilespmem:s0+$0x2D30]  }
0x700: {  	v47 =	vld [tilespmem:s0+$0x2D40]  }
0x701: {  	v48 =	vld [tilespmem:s0+$0x2D50]  }
0x702: {  	v49 =	vld [tilespmem:s0+$0x2D60]  }
0x703: {  	[tilespmem:s0+$0xA570] =	vst.add.f32.msk $0xffff, v3  }
0x704: {  	v3 =	vld [tilespmem:s0+$0x1940]  }
0x705: {  	[tilespmem:s0+$0x9100] =	vst.add.f32.msk $0xffff, v62  }
0x706: {  	[tilespmem:s0+$0x9110] =	vst.add.f32.msk $0xffff, v63  }
0x707: {  	[tilespmem:s0+$0x9120] =	vst.add.f32.msk $0xffff, v6  }
0x708: {  	[tilespmem:s0+$0x9130] =	vst.add.f32.msk $0xffff, v7  }
0x709: {  	[tilespmem:s0+$0x9150] =	vst.add.f32.msk $0xffff, v8  }
0x70a: {  	[tilespmem:s0+$0x9160] =	vst.add.f32.msk $0xffff, v9  }
0x70b: {  	[tilespmem:s0+$0x9170] =	vst.add.f32.msk $0xffff, v10  }
0x70c: {  	[tilespmem:s0+$0x9500] =	vst.add.f32.msk $0xffff, v11  }
0x70d: {  	[tilespmem:s0+$0x9510] =	vst.add.f32.msk $0xffff, v12  }
0x70e: {  	[tilespmem:s0+$0x9520] =	vst.add.f32.msk $0xffff, v13  }
0x70f: {  	[tilespmem:s0+$0x9530] =	vst.add.f32.msk $0xffff, v14  }
0x710: {  	[tilespmem:s0+$0x9540] =	vst.add.f32.msk $0xffff, v15  }
0x711: {  	[tilespmem:s0+$0x9550] =	vst.add.f32.msk $0xffff, v16  }
0x712: {  	[tilespmem:s0+$0x9560] =	vst.add.f32.msk $0xffff, v17  }
0x713: {  	[tilespmem:s0+$0x9570] =	vst.add.f32.msk $0xffff, v18  }
0x714: {  	[tilespmem:s0+$0x9900] =	vst.add.f32.msk $0xffff, v19  }
0x715: {  	[tilespmem:s0+$0x9910] =	vst.add.f32.msk $0xffff, v20  }
0x716: {  	[tilespmem:s0+$0x9920] =	vst.add.f32.msk $0xffff, v21  }
0x717: {  	[tilespmem:s0+$0x9930] =	vst.add.f32.msk $0xffff, v22  }
0x718: {  	[tilespmem:s0+$0x9940] =	vst.add.f32.msk $0xffff, v23  }
0x719: {  	[tilespmem:s0+$0x9950] =	vst.add.f32.msk $0xffff, v24  }
0x71a: {  	[tilespmem:s0+$0x9960] =	vst.add.f32.msk $0xffff, v25  }
0x71b: {  	[tilespmem:s0+$0x9970] =	vst.add.f32.msk $0xffff, v26  }
0x71c: {  	[tilespmem:s0+$0x9D00] =	vst.add.f32.msk $0xffff, v27  }
0x71d: {  	[tilespmem:s0+$0x9D10] =	vst.add.f32.msk $0xffff, v28  }
0x71e: {  	[tilespmem:s0+$0x9D20] =	vst.add.f32.msk $0xffff, v29  }
0x71f: {  	[tilespmem:s0+$0x9D30] =	vst.add.f32.msk $0xffff, v30  }
0x720: {  	[tilespmem:s0+$0x9D40] =	vst.add.f32.msk $0xffff, v31  }
0x721: {  	[tilespmem:s0+$0x9D50] =	vst.add.f32.msk $0xffff, v32  }
0x722: {  	[tilespmem:s0+$0x9D60] =	vst.add.f32.msk $0xffff, v33  }
0x723: {  	[tilespmem:s0+$0x9D70] =	vst.add.f32.msk $0xffff, v34  }
0x724: {  	[tilespmem:s0+$0xA100] =	vst.add.f32.msk $0xffff, v35  }
0x725: {  	[tilespmem:s0+$0xA110] =	vst.add.f32.msk $0xffff, v36  }
0x726: {  	[tilespmem:s0+$0xA120] =	vst.add.f32.msk $0xffff, v37  }
0x727: {  	[tilespmem:s0+$0xA130] =	vst.add.f32.msk $0xffff, v38  }
0x728: {  	[tilespmem:s0+$0xA140] =	vst.add.f32.msk $0xffff, v39  }
0x729: {  	[tilespmem:s0+$0xA150] =	vst.add.f32.msk $0xffff, v40  }
0x72a: {  	[tilespmem:s0+$0xA160] =	vst.add.f32.msk $0xffff, v41  }
0x72b: {  	[tilespmem:s0+$0xA170] =	vst.add.f32.msk $0xffff, v42  }
0x72c: {  	[tilespmem:s0+$0xA500] =	vst.add.f32.msk $0xffff, v43  }
0x72d: {  	[tilespmem:s0+$0xA510] =	vst.add.f32.msk $0xffff, v44  }
0x72e: {  	[tilespmem:s0+$0xA520] =	vst.add.f32.msk $0xffff, v45  }
0x72f: {  	[tilespmem:s0+$0xA530] =	vst.add.f32.msk $0xffff, v46  }
0x730: {  	[tilespmem:s0+$0xA540] =	vst.add.f32.msk $0xffff, v47  }
0x731: {  	[tilespmem:s0+$0xA550] =	vst.add.f32.msk $0xffff, v48  }
0x732: {  	[tilespmem:s0+$0xA560] =	vst.add.f32.msk $0xffff, v49  }
0x733: {  	[tilespmem:s0+$0x9140] =	vst.add.f32.msk $0xffff, v3  }
0x734: {  	s0 =	rddreg [dreg:$0x5]  }
0x735: {  	[hbm4b:s0+s4] =	stream.linear.scatter [tilespmem:s13], [sflag:$0x4], $0x7800, $0x38;
	[tilespmem:$0x1F900] =	vst v63  }
0x736: {  	_ =	swait.ge [sflag:s1], $0x7800  }
0x737: {  	[sflag:s1] =	ssyncset.done $0x0  }
0x738: {  	s24 =	simm.s32 $0x6;
	[sflag:s1] =	ssyncadd.s32 $0xFFFF8800  }
0x739: {  	_ =	swait.ge [sflag:s24], $0x7800  }
0x73a: {  	[sflag:s24] =	ssyncset.done $0x0  }
0x73b: {  	[sflag:s24] =	ssyncadd.s32 $0xFFFF8800  }
0x73c: {  	_ =	swait.ge [sflag:s31], $0x7800  }
0x73d: {  	s25 =	rddreg [dreg:$0x7]  }
0x73e: {  	s26 =	rddreg [dreg:$0x6];
	s7 =	sadd.s32 $0x1, s25  }
0x73f: {  	p0 =	sne.s32 s7, s26  }
.Ltmp8:
0x740: {  	_ = 	snop;
	(pc) =	sbr.rel @p0 .LBB2_1-.Ltmp8, $3  }
0x741: {  	_ =	sdelay $0x1  }
0x742: {  	[sflag:s31] =	ssyncset.done $0x0  }
0x743: {  	[sflag:s31] =	ssyncadd.s32 $0xFFFF8800  }
0x744: {  	_ =	sfence.sel $0x180000  }
0x745: {  	[bflag:$0x0] =	sbarrier.arrive $0xFFFF  }
0x746: {  	_ =	strace $0x90000047  }
0x747: {  	s0 =	stileid.u32;
	[bflag:$0x2] =	sbarrier.arrive $0xFFFF  }
0x748: {  	p0 =	sne.s32 s0, $0x0;
	s0 =	rddreg [dreg:$0x3]  }
0x749: {  	s0 =	sadd.s32 @!p0 $0x100000, s0  }
0x74a: {  	[sflag:s0] =	ssyncadd.tile.s32 @!p0 $0x1;
	_ =	shalt  }
.Lfunc_end2:
_tile_overlayer_lowered:
.L_overlay_start_2:
0x74b: {  	(tag) =	ssettag $0x2  }
0x74c: {  	s0 =	rddreg [dreg:$0x0];
	s2 =	stileid.u32  }
0x74d: {  	s1 =	rddreg [dreg:$0x1];
	p0 =	sne.s32 s2, $0x0  }
0x74e: {  	s3 =	rddreg [dreg:$0x2];
	[bflag:$0x3] =	sbarrier.arrive $0xFFFF;
	s2 =	simm.s32 @!p0 $0x1C08  }
0x74f: {  	[timem:s3], [sflag:s2] =	dma.local @!p0 [hbm:s0], s1  }
0x750: {  	s0 =	simm.s32 @!p0 $0x8  }
0x751: {  	_ =	swait.ge @!p0 [sflag:s0], s1  }
0x752: {  	s1 =	ssub.s32 @!p0 $0x0, s1;
	[sflag:s0] =	ssyncset.done @!p0 $0x0  }
0x753: {  	[sflag:s0] =	ssyncadd.s32 @!p0 s1  }
0x754: {  	[bflag:$0x3] =	sbarrier.arrive $0xFFFF  }
0x755: {  	_ =	shalt  }

</sc_bundles>
